<compile_context>
chip_gen: v7x
topology: tpu7x:2x2x1
jax: 0.10.2.dev20260603
libtpu: 0.0.44.dev20260713+nightly
codegen_flags: <defaults>
</compile_context>

<pallas_src>
import functools

import jax
import jax.numpy as jnp
from jax import lax
from jax.experimental import pallas as pl
from jax.experimental.pallas import tpu as pltpu
from jax.experimental.pallas import tpu_sc as plsc

N = 10000
E = 160000
D_IN = 256
D_H = 256
D_OUT = 128

N_PAD = 10240
ROWS_PT = N_PAD // 16
CHUNK = 128
CHUNKS_PT = 80
EDGES_PT = CHUNKS_PT * CHUNK
EP = 16 * EDGES_PT

DCHUNK = 64
EPC_DEG = EP // 32
DCHUNKS_PT = EPC_DEG // DCHUNK

L3CHUNKS_PT = 40
EPC_L3 = L3CHUNKS_PT * CHUNK

BR = 1280

_mesh = plsc.VectorSubcoreMesh(core_axis_name="c", subcore_axis_name="s")



@functools.partial(
    pl.kernel,
    out_type=jax.ShapeDtypeStruct((2 * N_PAD,), jnp.float32),
    mesh=_mesh,
    scratch_types=[
        pltpu.VMEM((DCHUNK,), jnp.int32),
        pltpu.VMEM((DCHUNK,), jnp.float32),
        pltpu.VMEM((ROWS_PT,), jnp.float32),
        pltpu.VMEM_SHARED((N_PAD,), jnp.float32),
    ],
)
def _deg_kernel(dst_hbm, degp_hbm, dstv, onesv, zbuf, acc):
    c = lax.axis_index("c")
    s = lax.axis_index("s")
    t = c * 16 + s
    zero16 = jnp.zeros((16,), jnp.float32)
    ones16 = jnp.ones((16,), jnp.float32)
    for j in range(DCHUNK // 16):
        onesv[pl.ds(j * 16, 16)] = ones16

    @pl.loop(0, ROWS_PT // 16)
    def _(j):
        zbuf[pl.ds(j * 16, 16)] = zero16

    col0 = s * ROWS_PT
    pltpu.sync_copy(zbuf, acc.at[pl.ds(col0, ROWS_PT)])
    plsc.subcore_barrier()

    e0 = t * EPC_DEG

    @pl.loop(0, DCHUNKS_PT)
    def _(i):
        pltpu.sync_copy(dst_hbm.at[pl.ds(e0 + i * DCHUNK, DCHUNK)], dstv)
        pltpu.sync_copy(onesv, acc.at[dstv], add=True)

    plsc.subcore_barrier()
    pltpu.sync_copy(acc.at[pl.ds(col0, ROWS_PT)], degp_hbm.at[pl.ds(c * N_PAD + col0, ROWS_PT)])


def _gather_scatter_pipeline(g_hbm, acc, src_hbm, tix, dstbuf,
                             srcv_a, srcv_b, rows_a, rows_b,
                             isem_a, isem_b, gsem_a, gsem_b, ssem_a, ssem_b,
                             n_chunks):
    srcv = (srcv_a, srcv_b)
    rows = (rows_a, rows_b)
    isems = (isem_a, isem_b)
    gsems = (gsem_a, gsem_b)
    ssems = (ssem_a, ssem_b)
    nj = n_chunks // 2
    pltpu.async_copy(src_hbm.at[tix, 0], srcv_a, isem_a)
    pltpu.async_copy(src_hbm.at[tix, 1], srcv_b, isem_b)
    pltpu.make_async_copy(src_hbm.at[tix, 0], srcv_a, isem_a).wait()
    pltpu.async_copy(g_hbm.at[srcv_a], rows_a, gsem_a)

    @pl.loop(0, nj)
    def _(j):
        for b in range(2):
            i = 2 * j + b
            ob = 1 - b
            pltpu.make_async_copy(g_hbm.at[srcv[b]], rows[b], gsems[b]).wait()

            @pl.when(j < nj - 1)
            def _():
                pltpu.async_copy(src_hbm.at[tix, i + 2], srcv[b], isems[b])

            pltpu.async_copy(rows[b], acc.at[dstbuf.at[i]], ssems[b], add=True)
            if b == 0:
                @pl.when(j > 0)
                def _():
                    pltpu.make_async_copy(rows[ob], acc.at[dstbuf.at[i]], ssems[ob]).wait()

                pltpu.make_async_copy(src_hbm.at[tix, 0], srcv[ob], isems[ob]).wait()
                pltpu.async_copy(g_hbm.at[srcv[ob]], rows[ob], gsems[ob])
            else:
                pltpu.make_async_copy(rows[ob], acc.at[dstbuf.at[i]], ssems[ob]).wait()

                @pl.when(j < nj - 1)
                def _():
                    pltpu.make_async_copy(src_hbm.at[tix, 0], srcv[ob], isems[ob]).wait()
                    pltpu.async_copy(g_hbm.at[srcv[ob]], rows[ob], gsems[ob])

    pltpu.make_async_copy(rows_b, acc.at[dstbuf.at[0]], ssem_b).wait()


RCHUNK = 64
RND = 5
RNIDX = 10
L3RCHUNKS = 80

def _gather_scatter_ring(g_hbm, acc, src_hbm, dst_hbm, tix, srcv, dstv, rows,
                         isems, gsems, ssems, n_chunks):
    njo = n_chunks // RNIDX

    def fire_idx(k, m):
        pltpu.async_copy(src_hbm.at[tix, k], srcv[m], isems[m])
        pltpu.async_copy(dst_hbm.at[tix, k], dstv[m], isems[m])

    def wait_idx(m):
        pltpu.make_async_copy(src_hbm.at[tix, 0], srcv[m], isems[m]).wait()
        pltpu.make_async_copy(dst_hbm.at[tix, 0], dstv[m], isems[m]).wait()

    def fire_gather(m, d):
        pltpu.async_copy(g_hbm.at[srcv[m]], rows[d], gsems[d])

    def wait_gather(m, d):
        pltpu.make_async_copy(g_hbm.at[srcv[m]], rows[d], gsems[d]).wait()

    def fire_scatter(d, m):
        pltpu.async_copy(rows[d], acc.at[dstv[m]], ssems[d], add=True)

    def wait_scatter(d, m):
        pltpu.make_async_copy(rows[d], acc.at[dstv[m]], ssems[d]).wait()

    for k in range(RNIDX - 1):
        fire_idx(k, k)
    for k in range(RND - 1):
        wait_idx(k)
        fire_gather(k, k)

    @pl.loop(0, njo)
    def _(j):
        for b in range(RNIDX):
            d = b % RND
            pd = (b - 1) % RND
            m9 = (b - 1) % RNIDX
            m4 = (b + RND - 1) % RNIDX
            d4 = (b + RND - 1) % RND

            wait_gather(b, d)
            fire_scatter(d, b)

            if b == 0:
                @pl.when(j > 0)
                def _():
                    wait_scatter(pd, m9)
            else:
                wait_scatter(pd, m9)

            if b == 0:
                fire_idx(RNIDX * j + RNIDX - 1, m9)
            else:
                @pl.when(j < njo - 1)
                def _():
                    fire_idx(RNIDX * j + b + RNIDX - 1, m9)

            if b <= RNIDX - RND:
                wait_idx(m4)
                fire_gather(m4, d4)
            else:
                @pl.when(j < njo - 1)
                def _():
                    wait_idx(m4)
                    fire_gather(m4, d4)

    wait_scatter((n_chunks - 1) % RND, (n_chunks - 1) % RNIDX)



_RING_SCRATCH = (
    [pltpu.VMEM((RCHUNK,), jnp.int32) for _ in range(RNIDX)]
    + [pltpu.VMEM((RCHUNK,), jnp.int32) for _ in range(RNIDX)]
    + [pltpu.VMEM((RCHUNK, 128), jnp.float32) for _ in range(RND)]
    + [pltpu.VMEM_SHARED((N_PAD, 128), jnp.float32)]
    + [pltpu.SemaphoreType.DMA] * (RNIDX + 2 * RND)
)


@functools.partial(
    pl.kernel,
    out_type=jax.ShapeDtypeStruct((2 * N_PAD, 128), jnp.float32),
    mesh=_mesh,
    scratch_types=_RING_SCRATCH,
)
def _agg_l3(g_hbm, gh_hbm, src_hbm, dst_hbm, out_hbm, *refs):
    srcv = refs[:RNIDX]
    dstv = refs[RNIDX:2 * RNIDX]
    rows = refs[2 * RNIDX:2 * RNIDX + RND]
    acc = refs[2 * RNIDX + RND]
    sems = refs[2 * RNIDX + RND + 1:]
    isems = sems[:RNIDX]
    gsems = sems[RNIDX:RNIDX + RND]
    ssems = sems[RNIDX + RND:]
    c = lax.axis_index("c")
    s = lax.axis_index("s")
    t = c * 16 + s
    r0 = s * ROWS_PT
    pltpu.sync_copy(gh_hbm.at[pl.ds(r0, ROWS_PT)], acc.at[pl.ds(r0, ROWS_PT)])
    plsc.subcore_barrier()

    _gather_scatter_ring(g_hbm, acc, src_hbm, dst_hbm, t,
                         srcv, dstv, rows, isems, gsems, ssems, L3RCHUNKS)

    plsc.subcore_barrier()
    pltpu.sync_copy(acc.at[pl.ds(r0, ROWS_PT)], out_hbm.at[pl.ds(c * N_PAD + r0, ROWS_PT)])




_R128CHUNKS = 160


@functools.partial(
    pl.kernel,
    out_type=jax.ShapeDtypeStruct((2 * N_PAD, 128), jnp.float32),
    mesh=_mesh,
    scratch_types=_RING_SCRATCH,
)
def _agg128(g_hbm, src_hbm, dst_hbm, out_hbm, *refs):
    srcv = refs[:RNIDX]
    dstv = refs[RNIDX:2 * RNIDX]
    rows = refs[2 * RNIDX:2 * RNIDX + RND]
    acc = refs[2 * RNIDX + RND]
    sems = refs[2 * RNIDX + RND + 1:]
    isems = sems[:RNIDX]
    gsems = sems[RNIDX:RNIDX + RND]
    ssems = sems[RNIDX + RND:]
    c = lax.axis_index("c")
    s = lax.axis_index("s")
    r0 = s * ROWS_PT
    fbase = c * N_PAD + r0
    pltpu.sync_copy(g_hbm.at[pl.ds(fbase, ROWS_PT)], acc.at[pl.ds(r0, ROWS_PT)])
    plsc.subcore_barrier()

    _gather_scatter_ring(g_hbm, acc, src_hbm, dst_hbm, c * 16 + s,
                         srcv, dstv, rows, isems, gsems, ssems, _R128CHUNKS)

    plsc.subcore_barrier()
    pltpu.sync_copy(acc.at[pl.ds(r0, ROWS_PT)], out_hbm.at[pl.ds(fbase, ROWS_PT)])



def _tc1_body(x_ref, w_ref, degp_ref, g_ref, dinv_ref):
    deg = degp_ref[0, :, 0] + degp_ref[1, :, 0] + 1.0
    dv = lax.rsqrt(deg)
    dinv_ref[...] = dv[:, None]
    h = jnp.dot(x_ref[...], w_ref[...], preferred_element_type=jnp.float32)
    g = h * dv[:, None]
    g_ref[0] = g[:, :128]
    g_ref[1] = g[:, 128:]


def _tc_mid2_body(acc_ref, dinv_ref, b_ref, w_ref, g_ref):
    dv = dinv_ref[...]
    z = jnp.concatenate([acc_ref[0], acc_ref[1]], axis=1)
    z = jax.nn.relu(z * dv + b_ref[...])
    h = jnp.dot(z, w_ref[...], preferred_element_type=jnp.float32)
    g = h * dv
    g_ref[0] = g[:, :128]
    g_ref[1] = g[:, 128:]


def _tc_mid3_body(acc_ref, dinv_ref, b_ref, w_ref, g_ref, gh_ref):
    dv = dinv_ref[...]
    z = jnp.concatenate([acc_ref[0], acc_ref[1]], axis=1)
    z = jax.nn.relu(z * dv + b_ref[...])
    h = jnp.dot(z, w_ref[...], preferred_element_type=jnp.float32)
    g = h * dv
    g_ref[...] = g
    gh_ref[...] = 0.5 * g


def _tc_fin_body(acc_ref, dinv_ref, b_ref, out_ref):
    z = acc_ref[0] + acc_ref[1]
    out_ref[...] = jax.nn.sigmoid(z * dinv_ref[...] + b_ref[...])


_GRID = (N_PAD // BR,)

_tc1 = pl.pallas_call(
    _tc1_body,
    grid=_GRID,
    in_specs=[
        pl.BlockSpec((BR, D_IN), lambda i: (i, 0)),
        pl.BlockSpec((D_IN, D_H), lambda i: (0, 0)),
        pl.BlockSpec((2, BR, 1), lambda i: (0, i, 0)),
    ],
    out_specs=[
        pl.BlockSpec((2, BR, 128), lambda i: (0, i, 0)),
        pl.BlockSpec((BR, 1), lambda i: (i, 0)),
    ],
    out_shape=[
        jax.ShapeDtypeStruct((2, N_PAD, 128), jnp.float32),
        jax.ShapeDtypeStruct((N_PAD, 1), jnp.float32),
    ],
)

_tc_mid2 = pl.pallas_call(
    _tc_mid2_body,
    grid=_GRID,
    in_specs=[
        pl.BlockSpec((2, BR, 128), lambda i: (0, i, 0)),
        pl.BlockSpec((BR, 1), lambda i: (i, 0)),
        pl.BlockSpec((1, D_H), lambda i: (0, 0)),
        pl.BlockSpec((D_H, D_H), lambda i: (0, 0)),
    ],
    out_specs=pl.BlockSpec((2, BR, 128), lambda i: (0, i, 0)),
    out_shape=jax.ShapeDtypeStruct((2, N_PAD, 128), jnp.float32),
)

_tc_mid3 = pl.pallas_call(
    _tc_mid3_body,
    grid=_GRID,
    in_specs=[
        pl.BlockSpec((2, BR, 128), lambda i: (0, i, 0)),
        pl.BlockSpec((BR, 1), lambda i: (i, 0)),
        pl.BlockSpec((1, D_H), lambda i: (0, 0)),
        pl.BlockSpec((D_H, D_OUT), lambda i: (0, 0)),
    ],
    out_specs=[
        pl.BlockSpec((BR, D_OUT), lambda i: (i, 0)),
        pl.BlockSpec((BR, D_OUT), lambda i: (i, 0)),
    ],
    out_shape=[
        jax.ShapeDtypeStruct((N_PAD, D_OUT), jnp.float32),
        jax.ShapeDtypeStruct((N_PAD, D_OUT), jnp.float32),
    ],
)

_tc_fin = pl.pallas_call(
    _tc_fin_body,
    grid=_GRID,
    in_specs=[
        pl.BlockSpec((2, BR, 128), lambda i: (0, i, 0)),
        pl.BlockSpec((BR, 1), lambda i: (i, 0)),
        pl.BlockSpec((1, D_OUT), lambda i: (0, 0)),
    ],
    out_specs=pl.BlockSpec((BR, D_OUT), lambda i: (i, 0)),
    out_shape=jax.ShapeDtypeStruct((N_PAD, D_OUT), jnp.float32),
)


def kernel(x, edge_index, W1, b1, W2, b2, W3, b3):
    src = edge_index[0]
    dst = edge_index[1]
    pad_e = EP - E
    src_p = jnp.concatenate([src, jnp.zeros((pad_e,), jnp.int32)])
    dst_p = jnp.concatenate(
        [dst, N + (jnp.arange(pad_e, dtype=jnp.int32) % (N_PAD - N))])
    src_a = src_p.reshape(_R128CHUNKS, 16, RCHUNK).transpose(1, 0, 2)
    dst_a = dst_p.reshape(_R128CHUNKS, 16, RCHUNK).transpose(1, 0, 2)
    src2 = jnp.concatenate([src_a, src_a + N_PAD])
    dst2 = jnp.concatenate([dst_a, dst_a])
    src32 = src_p.reshape(L3RCHUNKS, 32, RCHUNK).transpose(1, 0, 2)
    dst32 = dst_p.reshape(L3RCHUNKS, 32, RCHUNK).transpose(1, 0, 2)
    x_p = jnp.pad(x, ((0, N_PAD - N), (0, 0)))

    degp = _deg_kernel(dst_p).reshape(2, N_PAD, 1)

    g1, dinv = _tc1(x_p, W1, degp)
    a1 = _agg128(g1.reshape(2 * N_PAD, 128), src2, dst2).reshape(2, N_PAD, 128)

    g2 = _tc_mid2(a1, dinv, b1.reshape(1, D_H), W2)
    a2 = _agg128(g2.reshape(2 * N_PAD, 128), src2, dst2).reshape(2, N_PAD, 128)

    g3, g3h = _tc_mid3(a2, dinv, b2.reshape(1, D_H), W3)
    a3 = _agg_l3(g3, g3h, src32, dst32).reshape(2, N_PAD, 128)

    out = _tc_fin(a3, dinv, b3.reshape(1, D_OUT))
    return out[:N]

# --- scband reference (transcript-rebuilt; emitter-appended) ---
"""Pipeline reference for scband-vanilla-node-52218212385057 (READ-ONLY COPY).

The authoritative reference and input builder live on the scoring server;
editing this copy changes nothing except your own understanding.
"""

import jax, jax.numpy as jnp
import numpy as np

N = 10000
E = 160000
D_IN = 256
D_H = 256
D_OUT = 128


def setup_inputs(seed: int = 0) -> dict:
    key = jax.random.key(seed)
    ks = jax.random.split(key, 8)
    x = jax.random.normal(ks[0], (N, D_IN), dtype=jnp.float32)
    edge_index = jax.random.randint(ks[1], (2, E), 0, N, dtype=jnp.int32)
    W1 = jax.random.normal(ks[2], (D_IN, D_H), dtype=jnp.float32) * (1.0 / np.sqrt(D_IN))
    b1 = jnp.zeros((D_H,), dtype=jnp.float32)
    W2 = jax.random.normal(ks[3], (D_H, D_H), dtype=jnp.float32) * (1.0 / np.sqrt(D_H))
    b2 = jnp.zeros((D_H,), dtype=jnp.float32)
    W3 = jax.random.normal(ks[4], (D_H, D_OUT), dtype=jnp.float32) * (1.0 / np.sqrt(D_H))
    b3 = jnp.zeros((D_OUT,), dtype=jnp.float32)
    return {"x": x, "edge_index": edge_index, "W1": W1, "b1": b1, "W2": W2, "b2": b2, "W3": W3, "b3": b3}


def _gcn_conv(x, edge_index, W, b):
    # PyG GCNConv: add self-loops, symmetric D^-1/2 (A+I) D^-1/2 normalization,
    # linear transform applied to node features first, bias added after aggregation.
    src = edge_index[0]
    dst = edge_index[1]
    loop = jnp.arange(N, dtype=src.dtype)
    src = jnp.concatenate([src, loop])
    dst = jnp.concatenate([dst, loop])
    h = x @ W
    ones = jnp.ones(dst.shape[0], dtype=h.dtype)
    deg = jax.ops.segment_sum(ones, dst, num_segments=N)
    dinv = jnp.where(deg > 0, jax.lax.rsqrt(jnp.maximum(deg, 1e-12)), 0.0)
    norm = dinv[src] * dinv[dst]
    msg = h[src] * norm[:, None]
    out = jax.ops.segment_sum(msg, dst, num_segments=N)
    return out + b


def reference(x, edge_index, W1, b1, W2, b2, W3, b3):
    # layer 1 (dropout p=0.0 is a no-op)
    h = jax.nn.relu(_gcn_conv(x, edge_index, W1, b1))
    # layer 2
    h = jax.nn.relu(_gcn_conv(h, edge_index, W2, b2))
    # output layer + sigmoid + squeeze
    out = jax.nn.sigmoid(_gcn_conv(h, edge_index, W3, b3))
    return jnp.squeeze(out)

if __name__ == "__main__":
    import jax
    _d = setup_inputs()
    print(jax.jit(kernel)(*tuple(_d.values())))

</pallas_src>

<mosaic_0001>
#map = affine_map<(d0, d1) -> (0)>
module attributes {stable_mosaic.version = 14 : i64} {
  func.func @_deg_kernel(%arg0: i32, %arg1: i32, %arg2: memref<163840xi32, #tpu.memory_space<hbm>>, %arg3: memref<20480xf32, #tpu.memory_space<hbm>>, %arg4: memref<64xi32, #tpu.memory_space<vmem>>, %arg5: memref<64xf32, #tpu.memory_space<vmem>>, %arg6: memref<640xf32, #tpu.memory_space<vmem>>, %arg7: memref<10240xf32, #tpu.memory_space<vmem_shared>>) attributes {dimension_semantics = [#tpu.dimension_semantics<core_parallel>, #tpu.dimension_semantics<subcore_parallel>], iteration_bounds = array<i64: 2, 16>, scalar_prefetch = 0 : i64, scratch_operands = 4 : i64, tpu.core_type = #tpu.core_type<sc_vector_subcore>, window_params = [{transform_indices = #map}, {transform_indices = #map}]} {
    %mul3A = arith.constant 16 : i32
    %mul3A_0 = arith.muli %arg0, %mul3A : i32
    %add3A = arith.addi %mul3A_0, %arg1 : i32
    %broadcast_in_dim3A = arith.constant 0.000000e+00 : f32
    %broadcast_in_dim3A_1 = vector.broadcast %broadcast_in_dim3A : f32 to vector<16xf32>
    %broadcast_in_dim3A_2 = arith.constant 1.000000e+00 : f32
    %broadcast_in_dim3A_3 = vector.broadcast %broadcast_in_dim3A_2 : f32 to vector<16xf32>
    %swap3A = arith.constant 0 : index
    %swap3A_4 = tpu.vector_load %arg5[%swap3A] {strides = array<i32>} : memref<64xf32, #tpu.memory_space<vmem>>, vector<16xf32>,
    %swap3A_5 = vector.shape_cast %swap3A_4 : vector<16xf32> to vector<16xf32>
    %swap3A_6 = vector.shape_cast %broadcast_in_dim3A_3 : vector<16xf32> to vector<16xf32>
    tpu.vector_store %arg5[%swap3A], %swap3A_6 {strides = array<i32>} : memref<64xf32, #tpu.memory_space<vmem>>, vector<16xf32>,
    %swap3A_7 = arith.constant 16 : index
    %swap3A_8 = tpu.vector_load %arg5[%swap3A_7] {strides = array<i32>} : memref<64xf32, #tpu.memory_space<vmem>>, vector<16xf32>,
    %swap3A_9 = vector.shape_cast %swap3A_8 : vector<16xf32> to vector<16xf32>
    %swap3A_10 = vector.shape_cast %broadcast_in_dim3A_3 : vector<16xf32> to vector<16xf32>
    tpu.vector_store %arg5[%swap3A_7], %swap3A_10 {strides = array<i32>} : memref<64xf32, #tpu.memory_space<vmem>>, vector<16xf32>,
    %swap3A_11 = arith.constant 32 : index
    %swap3A_12 = tpu.vector_load %arg5[%swap3A_11] {strides = array<i32>} : memref<64xf32, #tpu.memory_space<vmem>>, vector<16xf32>,
    %swap3A_13 = vector.shape_cast %swap3A_12 : vector<16xf32> to vector<16xf32>
    %swap3A_14 = vector.shape_cast %broadcast_in_dim3A_3 : vector<16xf32> to vector<16xf32>
    tpu.vector_store %arg5[%swap3A_11], %swap3A_14 {strides = array<i32>} : memref<64xf32, #tpu.memory_space<vmem>>, vector<16xf32>,
    %swap3A_15 = arith.constant 48 : index
    %swap3A_16 = tpu.vector_load %arg5[%swap3A_15] {strides = array<i32>} : memref<64xf32, #tpu.memory_space<vmem>>, vector<16xf32>,
    %swap3A_17 = vector.shape_cast %swap3A_16 : vector<16xf32> to vector<16xf32>
    %swap3A_18 = vector.shape_cast %broadcast_in_dim3A_3 : vector<16xf32> to vector<16xf32>
    tpu.vector_store %arg5[%swap3A_15], %swap3A_18 {strides = array<i32>} : memref<64xf32, #tpu.memory_space<vmem>>, vector<16xf32>,
    %scan3A = arith.constant 0 : i32
    %scan3A_19 = arith.constant 40 : i32
    %scan3A_20 = arith.addi %scan3A, %scan3A_19 : i32
    %scan3A_21 = arith.constant 1 : i32
    scf.for %scan3A_36 = %scan3A to %scan3A_20 step %scan3A_21  : i32 {
      %mul3A_37 = arith.constant 1 : i32
      %mul3A_38 = arith.muli %scan3A_36, %mul3A_37 : i32
      %add3A_39 = arith.constant 0 : i32
      %add3A_40 = arith.addi %add3A_39, %mul3A_38 : i32
      %mul3A_41 = arith.constant 16 : i32
      %mul3A_42 = arith.muli %add3A_40, %mul3A_41 : i32
      %swap3A_43 = arith.index_cast %mul3A_42 : i32 to index
      %swap3A_44 = tpu.vector_load %arg6[%swap3A_43] {strides = array<i32>} : memref<640xf32, #tpu.memory_space<vmem>>, vector<16xf32>,
      %swap3A_45 = vector.shape_cast %swap3A_44 : vector<16xf32> to vector<16xf32>
      %swap3A_46 = vector.shape_cast %broadcast_in_dim3A_1 : vector<16xf32> to vector<16xf32>
      tpu.vector_store %arg6[%swap3A_43], %swap3A_46 {strides = array<i32>} : memref<640xf32, #tpu.memory_space<vmem>>, vector<16xf32>,
    }
    %scan3A_22 = arith.constant 40 : i32
    %mul3A_23 = arith.constant 640 : i32
    %mul3A_24 = arith.muli %arg1, %mul3A_23 : i32
    "tpu.region"() ({
      %run_scoped3A = tpu.sem_alloc : memref<!tpu.dma_semaphore, #tpu.memory_space<semaphore_mem>>
      %dma_start3A = tpu.memref_slice %arg7[%mul3A_24] : memref<10240xf32, #tpu.memory_space<vmem_shared>> -> memref<640xf32, #tpu.memory_space<vmem_shared>>
      %dma_start3A_36 = tpu.memref_slice %arg7[%mul3A_24] : memref<10240xf32, #tpu.memory_space<vmem_shared>> -> memref<640xf32, #tpu.memory_space<vmem_shared>>
      tpu.enqueue_dma source(%arg6 : memref<640xf32, #tpu.memory_space<vmem>>) target(%dma_start3A_36 : memref<640xf32, #tpu.memory_space<vmem_shared>>) target_semaphore(%run_scoped3A : memref<!tpu.dma_semaphore, #tpu.memory_space<semaphore_mem>>)
      %dma_wait3A = tpu.memref_slice %arg7[%mul3A_24] : memref<10240xf32, #tpu.memory_space<vmem_shared>> -> memref<640xf32, #tpu.memory_space<vmem_shared>>
      %dma_wait3A_37 = tpu.memref_slice %arg7[%mul3A_24] : memref<10240xf32, #tpu.memory_space<vmem_shared>> -> memref<640xf32, #tpu.memory_space<vmem_shared>>
      tpu.wait_dma2 semaphore(%run_scoped3A : memref<!tpu.dma_semaphore, #tpu.memory_space<semaphore_mem>>) src(%arg6 : memref<640xf32, #tpu.memory_space<vmem>>) dst(%dma_wait3A_37 : memref<640xf32, #tpu.memory_space<vmem_shared>>)
      tpu.yield
    }) : () -> ()
    %barrier3A = arith.constant 0 : index
    tpu.barrier barrier_id(%barrier3A)
    %mul3A_25 = arith.constant 5120 : i32
    %mul3A_26 = arith.muli %add3A, %mul3A_25 : i32
    %scan3A_27 = arith.constant 0 : i32
    %scan3A_28 = arith.constant 80 : i32
    %scan3A_29 = arith.addi %scan3A_27, %scan3A_28 : i32
    %scan3A_30 = arith.constant 1 : i32
    scf.for %scan3A_36 = %scan3A_27 to %scan3A_29 step %scan3A_30  : i32 {
      %mul3A_37 = arith.constant 1 : i32
      %mul3A_38 = arith.muli %scan3A_36, %mul3A_37 : i32
      %add3A_39 = arith.constant 0 : i32
      %add3A_40 = arith.addi %add3A_39, %mul3A_38 : i32
      %mul3A_41 = arith.constant 64 : i32
      %mul3A_42 = arith.muli %add3A_40, %mul3A_41 : i32
      %add3A_43 = arith.addi %mul3A_26, %mul3A_42 : i32
      "tpu.region"() ({
        %run_scoped3A = tpu.sem_alloc : memref<!tpu.dma_semaphore, #tpu.memory_space<semaphore_mem>>
        %dma_start3A = tpu.memref_slice %arg2[%add3A_43] : memref<163840xi32, #tpu.memory_space<hbm>> -> memref<64xi32, #tpu.memory_space<hbm>>
        %dma_start3A_44 = tpu.memref_slice %arg2[%add3A_43] : memref<163840xi32, #tpu.memory_space<hbm>> -> memref<64xi32, #tpu.memory_space<hbm>>
        tpu.enqueue_dma source(%dma_start3A_44 : memref<64xi32, #tpu.memory_space<hbm>>) target(%arg4 : memref<64xi32, #tpu.memory_space<vmem>>) target_semaphore(%run_scoped3A : memref<!tpu.dma_semaphore, #tpu.memory_space<semaphore_mem>>)
        %dma_wait3A = tpu.memref_slice %arg2[%add3A_43] : memref<163840xi32, #tpu.memory_space<hbm>> -> memref<64xi32, #tpu.memory_space<hbm>>
        %dma_wait3A_45 = tpu.memref_slice %arg2[%add3A_43] : memref<163840xi32, #tpu.memory_space<hbm>> -> memref<64xi32, #tpu.memory_space<hbm>>
        tpu.wait_dma2 semaphore(%run_scoped3A : memref<!tpu.dma_semaphore, #tpu.memory_space<semaphore_mem>>) src(%dma_wait3A_45 : memref<64xi32, #tpu.memory_space<hbm>>) dst(%arg4 : memref<64xi32, #tpu.memory_space<vmem>>)
        tpu.yield
      }) : () -> ()
      "tpu.region"() ({
        %run_scoped3A = tpu.sem_alloc : memref<!tpu.dma_semaphore, #tpu.memory_space<semaphore_mem>>
        %dma_start3A = arith.constant 0 : i32
        %dma_start3A_44 = tpu.memref_slice %arg7[%dma_start3A] : memref<10240xf32, #tpu.memory_space<vmem_shared>> -> memref<10240xf32, #tpu.memory_space<vmem_shared>>
        tpu.enqueue_indirect_dma source(%arg5 : memref<64xf32, #tpu.memory_space<vmem>>) target(%dma_start3A_44 : memref<10240xf32, #tpu.memory_space<vmem_shared>>) offsets(%arg4 : memref<64xi32, #tpu.memory_space<vmem>>) semaphore(%run_scoped3A : memref<!tpu.dma_semaphore, #tpu.memory_space<semaphore_mem>>) {add = true}
        %dma_wait3A = arith.constant 0 : i32
        %dma_wait3A_45 = tpu.memref_slice %arg7[%dma_wait3A] : memref<10240xf32, #tpu.memory_space<vmem_shared>> -> memref<10240xf32, #tpu.memory_space<vmem_shared>>
        tpu.wait_indirect_dma semaphore(%run_scoped3A : memref<!tpu.dma_semaphore, #tpu.memory_space<semaphore_mem>>) src(%arg5 : memref<64xf32, #tpu.memory_space<vmem>>) dst(%dma_wait3A_45 : memref<10240xf32, #tpu.memory_space<vmem_shared>>)
        tpu.yield
      }) : () -> ()
    }
    %scan3A_31 = arith.constant 80 : i32
    %barrier3A_32 = arith.constant 0 : index
    tpu.barrier barrier_id(%barrier3A_32)
    %mul3A_33 = arith.constant 10240 : i32
    %mul3A_34 = arith.muli %arg0, %mul3A_33 : i32
    %add3A_35 = arith.addi %mul3A_34, %mul3A_24 : i32
    "tpu.region"() ({
      %run_scoped3A = tpu.sem_alloc : memref<!tpu.dma_semaphore, #tpu.memory_space<semaphore_mem>>
      %dma_start3A = tpu.memref_slice %arg3[%add3A_35] : memref<20480xf32, #tpu.memory_space<hbm>> -> memref<640xf32, #tpu.memory_space<hbm>>
      %dma_start3A_36 = tpu.memref_slice %arg7[%mul3A_24] : memref<10240xf32, #tpu.memory_space<vmem_shared>> -> memref<640xf32, #tpu.memory_space<vmem_shared>>
      tpu.enqueue_dma source(%dma_start3A_36 : memref<640xf32, #tpu.memory_space<vmem_shared>>) target(%dma_start3A : memref<640xf32, #tpu.memory_space<hbm>>) target_semaphore(%run_scoped3A : memref<!tpu.dma_semaphore, #tpu.memory_space<semaphore_mem>>)
      %dma_wait3A = tpu.memref_slice %arg3[%add3A_35] : memref<20480xf32, #tpu.memory_space<hbm>> -> memref<640xf32, #tpu.memory_space<hbm>>
      %dma_wait3A_37 = tpu.memref_slice %arg7[%mul3A_24] : memref<10240xf32, #tpu.memory_space<vmem_shared>> -> memref<640xf32, #tpu.memory_space<vmem_shared>>
      tpu.wait_dma2 semaphore(%run_scoped3A : memref<!tpu.dma_semaphore, #tpu.memory_space<semaphore_mem>>) src(%dma_wait3A_37 : memref<640xf32, #tpu.memory_space<vmem_shared>>) dst(%dma_wait3A : memref<640xf32, #tpu.memory_space<hbm>>)
      tpu.yield
    }) : () -> ()
    return
  }
}

#map = affine_map<(d0, d1) -> (0, 0)>
#map1 = affine_map<(d0, d1) -> (0, 0, 0)>
module attributes {stable_mosaic.version = 14 : i64} {
  func.func @_agg128(%arg0: i32, %arg1: i32, %arg2: memref<20480x128xf32, #tpu.memory_space<hbm>>, %arg3: memref<32x160x64xi32, #tpu.memory_space<hbm>>, %arg4: memref<32x160x64xi32, #tpu.memory_space<hbm>>, %arg5: memref<20480x128xf32, #tpu.memory_space<hbm>>, %arg6: memref<64xi32, #tpu.memory_space<vmem>>, %arg7: memref<64xi32, #tpu.memory_space<vmem>>, %arg8: memref<64xi32, #tpu.memory_space<vmem>>, %arg9: memref<64xi32, #tpu.memory_space<vmem>>, %arg10: memref<64xi32, #tpu.memory_space<vmem>>, %arg11: memref<64xi32, #tpu.memory_space<vmem>>, %arg12: memref<64xi32, #tpu.memory_space<vmem>>, %arg13: memref<64xi32, #tpu.memory_space<vmem>>, %arg14: memref<64xi32, #tpu.memory_space<vmem>>, %arg15: memref<64xi32, #tpu.memory_space<vmem>>, %arg16: memref<64xi32, #tpu.memory_space<vmem>>, %arg17: memref<64xi32, #tpu.memory_space<vmem>>, %arg18: memref<64xi32, #tpu.memory_space<vmem>>, %arg19: memref<64xi32, #tpu.memory_space<vmem>>, %arg20: memref<64xi32, #tpu.memory_space<vmem>>, %arg21: memref<64xi32, #tpu.memory_space<vmem>>, %arg22: memref<64xi32, #tpu.memory_space<vmem>>, %arg23: memref<64xi32, #tpu.memory_space<vmem>>, %arg24: memref<64xi32, #tpu.memory_space<vmem>>, %arg25: memref<64xi32, #tpu.memory_space<vmem>>, %arg26: memref<64x128xf32, #tpu.memory_space<vmem>>, %arg27: memref<64x128xf32, #tpu.memory_space<vmem>>, %arg28: memref<64x128xf32, #tpu.memory_space<vmem>>, %arg29: memref<64x128xf32, #tpu.memory_space<vmem>>, %arg30: memref<64x128xf32, #tpu.memory_space<vmem>>, %arg31: memref<10240x128xf32, #tpu.memory_space<vmem_shared>>, %arg32: memref<!tpu.dma_semaphore, #tpu.memory_space<semaphore_mem>>, %arg33: memref<!tpu.dma_semaphore, #tpu.memory_space<semaphore_mem>>, %arg34: memref<!tpu.dma_semaphore, #tpu.memory_space<semaphore_mem>>, %arg35: memref<!tpu.dma_semaphore, #tpu.memory_space<semaphore_mem>>, %arg36: memref<!tpu.dma_semaphore, #tpu.memory_space<semaphore_mem>>, %arg37: memref<!tpu.dma_semaphore, #tpu.memory_space<semaphore_mem>>, %arg38: memref<!tpu.dma_semaphore, #tpu.memory_space<semaphore_mem>>, %arg39: memref<!tpu.dma_semaphore, #tpu.memory_space<semaphore_mem>>, %arg40: memref<!tpu.dma_semaphore, #tpu.memory_space<semaphore_mem>>, %arg41: memref<!tpu.dma_semaphore, #tpu.memory_space<semaphore_mem>>, %arg42: memref<!tpu.dma_semaphore, #tpu.memory_space<semaphore_mem>>, %arg43: memref<!tpu.dma_semaphore, #tpu.memory_space<semaphore_mem>>, %arg44: memref<!tpu.dma_semaphore, #tpu.memory_space<semaphore_mem>>, %arg45: memref<!tpu.dma_semaphore, #tpu.memory_space<semaphore_mem>>, %arg46: memref<!tpu.dma_semaphore, #tpu.memory_space<semaphore_mem>>, %arg47: memref<!tpu.dma_semaphore, #tpu.memory_space<semaphore_mem>>, %arg48: memref<!tpu.dma_semaphore, #tpu.memory_space<semaphore_mem>>, %arg49: memref<!tpu.dma_semaphore, #tpu.memory_space<semaphore_mem>>, %arg50: memref<!tpu.dma_semaphore, #tpu.memory_space<semaphore_mem>>, %arg51: memref<!tpu.dma_semaphore, #tpu.memory_space<semaphore_mem>>) attributes {dimension_semantics = [#tpu.dimension_semantics<core_parallel>, #tpu.dimension_semantics<subcore_parallel>], iteration_bounds = array<i64: 2, 16>, scalar_prefetch = 0 : i64, scratch_operands = 46 : i64, tpu.core_type = #tpu.core_type<sc_vector_subcore>, window_params = [{transform_indices = #map}, {transform_indices = #map1}, {transform_indices = #map1}, {transform_indices = #map}]} {
    %mul3A = arith.constant 640 : i32
    %mul3A_0 = arith.muli %arg1, %mul3A : i32
    %mul3A_1 = arith.constant 10240 : i32
    %mul3A_2 = arith.muli %arg0, %mul3A_1 : i32
    %add3A = arith.addi %mul3A_2, %mul3A_0 : i32
    "tpu.region"() ({
      %run_scoped3A = tpu.sem_alloc : memref<!tpu.dma_semaphore, #tpu.memory_space<semaphore_mem>>
      %dma_start3A_206 = arith.constant 0 : i32
      %dma_start3A_207 = tpu.memref_slice %arg31[%mul3A_0, %dma_start3A_206] : memref<10240x128xf32, #tpu.memory_space<vmem_shared>> -> memref<640x128xf32, #tpu.memory_space<vmem_shared>>
      %dma_start3A_208 = arith.constant 0 : i32
      %dma_start3A_209 = tpu.memref_slice %arg2[%add3A, %dma_start3A_208] : memref<20480x128xf32, #tpu.memory_space<hbm>> -> memref<640x128xf32, #tpu.memory_space<hbm>>
      tpu.enqueue_dma source(%dma_start3A_209 : memref<640x128xf32, #tpu.memory_space<hbm>>) target(%dma_start3A_207 : memref<640x128xf32, #tpu.memory_space<vmem_shared>>) target_semaphore(%run_scoped3A : memref<!tpu.dma_semaphore, #tpu.memory_space<semaphore_mem>>)
      %dma_wait3A_210 = arith.constant 0 : i32
      %dma_wait3A_211 = tpu.memref_slice %arg31[%mul3A_0, %dma_wait3A_210] : memref<10240x128xf32, #tpu.memory_space<vmem_shared>> -> memref<640x128xf32, #tpu.memory_space<vmem_shared>>
      %dma_wait3A_212 = arith.constant 0 : i32
      %dma_wait3A_213 = tpu.memref_slice %arg2[%add3A, %dma_wait3A_212] : memref<20480x128xf32, #tpu.memory_space<hbm>> -> memref<640x128xf32, #tpu.memory_space<hbm>>
      tpu.wait_dma2 semaphore(%run_scoped3A : memref<!tpu.dma_semaphore, #tpu.memory_space<semaphore_mem>>) src(%dma_wait3A_213 : memref<640x128xf32, #tpu.memory_space<hbm>>) dst(%dma_wait3A_211 : memref<640x128xf32, #tpu.memory_space<vmem_shared>>)
      tpu.yield
    }) : () -> ()
    %barrier3A = arith.constant 0 : index
    tpu.barrier barrier_id(%barrier3A)
    %mul3A_3 = arith.constant 16 : i32
    %mul3A_4 = arith.muli %arg0, %mul3A_3 : i32
    %add3A_5 = arith.addi %mul3A_4, %arg1 : i32
    %dma_start3A = arith.constant 0 : i32
    %dma_start3A_6 = arith.constant 0 : i32
    %dma_start3A_7 = tpu.memref_slice %arg3[%add3A_5, %dma_start3A, %dma_start3A_6] : memref<32x160x64xi32, #tpu.memory_space<hbm>> -> memref<1x1x64xi32, #tpu.memory_space<hbm>>
    %dma_start3A_8 = tpu.memref_squeeze %dma_start3A_7 : memref<1x1x64xi32, #tpu.memory_space<hbm>> -> memref<64xi32, #tpu.memory_space<hbm>>
    %dma_start3A_9 = arith.constant 0 : i32
    %dma_start3A_10 = tpu.memref_slice %arg3[%add3A_5, %dma_start3A, %dma_start3A_9] : memref<32x160x64xi32, #tpu.memory_space<hbm>> -> memref<1x1x64xi32, #tpu.memory_space<hbm>>
    %dma_start3A_11 = tpu.memref_squeeze %dma_start3A_10 : memref<1x1x64xi32, #tpu.memory_space<hbm>> -> memref<64xi32, #tpu.memory_space<hbm>>
    tpu.enqueue_dma source(%dma_start3A_11 : memref<64xi32, #tpu.memory_space<hbm>>) target(%arg6 : memref<64xi32, #tpu.memory_space<vmem>>) target_semaphore(%arg32 : memref<!tpu.dma_semaphore, #tpu.memory_space<semaphore_mem>>)
    %dma_start3A_12 = arith.constant 0 : i32
    %dma_start3A_13 = arith.constant 0 : i32
    %dma_start3A_14 = tpu.memref_slice %arg4[%add3A_5, %dma_start3A_12, %dma_start3A_13] : memref<32x160x64xi32, #tpu.memory_space<hbm>> -> memref<1x1x64xi32, #tpu.memory_space<hbm>>
    %dma_start3A_15 = tpu.memref_squeeze %dma_start3A_14 : memref<1x1x64xi32, #tpu.memory_space<hbm>> -> memref<64xi32, #tpu.memory_space<hbm>>
    %dma_start3A_16 = arith.constant 0 : i32
    %dma_start3A_17 = tpu.memref_slice %arg4[%add3A_5, %dma_start3A_12, %dma_start3A_16] : memref<32x160x64xi32, #tpu.memory_space<hbm>> -> memref<1x1x64xi32, #tpu.memory_space<hbm>>
    %dma_start3A_18 = tpu.memref_squeeze %dma_start3A_17 : memref<1x1x64xi32, #tpu.memory_space<hbm>> -> memref<64xi32, #tpu.memory_space<hbm>>
    tpu.enqueue_dma source(%dma_start3A_18 : memref<64xi32, #tpu.memory_space<hbm>>) target(%arg16 : memref<64xi32, #tpu.memory_space<vmem>>) target_semaphore(%arg32 : memref<!tpu.dma_semaphore, #tpu.memory_space<semaphore_mem>>)
    %dma_start3A_19 = arith.constant 1 : i32
    %dma_start3A_20 = arith.constant 0 : i32
    %dma_start3A_21 = tpu.memref_slice %arg3[%add3A_5, %dma_start3A_19, %dma_start3A_20] : memref<32x160x64xi32, #tpu.memory_space<hbm>> -> memref<1x1x64xi32, #tpu.memory_space<hbm>>
    %dma_start3A_22 = tpu.memref_squeeze %dma_start3A_21 : memref<1x1x64xi32, #tpu.memory_space<hbm>> -> memref<64xi32, #tpu.memory_space<hbm>>
    %dma_start3A_23 = arith.constant 0 : i32
    %dma_start3A_24 = tpu.memref_slice %arg3[%add3A_5, %dma_start3A_19, %dma_start3A_23] : memref<32x160x64xi32, #tpu.memory_space<hbm>> -> memref<1x1x64xi32, #tpu.memory_space<hbm>>
    %dma_start3A_25 = tpu.memref_squeeze %dma_start3A_24 : memref<1x1x64xi32, #tpu.memory_space<hbm>> -> memref<64xi32, #tpu.memory_space<hbm>>
    tpu.enqueue_dma source(%dma_start3A_25 : memref<64xi32, #tpu.memory_space<hbm>>) target(%arg7 : memref<64xi32, #tpu.memory_space<vmem>>) target_semaphore(%arg33 : memref<!tpu.dma_semaphore, #tpu.memory_space<semaphore_mem>>)
    %dma_start3A_26 = arith.constant 1 : i32
    %dma_start3A_27 = arith.constant 0 : i32
    %dma_start3A_28 = tpu.memref_slice %arg4[%add3A_5, %dma_start3A_26, %dma_start3A_27] : memref<32x160x64xi32, #tpu.memory_space<hbm>> -> memref<1x1x64xi32, #tpu.memory_space<hbm>>
    %dma_start3A_29 = tpu.memref_squeeze %dma_start3A_28 : memref<1x1x64xi32, #tpu.memory_space<hbm>> -> memref<64xi32, #tpu.memory_space<hbm>>
    %dma_start3A_30 = arith.constant 0 : i32
    %dma_start3A_31 = tpu.memref_slice %arg4[%add3A_5, %dma_start3A_26, %dma_start3A_30] : memref<32x160x64xi32, #tpu.memory_space<hbm>> -> memref<1x1x64xi32, #tpu.memory_space<hbm>>
    %dma_start3A_32 = tpu.memref_squeeze %dma_start3A_31 : memref<1x1x64xi32, #tpu.memory_space<hbm>> -> memref<64xi32, #tpu.memory_space<hbm>>
    tpu.enqueue_dma source(%dma_start3A_32 : memref<64xi32, #tpu.memory_space<hbm>>) target(%arg17 : memref<64xi32, #tpu.memory_space<vmem>>) target_semaphore(%arg33 : memref<!tpu.dma_semaphore, #tpu.memory_space<semaphore_mem>>)
    %dma_start3A_33 = arith.constant 2 : i32
    %dma_start3A_34 = arith.constant 0 : i32
    %dma_start3A_35 = tpu.memref_slice %arg3[%add3A_5, %dma_start3A_33, %dma_start3A_34] : memref<32x160x64xi32, #tpu.memory_space<hbm>> -> memref<1x1x64xi32, #tpu.memory_space<hbm>>
    %dma_start3A_36 = tpu.memref_squeeze %dma_start3A_35 : memref<1x1x64xi32, #tpu.memory_space<hbm>> -> memref<64xi32, #tpu.memory_space<hbm>>
    %dma_start3A_37 = arith.constant 0 : i32
    %dma_start3A_38 = tpu.memref_slice %arg3[%add3A_5, %dma_start3A_33, %dma_start3A_37] : memref<32x160x64xi32, #tpu.memory_space<hbm>> -> memref<1x1x64xi32, #tpu.memory_space<hbm>>
    %dma_start3A_39 = tpu.memref_squeeze %dma_start3A_38 : memref<1x1x64xi32, #tpu.memory_space<hbm>> -> memref<64xi32, #tpu.memory_space<hbm>>
    tpu.enqueue_dma source(%dma_start3A_39 : memref<64xi32, #tpu.memory_space<hbm>>) target(%arg8 : memref<64xi32, #tpu.memory_space<vmem>>) target_semaphore(%arg34 : memref<!tpu.dma_semaphore, #tpu.memory_space<semaphore_mem>>)
    %dma_start3A_40 = arith.constant 2 : i32
    %dma_start3A_41 = arith.constant 0 : i32
    %dma_start3A_42 = tpu.memref_slice %arg4[%add3A_5, %dma_start3A_40, %dma_start3A_41] : memref<32x160x64xi32, #tpu.memory_space<hbm>> -> memref<1x1x64xi32, #tpu.memory_space<hbm>>
    %dma_start3A_43 = tpu.memref_squeeze %dma_start3A_42 : memref<1x1x64xi32, #tpu.memory_space<hbm>> -> memref<64xi32, #tpu.memory_space<hbm>>
    %dma_start3A_44 = arith.constant 0 : i32
    %dma_start3A_45 = tpu.memref_slice %arg4[%add3A_5, %dma_start3A_40, %dma_start3A_44] : memref<32x160x64xi32, #tpu.memory_space<hbm>> -> memref<1x1x64xi32, #tpu.memory_space<hbm>>
    %dma_start3A_46 = tpu.memref_squeeze %dma_start3A_45 : memref<1x1x64xi32, #tpu.memory_space<hbm>> -> memref<64xi32, #tpu.memory_space<hbm>>
    tpu.enqueue_dma source(%dma_start3A_46 : memref<64xi32, #tpu.memory_space<hbm>>) target(%arg18 : memref<64xi32, #tpu.memory_space<vmem>>) target_semaphore(%arg34 : memref<!tpu.dma_semaphore, #tpu.memory_space<semaphore_mem>>)
    %dma_start3A_47 = arith.constant 3 : i32
    %dma_start3A_48 = arith.constant 0 : i32
    %dma_start3A_49 = tpu.memref_slice %arg3[%add3A_5, %dma_start3A_47, %dma_start3A_48] : memref<32x160x64xi32, #tpu.memory_space<hbm>> -> memref<1x1x64xi32, #tpu.memory_space<hbm>>
    %dma_start3A_50 = tpu.memref_squeeze %dma_start3A_49 : memref<1x1x64xi32, #tpu.memory_space<hbm>> -> memref<64xi32, #tpu.memory_space<hbm>>
    %dma_start3A_51 = arith.constant 0 : i32
    %dma_start3A_52 = tpu.memref_slice %arg3[%add3A_5, %dma_start3A_47, %dma_start3A_51] : memref<32x160x64xi32, #tpu.memory_space<hbm>> -> memref<1x1x64xi32, #tpu.memory_space<hbm>>
    %dma_start3A_53 = tpu.memref_squeeze %dma_start3A_52 : memref<1x1x64xi32, #tpu.memory_space<hbm>> -> memref<64xi32, #tpu.memory_space<hbm>>
    tpu.enqueue_dma source(%dma_start3A_53 : memref<64xi32, #tpu.memory_space<hbm>>) target(%arg9 : memref<64xi32, #tpu.memory_space<vmem>>) target_semaphore(%arg35 : memref<!tpu.dma_semaphore, #tpu.memory_space<semaphore_mem>>)
    %dma_start3A_54 = arith.constant 3 : i32
    %dma_start3A_55 = arith.constant 0 : i32
    %dma_start3A_56 = tpu.memref_slice %arg4[%add3A_5, %dma_start3A_54, %dma_start3A_55] : memref<32x160x64xi32, #tpu.memory_space<hbm>> -> memref<1x1x64xi32, #tpu.memory_space<hbm>>
    %dma_start3A_57 = tpu.memref_squeeze %dma_start3A_56 : memref<1x1x64xi32, #tpu.memory_space<hbm>> -> memref<64xi32, #tpu.memory_space<hbm>>
    %dma_start3A_58 = arith.constant 0 : i32
    %dma_start3A_59 = tpu.memref_slice %arg4[%add3A_5, %dma_start3A_54, %dma_start3A_58] : memref<32x160x64xi32, #tpu.memory_space<hbm>> -> memref<1x1x64xi32, #tpu.memory_space<hbm>>
    %dma_start3A_60 = tpu.memref_squeeze %dma_start3A_59 : memref<1x1x64xi32, #tpu.memory_space<hbm>> -> memref<64xi32, #tpu.memory_space<hbm>>
    tpu.enqueue_dma source(%dma_start3A_60 : memref<64xi32, #tpu.memory_space<hbm>>) target(%arg19 : memref<64xi32, #tpu.memory_space<vmem>>) target_semaphore(%arg35 : memref<!tpu.dma_semaphore, #tpu.memory_space<semaphore_mem>>)
    %dma_start3A_61 = arith.constant 4 : i32
    %dma_start3A_62 = arith.constant 0 : i32
    %dma_start3A_63 = tpu.memref_slice %arg3[%add3A_5, %dma_start3A_61, %dma_start3A_62] : memref<32x160x64xi32, #tpu.memory_space<hbm>> -> memref<1x1x64xi32, #tpu.memory_space<hbm>>
    %dma_start3A_64 = tpu.memref_squeeze %dma_start3A_63 : memref<1x1x64xi32, #tpu.memory_space<hbm>> -> memref<64xi32, #tpu.memory_space<hbm>>
    %dma_start3A_65 = arith.constant 0 : i32
    %dma_start3A_66 = tpu.memref_slice %arg3[%add3A_5, %dma_start3A_61, %dma_start3A_65] : memref<32x160x64xi32, #tpu.memory_space<hbm>> -> memref<1x1x64xi32, #tpu.memory_space<hbm>>
    %dma_start3A_67 = tpu.memref_squeeze %dma_start3A_66 : memref<1x1x64xi32, #tpu.memory_space<hbm>> -> memref<64xi32, #tpu.memory_space<hbm>>
    tpu.enqueue_dma source(%dma_start3A_67 : memref<64xi32, #tpu.memory_space<hbm>>) target(%arg10 : memref<64xi32, #tpu.memory_space<vmem>>) target_semaphore(%arg36 : memref<!tpu.dma_semaphore, #tpu.memory_space<semaphore_mem>>)
    %dma_start3A_68 = arith.constant 4 : i32
    %dma_start3A_69 = arith.constant 0 : i32
    %dma_start3A_70 = tpu.memref_slice %arg4[%add3A_5, %dma_start3A_68, %dma_start3A_69] : memref<32x160x64xi32, #tpu.memory_space<hbm>> -> memref<1x1x64xi32, #tpu.memory_space<hbm>>
    %dma_start3A_71 = tpu.memref_squeeze %dma_start3A_70 : memref<1x1x64xi32, #tpu.memory_space<hbm>> -> memref<64xi32, #tpu.memory_space<hbm>>
    %dma_start3A_72 = arith.constant 0 : i32
    %dma_start3A_73 = tpu.memref_slice %arg4[%add3A_5, %dma_start3A_68, %dma_start3A_72] : memref<32x160x64xi32, #tpu.memory_space<hbm>> -> memref<1x1x64xi32, #tpu.memory_space<hbm>>
    %dma_start3A_74 = tpu.memref_squeeze %dma_start3A_73 : memref<1x1x64xi32, #tpu.memory_space<hbm>> -> memref<64xi32, #tpu.memory_space<hbm>>
    tpu.enqueue_dma source(%dma_start3A_74 : memref<64xi32, #tpu.memory_space<hbm>>) target(%arg20 : memref<64xi32, #tpu.memory_space<vmem>>) target_semaphore(%arg36 : memref<!tpu.dma_semaphore, #tpu.memory_space<semaphore_mem>>)
    %dma_start3A_75 = arith.constant 5 : i32
    %dma_start3A_76 = arith.constant 0 : i32
    %dma_start3A_77 = tpu.memref_slice %arg3[%add3A_5, %dma_start3A_75, %dma_start3A_76] : memref<32x160x64xi32, #tpu.memory_space<hbm>> -> memref<1x1x64xi32, #tpu.memory_space<hbm>>
    %dma_start3A_78 = tpu.memref_squeeze %dma_start3A_77 : memref<1x1x64xi32, #tpu.memory_space<hbm>> -> memref<64xi32, #tpu.memory_space<hbm>>
    %dma_start3A_79 = arith.constant 0 : i32
    %dma_start3A_80 = tpu.memref_slice %arg3[%add3A_5, %dma_start3A_75, %dma_start3A_79] : memref<32x160x64xi32, #tpu.memory_space<hbm>> -> memref<1x1x64xi32, #tpu.memory_space<hbm>>
    %dma_start3A_81 = tpu.memref_squeeze %dma_start3A_80 : memref<1x1x64xi32, #tpu.memory_space<hbm>> -> memref<64xi32, #tpu.memory_space<hbm>>
    tpu.enqueue_dma source(%dma_start3A_81 : memref<64xi32, #tpu.memory_space<hbm>>) target(%arg11 : memref<64xi32, #tpu.memory_space<vmem>>) target_semaphore(%arg37 : memref<!tpu.dma_semaphore, #tpu.memory_space<semaphore_mem>>)
    %dma_start3A_82 = arith.constant 5 : i32
    %dma_start3A_83 = arith.constant 0 : i32
    %dma_start3A_84 = tpu.memref_slice %arg4[%add3A_5, %dma_start3A_82, %dma_start3A_83] : memref<32x160x64xi32, #tpu.memory_space<hbm>> -> memref<1x1x64xi32, #tpu.memory_space<hbm>>
    %dma_start3A_85 = tpu.memref_squeeze %dma_start3A_84 : memref<1x1x64xi32, #tpu.memory_space<hbm>> -> memref<64xi32, #tpu.memory_space<hbm>>
    %dma_start3A_86 = arith.constant 0 : i32
    %dma_start3A_87 = tpu.memref_slice %arg4[%add3A_5, %dma_start3A_82, %dma_start3A_86] : memref<32x160x64xi32, #tpu.memory_space<hbm>> -> memref<1x1x64xi32, #tpu.memory_space<hbm>>
    %dma_start3A_88 = tpu.memref_squeeze %dma_start3A_87 : memref<1x1x64xi32, #tpu.memory_space<hbm>> -> memref<64xi32, #tpu.memory_space<hbm>>
    tpu.enqueue_dma source(%dma_start3A_88 : memref<64xi32, #tpu.memory_space<hbm>>) target(%arg21 : memref<64xi32, #tpu.memory_space<vmem>>) target_semaphore(%arg37 : memref<!tpu.dma_semaphore, #tpu.memory_space<semaphore_mem>>)
    %dma_start3A_89 = arith.constant 6 : i32
    %dma_start3A_90 = arith.constant 0 : i32
    %dma_start3A_91 = tpu.memref_slice %arg3[%add3A_5, %dma_start3A_89, %dma_start3A_90] : memref<32x160x64xi32, #tpu.memory_space<hbm>> -> memref<1x1x64xi32, #tpu.memory_space<hbm>>
    %dma_start3A_92 = tpu.memref_squeeze %dma_start3A_91 : memref<1x1x64xi32, #tpu.memory_space<hbm>> -> memref<64xi32, #tpu.memory_space<hbm>>
    %dma_start3A_93 = arith.constant 0 : i32
    %dma_start3A_94 = tpu.memref_slice %arg3[%add3A_5, %dma_start3A_89, %dma_start3A_93] : memref<32x160x64xi32, #tpu.memory_space<hbm>> -> memref<1x1x64xi32, #tpu.memory_space<hbm>>
    %dma_start3A_95 = tpu.memref_squeeze %dma_start3A_94 : memref<1x1x64xi32, #tpu.memory_space<hbm>> -> memref<64xi32, #tpu.memory_space<hbm>>
    tpu.enqueue_dma source(%dma_start3A_95 : memref<64xi32, #tpu.memory_space<hbm>>) target(%arg12 : memref<64xi32, #tpu.memory_space<vmem>>) target_semaphore(%arg38 : memref<!tpu.dma_semaphore, #tpu.memory_space<semaphore_mem>>)
    %dma_start3A_96 = arith.constant 6 : i32
    %dma_start3A_97 = arith.constant 0 : i32
    %dma_start3A_98 = tpu.memref_slice %arg4[%add3A_5, %dma_start3A_96, %dma_start3A_97] : memref<32x160x64xi32, #tpu.memory_space<hbm>> -> memref<1x1x64xi32, #tpu.memory_space<hbm>>
    %dma_start3A_99 = tpu.memref_squeeze %dma_start3A_98 : memref<1x1x64xi32, #tpu.memory_space<hbm>> -> memref<64xi32, #tpu.memory_space<hbm>>
    %dma_start3A_100 = arith.constant 0 : i32
    %dma_start3A_101 = tpu.memref_slice %arg4[%add3A_5, %dma_start3A_96, %dma_start3A_100] : memref<32x160x64xi32, #tpu.memory_space<hbm>> -> memref<1x1x64xi32, #tpu.memory_space<hbm>>
    %dma_start3A_102 = tpu.memref_squeeze %dma_start3A_101 : memref<1x1x64xi32, #tpu.memory_space<hbm>> -> memref<64xi32, #tpu.memory_space<hbm>>
    tpu.enqueue_dma source(%dma_start3A_102 : memref<64xi32, #tpu.memory_space<hbm>>) target(%arg22 : memref<64xi32, #tpu.memory_space<vmem>>) target_semaphore(%arg38 : memref<!tpu.dma_semaphore, #tpu.memory_space<semaphore_mem>>)
    %dma_start3A_103 = arith.constant 7 : i32
    %dma_start3A_104 = arith.constant 0 : i32
    %dma_start3A_105 = tpu.memref_slice %arg3[%add3A_5, %dma_start3A_103, %dma_start3A_104] : memref<32x160x64xi32, #tpu.memory_space<hbm>> -> memref<1x1x64xi32, #tpu.memory_space<hbm>>
    %dma_start3A_106 = tpu.memref_squeeze %dma_start3A_105 : memref<1x1x64xi32, #tpu.memory_space<hbm>> -> memref<64xi32, #tpu.memory_space<hbm>>
    %dma_start3A_107 = arith.constant 0 : i32
    %dma_start3A_108 = tpu.memref_slice %arg3[%add3A_5, %dma_start3A_103, %dma_start3A_107] : memref<32x160x64xi32, #tpu.memory_space<hbm>> -> memref<1x1x64xi32, #tpu.memory_space<hbm>>
    %dma_start3A_109 = tpu.memref_squeeze %dma_start3A_108 : memref<1x1x64xi32, #tpu.memory_space<hbm>> -> memref<64xi32, #tpu.memory_space<hbm>>
    tpu.enqueue_dma source(%dma_start3A_109 : memref<64xi32, #tpu.memory_space<hbm>>) target(%arg13 : memref<64xi32, #tpu.memory_space<vmem>>) target_semaphore(%arg39 : memref<!tpu.dma_semaphore, #tpu.memory_space<semaphore_mem>>)
    %dma_start3A_110 = arith.constant 7 : i32
    %dma_start3A_111 = arith.constant 0 : i32
    %dma_start3A_112 = tpu.memref_slice %arg4[%add3A_5, %dma_start3A_110, %dma_start3A_111] : memref<32x160x64xi32, #tpu.memory_space<hbm>> -> memref<1x1x64xi32, #tpu.memory_space<hbm>>
    %dma_start3A_113 = tpu.memref_squeeze %dma_start3A_112 : memref<1x1x64xi32, #tpu.memory_space<hbm>> -> memref<64xi32, #tpu.memory_space<hbm>>
    %dma_start3A_114 = arith.constant 0 : i32
    %dma_start3A_115 = tpu.memref_slice %arg4[%add3A_5, %dma_start3A_110, %dma_start3A_114] : memref<32x160x64xi32, #tpu.memory_space<hbm>> -> memref<1x1x64xi32, #tpu.memory_space<hbm>>
    %dma_start3A_116 = tpu.memref_squeeze %dma_start3A_115 : memref<1x1x64xi32, #tpu.memory_space<hbm>> -> memref<64xi32, #tpu.memory_space<hbm>>
    tpu.enqueue_dma source(%dma_start3A_116 : memref<64xi32, #tpu.memory_space<hbm>>) target(%arg23 : memref<64xi32, #tpu.memory_space<vmem>>) target_semaphore(%arg39 : memref<!tpu.dma_semaphore, #tpu.memory_space<semaphore_mem>>)
    %dma_start3A_117 = arith.constant 8 : i32
    %dma_start3A_118 = arith.constant 0 : i32
    %dma_start3A_119 = tpu.memref_slice %arg3[%add3A_5, %dma_start3A_117, %dma_start3A_118] : memref<32x160x64xi32, #tpu.memory_space<hbm>> -> memref<1x1x64xi32, #tpu.memory_space<hbm>>
    %dma_start3A_120 = tpu.memref_squeeze %dma_start3A_119 : memref<1x1x64xi32, #tpu.memory_space<hbm>> -> memref<64xi32, #tpu.memory_space<hbm>>
    %dma_start3A_121 = arith.constant 0 : i32
    %dma_start3A_122 = tpu.memref_slice %arg3[%add3A_5, %dma_start3A_117, %dma_start3A_121] : memref<32x160x64xi32, #tpu.memory_space<hbm>> -> memref<1x1x64xi32, #tpu.memory_space<hbm>>
    %dma_start3A_123 = tpu.memref_squeeze %dma_start3A_122 : memref<1x1x64xi32, #tpu.memory_space<hbm>> -> memref<64xi32, #tpu.memory_space<hbm>>
    tpu.enqueue_dma source(%dma_start3A_123 : memref<64xi32, #tpu.memory_space<hbm>>) target(%arg14 : memref<64xi32, #tpu.memory_space<vmem>>) target_semaphore(%arg40 : memref<!tpu.dma_semaphore, #tpu.memory_space<semaphore_mem>>)
    %dma_start3A_124 = arith.constant 8 : i32
    %dma_start3A_125 = arith.constant 0 : i32
    %dma_start3A_126 = tpu.memref_slice %arg4[%add3A_5, %dma_start3A_124, %dma_start3A_125] : memref<32x160x64xi32, #tpu.memory_space<hbm>> -> memref<1x1x64xi32, #tpu.memory_space<hbm>>
    %dma_start3A_127 = tpu.memref_squeeze %dma_start3A_126 : memref<1x1x64xi32, #tpu.memory_space<hbm>> -> memref<64xi32, #tpu.memory_space<hbm>>
    %dma_start3A_128 = arith.constant 0 : i32
    %dma_start3A_129 = tpu.memref_slice %arg4[%add3A_5, %dma_start3A_124, %dma_start3A_128] : memref<32x160x64xi32, #tpu.memory_space<hbm>> -> memref<1x1x64xi32, #tpu.memory_space<hbm>>
    %dma_start3A_130 = tpu.memref_squeeze %dma_start3A_129 : memref<1x1x64xi32, #tpu.memory_space<hbm>> -> memref<64xi32, #tpu.memory_space<hbm>>
    tpu.enqueue_dma source(%dma_start3A_130 : memref<64xi32, #tpu.memory_space<hbm>>) target(%arg24 : memref<64xi32, #tpu.memory_space<vmem>>) target_semaphore(%arg40 : memref<!tpu.dma_semaphore, #tpu.memory_space<semaphore_mem>>)
    %dma_wait3A = arith.constant 0 : i32
    %dma_wait3A_131 = arith.constant 0 : i32
    %dma_wait3A_132 = tpu.memref_slice %arg3[%add3A_5, %dma_wait3A, %dma_wait3A_131] : memref<32x160x64xi32, #tpu.memory_space<hbm>> -> memref<1x1x64xi32, #tpu.memory_space<hbm>>
    %dma_wait3A_133 = tpu.memref_squeeze %dma_wait3A_132 : memref<1x1x64xi32, #tpu.memory_space<hbm>> -> memref<64xi32, #tpu.memory_space<hbm>>
    %dma_wait3A_134 = arith.constant 0 : i32
    %dma_wait3A_135 = tpu.memref_slice %arg3[%add3A_5, %dma_wait3A, %dma_wait3A_134] : memref<32x160x64xi32, #tpu.memory_space<hbm>> -> memref<1x1x64xi32, #tpu.memory_space<hbm>>
    %dma_wait3A_136 = tpu.memref_squeeze %dma_wait3A_135 : memref<1x1x64xi32, #tpu.memory_space<hbm>> -> memref<64xi32, #tpu.memory_space<hbm>>
    tpu.wait_dma2 semaphore(%arg32 : memref<!tpu.dma_semaphore, #tpu.memory_space<semaphore_mem>>) src(%dma_wait3A_136 : memref<64xi32, #tpu.memory_space<hbm>>) dst(%arg6 : memref<64xi32, #tpu.memory_space<vmem>>)
    %dma_wait3A_137 = arith.constant 0 : i32
    %dma_wait3A_138 = arith.constant 0 : i32
    %dma_wait3A_139 = tpu.memref_slice %arg4[%add3A_5, %dma_wait3A_137, %dma_wait3A_138] : memref<32x160x64xi32, #tpu.memory_space<hbm>> -> memref<1x1x64xi32, #tpu.memory_space<hbm>>
    %dma_wait3A_140 = tpu.memref_squeeze %dma_wait3A_139 : memref<1x1x64xi32, #tpu.memory_space<hbm>> -> memref<64xi32, #tpu.memory_space<hbm>>
    %dma_wait3A_141 = arith.constant 0 : i32
    %dma_wait3A_142 = tpu.memref_slice %arg4[%add3A_5, %dma_wait3A_137, %dma_wait3A_141] : memref<32x160x64xi32, #tpu.memory_space<hbm>> -> memref<1x1x64xi32, #tpu.memory_space<hbm>>
    %dma_wait3A_143 = tpu.memref_squeeze %dma_wait3A_142 : memref<1x1x64xi32, #tpu.memory_space<hbm>> -> memref<64xi32, #tpu.memory_space<hbm>>
    tpu.wait_dma2 semaphore(%arg32 : memref<!tpu.dma_semaphore, #tpu.memory_space<semaphore_mem>>) src(%dma_wait3A_143 : memref<64xi32, #tpu.memory_space<hbm>>) dst(%arg16 : memref<64xi32, #tpu.memory_space<vmem>>)
    %dma_start3A_144 = arith.constant 0 : i32
    %dma_start3A_145 = arith.constant 0 : i32
    %dma_start3A_146 = tpu.memref_slice %arg2[%dma_start3A_144, %dma_start3A_145] : memref<20480x128xf32, #tpu.memory_space<hbm>> -> memref<20480x128xf32, #tpu.memory_space<hbm>>
    tpu.enqueue_indirect_dma source(%dma_start3A_146 : memref<20480x128xf32, #tpu.memory_space<hbm>>) target(%arg26 : memref<64x128xf32, #tpu.memory_space<vmem>>) offsets(%arg6 : memref<64xi32, #tpu.memory_space<vmem>>) semaphore(%arg42 : memref<!tpu.dma_semaphore, #tpu.memory_space<semaphore_mem>>)
    %dma_wait3A_147 = arith.constant 0 : i32
    %dma_wait3A_148 = arith.constant 0 : i32
    %dma_wait3A_149 = tpu.memref_slice %arg3[%add3A_5, %dma_wait3A_147, %dma_wait3A_148] : memref<32x160x64xi32, #tpu.memory_space<hbm>> -> memref<1x1x64xi32, #tpu.memory_space<hbm>>
    %dma_wait3A_150 = tpu.memref_squeeze %dma_wait3A_149 : memref<1x1x64xi32, #tpu.memory_space<hbm>> -> memref<64xi32, #tpu.memory_space<hbm>>
    %dma_wait3A_151 = arith.constant 0 : i32
    %dma_wait3A_152 = tpu.memref_slice %arg3[%add3A_5, %dma_wait3A_147, %dma_wait3A_151] : memref<32x160x64xi32, #tpu.memory_space<hbm>> -> memref<1x1x64xi32, #tpu.memory_space<hbm>>
    %dma_wait3A_153 = tpu.memref_squeeze %dma_wait3A_152 : memref<1x1x64xi32, #tpu.memory_space<hbm>> -> memref<64xi32, #tpu.memory_space<hbm>>
    tpu.wait_dma2 semaphore(%arg33 : memref<!tpu.dma_semaphore, #tpu.memory_space<semaphore_mem>>) src(%dma_wait3A_153 : memref<64xi32, #tpu.memory_space<hbm>>) dst(%arg7 : memref<64xi32, #tpu.memory_space<vmem>>)
    %dma_wait3A_154 = arith.constant 0 : i32
    %dma_wait3A_155 = arith.constant 0 : i32
    %dma_wait3A_156 = tpu.memref_slice %arg4[%add3A_5, %dma_wait3A_154, %dma_wait3A_155] : memref<32x160x64xi32, #tpu.memory_space<hbm>> -> memref<1x1x64xi32, #tpu.memory_space<hbm>>
    %dma_wait3A_157 = tpu.memref_squeeze %dma_wait3A_156 : memref<1x1x64xi32, #tpu.memory_space<hbm>> -> memref<64xi32, #tpu.memory_space<hbm>>
    %dma_wait3A_158 = arith.constant 0 : i32
    %dma_wait3A_159 = tpu.memref_slice %arg4[%add3A_5, %dma_wait3A_154, %dma_wait3A_158] : memref<32x160x64xi32, #tpu.memory_space<hbm>> -> memref<1x1x64xi32, #tpu.memory_space<hbm>>
    %dma_wait3A_160 = tpu.memref_squeeze %dma_wait3A_159 : memref<1x1x64xi32, #tpu.memory_space<hbm>> -> memref<64xi32, #tpu.memory_space<hbm>>
    tpu.wait_dma2 semaphore(%arg33 : memref<!tpu.dma_semaphore, #tpu.memory_space<semaphore_mem>>) src(%dma_wait3A_160 : memref<64xi32, #tpu.memory_space<hbm>>) dst(%arg17 : memref<64xi32, #tpu.memory_space<vmem>>)
    %dma_start3A_161 = arith.constant 0 : i32
    %dma_start3A_162 = arith.constant 0 : i32
    %dma_start3A_163 = tpu.memref_slice %arg2[%dma_start3A_161, %dma_start3A_162] : memref<20480x128xf32, #tpu.memory_space<hbm>> -> memref<20480x128xf32, #tpu.memory_space<hbm>>
    tpu.enqueue_indirect_dma source(%dma_start3A_163 : memref<20480x128xf32, #tpu.memory_space<hbm>>) target(%arg27 : memref<64x128xf32, #tpu.memory_space<vmem>>) offsets(%arg7 : memref<64xi32, #tpu.memory_space<vmem>>) semaphore(%arg43 : memref<!tpu.dma_semaphore, #tpu.memory_space<semaphore_mem>>)
    %dma_wait3A_164 = arith.constant 0 : i32
    %dma_wait3A_165 = arith.constant 0 : i32
    %dma_wait3A_166 = tpu.memref_slice %arg3[%add3A_5, %dma_wait3A_164, %dma_wait3A_165] : memref<32x160x64xi32, #tpu.memory_space<hbm>> -> memref<1x1x64xi32, #tpu.memory_space<hbm>>
    %dma_wait3A_167 = tpu.memref_squeeze %dma_wait3A_166 : memref<1x1x64xi32, #tpu.memory_space<hbm>> -> memref<64xi32, #tpu.memory_space<hbm>>
    %dma_wait3A_168 = arith.constant 0 : i32
    %dma_wait3A_169 = tpu.memref_slice %arg3[%add3A_5, %dma_wait3A_164, %dma_wait3A_168] : memref<32x160x64xi32, #tpu.memory_space<hbm>> -> memref<1x1x64xi32, #tpu.memory_space<hbm>>
    %dma_wait3A_170 = tpu.memref_squeeze %dma_wait3A_169 : memref<1x1x64xi32, #tpu.memory_space<hbm>> -> memref<64xi32, #tpu.memory_space<hbm>>
    tpu.wait_dma2 semaphore(%arg34 : memref<!tpu.dma_semaphore, #tpu.memory_space<semaphore_mem>>) src(%dma_wait3A_170 : memref<64xi32, #tpu.memory_space<hbm>>) dst(%arg8 : memref<64xi32, #tpu.memory_space<vmem>>)
    %dma_wait3A_171 = arith.constant 0 : i32
    %dma_wait3A_172 = arith.constant 0 : i32
    %dma_wait3A_173 = tpu.memref_slice %arg4[%add3A_5, %dma_wait3A_171, %dma_wait3A_172] : memref<32x160x64xi32, #tpu.memory_space<hbm>> -> memref<1x1x64xi32, #tpu.memory_space<hbm>>
    %dma_wait3A_174 = tpu.memref_squeeze %dma_wait3A_173 : memref<1x1x64xi32, #tpu.memory_space<hbm>> -> memref<64xi32, #tpu.memory_space<hbm>>
    %dma_wait3A_175 = arith.constant 0 : i32
    %dma_wait3A_176 = tpu.memref_slice %arg4[%add3A_5, %dma_wait3A_171, %dma_wait3A_175] : memref<32x160x64xi32, #tpu.memory_space<hbm>> -> memref<1x1x64xi32, #tpu.memory_space<hbm>>
    %dma_wait3A_177 = tpu.memref_squeeze %dma_wait3A_176 : memref<1x1x64xi32, #tpu.memory_space<hbm>> -> memref<64xi32, #tpu.memory_space<hbm>>
    tpu.wait_dma2 semaphore(%arg34 : memref<!tpu.dma_semaphore, #tpu.memory_space<semaphore_mem>>) src(%dma_wait3A_177 : memref<64xi32, #tpu.memory_space<hbm>>) dst(%arg18 : memref<64xi32, #tpu.memory_space<vmem>>)
    %dma_start3A_178 = arith.constant 0 : i32
    %dma_start3A_179 = arith.constant 0 : i32
    %dma_start3A_180 = tpu.memref_slice %arg2[%dma_start3A_178, %dma_start3A_179] : memref<20480x128xf32, #tpu.memory_space<hbm>> -> memref<20480x128xf32, #tpu.memory_space<hbm>>
    tpu.enqueue_indirect_dma source(%dma_start3A_180 : memref<20480x128xf32, #tpu.memory_space<hbm>>) target(%arg28 : memref<64x128xf32, #tpu.memory_space<vmem>>) offsets(%arg8 : memref<64xi32, #tpu.memory_space<vmem>>) semaphore(%arg44 : memref<!tpu.dma_semaphore, #tpu.memory_space<semaphore_mem>>)
    %dma_wait3A_181 = arith.constant 0 : i32
    %dma_wait3A_182 = arith.constant 0 : i32
    %dma_wait3A_183 = tpu.memref_slice %arg3[%add3A_5, %dma_wait3A_181, %dma_wait3A_182] : memref<32x160x64xi32, #tpu.memory_space<hbm>> -> memref<1x1x64xi32, #tpu.memory_space<hbm>>
    %dma_wait3A_184 = tpu.memref_squeeze %dma_wait3A_183 : memref<1x1x64xi32, #tpu.memory_space<hbm>> -> memref<64xi32, #tpu.memory_space<hbm>>
    %dma_wait3A_185 = arith.constant 0 : i32
    %dma_wait3A_186 = tpu.memref_slice %arg3[%add3A_5, %dma_wait3A_181, %dma_wait3A_185] : memref<32x160x64xi32, #tpu.memory_space<hbm>> -> memref<1x1x64xi32, #tpu.memory_space<hbm>>
    %dma_wait3A_187 = tpu.memref_squeeze %dma_wait3A_186 : memref<1x1x64xi32, #tpu.memory_space<hbm>> -> memref<64xi32, #tpu.memory_space<hbm>>
    tpu.wait_dma2 semaphore(%arg35 : memref<!tpu.dma_semaphore, #tpu.memory_space<semaphore_mem>>) src(%dma_wait3A_187 : memref<64xi32, #tpu.memory_space<hbm>>) dst(%arg9 : memref<64xi32, #tpu.memory_space<vmem>>)
    %dma_wait3A_188 = arith.constant 0 : i32
    %dma_wait3A_189 = arith.constant 0 : i32
    %dma_wait3A_190 = tpu.memref_slice %arg4[%add3A_5, %dma_wait3A_188, %dma_wait3A_189] : memref<32x160x64xi32, #tpu.memory_space<hbm>> -> memref<1x1x64xi32, #tpu.memory_space<hbm>>
    %dma_wait3A_191 = tpu.memref_squeeze %dma_wait3A_190 : memref<1x1x64xi32, #tpu.memory_space<hbm>> -> memref<64xi32, #tpu.memory_space<hbm>>
    %dma_wait3A_192 = arith.constant 0 : i32
    %dma_wait3A_193 = tpu.memref_slice %arg4[%add3A_5, %dma_wait3A_188, %dma_wait3A_192] : memref<32x160x64xi32, #tpu.memory_space<hbm>> -> memref<1x1x64xi32, #tpu.memory_space<hbm>>
    %dma_wait3A_194 = tpu.memref_squeeze %dma_wait3A_193 : memref<1x1x64xi32, #tpu.memory_space<hbm>> -> memref<64xi32, #tpu.memory_space<hbm>>
    tpu.wait_dma2 semaphore(%arg35 : memref<!tpu.dma_semaphore, #tpu.memory_space<semaphore_mem>>) src(%dma_wait3A_194 : memref<64xi32, #tpu.memory_space<hbm>>) dst(%arg19 : memref<64xi32, #tpu.memory_space<vmem>>)
    %dma_start3A_195 = arith.constant 0 : i32
    %dma_start3A_196 = arith.constant 0 : i32
    %dma_start3A_197 = tpu.memref_slice %arg2[%dma_start3A_195, %dma_start3A_196] : memref<20480x128xf32, #tpu.memory_space<hbm>> -> memref<20480x128xf32, #tpu.memory_space<hbm>>
    tpu.enqueue_indirect_dma source(%dma_start3A_197 : memref<20480x128xf32, #tpu.memory_space<hbm>>) target(%arg29 : memref<64x128xf32, #tpu.memory_space<vmem>>) offsets(%arg9 : memref<64xi32, #tpu.memory_space<vmem>>) semaphore(%arg45 : memref<!tpu.dma_semaphore, #tpu.memory_space<semaphore_mem>>)
    %scan3A = arith.constant 0 : i32
    %scan3A_198 = arith.constant 16 : i32
    %scan3A_199 = arith.addi %scan3A, %scan3A_198 : i32
    %scan3A_200 = arith.constant 1 : i32
    scf.for %scan3A_206 = %scan3A to %scan3A_199 step %scan3A_200  : i32 {
      %mul3A_207 = arith.constant 1 : i32
      %mul3A_208 = arith.muli %scan3A_206, %mul3A_207 : i32
      %add3A_209 = arith.constant 0 : i32
      %add3A_210 = arith.addi %add3A_209, %mul3A_208 : i32
      %dma_wait3A_211 = arith.constant 0 : i32
      %dma_wait3A_212 = arith.constant 0 : i32
      %dma_wait3A_213 = tpu.memref_slice %arg2[%dma_wait3A_211, %dma_wait3A_212] : memref<20480x128xf32, #tpu.memory_space<hbm>> -> memref<20480x128xf32, #tpu.memory_space<hbm>>
      tpu.wait_indirect_dma semaphore(%arg42 : memref<!tpu.dma_semaphore, #tpu.memory_space<semaphore_mem>>) src(%dma_wait3A_213 : memref<20480x128xf32, #tpu.memory_space<hbm>>) dst(%arg26 : memref<64x128xf32, #tpu.memory_space<vmem>>)
      %dma_start3A_214 = arith.constant 0 : i32
      %dma_start3A_215 = arith.constant 0 : i32
      %dma_start3A_216 = tpu.memref_slice %arg31[%dma_start3A_214, %dma_start3A_215] : memref<10240x128xf32, #tpu.memory_space<vmem_shared>> -> memref<10240x128xf32, #tpu.memory_space<vmem_shared>>
      tpu.enqueue_indirect_dma source(%arg26 : memref<64x128xf32, #tpu.memory_space<vmem>>) target(%dma_start3A_216 : memref<10240x128xf32, #tpu.memory_space<vmem_shared>>) offsets(%arg16 : memref<64xi32, #tpu.memory_space<vmem>>) semaphore(%arg47 : memref<!tpu.dma_semaphore, #tpu.memory_space<semaphore_mem>>) {add = true}
      %gt3A = arith.constant 0 : i32
      %gt3A_217 = arith.cmpi sgt, %add3A_210, %gt3A : i32
      %convert_element_type3A = arith.extui %gt3A_217 : i1 to i32
      %cond3A = arith.constant 0 : i32
      %cond3A_218 = arith.cmpi ne, %convert_element_type3A, %cond3A : i32
      scf.if %cond3A_218 {
        %dma_wait3A_483 = arith.constant 0 : i32
        %dma_wait3A_484 = arith.constant 0 : i32
        %dma_wait3A_485 = tpu.memref_slice %arg31[%dma_wait3A_483, %dma_wait3A_484] : memref<10240x128xf32, #tpu.memory_space<vmem_shared>> -> memref<10240x128xf32, #tpu.memory_space<vmem_shared>>
        tpu.wait_indirect_dma semaphore(%arg51 : memref<!tpu.dma_semaphore, #tpu.memory_space<semaphore_mem>>) src(%arg30 : memref<64x128xf32, #tpu.memory_space<vmem>>) dst(%dma_wait3A_485 : memref<10240x128xf32, #tpu.memory_space<vmem_shared>>)
      } else {
      }
      %mul3A_219 = arith.constant 10 : i32
      %mul3A_220 = arith.muli %mul3A_219, %add3A_210 : i32
      %add3A_221 = arith.constant 10 : i32
      %add3A_222 = arith.addi %mul3A_220, %add3A_221 : i32
      %sub3A = arith.constant 1 : i32
      %sub3A_223 = arith.subi %add3A_222, %sub3A : i32
      %dma_start3A_224 = arith.constant 0 : i32
      %dma_start3A_225 = tpu.memref_slice %arg3[%add3A_5, %sub3A_223, %dma_start3A_224] : memref<32x160x64xi32, #tpu.memory_space<hbm>> -> memref<1x1x64xi32, #tpu.memory_space<hbm>>
      %dma_start3A_226 = tpu.memref_squeeze %dma_start3A_225 : memref<1x1x64xi32, #tpu.memory_space<hbm>> -> memref<64xi32, #tpu.memory_space<hbm>>
      %dma_start3A_227 = arith.constant 0 : i32
      %dma_start3A_228 = tpu.memref_slice %arg3[%add3A_5, %sub3A_223, %dma_start3A_227] : memref<32x160x64xi32, #tpu.memory_space<hbm>> -> memref<1x1x64xi32, #tpu.memory_space<hbm>>
      %dma_start3A_229 = tpu.memref_squeeze %dma_start3A_228 : memref<1x1x64xi32, #tpu.memory_space<hbm>> -> memref<64xi32, #tpu.memory_space<hbm>>
      tpu.enqueue_dma source(%dma_start3A_229 : memref<64xi32, #tpu.memory_space<hbm>>) target(%arg15 : memref<64xi32, #tpu.memory_space<vmem>>) target_semaphore(%arg41 : memref<!tpu.dma_semaphore, #tpu.memory_space<semaphore_mem>>)
      %dma_start3A_230 = arith.constant 0 : i32
      %dma_start3A_231 = tpu.memref_slice %arg4[%add3A_5, %sub3A_223, %dma_start3A_230] : memref<32x160x64xi32, #tpu.memory_space<hbm>> -> memref<1x1x64xi32, #tpu.memory_space<hbm>>
      %dma_start3A_232 = tpu.memref_squeeze %dma_start3A_231 : memref<1x1x64xi32, #tpu.memory_space<hbm>> -> memref<64xi32, #tpu.memory_space<hbm>>
      %dma_start3A_233 = arith.constant 0 : i32
      %dma_start3A_234 = tpu.memref_slice %arg4[%add3A_5, %sub3A_223, %dma_start3A_233] : memref<32x160x64xi32, #tpu.memory_space<hbm>> -> memref<1x1x64xi32, #tpu.memory_space<hbm>>
      %dma_start3A_235 = tpu.memref_squeeze %dma_start3A_234 : memref<1x1x64xi32, #tpu.memory_space<hbm>> -> memref<64xi32, #tpu.memory_space<hbm>>
      tpu.enqueue_dma source(%dma_start3A_235 : memref<64xi32, #tpu.memory_space<hbm>>) target(%arg25 : memref<64xi32, #tpu.memory_space<vmem>>) target_semaphore(%arg41 : memref<!tpu.dma_semaphore, #tpu.memory_space<semaphore_mem>>)
      %dma_wait3A_236 = arith.constant 0 : i32
      %dma_wait3A_237 = arith.constant 0 : i32
      %dma_wait3A_238 = tpu.memref_slice %arg3[%add3A_5, %dma_wait3A_236, %dma_wait3A_237] : memref<32x160x64xi32, #tpu.memory_space<hbm>> -> memref<1x1x64xi32, #tpu.memory_space<hbm>>
      %dma_wait3A_239 = tpu.memref_squeeze %dma_wait3A_238 : memref<1x1x64xi32, #tpu.memory_space<hbm>> -> memref<64xi32, #tpu.memory_space<hbm>>
      %dma_wait3A_240 = arith.constant 0 : i32
      %dma_wait3A_241 = tpu.memref_slice %arg3[%add3A_5, %dma_wait3A_236, %dma_wait3A_240] : memref<32x160x64xi32, #tpu.memory_space<hbm>> -> memref<1x1x64xi32, #tpu.memory_space<hbm>>
      %dma_wait3A_242 = tpu.memref_squeeze %dma_wait3A_241 : memref<1x1x64xi32, #tpu.memory_space<hbm>> -> memref<64xi32, #tpu.memory_space<hbm>>
      tpu.wait_dma2 semaphore(%arg36 : memref<!tpu.dma_semaphore, #tpu.memory_space<semaphore_mem>>) src(%dma_wait3A_242 : memref<64xi32, #tpu.memory_space<hbm>>) dst(%arg10 : memref<64xi32, #tpu.memory_space<vmem>>)
      %dma_wait3A_243 = arith.constant 0 : i32
      %dma_wait3A_244 = arith.constant 0 : i32
      %dma_wait3A_245 = tpu.memref_slice %arg4[%add3A_5, %dma_wait3A_243, %dma_wait3A_244] : memref<32x160x64xi32, #tpu.memory_space<hbm>> -> memref<1x1x64xi32, #tpu.memory_space<hbm>>
      %dma_wait3A_246 = tpu.memref_squeeze %dma_wait3A_245 : memref<1x1x64xi32, #tpu.memory_space<hbm>> -> memref<64xi32, #tpu.memory_space<hbm>>
      %dma_wait3A_247 = arith.constant 0 : i32
      %dma_wait3A_248 = tpu.memref_slice %arg4[%add3A_5, %dma_wait3A_243, %dma_wait3A_247] : memref<32x160x64xi32, #tpu.memory_space<hbm>> -> memref<1x1x64xi32, #tpu.memory_space<hbm>>
      %dma_wait3A_249 = tpu.memref_squeeze %dma_wait3A_248 : memref<1x1x64xi32, #tpu.memory_space<hbm>> -> memref<64xi32, #tpu.memory_space<hbm>>
      tpu.wait_dma2 semaphore(%arg36 : memref<!tpu.dma_semaphore, #tpu.memory_space<semaphore_mem>>) src(%dma_wait3A_249 : memref<64xi32, #tpu.memory_space<hbm>>) dst(%arg20 : memref<64xi32, #tpu.memory_space<vmem>>)
      %dma_start3A_250 = arith.constant 0 : i32
      %dma_start3A_251 = arith.constant 0 : i32
      %dma_start3A_252 = tpu.memref_slice %arg2[%dma_start3A_250, %dma_start3A_251] : memref<20480x128xf32, #tpu.memory_space<hbm>> -> memref<20480x128xf32, #tpu.memory_space<hbm>>
      tpu.enqueue_indirect_dma source(%dma_start3A_252 : memref<20480x128xf32, #tpu.memory_space<hbm>>) target(%arg30 : memref<64x128xf32, #tpu.memory_space<vmem>>) offsets(%arg10 : memref<64xi32, #tpu.memory_space<vmem>>) semaphore(%arg46 : memref<!tpu.dma_semaphore, #tpu.memory_space<semaphore_mem>>)
      %dma_wait3A_253 = arith.constant 0 : i32
      %dma_wait3A_254 = arith.constant 0 : i32
      %dma_wait3A_255 = tpu.memref_slice %arg2[%dma_wait3A_253, %dma_wait3A_254] : memref<20480x128xf32, #tpu.memory_space<hbm>> -> memref<20480x128xf32, #tpu.memory_space<hbm>>
      tpu.wait_indirect_dma semaphore(%arg43 : memref<!tpu.dma_semaphore, #tpu.memory_space<semaphore_mem>>) src(%dma_wait3A_255 : memref<20480x128xf32, #tpu.memory_space<hbm>>) dst(%arg27 : memref<64x128xf32, #tpu.memory_space<vmem>>)
      %dma_start3A_256 = arith.constant 0 : i32
      %dma_start3A_257 = arith.constant 0 : i32
      %dma_start3A_258 = tpu.memref_slice %arg31[%dma_start3A_256, %dma_start3A_257] : memref<10240x128xf32, #tpu.memory_space<vmem_shared>> -> memref<10240x128xf32, #tpu.memory_space<vmem_shared>>
      tpu.enqueue_indirect_dma source(%arg27 : memref<64x128xf32, #tpu.memory_space<vmem>>) target(%dma_start3A_258 : memref<10240x128xf32, #tpu.memory_space<vmem_shared>>) offsets(%arg17 : memref<64xi32, #tpu.memory_space<vmem>>) semaphore(%arg48 : memref<!tpu.dma_semaphore, #tpu.memory_space<semaphore_mem>>) {add = true}
      %dma_wait3A_259 = arith.constant 0 : i32
      %dma_wait3A_260 = arith.constant 0 : i32
      %dma_wait3A_261 = tpu.memref_slice %arg31[%dma_wait3A_259, %dma_wait3A_260] : memref<10240x128xf32, #tpu.memory_space<vmem_shared>> -> memref<10240x128xf32, #tpu.memory_space<vmem_shared>>
      tpu.wait_indirect_dma semaphore(%arg47 : memref<!tpu.dma_semaphore, #tpu.memory_space<semaphore_mem>>) src(%arg26 : memref<64x128xf32, #tpu.memory_space<vmem>>) dst(%dma_wait3A_261 : memref<10240x128xf32, #tpu.memory_space<vmem_shared>>)
      %lt3A = arith.constant 15 : i32
      %lt3A_262 = arith.cmpi slt, %add3A_210, %lt3A : i32
      %convert_element_type3A_263 = arith.extui %lt3A_262 : i1 to i32
      %cond3A_264 = arith.constant 0 : i32
      %cond3A_265 = arith.cmpi ne, %convert_element_type3A_263, %cond3A_264 : i32
      scf.if %cond3A_265 {
        %mul3A_483 = arith.constant 10 : i32
        %mul3A_484 = arith.muli %mul3A_483, %add3A_210 : i32
        %add3A_485 = arith.constant 1 : i32
        %add3A_486 = arith.addi %mul3A_484, %add3A_485 : i32
        %add3A_487 = arith.constant 10 : i32
        %add3A_488 = arith.addi %add3A_486, %add3A_487 : i32
        %sub3A_489 = arith.constant 1 : i32
        %sub3A_490 = arith.subi %add3A_488, %sub3A_489 : i32
        %dma_start3A_491 = arith.constant 0 : i32
        %dma_start3A_492 = tpu.memref_slice %arg3[%add3A_5, %sub3A_490, %dma_start3A_491] : memref<32x160x64xi32, #tpu.memory_space<hbm>> -> memref<1x1x64xi32, #tpu.memory_space<hbm>>
        %dma_start3A_493 = tpu.memref_squeeze %dma_start3A_492 : memref<1x1x64xi32, #tpu.memory_space<hbm>> -> memref<64xi32, #tpu.memory_space<hbm>>
        %dma_start3A_494 = arith.constant 0 : i32
        %dma_start3A_495 = tpu.memref_slice %arg3[%add3A_5, %sub3A_490, %dma_start3A_494] : memref<32x160x64xi32, #tpu.memory_space<hbm>> -> memref<1x1x64xi32, #tpu.memory_space<hbm>>
        %dma_start3A_496 = tpu.memref_squeeze %dma_start3A_495 : memref<1x1x64xi32, #tpu.memory_space<hbm>> -> memref<64xi32, #tpu.memory_space<hbm>>
        tpu.enqueue_dma source(%dma_start3A_496 : memref<64xi32, #tpu.memory_space<hbm>>) target(%arg6 : memref<64xi32, #tpu.memory_space<vmem>>) target_semaphore(%arg32 : memref<!tpu.dma_semaphore, #tpu.memory_space<semaphore_mem>>)
        %dma_start3A_497 = arith.constant 0 : i32
        %dma_start3A_498 = tpu.memref_slice %arg4[%add3A_5, %sub3A_490, %dma_start3A_497] : memref<32x160x64xi32, #tpu.memory_space<hbm>> -> memref<1x1x64xi32, #tpu.memory_space<hbm>>
        %dma_start3A_499 = tpu.memref_squeeze %dma_start3A_498 : memref<1x1x64xi32, #tpu.memory_space<hbm>> -> memref<64xi32, #tpu.memory_space<hbm>>
        %dma_start3A_500 = arith.constant 0 : i32
        %dma_start3A_501 = tpu.memref_slice %arg4[%add3A_5, %sub3A_490, %dma_start3A_500] : memref<32x160x64xi32, #tpu.memory_space<hbm>> -> memref<1x1x64xi32, #tpu.memory_space<hbm>>
        %dma_start3A_502 = tpu.memref_squeeze %dma_start3A_501 : memref<1x1x64xi32, #tpu.memory_space<hbm>> -> memref<64xi32, #tpu.memory_space<hbm>>
        tpu.enqueue_dma source(%dma_start3A_502 : memref<64xi32, #tpu.memory_space<hbm>>) target(%arg16 : memref<64xi32, #tpu.memory_space<vmem>>) target_semaphore(%arg32 : memref<!tpu.dma_semaphore, #tpu.memory_space<semaphore_mem>>)
      } else {
      }
      %dma_wait3A_266 = arith.constant 0 : i32
      %dma_wait3A_267 = arith.constant 0 : i32
      %dma_wait3A_268 = tpu.memref_slice %arg3[%add3A_5, %dma_wait3A_266, %dma_wait3A_267] : memref<32x160x64xi32, #tpu.memory_space<hbm>> -> memref<1x1x64xi32, #tpu.memory_space<hbm>>
      %dma_wait3A_269 = tpu.memref_squeeze %dma_wait3A_268 : memref<1x1x64xi32, #tpu.memory_space<hbm>> -> memref<64xi32, #tpu.memory_space<hbm>>
      %dma_wait3A_270 = arith.constant 0 : i32
      %dma_wait3A_271 = tpu.memref_slice %arg3[%add3A_5, %dma_wait3A_266, %dma_wait3A_270] : memref<32x160x64xi32, #tpu.memory_space<hbm>> -> memref<1x1x64xi32, #tpu.memory_space<hbm>>
      %dma_wait3A_272 = tpu.memref_squeeze %dma_wait3A_271 : memref<1x1x64xi32, #tpu.memory_space<hbm>> -> memref<64xi32, #tpu.memory_space<hbm>>
      tpu.wait_dma2 semaphore(%arg37 : memref<!tpu.dma_semaphore, #tpu.memory_space<semaphore_mem>>) src(%dma_wait3A_272 : memref<64xi32, #tpu.memory_space<hbm>>) dst(%arg11 : memref<64xi32, #tpu.memory_space<vmem>>)
      %dma_wait3A_273 = arith.constant 0 : i32
      %dma_wait3A_274 = arith.constant 0 : i32
      %dma_wait3A_275 = tpu.memref_slice %arg4[%add3A_5, %dma_wait3A_273, %dma_wait3A_274] : memref<32x160x64xi32, #tpu.memory_space<hbm>> -> memref<1x1x64xi32, #tpu.memory_space<hbm>>
      %dma_wait3A_276 = tpu.memref_squeeze %dma_wait3A_275 : memref<1x1x64xi32, #tpu.memory_space<hbm>> -> memref<64xi32, #tpu.memory_space<hbm>>
      %dma_wait3A_277 = arith.constant 0 : i32
      %dma_wait3A_278 = tpu.memref_slice %arg4[%add3A_5, %dma_wait3A_273, %dma_wait3A_277] : memref<32x160x64xi32, #tpu.memory_space<hbm>> -> memref<1x1x64xi32, #tpu.memory_space<hbm>>
      %dma_wait3A_279 = tpu.memref_squeeze %dma_wait3A_278 : memref<1x1x64xi32, #tpu.memory_space<hbm>> -> memref<64xi32, #tpu.memory_space<hbm>>
      tpu.wait_dma2 semaphore(%arg37 : memref<!tpu.dma_semaphore, #tpu.memory_space<semaphore_mem>>) src(%dma_wait3A_279 : memref<64xi32, #tpu.memory_space<hbm>>) dst(%arg21 : memref<64xi32, #tpu.memory_space<vmem>>)
      %dma_start3A_280 = arith.constant 0 : i32
      %dma_start3A_281 = arith.constant 0 : i32
      %dma_start3A_282 = tpu.memref_slice %arg2[%dma_start3A_280, %dma_start3A_281] : memref<20480x128xf32, #tpu.memory_space<hbm>> -> memref<20480x128xf32, #tpu.memory_space<hbm>>
      tpu.enqueue_indirect_dma source(%dma_start3A_282 : memref<20480x128xf32, #tpu.memory_space<hbm>>) target(%arg26 : memref<64x128xf32, #tpu.memory_space<vmem>>) offsets(%arg11 : memref<64xi32, #tpu.memory_space<vmem>>) semaphore(%arg42 : memref<!tpu.dma_semaphore, #tpu.memory_space<semaphore_mem>>)
      %dma_wait3A_283 = arith.constant 0 : i32
      %dma_wait3A_284 = arith.constant 0 : i32
      %dma_wait3A_285 = tpu.memref_slice %arg2[%dma_wait3A_283, %dma_wait3A_284] : memref<20480x128xf32, #tpu.memory_space<hbm>> -> memref<20480x128xf32, #tpu.memory_space<hbm>>
      tpu.wait_indirect_dma semaphore(%arg44 : memref<!tpu.dma_semaphore, #tpu.memory_space<semaphore_mem>>) src(%dma_wait3A_285 : memref<20480x128xf32, #tpu.memory_space<hbm>>) dst(%arg28 : memref<64x128xf32, #tpu.memory_space<vmem>>)
      %dma_start3A_286 = arith.constant 0 : i32
      %dma_start3A_287 = arith.constant 0 : i32
      %dma_start3A_288 = tpu.memref_slice %arg31[%dma_start3A_286, %dma_start3A_287] : memref<10240x128xf32, #tpu.memory_space<vmem_shared>> -> memref<10240x128xf32, #tpu.memory_space<vmem_shared>>
      tpu.enqueue_indirect_dma source(%arg28 : memref<64x128xf32, #tpu.memory_space<vmem>>) target(%dma_start3A_288 : memref<10240x128xf32, #tpu.memory_space<vmem_shared>>) offsets(%arg18 : memref<64xi32, #tpu.memory_space<vmem>>) semaphore(%arg49 : memref<!tpu.dma_semaphore, #tpu.memory_space<semaphore_mem>>) {add = true}
      %dma_wait3A_289 = arith.constant 0 : i32
      %dma_wait3A_290 = arith.constant 0 : i32
      %dma_wait3A_291 = tpu.memref_slice %arg31[%dma_wait3A_289, %dma_wait3A_290] : memref<10240x128xf32, #tpu.memory_space<vmem_shared>> -> memref<10240x128xf32, #tpu.memory_space<vmem_shared>>
      tpu.wait_indirect_dma semaphore(%arg48 : memref<!tpu.dma_semaphore, #tpu.memory_space<semaphore_mem>>) src(%arg27 : memref<64x128xf32, #tpu.memory_space<vmem>>) dst(%dma_wait3A_291 : memref<10240x128xf32, #tpu.memory_space<vmem_shared>>)
      %lt3A_292 = arith.constant 15 : i32
      %lt3A_293 = arith.cmpi slt, %add3A_210, %lt3A_292 : i32
      %convert_element_type3A_294 = arith.extui %lt3A_293 : i1 to i32
      %cond3A_295 = arith.constant 0 : i32
      %cond3A_296 = arith.cmpi ne, %convert_element_type3A_294, %cond3A_295 : i32
      scf.if %cond3A_296 {
        %mul3A_483 = arith.constant 10 : i32
        %mul3A_484 = arith.muli %mul3A_483, %add3A_210 : i32
        %add3A_485 = arith.constant 2 : i32
        %add3A_486 = arith.addi %mul3A_484, %add3A_485 : i32
        %add3A_487 = arith.constant 10 : i32
        %add3A_488 = arith.addi %add3A_486, %add3A_487 : i32
        %sub3A_489 = arith.constant 1 : i32
        %sub3A_490 = arith.subi %add3A_488, %sub3A_489 : i32
        %dma_start3A_491 = arith.constant 0 : i32
        %dma_start3A_492 = tpu.memref_slice %arg3[%add3A_5, %sub3A_490, %dma_start3A_491] : memref<32x160x64xi32, #tpu.memory_space<hbm>> -> memref<1x1x64xi32, #tpu.memory_space<hbm>>
        %dma_start3A_493 = tpu.memref_squeeze %dma_start3A_492 : memref<1x1x64xi32, #tpu.memory_space<hbm>> -> memref<64xi32, #tpu.memory_space<hbm>>
        %dma_start3A_494 = arith.constant 0 : i32
        %dma_start3A_495 = tpu.memref_slice %arg3[%add3A_5, %sub3A_490, %dma_start3A_494] : memref<32x160x64xi32, #tpu.memory_space<hbm>> -> memref<1x1x64xi32, #tpu.memory_space<hbm>>
        %dma_start3A_496 = tpu.memref_squeeze %dma_start3A_495 : memref<1x1x64xi32, #tpu.memory_space<hbm>> -> memref<64xi32, #tpu.memory_space<hbm>>
        tpu.enqueue_dma source(%dma_start3A_496 : memref<64xi32, #tpu.memory_space<hbm>>) target(%arg7 : memref<64xi32, #tpu.memory_space<vmem>>) target_semaphore(%arg33 : memref<!tpu.dma_semaphore, #tpu.memory_space<semaphore_mem>>)
        %dma_start3A_497 = arith.constant 0 : i32
        %dma_start3A_498 = tpu.memref_slice %arg4[%add3A_5, %sub3A_490, %dma_start3A_497] : memref<32x160x64xi32, #tpu.memory_space<hbm>> -> memref<1x1x64xi32, #tpu.memory_space<hbm>>
        %dma_start3A_499 = tpu.memref_squeeze %dma_start3A_498 : memref<1x1x64xi32, #tpu.memory_space<hbm>> -> memref<64xi32, #tpu.memory_space<hbm>>
        %dma_start3A_500 = arith.constant 0 : i32
        %dma_start3A_501 = tpu.memref_slice %arg4[%add3A_5, %sub3A_490, %dma_start3A_500] : memref<32x160x64xi32, #tpu.memory_space<hbm>> -> memref<1x1x64xi32, #tpu.memory_space<hbm>>
        %dma_start3A_502 = tpu.memref_squeeze %dma_start3A_501 : memref<1x1x64xi32, #tpu.memory_space<hbm>> -> memref<64xi32, #tpu.memory_space<hbm>>
        tpu.enqueue_dma source(%dma_start3A_502 : memref<64xi32, #tpu.memory_space<hbm>>) target(%arg17 : memref<64xi32, #tpu.memory_space<vmem>>) target_semaphore(%arg33 : memref<!tpu.dma_semaphore, #tpu.memory_space<semaphore_mem>>)
      } else {
      }
      %dma_wait3A_297 = arith.constant 0 : i32
      %dma_wait3A_298 = arith.constant 0 : i32
      %dma_wait3A_299 = tpu.memref_slice %arg3[%add3A_5, %dma_wait3A_297, %dma_wait3A_298] : memref<32x160x64xi32, #tpu.memory_space<hbm>> -> memref<1x1x64xi32, #tpu.memory_space<hbm>>
      %dma_wait3A_300 = tpu.memref_squeeze %dma_wait3A_299 : memref<1x1x64xi32, #tpu.memory_space<hbm>> -> memref<64xi32, #tpu.memory_space<hbm>>
      %dma_wait3A_301 = arith.constant 0 : i32
      %dma_wait3A_302 = tpu.memref_slice %arg3[%add3A_5, %dma_wait3A_297, %dma_wait3A_301] : memref<32x160x64xi32, #tpu.memory_space<hbm>> -> memref<1x1x64xi32, #tpu.memory_space<hbm>>
      %dma_wait3A_303 = tpu.memref_squeeze %dma_wait3A_302 : memref<1x1x64xi32, #tpu.memory_space<hbm>> -> memref<64xi32, #tpu.memory_space<hbm>>
      tpu.wait_dma2 semaphore(%arg38 : memref<!tpu.dma_semaphore, #tpu.memory_space<semaphore_mem>>) src(%dma_wait3A_303 : memref<64xi32, #tpu.memory_space<hbm>>) dst(%arg12 : memref<64xi32, #tpu.memory_space<vmem>>)
      %dma_wait3A_304 = arith.constant 0 : i32
      %dma_wait3A_305 = arith.constant 0 : i32
      %dma_wait3A_306 = tpu.memref_slice %arg4[%add3A_5, %dma_wait3A_304, %dma_wait3A_305] : memref<32x160x64xi32, #tpu.memory_space<hbm>> -> memref<1x1x64xi32, #tpu.memory_space<hbm>>
      %dma_wait3A_307 = tpu.memref_squeeze %dma_wait3A_306 : memref<1x1x64xi32, #tpu.memory_space<hbm>> -> memref<64xi32, #tpu.memory_space<hbm>>
      %dma_wait3A_308 = arith.constant 0 : i32
      %dma_wait3A_309 = tpu.memref_slice %arg4[%add3A_5, %dma_wait3A_304, %dma_wait3A_308] : memref<32x160x64xi32, #tpu.memory_space<hbm>> -> memref<1x1x64xi32, #tpu.memory_space<hbm>>
      %dma_wait3A_310 = tpu.memref_squeeze %dma_wait3A_309 : memref<1x1x64xi32, #tpu.memory_space<hbm>> -> memref<64xi32, #tpu.memory_space<hbm>>
      tpu.wait_dma2 semaphore(%arg38 : memref<!tpu.dma_semaphore, #tpu.memory_space<semaphore_mem>>) src(%dma_wait3A_310 : memref<64xi32, #tpu.memory_space<hbm>>) dst(%arg22 : memref<64xi32, #tpu.memory_space<vmem>>)
      %dma_start3A_311 = arith.constant 0 : i32
      %dma_start3A_312 = arith.constant 0 : i32
      %dma_start3A_313 = tpu.memref_slice %arg2[%dma_start3A_311, %dma_start3A_312] : memref<20480x128xf32, #tpu.memory_space<hbm>> -> memref<20480x128xf32, #tpu.memory_space<hbm>>
      tpu.enqueue_indirect_dma source(%dma_start3A_313 : memref<20480x128xf32, #tpu.memory_space<hbm>>) target(%arg27 : memref<64x128xf32, #tpu.memory_space<vmem>>) offsets(%arg12 : memref<64xi32, #tpu.memory_space<vmem>>) semaphore(%arg43 : memref<!tpu.dma_semaphore, #tpu.memory_space<semaphore_mem>>)
      %dma_wait3A_314 = arith.constant 0 : i32
      %dma_wait3A_315 = arith.constant 0 : i32
      %dma_wait3A_316 = tpu.memref_slice %arg2[%dma_wait3A_314, %dma_wait3A_315] : memref<20480x128xf32, #tpu.memory_space<hbm>> -> memref<20480x128xf32, #tpu.memory_space<hbm>>
      tpu.wait_indirect_dma semaphore(%arg45 : memref<!tpu.dma_semaphore, #tpu.memory_space<semaphore_mem>>) src(%dma_wait3A_316 : memref<20480x128xf32, #tpu.memory_space<hbm>>) dst(%arg29 : memref<64x128xf32, #tpu.memory_space<vmem>>)
      %dma_start3A_317 = arith.constant 0 : i32
      %dma_start3A_318 = arith.constant 0 : i32
      %dma_start3A_319 = tpu.memref_slice %arg31[%dma_start3A_317, %dma_start3A_318] : memref<10240x128xf32, #tpu.memory_space<vmem_shared>> -> memref<10240x128xf32, #tpu.memory_space<vmem_shared>>
      tpu.enqueue_indirect_dma source(%arg29 : memref<64x128xf32, #tpu.memory_space<vmem>>) target(%dma_start3A_319 : memref<10240x128xf32, #tpu.memory_space<vmem_shared>>) offsets(%arg19 : memref<64xi32, #tpu.memory_space<vmem>>) semaphore(%arg50 : memref<!tpu.dma_semaphore, #tpu.memory_space<semaphore_mem>>) {add = true}
      %dma_wait3A_320 = arith.constant 0 : i32
      %dma_wait3A_321 = arith.constant 0 : i32
      %dma_wait3A_322 = tpu.memref_slice %arg31[%dma_wait3A_320, %dma_wait3A_321] : memref<10240x128xf32, #tpu.memory_space<vmem_shared>> -> memref<10240x128xf32, #tpu.memory_space<vmem_shared>>
      tpu.wait_indirect_dma semaphore(%arg49 : memref<!tpu.dma_semaphore, #tpu.memory_space<semaphore_mem>>) src(%arg28 : memref<64x128xf32, #tpu.memory_space<vmem>>) dst(%dma_wait3A_322 : memref<10240x128xf32, #tpu.memory_space<vmem_shared>>)
      %lt3A_323 = arith.constant 15 : i32
      %lt3A_324 = arith.cmpi slt, %add3A_210, %lt3A_323 : i32
      %convert_element_type3A_325 = arith.extui %lt3A_324 : i1 to i32
      %cond3A_326 = arith.constant 0 : i32
      %cond3A_327 = arith.cmpi ne, %convert_element_type3A_325, %cond3A_326 : i32
      scf.if %cond3A_327 {
        %mul3A_483 = arith.constant 10 : i32
        %mul3A_484 = arith.muli %mul3A_483, %add3A_210 : i32
        %add3A_485 = arith.constant 3 : i32
        %add3A_486 = arith.addi %mul3A_484, %add3A_485 : i32
        %add3A_487 = arith.constant 10 : i32
        %add3A_488 = arith.addi %add3A_486, %add3A_487 : i32
        %sub3A_489 = arith.constant 1 : i32
        %sub3A_490 = arith.subi %add3A_488, %sub3A_489 : i32
        %dma_start3A_491 = arith.constant 0 : i32
        %dma_start3A_492 = tpu.memref_slice %arg3[%add3A_5, %sub3A_490, %dma_start3A_491] : memref<32x160x64xi32, #tpu.memory_space<hbm>> -> memref<1x1x64xi32, #tpu.memory_space<hbm>>
        %dma_start3A_493 = tpu.memref_squeeze %dma_start3A_492 : memref<1x1x64xi32, #tpu.memory_space<hbm>> -> memref<64xi32, #tpu.memory_space<hbm>>
        %dma_start3A_494 = arith.constant 0 : i32
        %dma_start3A_495 = tpu.memref_slice %arg3[%add3A_5, %sub3A_490, %dma_start3A_494] : memref<32x160x64xi32, #tpu.memory_space<hbm>> -> memref<1x1x64xi32, #tpu.memory_space<hbm>>
        %dma_start3A_496 = tpu.memref_squeeze %dma_start3A_495 : memref<1x1x64xi32, #tpu.memory_space<hbm>> -> memref<64xi32, #tpu.memory_space<hbm>>
        tpu.enqueue_dma source(%dma_start3A_496 : memref<64xi32, #tpu.memory_space<hbm>>) target(%arg8 : memref<64xi32, #tpu.memory_space<vmem>>) target_semaphore(%arg34 : memref<!tpu.dma_semaphore, #tpu.memory_space<semaphore_mem>>)
        %dma_start3A_497 = arith.constant 0 : i32
        %dma_start3A_498 = tpu.memref_slice %arg4[%add3A_5, %sub3A_490, %dma_start3A_497] : memref<32x160x64xi32, #tpu.memory_space<hbm>> -> memref<1x1x64xi32, #tpu.memory_space<hbm>>
        %dma_start3A_499 = tpu.memref_squeeze %dma_start3A_498 : memref<1x1x64xi32, #tpu.memory_space<hbm>> -> memref<64xi32, #tpu.memory_space<hbm>>
        %dma_start3A_500 = arith.constant 0 : i32
        %dma_start3A_501 = tpu.memref_slice %arg4[%add3A_5, %sub3A_490, %dma_start3A_500] : memref<32x160x64xi32, #tpu.memory_space<hbm>> -> memref<1x1x64xi32, #tpu.memory_space<hbm>>
        %dma_start3A_502 = tpu.memref_squeeze %dma_start3A_501 : memref<1x1x64xi32, #tpu.memory_space<hbm>> -> memref<64xi32, #tpu.memory_space<hbm>>
        tpu.enqueue_dma source(%dma_start3A_502 : memref<64xi32, #tpu.memory_space<hbm>>) target(%arg18 : memref<64xi32, #tpu.memory_space<vmem>>) target_semaphore(%arg34 : memref<!tpu.dma_semaphore, #tpu.memory_space<semaphore_mem>>)
      } else {
      }
      %dma_wait3A_328 = arith.constant 0 : i32
      %dma_wait3A_329 = arith.constant 0 : i32
      %dma_wait3A_330 = tpu.memref_slice %arg3[%add3A_5, %dma_wait3A_328, %dma_wait3A_329] : memref<32x160x64xi32, #tpu.memory_space<hbm>> -> memref<1x1x64xi32, #tpu.memory_space<hbm>>
      %dma_wait3A_331 = tpu.memref_squeeze %dma_wait3A_330 : memref<1x1x64xi32, #tpu.memory_space<hbm>> -> memref<64xi32, #tpu.memory_space<hbm>>
      %dma_wait3A_332 = arith.constant 0 : i32
      %dma_wait3A_333 = tpu.memref_slice %arg3[%add3A_5, %dma_wait3A_328, %dma_wait3A_332] : memref<32x160x64xi32, #tpu.memory_space<hbm>> -> memref<1x1x64xi32, #tpu.memory_space<hbm>>
      %dma_wait3A_334 = tpu.memref_squeeze %dma_wait3A_333 : memref<1x1x64xi32, #tpu.memory_space<hbm>> -> memref<64xi32, #tpu.memory_space<hbm>>
      tpu.wait_dma2 semaphore(%arg39 : memref<!tpu.dma_semaphore, #tpu.memory_space<semaphore_mem>>) src(%dma_wait3A_334 : memref<64xi32, #tpu.memory_space<hbm>>) dst(%arg13 : memref<64xi32, #tpu.memory_space<vmem>>)
      %dma_wait3A_335 = arith.constant 0 : i32
      %dma_wait3A_336 = arith.constant 0 : i32
      %dma_wait3A_337 = tpu.memref_slice %arg4[%add3A_5, %dma_wait3A_335, %dma_wait3A_336] : memref<32x160x64xi32, #tpu.memory_space<hbm>> -> memref<1x1x64xi32, #tpu.memory_space<hbm>>
      %dma_wait3A_338 = tpu.memref_squeeze %dma_wait3A_337 : memref<1x1x64xi32, #tpu.memory_space<hbm>> -> memref<64xi32, #tpu.memory_space<hbm>>
      %dma_wait3A_339 = arith.constant 0 : i32
      %dma_wait3A_340 = tpu.memref_slice %arg4[%add3A_5, %dma_wait3A_335, %dma_wait3A_339] : memref<32x160x64xi32, #tpu.memory_space<hbm>> -> memref<1x1x64xi32, #tpu.memory_space<hbm>>
      %dma_wait3A_341 = tpu.memref_squeeze %dma_wait3A_340 : memref<1x1x64xi32, #tpu.memory_space<hbm>> -> memref<64xi32, #tpu.memory_space<hbm>>
      tpu.wait_dma2 semaphore(%arg39 : memref<!tpu.dma_semaphore, #tpu.memory_space<semaphore_mem>>) src(%dma_wait3A_341 : memref<64xi32, #tpu.memory_space<hbm>>) dst(%arg23 : memref<64xi32, #tpu.memory_space<vmem>>)
      %dma_start3A_342 = arith.constant 0 : i32
      %dma_start3A_343 = arith.constant 0 : i32
      %dma_start3A_344 = tpu.memref_slice %arg2[%dma_start3A_342, %dma_start3A_343] : memref<20480x128xf32, #tpu.memory_space<hbm>> -> memref<20480x128xf32, #tpu.memory_space<hbm>>
      tpu.enqueue_indirect_dma source(%dma_start3A_344 : memref<20480x128xf32, #tpu.memory_space<hbm>>) target(%arg28 : memref<64x128xf32, #tpu.memory_space<vmem>>) offsets(%arg13 : memref<64xi32, #tpu.memory_space<vmem>>) semaphore(%arg44 : memref<!tpu.dma_semaphore, #tpu.memory_space<semaphore_mem>>)
      %dma_wait3A_345 = arith.constant 0 : i32
      %dma_wait3A_346 = arith.constant 0 : i32
      %dma_wait3A_347 = tpu.memref_slice %arg2[%dma_wait3A_345, %dma_wait3A_346] : memref<20480x128xf32, #tpu.memory_space<hbm>> -> memref<20480x128xf32, #tpu.memory_space<hbm>>
      tpu.wait_indirect_dma semaphore(%arg46 : memref<!tpu.dma_semaphore, #tpu.memory_space<semaphore_mem>>) src(%dma_wait3A_347 : memref<20480x128xf32, #tpu.memory_space<hbm>>) dst(%arg30 : memref<64x128xf32, #tpu.memory_space<vmem>>)
      %dma_start3A_348 = arith.constant 0 : i32
      %dma_start3A_349 = arith.constant 0 : i32
      %dma_start3A_350 = tpu.memref_slice %arg31[%dma_start3A_348, %dma_start3A_349] : memref<10240x128xf32, #tpu.memory_space<vmem_shared>> -> memref<10240x128xf32, #tpu.memory_space<vmem_shared>>
      tpu.enqueue_indirect_dma source(%arg30 : memref<64x128xf32, #tpu.memory_space<vmem>>) target(%dma_start3A_350 : memref<10240x128xf32, #tpu.memory_space<vmem_shared>>) offsets(%arg20 : memref<64xi32, #tpu.memory_space<vmem>>) semaphore(%arg51 : memref<!tpu.dma_semaphore, #tpu.memory_space<semaphore_mem>>) {add = true}
      %dma_wait3A_351 = arith.constant 0 : i32
      %dma_wait3A_352 = arith.constant 0 : i32
      %dma_wait3A_353 = tpu.memref_slice %arg31[%dma_wait3A_351, %dma_wait3A_352] : memref<10240x128xf32, #tpu.memory_space<vmem_shared>> -> memref<10240x128xf32, #tpu.memory_space<vmem_shared>>
      tpu.wait_indirect_dma semaphore(%arg50 : memref<!tpu.dma_semaphore, #tpu.memory_space<semaphore_mem>>) src(%arg29 : memref<64x128xf32, #tpu.memory_space<vmem>>) dst(%dma_wait3A_353 : memref<10240x128xf32, #tpu.memory_space<vmem_shared>>)
      %lt3A_354 = arith.constant 15 : i32
      %lt3A_355 = arith.cmpi slt, %add3A_210, %lt3A_354 : i32
      %convert_element_type3A_356 = arith.extui %lt3A_355 : i1 to i32
      %cond3A_357 = arith.constant 0 : i32
      %cond3A_358 = arith.cmpi ne, %convert_element_type3A_356, %cond3A_357 : i32
      scf.if %cond3A_358 {
        %mul3A_483 = arith.constant 10 : i32
        %mul3A_484 = arith.muli %mul3A_483, %add3A_210 : i32
        %add3A_485 = arith.constant 4 : i32
        %add3A_486 = arith.addi %mul3A_484, %add3A_485 : i32
        %add3A_487 = arith.constant 10 : i32
        %add3A_488 = arith.addi %add3A_486, %add3A_487 : i32
        %sub3A_489 = arith.constant 1 : i32
        %sub3A_490 = arith.subi %add3A_488, %sub3A_489 : i32
        %dma_start3A_491 = arith.constant 0 : i32
        %dma_start3A_492 = tpu.memref_slice %arg3[%add3A_5, %sub3A_490, %dma_start3A_491] : memref<32x160x64xi32, #tpu.memory_space<hbm>> -> memref<1x1x64xi32, #tpu.memory_space<hbm>>
        %dma_start3A_493 = tpu.memref_squeeze %dma_start3A_492 : memref<1x1x64xi32, #tpu.memory_space<hbm>> -> memref<64xi32, #tpu.memory_space<hbm>>
        %dma_start3A_494 = arith.constant 0 : i32
        %dma_start3A_495 = tpu.memref_slice %arg3[%add3A_5, %sub3A_490, %dma_start3A_494] : memref<32x160x64xi32, #tpu.memory_space<hbm>> -> memref<1x1x64xi32, #tpu.memory_space<hbm>>
        %dma_start3A_496 = tpu.memref_squeeze %dma_start3A_495 : memref<1x1x64xi32, #tpu.memory_space<hbm>> -> memref<64xi32, #tpu.memory_space<hbm>>
        tpu.enqueue_dma source(%dma_start3A_496 : memref<64xi32, #tpu.memory_space<hbm>>) target(%arg9 : memref<64xi32, #tpu.memory_space<vmem>>) target_semaphore(%arg35 : memref<!tpu.dma_semaphore, #tpu.memory_space<semaphore_mem>>)
        %dma_start3A_497 = arith.constant 0 : i32
        %dma_start3A_498 = tpu.memref_slice %arg4[%add3A_5, %sub3A_490, %dma_start3A_497] : memref<32x160x64xi32, #tpu.memory_space<hbm>> -> memref<1x1x64xi32, #tpu.memory_space<hbm>>
        %dma_start3A_499 = tpu.memref_squeeze %dma_start3A_498 : memref<1x1x64xi32, #tpu.memory_space<hbm>> -> memref<64xi32, #tpu.memory_space<hbm>>
        %dma_start3A_500 = arith.constant 0 : i32
        %dma_start3A_501 = tpu.memref_slice %arg4[%add3A_5, %sub3A_490, %dma_start3A_500] : memref<32x160x64xi32, #tpu.memory_space<hbm>> -> memref<1x1x64xi32, #tpu.memory_space<hbm>>
        %dma_start3A_502 = tpu.memref_squeeze %dma_start3A_501 : memref<1x1x64xi32, #tpu.memory_space<hbm>> -> memref<64xi32, #tpu.memory_space<hbm>>
        tpu.enqueue_dma source(%dma_start3A_502 : memref<64xi32, #tpu.memory_space<hbm>>) target(%arg19 : memref<64xi32, #tpu.memory_space<vmem>>) target_semaphore(%arg35 : memref<!tpu.dma_semaphore, #tpu.memory_space<semaphore_mem>>)
      } else {
      }
      %dma_wait3A_359 = arith.constant 0 : i32
      %dma_wait3A_360 = arith.constant 0 : i32
      %dma_wait3A_361 = tpu.memref_slice %arg3[%add3A_5, %dma_wait3A_359, %dma_wait3A_360] : memref<32x160x64xi32, #tpu.memory_space<hbm>> -> memref<1x1x64xi32, #tpu.memory_space<hbm>>
      %dma_wait3A_362 = tpu.memref_squeeze %dma_wait3A_361 : memref<1x1x64xi32, #tpu.memory_space<hbm>> -> memref<64xi32, #tpu.memory_space<hbm>>
      %dma_wait3A_363 = arith.constant 0 : i32
      %dma_wait3A_364 = tpu.memref_slice %arg3[%add3A_5, %dma_wait3A_359, %dma_wait3A_363] : memref<32x160x64xi32, #tpu.memory_space<hbm>> -> memref<1x1x64xi32, #tpu.memory_space<hbm>>
      %dma_wait3A_365 = tpu.memref_squeeze %dma_wait3A_364 : memref<1x1x64xi32, #tpu.memory_space<hbm>> -> memref<64xi32, #tpu.memory_space<hbm>>
      tpu.wait_dma2 semaphore(%arg40 : memref<!tpu.dma_semaphore, #tpu.memory_space<semaphore_mem>>) src(%dma_wait3A_365 : memref<64xi32, #tpu.memory_space<hbm>>) dst(%arg14 : memref<64xi32, #tpu.memory_space<vmem>>)
      %dma_wait3A_366 = arith.constant 0 : i32
      %dma_wait3A_367 = arith.constant 0 : i32
      %dma_wait3A_368 = tpu.memref_slice %arg4[%add3A_5, %dma_wait3A_366, %dma_wait3A_367] : memref<32x160x64xi32, #tpu.memory_space<hbm>> -> memref<1x1x64xi32, #tpu.memory_space<hbm>>
      %dma_wait3A_369 = tpu.memref_squeeze %dma_wait3A_368 : memref<1x1x64xi32, #tpu.memory_space<hbm>> -> memref<64xi32, #tpu.memory_space<hbm>>
      %dma_wait3A_370 = arith.constant 0 : i32
      %dma_wait3A_371 = tpu.memref_slice %arg4[%add3A_5, %dma_wait3A_366, %dma_wait3A_370] : memref<32x160x64xi32, #tpu.memory_space<hbm>> -> memref<1x1x64xi32, #tpu.memory_space<hbm>>
      %dma_wait3A_372 = tpu.memref_squeeze %dma_wait3A_371 : memref<1x1x64xi32, #tpu.memory_space<hbm>> -> memref<64xi32, #tpu.memory_space<hbm>>
      tpu.wait_dma2 semaphore(%arg40 : memref<!tpu.dma_semaphore, #tpu.memory_space<semaphore_mem>>) src(%dma_wait3A_372 : memref<64xi32, #tpu.memory_space<hbm>>) dst(%arg24 : memref<64xi32, #tpu.memory_space<vmem>>)
      %dma_start3A_373 = arith.constant 0 : i32
      %dma_start3A_374 = arith.constant 0 : i32
      %dma_start3A_375 = tpu.memref_slice %arg2[%dma_start3A_373, %dma_start3A_374] : memref<20480x128xf32, #tpu.memory_space<hbm>> -> memref<20480x128xf32, #tpu.memory_space<hbm>>
      tpu.enqueue_indirect_dma source(%dma_start3A_375 : memref<20480x128xf32, #tpu.memory_space<hbm>>) target(%arg29 : memref<64x128xf32, #tpu.memory_space<vmem>>) offsets(%arg14 : memref<64xi32, #tpu.memory_space<vmem>>) semaphore(%arg45 : memref<!tpu.dma_semaphore, #tpu.memory_space<semaphore_mem>>)
      %dma_wait3A_376 = arith.constant 0 : i32
      %dma_wait3A_377 = arith.constant 0 : i32
      %dma_wait3A_378 = tpu.memref_slice %arg2[%dma_wait3A_376, %dma_wait3A_377] : memref<20480x128xf32, #tpu.memory_space<hbm>> -> memref<20480x128xf32, #tpu.memory_space<hbm>>
      tpu.wait_indirect_dma semaphore(%arg42 : memref<!tpu.dma_semaphore, #tpu.memory_space<semaphore_mem>>) src(%dma_wait3A_378 : memref<20480x128xf32, #tpu.memory_space<hbm>>) dst(%arg26 : memref<64x128xf32, #tpu.memory_space<vmem>>)
      %dma_start3A_379 = arith.constant 0 : i32
      %dma_start3A_380 = arith.constant 0 : i32
      %dma_start3A_381 = tpu.memref_slice %arg31[%dma_start3A_379, %dma_start3A_380] : memref<10240x128xf32, #tpu.memory_space<vmem_shared>> -> memref<10240x128xf32, #tpu.memory_space<vmem_shared>>
      tpu.enqueue_indirect_dma source(%arg26 : memref<64x128xf32, #tpu.memory_space<vmem>>) target(%dma_start3A_381 : memref<10240x128xf32, #tpu.memory_space<vmem_shared>>) offsets(%arg21 : memref<64xi32, #tpu.memory_space<vmem>>) semaphore(%arg47 : memref<!tpu.dma_semaphore, #tpu.memory_space<semaphore_mem>>) {add = true}
      %dma_wait3A_382 = arith.constant 0 : i32
      %dma_wait3A_383 = arith.constant 0 : i32
      %dma_wait3A_384 = tpu.memref_slice %arg31[%dma_wait3A_382, %dma_wait3A_383] : memref<10240x128xf32, #tpu.memory_space<vmem_shared>> -> memref<10240x128xf32, #tpu.memory_space<vmem_shared>>
      tpu.wait_indirect_dma semaphore(%arg51 : memref<!tpu.dma_semaphore, #tpu.memory_space<semaphore_mem>>) src(%arg30 : memref<64x128xf32, #tpu.memory_space<vmem>>) dst(%dma_wait3A_384 : memref<10240x128xf32, #tpu.memory_space<vmem_shared>>)
      %lt3A_385 = arith.constant 15 : i32
      %lt3A_386 = arith.cmpi slt, %add3A_210, %lt3A_385 : i32
      %convert_element_type3A_387 = arith.extui %lt3A_386 : i1 to i32
      %cond3A_388 = arith.constant 0 : i32
      %cond3A_389 = arith.cmpi ne, %convert_element_type3A_387, %cond3A_388 : i32
      scf.if %cond3A_389 {
        %mul3A_483 = arith.constant 10 : i32
        %mul3A_484 = arith.muli %mul3A_483, %add3A_210 : i32
        %add3A_485 = arith.constant 5 : i32
        %add3A_486 = arith.addi %mul3A_484, %add3A_485 : i32
        %add3A_487 = arith.constant 10 : i32
        %add3A_488 = arith.addi %add3A_486, %add3A_487 : i32
        %sub3A_489 = arith.constant 1 : i32
        %sub3A_490 = arith.subi %add3A_488, %sub3A_489 : i32
        %dma_start3A_491 = arith.constant 0 : i32
        %dma_start3A_492 = tpu.memref_slice %arg3[%add3A_5, %sub3A_490, %dma_start3A_491] : memref<32x160x64xi32, #tpu.memory_space<hbm>> -> memref<1x1x64xi32, #tpu.memory_space<hbm>>
        %dma_start3A_493 = tpu.memref_squeeze %dma_start3A_492 : memref<1x1x64xi32, #tpu.memory_space<hbm>> -> memref<64xi32, #tpu.memory_space<hbm>>
        %dma_start3A_494 = arith.constant 0 : i32
        %dma_start3A_495 = tpu.memref_slice %arg3[%add3A_5, %sub3A_490, %dma_start3A_494] : memref<32x160x64xi32, #tpu.memory_space<hbm>> -> memref<1x1x64xi32, #tpu.memory_space<hbm>>
        %dma_start3A_496 = tpu.memref_squeeze %dma_start3A_495 : memref<1x1x64xi32, #tpu.memory_space<hbm>> -> memref<64xi32, #tpu.memory_space<hbm>>
        tpu.enqueue_dma source(%dma_start3A_496 : memref<64xi32, #tpu.memory_space<hbm>>) target(%arg10 : memref<64xi32, #tpu.memory_space<vmem>>) target_semaphore(%arg36 : memref<!tpu.dma_semaphore, #tpu.memory_space<semaphore_mem>>)
        %dma_start3A_497 = arith.constant 0 : i32
        %dma_start3A_498 = tpu.memref_slice %arg4[%add3A_5, %sub3A_490, %dma_start3A_497] : memref<32x160x64xi32, #tpu.memory_space<hbm>> -> memref<1x1x64xi32, #tpu.memory_space<hbm>>
        %dma_start3A_499 = tpu.memref_squeeze %dma_start3A_498 : memref<1x1x64xi32, #tpu.memory_space<hbm>> -> memref<64xi32, #tpu.memory_space<hbm>>
        %dma_start3A_500 = arith.constant 0 : i32
        %dma_start3A_501 = tpu.memref_slice %arg4[%add3A_5, %sub3A_490, %dma_start3A_500] : memref<32x160x64xi32, #tpu.memory_space<hbm>> -> memref<1x1x64xi32, #tpu.memory_space<hbm>>
        %dma_start3A_502 = tpu.memref_squeeze %dma_start3A_501 : memref<1x1x64xi32, #tpu.memory_space<hbm>> -> memref<64xi32, #tpu.memory_space<hbm>>
        tpu.enqueue_dma source(%dma_start3A_502 : memref<64xi32, #tpu.memory_space<hbm>>) target(%arg20 : memref<64xi32, #tpu.memory_space<vmem>>) target_semaphore(%arg36 : memref<!tpu.dma_semaphore, #tpu.memory_space<semaphore_mem>>)
      } else {
      }
      %dma_wait3A_390 = arith.constant 0 : i32
      %dma_wait3A_391 = arith.constant 0 : i32
      %dma_wait3A_392 = tpu.memref_slice %arg3[%add3A_5, %dma_wait3A_390, %dma_wait3A_391] : memref<32x160x64xi32, #tpu.memory_space<hbm>> -> memref<1x1x64xi32, #tpu.memory_space<hbm>>
      %dma_wait3A_393 = tpu.memref_squeeze %dma_wait3A_392 : memref<1x1x64xi32, #tpu.memory_space<hbm>> -> memref<64xi32, #tpu.memory_space<hbm>>
      %dma_wait3A_394 = arith.constant 0 : i32
      %dma_wait3A_395 = tpu.memref_slice %arg3[%add3A_5, %dma_wait3A_390, %dma_wait3A_394] : memref<32x160x64xi32, #tpu.memory_space<hbm>> -> memref<1x1x64xi32, #tpu.memory_space<hbm>>
      %dma_wait3A_396 = tpu.memref_squeeze %dma_wait3A_395 : memref<1x1x64xi32, #tpu.memory_space<hbm>> -> memref<64xi32, #tpu.memory_space<hbm>>
      tpu.wait_dma2 semaphore(%arg41 : memref<!tpu.dma_semaphore, #tpu.memory_space<semaphore_mem>>) src(%dma_wait3A_396 : memref<64xi32, #tpu.memory_space<hbm>>) dst(%arg15 : memref<64xi32, #tpu.memory_space<vmem>>)
      %dma_wait3A_397 = arith.constant 0 : i32
      %dma_wait3A_398 = arith.constant 0 : i32
      %dma_wait3A_399 = tpu.memref_slice %arg4[%add3A_5, %dma_wait3A_397, %dma_wait3A_398] : memref<32x160x64xi32, #tpu.memory_space<hbm>> -> memref<1x1x64xi32, #tpu.memory_space<hbm>>
      %dma_wait3A_400 = tpu.memref_squeeze %dma_wait3A_399 : memref<1x1x64xi32, #tpu.memory_space<hbm>> -> memref<64xi32, #tpu.memory_space<hbm>>
      %dma_wait3A_401 = arith.constant 0 : i32
      %dma_wait3A_402 = tpu.memref_slice %arg4[%add3A_5, %dma_wait3A_397, %dma_wait3A_401] : memref<32x160x64xi32, #tpu.memory_space<hbm>> -> memref<1x1x64xi32, #tpu.memory_space<hbm>>
      %dma_wait3A_403 = tpu.memref_squeeze %dma_wait3A_402 : memref<1x1x64xi32, #tpu.memory_space<hbm>> -> memref<64xi32, #tpu.memory_space<hbm>>
      tpu.wait_dma2 semaphore(%arg41 : memref<!tpu.dma_semaphore, #tpu.memory_space<semaphore_mem>>) src(%dma_wait3A_403 : memref<64xi32, #tpu.memory_space<hbm>>) dst(%arg25 : memref<64xi32, #tpu.memory_space<vmem>>)
      %dma_start3A_404 = arith.constant 0 : i32
      %dma_start3A_405 = arith.constant 0 : i32
      %dma_start3A_406 = tpu.memref_slice %arg2[%dma_start3A_404, %dma_start3A_405] : memref<20480x128xf32, #tpu.memory_space<hbm>> -> memref<20480x128xf32, #tpu.memory_space<hbm>>
      tpu.enqueue_indirect_dma source(%dma_start3A_406 : memref<20480x128xf32, #tpu.memory_space<hbm>>) target(%arg30 : memref<64x128xf32, #tpu.memory_space<vmem>>) offsets(%arg15 : memref<64xi32, #tpu.memory_space<vmem>>) semaphore(%arg46 : memref<!tpu.dma_semaphore, #tpu.memory_space<semaphore_mem>>)
      %dma_wait3A_407 = arith.constant 0 : i32
      %dma_wait3A_408 = arith.constant 0 : i32
      %dma_wait3A_409 = tpu.memref_slice %arg2[%dma_wait3A_407, %dma_wait3A_408] : memref<20480x128xf32, #tpu.memory_space<hbm>> -> memref<20480x128xf32, #tpu.memory_space<hbm>>
      tpu.wait_indirect_dma semaphore(%arg43 : memref<!tpu.dma_semaphore, #tpu.memory_space<semaphore_mem>>) src(%dma_wait3A_409 : memref<20480x128xf32, #tpu.memory_space<hbm>>) dst(%arg27 : memref<64x128xf32, #tpu.memory_space<vmem>>)
      %dma_start3A_410 = arith.constant 0 : i32
      %dma_start3A_411 = arith.constant 0 : i32
      %dma_start3A_412 = tpu.memref_slice %arg31[%dma_start3A_410, %dma_start3A_411] : memref<10240x128xf32, #tpu.memory_space<vmem_shared>> -> memref<10240x128xf32, #tpu.memory_space<vmem_shared>>
      tpu.enqueue_indirect_dma source(%arg27 : memref<64x128xf32, #tpu.memory_space<vmem>>) target(%dma_start3A_412 : memref<10240x128xf32, #tpu.memory_space<vmem_shared>>) offsets(%arg22 : memref<64xi32, #tpu.memory_space<vmem>>) semaphore(%arg48 : memref<!tpu.dma_semaphore, #tpu.memory_space<semaphore_mem>>) {add = true}
      %dma_wait3A_413 = arith.constant 0 : i32
      %dma_wait3A_414 = arith.constant 0 : i32
      %dma_wait3A_415 = tpu.memref_slice %arg31[%dma_wait3A_413, %dma_wait3A_414] : memref<10240x128xf32, #tpu.memory_space<vmem_shared>> -> memref<10240x128xf32, #tpu.memory_space<vmem_shared>>
      tpu.wait_indirect_dma semaphore(%arg47 : memref<!tpu.dma_semaphore, #tpu.memory_space<semaphore_mem>>) src(%arg26 : memref<64x128xf32, #tpu.memory_space<vmem>>) dst(%dma_wait3A_415 : memref<10240x128xf32, #tpu.memory_space<vmem_shared>>)
      %lt3A_416 = arith.constant 15 : i32
      %lt3A_417 = arith.cmpi slt, %add3A_210, %lt3A_416 : i32
      %convert_element_type3A_418 = arith.extui %lt3A_417 : i1 to i32
      %cond3A_419 = arith.constant 0 : i32
      %cond3A_420 = arith.cmpi ne, %convert_element_type3A_418, %cond3A_419 : i32
      scf.if %cond3A_420 {
        %mul3A_483 = arith.constant 10 : i32
        %mul3A_484 = arith.muli %mul3A_483, %add3A_210 : i32
        %add3A_485 = arith.constant 6 : i32
        %add3A_486 = arith.addi %mul3A_484, %add3A_485 : i32
        %add3A_487 = arith.constant 10 : i32
        %add3A_488 = arith.addi %add3A_486, %add3A_487 : i32
        %sub3A_489 = arith.constant 1 : i32
        %sub3A_490 = arith.subi %add3A_488, %sub3A_489 : i32
        %dma_start3A_491 = arith.constant 0 : i32
        %dma_start3A_492 = tpu.memref_slice %arg3[%add3A_5, %sub3A_490, %dma_start3A_491] : memref<32x160x64xi32, #tpu.memory_space<hbm>> -> memref<1x1x64xi32, #tpu.memory_space<hbm>>
        %dma_start3A_493 = tpu.memref_squeeze %dma_start3A_492 : memref<1x1x64xi32, #tpu.memory_space<hbm>> -> memref<64xi32, #tpu.memory_space<hbm>>
        %dma_start3A_494 = arith.constant 0 : i32
        %dma_start3A_495 = tpu.memref_slice %arg3[%add3A_5, %sub3A_490, %dma_start3A_494] : memref<32x160x64xi32, #tpu.memory_space<hbm>> -> memref<1x1x64xi32, #tpu.memory_space<hbm>>
        %dma_start3A_496 = tpu.memref_squeeze %dma_start3A_495 : memref<1x1x64xi32, #tpu.memory_space<hbm>> -> memref<64xi32, #tpu.memory_space<hbm>>
        tpu.enqueue_dma source(%dma_start3A_496 : memref<64xi32, #tpu.memory_space<hbm>>) target(%arg11 : memref<64xi32, #tpu.memory_space<vmem>>) target_semaphore(%arg37 : memref<!tpu.dma_semaphore, #tpu.memory_space<semaphore_mem>>)
        %dma_start3A_497 = arith.constant 0 : i32
        %dma_start3A_498 = tpu.memref_slice %arg4[%add3A_5, %sub3A_490, %dma_start3A_497] : memref<32x160x64xi32, #tpu.memory_space<hbm>> -> memref<1x1x64xi32, #tpu.memory_space<hbm>>
        %dma_start3A_499 = tpu.memref_squeeze %dma_start3A_498 : memref<1x1x64xi32, #tpu.memory_space<hbm>> -> memref<64xi32, #tpu.memory_space<hbm>>
        %dma_start3A_500 = arith.constant 0 : i32
        %dma_start3A_501 = tpu.memref_slice %arg4[%add3A_5, %sub3A_490, %dma_start3A_500] : memref<32x160x64xi32, #tpu.memory_space<hbm>> -> memref<1x1x64xi32, #tpu.memory_space<hbm>>
        %dma_start3A_502 = tpu.memref_squeeze %dma_start3A_501 : memref<1x1x64xi32, #tpu.memory_space<hbm>> -> memref<64xi32, #tpu.memory_space<hbm>>
        tpu.enqueue_dma source(%dma_start3A_502 : memref<64xi32, #tpu.memory_space<hbm>>) target(%arg21 : memref<64xi32, #tpu.memory_space<vmem>>) target_semaphore(%arg37 : memref<!tpu.dma_semaphore, #tpu.memory_space<semaphore_mem>>)
      } else {
      }
      %lt3A_421 = arith.constant 15 : i32
      %lt3A_422 = arith.cmpi slt, %add3A_210, %lt3A_421 : i32
      %convert_element_type3A_423 = arith.extui %lt3A_422 : i1 to i32
      %cond3A_424 = arith.constant 0 : i32
      %cond3A_425 = arith.cmpi ne, %convert_element_type3A_423, %cond3A_424 : i32
      scf.if %cond3A_425 {
        %dma_wait3A_483 = arith.constant 0 : i32
        %dma_wait3A_484 = arith.constant 0 : i32
        %dma_wait3A_485 = tpu.memref_slice %arg3[%add3A_5, %dma_wait3A_483, %dma_wait3A_484] : memref<32x160x64xi32, #tpu.memory_space<hbm>> -> memref<1x1x64xi32, #tpu.memory_space<hbm>>
        %dma_wait3A_486 = tpu.memref_squeeze %dma_wait3A_485 : memref<1x1x64xi32, #tpu.memory_space<hbm>> -> memref<64xi32, #tpu.memory_space<hbm>>
        %dma_wait3A_487 = arith.constant 0 : i32
        %dma_wait3A_488 = tpu.memref_slice %arg3[%add3A_5, %dma_wait3A_483, %dma_wait3A_487] : memref<32x160x64xi32, #tpu.memory_space<hbm>> -> memref<1x1x64xi32, #tpu.memory_space<hbm>>
        %dma_wait3A_489 = tpu.memref_squeeze %dma_wait3A_488 : memref<1x1x64xi32, #tpu.memory_space<hbm>> -> memref<64xi32, #tpu.memory_space<hbm>>
        tpu.wait_dma2 semaphore(%arg32 : memref<!tpu.dma_semaphore, #tpu.memory_space<semaphore_mem>>) src(%dma_wait3A_489 : memref<64xi32, #tpu.memory_space<hbm>>) dst(%arg6 : memref<64xi32, #tpu.memory_space<vmem>>)
        %dma_wait3A_490 = arith.constant 0 : i32
        %dma_wait3A_491 = arith.constant 0 : i32
        %dma_wait3A_492 = tpu.memref_slice %arg4[%add3A_5, %dma_wait3A_490, %dma_wait3A_491] : memref<32x160x64xi32, #tpu.memory_space<hbm>> -> memref<1x1x64xi32, #tpu.memory_space<hbm>>
        %dma_wait3A_493 = tpu.memref_squeeze %dma_wait3A_492 : memref<1x1x64xi32, #tpu.memory_space<hbm>> -> memref<64xi32, #tpu.memory_space<hbm>>
        %dma_wait3A_494 = arith.constant 0 : i32
        %dma_wait3A_495 = tpu.memref_slice %arg4[%add3A_5, %dma_wait3A_490, %dma_wait3A_494] : memref<32x160x64xi32, #tpu.memory_space<hbm>> -> memref<1x1x64xi32, #tpu.memory_space<hbm>>
        %dma_wait3A_496 = tpu.memref_squeeze %dma_wait3A_495 : memref<1x1x64xi32, #tpu.memory_space<hbm>> -> memref<64xi32, #tpu.memory_space<hbm>>
        tpu.wait_dma2 semaphore(%arg32 : memref<!tpu.dma_semaphore, #tpu.memory_space<semaphore_mem>>) src(%dma_wait3A_496 : memref<64xi32, #tpu.memory_space<hbm>>) dst(%arg16 : memref<64xi32, #tpu.memory_space<vmem>>)
        %dma_start3A_497 = arith.constant 0 : i32
        %dma_start3A_498 = arith.constant 0 : i32
        %dma_start3A_499 = tpu.memref_slice %arg2[%dma_start3A_497, %dma_start3A_498] : memref<20480x128xf32, #tpu.memory_space<hbm>> -> memref<20480x128xf32, #tpu.memory_space<hbm>>
        tpu.enqueue_indirect_dma source(%dma_start3A_499 : memref<20480x128xf32, #tpu.memory_space<hbm>>) target(%arg26 : memref<64x128xf32, #tpu.memory_space<vmem>>) offsets(%arg6 : memref<64xi32, #tpu.memory_space<vmem>>) semaphore(%arg42 : memref<!tpu.dma_semaphore, #tpu.memory_space<semaphore_mem>>)
      } else {
      }
      %dma_wait3A_426 = arith.constant 0 : i32
      %dma_wait3A_427 = arith.constant 0 : i32
      %dma_wait3A_428 = tpu.memref_slice %arg2[%dma_wait3A_426, %dma_wait3A_427] : memref<20480x128xf32, #tpu.memory_space<hbm>> -> memref<20480x128xf32, #tpu.memory_space<hbm>>
      tpu.wait_indirect_dma semaphore(%arg44 : memref<!tpu.dma_semaphore, #tpu.memory_space<semaphore_mem>>) src(%dma_wait3A_428 : memref<20480x128xf32, #tpu.memory_space<hbm>>) dst(%arg28 : memref<64x128xf32, #tpu.memory_space<vmem>>)
      %dma_start3A_429 = arith.constant 0 : i32
      %dma_start3A_430 = arith.constant 0 : i32
      %dma_start3A_431 = tpu.memref_slice %arg31[%dma_start3A_429, %dma_start3A_430] : memref<10240x128xf32, #tpu.memory_space<vmem_shared>> -> memref<10240x128xf32, #tpu.memory_space<vmem_shared>>
      tpu.enqueue_indirect_dma source(%arg28 : memref<64x128xf32, #tpu.memory_space<vmem>>) target(%dma_start3A_431 : memref<10240x128xf32, #tpu.memory_space<vmem_shared>>) offsets(%arg23 : memref<64xi32, #tpu.memory_space<vmem>>) semaphore(%arg49 : memref<!tpu.dma_semaphore, #tpu.memory_space<semaphore_mem>>) {add = true}
      %dma_wait3A_432 = arith.constant 0 : i32
      %dma_wait3A_433 = arith.constant 0 : i32
      %dma_wait3A_434 = tpu.memref_slice %arg31[%dma_wait3A_432, %dma_wait3A_433] : memref<10240x128xf32, #tpu.memory_space<vmem_shared>> -> memref<10240x128xf32, #tpu.memory_space<vmem_shared>>
      tpu.wait_indirect_dma semaphore(%arg48 : memref<!tpu.dma_semaphore, #tpu.memory_space<semaphore_mem>>) src(%arg27 : memref<64x128xf32, #tpu.memory_space<vmem>>) dst(%dma_wait3A_434 : memref<10240x128xf32, #tpu.memory_space<vmem_shared>>)
      %lt3A_435 = arith.constant 15 : i32
      %lt3A_436 = arith.cmpi slt, %add3A_210, %lt3A_435 : i32
      %convert_element_type3A_437 = arith.extui %lt3A_436 : i1 to i32
      %cond3A_438 = arith.constant 0 : i32
      %cond3A_439 = arith.cmpi ne, %convert_element_type3A_437, %cond3A_438 : i32
      scf.if %cond3A_439 {
        %mul3A_483 = arith.constant 10 : i32
        %mul3A_484 = arith.muli %mul3A_483, %add3A_210 : i32
        %add3A_485 = arith.constant 7 : i32
        %add3A_486 = arith.addi %mul3A_484, %add3A_485 : i32
        %add3A_487 = arith.constant 10 : i32
        %add3A_488 = arith.addi %add3A_486, %add3A_487 : i32
        %sub3A_489 = arith.constant 1 : i32
        %sub3A_490 = arith.subi %add3A_488, %sub3A_489 : i32
        %dma_start3A_491 = arith.constant 0 : i32
        %dma_start3A_492 = tpu.memref_slice %arg3[%add3A_5, %sub3A_490, %dma_start3A_491] : memref<32x160x64xi32, #tpu.memory_space<hbm>> -> memref<1x1x64xi32, #tpu.memory_space<hbm>>
        %dma_start3A_493 = tpu.memref_squeeze %dma_start3A_492 : memref<1x1x64xi32, #tpu.memory_space<hbm>> -> memref<64xi32, #tpu.memory_space<hbm>>
        %dma_start3A_494 = arith.constant 0 : i32
        %dma_start3A_495 = tpu.memref_slice %arg3[%add3A_5, %sub3A_490, %dma_start3A_494] : memref<32x160x64xi32, #tpu.memory_space<hbm>> -> memref<1x1x64xi32, #tpu.memory_space<hbm>>
        %dma_start3A_496 = tpu.memref_squeeze %dma_start3A_495 : memref<1x1x64xi32, #tpu.memory_space<hbm>> -> memref<64xi32, #tpu.memory_space<hbm>>
        tpu.enqueue_dma source(%dma_start3A_496 : memref<64xi32, #tpu.memory_space<hbm>>) target(%arg12 : memref<64xi32, #tpu.memory_space<vmem>>) target_semaphore(%arg38 : memref<!tpu.dma_semaphore, #tpu.memory_space<semaphore_mem>>)
        %dma_start3A_497 = arith.constant 0 : i32
        %dma_start3A_498 = tpu.memref_slice %arg4[%add3A_5, %sub3A_490, %dma_start3A_497] : memref<32x160x64xi32, #tpu.memory_space<hbm>> -> memref<1x1x64xi32, #tpu.memory_space<hbm>>
        %dma_start3A_499 = tpu.memref_squeeze %dma_start3A_498 : memref<1x1x64xi32, #tpu.memory_space<hbm>> -> memref<64xi32, #tpu.memory_space<hbm>>
        %dma_start3A_500 = arith.constant 0 : i32
        %dma_start3A_501 = tpu.memref_slice %arg4[%add3A_5, %sub3A_490, %dma_start3A_500] : memref<32x160x64xi32, #tpu.memory_space<hbm>> -> memref<1x1x64xi32, #tpu.memory_space<hbm>>
        %dma_start3A_502 = tpu.memref_squeeze %dma_start3A_501 : memref<1x1x64xi32, #tpu.memory_space<hbm>> -> memref<64xi32, #tpu.memory_space<hbm>>
        tpu.enqueue_dma source(%dma_start3A_502 : memref<64xi32, #tpu.memory_space<hbm>>) target(%arg22 : memref<64xi32, #tpu.memory_space<vmem>>) target_semaphore(%arg38 : memref<!tpu.dma_semaphore, #tpu.memory_space<semaphore_mem>>)
      } else {
      }
      %lt3A_440 = arith.constant 15 : i32
      %lt3A_441 = arith.cmpi slt, %add3A_210, %lt3A_440 : i32
      %convert_element_type3A_442 = arith.extui %lt3A_441 : i1 to i32
      %cond3A_443 = arith.constant 0 : i32
      %cond3A_444 = arith.cmpi ne, %convert_element_type3A_442, %cond3A_443 : i32
      scf.if %cond3A_444 {
        %dma_wait3A_483 = arith.constant 0 : i32
        %dma_wait3A_484 = arith.constant 0 : i32
        %dma_wait3A_485 = tpu.memref_slice %arg3[%add3A_5, %dma_wait3A_483, %dma_wait3A_484] : memref<32x160x64xi32, #tpu.memory_space<hbm>> -> memref<1x1x64xi32, #tpu.memory_space<hbm>>
        %dma_wait3A_486 = tpu.memref_squeeze %dma_wait3A_485 : memref<1x1x64xi32, #tpu.memory_space<hbm>> -> memref<64xi32, #tpu.memory_space<hbm>>
        %dma_wait3A_487 = arith.constant 0 : i32
        %dma_wait3A_488 = tpu.memref_slice %arg3[%add3A_5, %dma_wait3A_483, %dma_wait3A_487] : memref<32x160x64xi32, #tpu.memory_space<hbm>> -> memref<1x1x64xi32, #tpu.memory_space<hbm>>
        %dma_wait3A_489 = tpu.memref_squeeze %dma_wait3A_488 : memref<1x1x64xi32, #tpu.memory_space<hbm>> -> memref<64xi32, #tpu.memory_space<hbm>>
        tpu.wait_dma2 semaphore(%arg33 : memref<!tpu.dma_semaphore, #tpu.memory_space<semaphore_mem>>) src(%dma_wait3A_489 : memref<64xi32, #tpu.memory_space<hbm>>) dst(%arg7 : memref<64xi32, #tpu.memory_space<vmem>>)
        %dma_wait3A_490 = arith.constant 0 : i32
        %dma_wait3A_491 = arith.constant 0 : i32
        %dma_wait3A_492 = tpu.memref_slice %arg4[%add3A_5, %dma_wait3A_490, %dma_wait3A_491] : memref<32x160x64xi32, #tpu.memory_space<hbm>> -> memref<1x1x64xi32, #tpu.memory_space<hbm>>
        %dma_wait3A_493 = tpu.memref_squeeze %dma_wait3A_492 : memref<1x1x64xi32, #tpu.memory_space<hbm>> -> memref<64xi32, #tpu.memory_space<hbm>>
        %dma_wait3A_494 = arith.constant 0 : i32
        %dma_wait3A_495 = tpu.memref_slice %arg4[%add3A_5, %dma_wait3A_490, %dma_wait3A_494] : memref<32x160x64xi32, #tpu.memory_space<hbm>> -> memref<1x1x64xi32, #tpu.memory_space<hbm>>
        %dma_wait3A_496 = tpu.memref_squeeze %dma_wait3A_495 : memref<1x1x64xi32, #tpu.memory_space<hbm>> -> memref<64xi32, #tpu.memory_space<hbm>>
        tpu.wait_dma2 semaphore(%arg33 : memref<!tpu.dma_semaphore, #tpu.memory_space<semaphore_mem>>) src(%dma_wait3A_496 : memref<64xi32, #tpu.memory_space<hbm>>) dst(%arg17 : memref<64xi32, #tpu.memory_space<vmem>>)
        %dma_start3A_497 = arith.constant 0 : i32
        %dma_start3A_498 = arith.constant 0 : i32
        %dma_start3A_499 = tpu.memref_slice %arg2[%dma_start3A_497, %dma_start3A_498] : memref<20480x128xf32, #tpu.memory_space<hbm>> -> memref<20480x128xf32, #tpu.memory_space<hbm>>
        tpu.enqueue_indirect_dma source(%dma_start3A_499 : memref<20480x128xf32, #tpu.memory_space<hbm>>) target(%arg27 : memref<64x128xf32, #tpu.memory_space<vmem>>) offsets(%arg7 : memref<64xi32, #tpu.memory_space<vmem>>) semaphore(%arg43 : memref<!tpu.dma_semaphore, #tpu.memory_space<semaphore_mem>>)
      } else {
      }
      %dma_wait3A_445 = arith.constant 0 : i32
      %dma_wait3A_446 = arith.constant 0 : i32
      %dma_wait3A_447 = tpu.memref_slice %arg2[%dma_wait3A_445, %dma_wait3A_446] : memref<20480x128xf32, #tpu.memory_space<hbm>> -> memref<20480x128xf32, #tpu.memory_space<hbm>>
      tpu.wait_indirect_dma semaphore(%arg45 : memref<!tpu.dma_semaphore, #tpu.memory_space<semaphore_mem>>) src(%dma_wait3A_447 : memref<20480x128xf32, #tpu.memory_space<hbm>>) dst(%arg29 : memref<64x128xf32, #tpu.memory_space<vmem>>)
      %dma_start3A_448 = arith.constant 0 : i32
      %dma_start3A_449 = arith.constant 0 : i32
      %dma_start3A_450 = tpu.memref_slice %arg31[%dma_start3A_448, %dma_start3A_449] : memref<10240x128xf32, #tpu.memory_space<vmem_shared>> -> memref<10240x128xf32, #tpu.memory_space<vmem_shared>>
      tpu.enqueue_indirect_dma source(%arg29 : memref<64x128xf32, #tpu.memory_space<vmem>>) target(%dma_start3A_450 : memref<10240x128xf32, #tpu.memory_space<vmem_shared>>) offsets(%arg24 : memref<64xi32, #tpu.memory_space<vmem>>) semaphore(%arg50 : memref<!tpu.dma_semaphore, #tpu.memory_space<semaphore_mem>>) {add = true}
      %dma_wait3A_451 = arith.constant 0 : i32
      %dma_wait3A_452 = arith.constant 0 : i32
      %dma_wait3A_453 = tpu.memref_slice %arg31[%dma_wait3A_451, %dma_wait3A_452] : memref<10240x128xf32, #tpu.memory_space<vmem_shared>> -> memref<10240x128xf32, #tpu.memory_space<vmem_shared>>
      tpu.wait_indirect_dma semaphore(%arg49 : memref<!tpu.dma_semaphore, #tpu.memory_space<semaphore_mem>>) src(%arg28 : memref<64x128xf32, #tpu.memory_space<vmem>>) dst(%dma_wait3A_453 : memref<10240x128xf32, #tpu.memory_space<vmem_shared>>)
      %lt3A_454 = arith.constant 15 : i32
      %lt3A_455 = arith.cmpi slt, %add3A_210, %lt3A_454 : i32
      %convert_element_type3A_456 = arith.extui %lt3A_455 : i1 to i32
      %cond3A_457 = arith.constant 0 : i32
      %cond3A_458 = arith.cmpi ne, %convert_element_type3A_456, %cond3A_457 : i32
      scf.if %cond3A_458 {
        %mul3A_483 = arith.constant 10 : i32
        %mul3A_484 = arith.muli %mul3A_483, %add3A_210 : i32
        %add3A_485 = arith.constant 8 : i32
        %add3A_486 = arith.addi %mul3A_484, %add3A_485 : i32
        %add3A_487 = arith.constant 10 : i32
        %add3A_488 = arith.addi %add3A_486, %add3A_487 : i32
        %sub3A_489 = arith.constant 1 : i32
        %sub3A_490 = arith.subi %add3A_488, %sub3A_489 : i32
        %dma_start3A_491 = arith.constant 0 : i32
        %dma_start3A_492 = tpu.memref_slice %arg3[%add3A_5, %sub3A_490, %dma_start3A_491] : memref<32x160x64xi32, #tpu.memory_space<hbm>> -> memref<1x1x64xi32, #tpu.memory_space<hbm>>
        %dma_start3A_493 = tpu.memref_squeeze %dma_start3A_492 : memref<1x1x64xi32, #tpu.memory_space<hbm>> -> memref<64xi32, #tpu.memory_space<hbm>>
        %dma_start3A_494 = arith.constant 0 : i32
        %dma_start3A_495 = tpu.memref_slice %arg3[%add3A_5, %sub3A_490, %dma_start3A_494] : memref<32x160x64xi32, #tpu.memory_space<hbm>> -> memref<1x1x64xi32, #tpu.memory_space<hbm>>
        %dma_start3A_496 = tpu.memref_squeeze %dma_start3A_495 : memref<1x1x64xi32, #tpu.memory_space<hbm>> -> memref<64xi32, #tpu.memory_space<hbm>>
        tpu.enqueue_dma source(%dma_start3A_496 : memref<64xi32, #tpu.memory_space<hbm>>) target(%arg13 : memref<64xi32, #tpu.memory_space<vmem>>) target_semaphore(%arg39 : memref<!tpu.dma_semaphore, #tpu.memory_space<semaphore_mem>>)
        %dma_start3A_497 = arith.constant 0 : i32
        %dma_start3A_498 = tpu.memref_slice %arg4[%add3A_5, %sub3A_490, %dma_start3A_497] : memref<32x160x64xi32, #tpu.memory_space<hbm>> -> memref<1x1x64xi32, #tpu.memory_space<hbm>>
        %dma_start3A_499 = tpu.memref_squeeze %dma_start3A_498 : memref<1x1x64xi32, #tpu.memory_space<hbm>> -> memref<64xi32, #tpu.memory_space<hbm>>
        %dma_start3A_500 = arith.constant 0 : i32
        %dma_start3A_501 = tpu.memref_slice %arg4[%add3A_5, %sub3A_490, %dma_start3A_500] : memref<32x160x64xi32, #tpu.memory_space<hbm>> -> memref<1x1x64xi32, #tpu.memory_space<hbm>>
        %dma_start3A_502 = tpu.memref_squeeze %dma_start3A_501 : memref<1x1x64xi32, #tpu.memory_space<hbm>> -> memref<64xi32, #tpu.memory_space<hbm>>
        tpu.enqueue_dma source(%dma_start3A_502 : memref<64xi32, #tpu.memory_space<hbm>>) target(%arg23 : memref<64xi32, #tpu.memory_space<vmem>>) target_semaphore(%arg39 : memref<!tpu.dma_semaphore, #tpu.memory_space<semaphore_mem>>)
      } else {
      }
      %lt3A_459 = arith.constant 15 : i32
      %lt3A_460 = arith.cmpi slt, %add3A_210, %lt3A_459 : i32
      %convert_element_type3A_461 = arith.extui %lt3A_460 : i1 to i32
      %cond3A_462 = arith.constant 0 : i32
      %cond3A_463 = arith.cmpi ne, %convert_element_type3A_461, %cond3A_462 : i32
      scf.if %cond3A_463 {
        %dma_wait3A_483 = arith.constant 0 : i32
        %dma_wait3A_484 = arith.constant 0 : i32
        %dma_wait3A_485 = tpu.memref_slice %arg3[%add3A_5, %dma_wait3A_483, %dma_wait3A_484] : memref<32x160x64xi32, #tpu.memory_space<hbm>> -> memref<1x1x64xi32, #tpu.memory_space<hbm>>
        %dma_wait3A_486 = tpu.memref_squeeze %dma_wait3A_485 : memref<1x1x64xi32, #tpu.memory_space<hbm>> -> memref<64xi32, #tpu.memory_space<hbm>>
        %dma_wait3A_487 = arith.constant 0 : i32
        %dma_wait3A_488 = tpu.memref_slice %arg3[%add3A_5, %dma_wait3A_483, %dma_wait3A_487] : memref<32x160x64xi32, #tpu.memory_space<hbm>> -> memref<1x1x64xi32, #tpu.memory_space<hbm>>
        %dma_wait3A_489 = tpu.memref_squeeze %dma_wait3A_488 : memref<1x1x64xi32, #tpu.memory_space<hbm>> -> memref<64xi32, #tpu.memory_space<hbm>>
        tpu.wait_dma2 semaphore(%arg34 : memref<!tpu.dma_semaphore, #tpu.memory_space<semaphore_mem>>) src(%dma_wait3A_489 : memref<64xi32, #tpu.memory_space<hbm>>) dst(%arg8 : memref<64xi32, #tpu.memory_space<vmem>>)
        %dma_wait3A_490 = arith.constant 0 : i32
        %dma_wait3A_491 = arith.constant 0 : i32
        %dma_wait3A_492 = tpu.memref_slice %arg4[%add3A_5, %dma_wait3A_490, %dma_wait3A_491] : memref<32x160x64xi32, #tpu.memory_space<hbm>> -> memref<1x1x64xi32, #tpu.memory_space<hbm>>
        %dma_wait3A_493 = tpu.memref_squeeze %dma_wait3A_492 : memref<1x1x64xi32, #tpu.memory_space<hbm>> -> memref<64xi32, #tpu.memory_space<hbm>>
        %dma_wait3A_494 = arith.constant 0 : i32
        %dma_wait3A_495 = tpu.memref_slice %arg4[%add3A_5, %dma_wait3A_490, %dma_wait3A_494] : memref<32x160x64xi32, #tpu.memory_space<hbm>> -> memref<1x1x64xi32, #tpu.memory_space<hbm>>
        %dma_wait3A_496 = tpu.memref_squeeze %dma_wait3A_495 : memref<1x1x64xi32, #tpu.memory_space<hbm>> -> memref<64xi32, #tpu.memory_space<hbm>>
        tpu.wait_dma2 semaphore(%arg34 : memref<!tpu.dma_semaphore, #tpu.memory_space<semaphore_mem>>) src(%dma_wait3A_496 : memref<64xi32, #tpu.memory_space<hbm>>) dst(%arg18 : memref<64xi32, #tpu.memory_space<vmem>>)
        %dma_start3A_497 = arith.constant 0 : i32
        %dma_start3A_498 = arith.constant 0 : i32
        %dma_start3A_499 = tpu.memref_slice %arg2[%dma_start3A_497, %dma_start3A_498] : memref<20480x128xf32, #tpu.memory_space<hbm>> -> memref<20480x128xf32, #tpu.memory_space<hbm>>
        tpu.enqueue_indirect_dma source(%dma_start3A_499 : memref<20480x128xf32, #tpu.memory_space<hbm>>) target(%arg28 : memref<64x128xf32, #tpu.memory_space<vmem>>) offsets(%arg8 : memref<64xi32, #tpu.memory_space<vmem>>) semaphore(%arg44 : memref<!tpu.dma_semaphore, #tpu.memory_space<semaphore_mem>>)
      } else {
      }
      %dma_wait3A_464 = arith.constant 0 : i32
      %dma_wait3A_465 = arith.constant 0 : i32
      %dma_wait3A_466 = tpu.memref_slice %arg2[%dma_wait3A_464, %dma_wait3A_465] : memref<20480x128xf32, #tpu.memory_space<hbm>> -> memref<20480x128xf32, #tpu.memory_space<hbm>>
      tpu.wait_indirect_dma semaphore(%arg46 : memref<!tpu.dma_semaphore, #tpu.memory_space<semaphore_mem>>) src(%dma_wait3A_466 : memref<20480x128xf32, #tpu.memory_space<hbm>>) dst(%arg30 : memref<64x128xf32, #tpu.memory_space<vmem>>)
      %dma_start3A_467 = arith.constant 0 : i32
      %dma_start3A_468 = arith.constant 0 : i32
      %dma_start3A_469 = tpu.memref_slice %arg31[%dma_start3A_467, %dma_start3A_468] : memref<10240x128xf32, #tpu.memory_space<vmem_shared>> -> memref<10240x128xf32, #tpu.memory_space<vmem_shared>>
      tpu.enqueue_indirect_dma source(%arg30 : memref<64x128xf32, #tpu.memory_space<vmem>>) target(%dma_start3A_469 : memref<10240x128xf32, #tpu.memory_space<vmem_shared>>) offsets(%arg25 : memref<64xi32, #tpu.memory_space<vmem>>) semaphore(%arg51 : memref<!tpu.dma_semaphore, #tpu.memory_space<semaphore_mem>>) {add = true}
      %dma_wait3A_470 = arith.constant 0 : i32
      %dma_wait3A_471 = arith.constant 0 : i32
      %dma_wait3A_472 = tpu.memref_slice %arg31[%dma_wait3A_470, %dma_wait3A_471] : memref<10240x128xf32, #tpu.memory_space<vmem_shared>> -> memref<10240x128xf32, #tpu.memory_space<vmem_shared>>
      tpu.wait_indirect_dma semaphore(%arg50 : memref<!tpu.dma_semaphore, #tpu.memory_space<semaphore_mem>>) src(%arg29 : memref<64x128xf32, #tpu.memory_space<vmem>>) dst(%dma_wait3A_472 : memref<10240x128xf32, #tpu.memory_space<vmem_shared>>)
      %lt3A_473 = arith.constant 15 : i32
      %lt3A_474 = arith.cmpi slt, %add3A_210, %lt3A_473 : i32
      %convert_element_type3A_475 = arith.extui %lt3A_474 : i1 to i32
      %cond3A_476 = arith.constant 0 : i32
      %cond3A_477 = arith.cmpi ne, %convert_element_type3A_475, %cond3A_476 : i32
      scf.if %cond3A_477 {
        %mul3A_483 = arith.constant 10 : i32
        %mul3A_484 = arith.muli %mul3A_483, %add3A_210 : i32
        %add3A_485 = arith.constant 9 : i32
        %add3A_486 = arith.addi %mul3A_484, %add3A_485 : i32
        %add3A_487 = arith.constant 10 : i32
        %add3A_488 = arith.addi %add3A_486, %add3A_487 : i32
        %sub3A_489 = arith.constant 1 : i32
        %sub3A_490 = arith.subi %add3A_488, %sub3A_489 : i32
        %dma_start3A_491 = arith.constant 0 : i32
        %dma_start3A_492 = tpu.memref_slice %arg3[%add3A_5, %sub3A_490, %dma_start3A_491] : memref<32x160x64xi32, #tpu.memory_space<hbm>> -> memref<1x1x64xi32, #tpu.memory_space<hbm>>
        %dma_start3A_493 = tpu.memref_squeeze %dma_start3A_492 : memref<1x1x64xi32, #tpu.memory_space<hbm>> -> memref<64xi32, #tpu.memory_space<hbm>>
        %dma_start3A_494 = arith.constant 0 : i32
        %dma_start3A_495 = tpu.memref_slice %arg3[%add3A_5, %sub3A_490, %dma_start3A_494] : memref<32x160x64xi32, #tpu.memory_space<hbm>> -> memref<1x1x64xi32, #tpu.memory_space<hbm>>
        %dma_start3A_496 = tpu.memref_squeeze %dma_start3A_495 : memref<1x1x64xi32, #tpu.memory_space<hbm>> -> memref<64xi32, #tpu.memory_space<hbm>>
        tpu.enqueue_dma source(%dma_start3A_496 : memref<64xi32, #tpu.memory_space<hbm>>) target(%arg14 : memref<64xi32, #tpu.memory_space<vmem>>) target_semaphore(%arg40 : memref<!tpu.dma_semaphore, #tpu.memory_space<semaphore_mem>>)
        %dma_start3A_497 = arith.constant 0 : i32
        %dma_start3A_498 = tpu.memref_slice %arg4[%add3A_5, %sub3A_490, %dma_start3A_497] : memref<32x160x64xi32, #tpu.memory_space<hbm>> -> memref<1x1x64xi32, #tpu.memory_space<hbm>>
        %dma_start3A_499 = tpu.memref_squeeze %dma_start3A_498 : memref<1x1x64xi32, #tpu.memory_space<hbm>> -> memref<64xi32, #tpu.memory_space<hbm>>
        %dma_start3A_500 = arith.constant 0 : i32
        %dma_start3A_501 = tpu.memref_slice %arg4[%add3A_5, %sub3A_490, %dma_start3A_500] : memref<32x160x64xi32, #tpu.memory_space<hbm>> -> memref<1x1x64xi32, #tpu.memory_space<hbm>>
        %dma_start3A_502 = tpu.memref_squeeze %dma_start3A_501 : memref<1x1x64xi32, #tpu.memory_space<hbm>> -> memref<64xi32, #tpu.memory_space<hbm>>
        tpu.enqueue_dma source(%dma_start3A_502 : memref<64xi32, #tpu.memory_space<hbm>>) target(%arg24 : memref<64xi32, #tpu.memory_space<vmem>>) target_semaphore(%arg40 : memref<!tpu.dma_semaphore, #tpu.memory_space<semaphore_mem>>)
      } else {
      }
      %lt3A_478 = arith.constant 15 : i32
      %lt3A_479 = arith.cmpi slt, %add3A_210, %lt3A_478 : i32
      %convert_element_type3A_480 = arith.extui %lt3A_479 : i1 to i32
      %cond3A_481 = arith.constant 0 : i32
      %cond3A_482 = arith.cmpi ne, %convert_element_type3A_480, %cond3A_481 : i32
      scf.if %cond3A_482 {
        %dma_wait3A_483 = arith.constant 0 : i32
        %dma_wait3A_484 = arith.constant 0 : i32
        %dma_wait3A_485 = tpu.memref_slice %arg3[%add3A_5, %dma_wait3A_483, %dma_wait3A_484] : memref<32x160x64xi32, #tpu.memory_space<hbm>> -> memref<1x1x64xi32, #tpu.memory_space<hbm>>
        %dma_wait3A_486 = tpu.memref_squeeze %dma_wait3A_485 : memref<1x1x64xi32, #tpu.memory_space<hbm>> -> memref<64xi32, #tpu.memory_space<hbm>>
        %dma_wait3A_487 = arith.constant 0 : i32
        %dma_wait3A_488 = tpu.memref_slice %arg3[%add3A_5, %dma_wait3A_483, %dma_wait3A_487] : memref<32x160x64xi32, #tpu.memory_space<hbm>> -> memref<1x1x64xi32, #tpu.memory_space<hbm>>
        %dma_wait3A_489 = tpu.memref_squeeze %dma_wait3A_488 : memref<1x1x64xi32, #tpu.memory_space<hbm>> -> memref<64xi32, #tpu.memory_space<hbm>>
        tpu.wait_dma2 semaphore(%arg35 : memref<!tpu.dma_semaphore, #tpu.memory_space<semaphore_mem>>) src(%dma_wait3A_489 : memref<64xi32, #tpu.memory_space<hbm>>) dst(%arg9 : memref<64xi32, #tpu.memory_space<vmem>>)
        %dma_wait3A_490 = arith.constant 0 : i32
        %dma_wait3A_491 = arith.constant 0 : i32
        %dma_wait3A_492 = tpu.memref_slice %arg4[%add3A_5, %dma_wait3A_490, %dma_wait3A_491] : memref<32x160x64xi32, #tpu.memory_space<hbm>> -> memref<1x1x64xi32, #tpu.memory_space<hbm>>
        %dma_wait3A_493 = tpu.memref_squeeze %dma_wait3A_492 : memref<1x1x64xi32, #tpu.memory_space<hbm>> -> memref<64xi32, #tpu.memory_space<hbm>>
        %dma_wait3A_494 = arith.constant 0 : i32
        %dma_wait3A_495 = tpu.memref_slice %arg4[%add3A_5, %dma_wait3A_490, %dma_wait3A_494] : memref<32x160x64xi32, #tpu.memory_space<hbm>> -> memref<1x1x64xi32, #tpu.memory_space<hbm>>
        %dma_wait3A_496 = tpu.memref_squeeze %dma_wait3A_495 : memref<1x1x64xi32, #tpu.memory_space<hbm>> -> memref<64xi32, #tpu.memory_space<hbm>>
        tpu.wait_dma2 semaphore(%arg35 : memref<!tpu.dma_semaphore, #tpu.memory_space<semaphore_mem>>) src(%dma_wait3A_496 : memref<64xi32, #tpu.memory_space<hbm>>) dst(%arg19 : memref<64xi32, #tpu.memory_space<vmem>>)
        %dma_start3A_497 = arith.constant 0 : i32
        %dma_start3A_498 = arith.constant 0 : i32
        %dma_start3A_499 = tpu.memref_slice %arg2[%dma_start3A_497, %dma_start3A_498] : memref<20480x128xf32, #tpu.memory_space<hbm>> -> memref<20480x128xf32, #tpu.memory_space<hbm>>
        tpu.enqueue_indirect_dma source(%dma_start3A_499 : memref<20480x128xf32, #tpu.memory_space<hbm>>) target(%arg29 : memref<64x128xf32, #tpu.memory_space<vmem>>) offsets(%arg9 : memref<64xi32, #tpu.memory_space<vmem>>) semaphore(%arg45 : memref<!tpu.dma_semaphore, #tpu.memory_space<semaphore_mem>>)
      } else {
      }
    }
    %scan3A_201 = arith.constant 16 : i32
    %dma_wait3A_202 = arith.constant 0 : i32
    %dma_wait3A_203 = arith.constant 0 : i32
    %dma_wait3A_204 = tpu.memref_slice %arg31[%dma_wait3A_202, %dma_wait3A_203] : memref<10240x128xf32, #tpu.memory_space<vmem_shared>> -> memref<10240x128xf32, #tpu.memory_space<vmem_shared>>
    tpu.wait_indirect_dma semaphore(%arg51 : memref<!tpu.dma_semaphore, #tpu.memory_space<semaphore_mem>>) src(%arg30 : memref<64x128xf32, #tpu.memory_space<vmem>>) dst(%dma_wait3A_204 : memref<10240x128xf32, #tpu.memory_space<vmem_shared>>)
    %barrier3A_205 = arith.constant 0 : index
    tpu.barrier barrier_id(%barrier3A_205)
    "tpu.region"() ({
      %run_scoped3A = tpu.sem_alloc : memref<!tpu.dma_semaphore, #tpu.memory_space<semaphore_mem>>
      %dma_start3A_206 = arith.constant 0 : i32
      %dma_start3A_207 = tpu.memref_slice %arg5[%add3A, %dma_start3A_206] : memref<20480x128xf32, #tpu.memory_space<hbm>> -> memref<640x128xf32, #tpu.memory_space<hbm>>
      %dma_start3A_208 = arith.constant 0 : i32
      %dma_start3A_209 = tpu.memref_slice %arg31[%mul3A_0, %dma_start3A_208] : memref<10240x128xf32, #tpu.memory_space<vmem_shared>> -> memref<640x128xf32, #tpu.memory_space<vmem_shared>>
      tpu.enqueue_dma source(%dma_start3A_209 : memref<640x128xf32, #tpu.memory_space<vmem_shared>>) target(%dma_start3A_207 : memref<640x128xf32, #tpu.memory_space<hbm>>) target_semaphore(%run_scoped3A : memref<!tpu.dma_semaphore, #tpu.memory_space<semaphore_mem>>)
      %dma_wait3A_210 = arith.constant 0 : i32
      %dma_wait3A_211 = tpu.memref_slice %arg5[%add3A, %dma_wait3A_210] : memref<20480x128xf32, #tpu.memory_space<hbm>> -> memref<640x128xf32, #tpu.memory_space<hbm>>
      %dma_wait3A_212 = arith.constant 0 : i32
      %dma_wait3A_213 = tpu.memref_slice %arg31[%mul3A_0, %dma_wait3A_212] : memref<10240x128xf32, #tpu.memory_space<vmem_shared>> -> memref<640x128xf32, #tpu.memory_space<vmem_shared>>
      tpu.wait_dma2 semaphore(%run_scoped3A : memref<!tpu.dma_semaphore, #tpu.memory_space<semaphore_mem>>) src(%dma_wait3A_213 : memref<640x128xf32, #tpu.memory_space<vmem_shared>>) dst(%dma_wait3A_211 : memref<640x128xf32, #tpu.memory_space<hbm>>)
      tpu.yield
    }) : () -> ()
    return
  }
}

#map = affine_map<(d0, d1) -> (0, 0)>
#map1 = affine_map<(d0, d1) -> (0, 0, 0)>
module attributes {stable_mosaic.version = 14 : i64} {
  func.func @_agg128(%arg0: i32, %arg1: i32, %arg2: memref<20480x128xf32, #tpu.memory_space<hbm>>, %arg3: memref<32x160x64xi32, #tpu.memory_space<hbm>>, %arg4: memref<32x160x64xi32, #tpu.memory_space<hbm>>, %arg5: memref<20480x128xf32, #tpu.memory_space<hbm>>, %arg6: memref<64xi32, #tpu.memory_space<vmem>>, %arg7: memref<64xi32, #tpu.memory_space<vmem>>, %arg8: memref<64xi32, #tpu.memory_space<vmem>>, %arg9: memref<64xi32, #tpu.memory_space<vmem>>, %arg10: memref<64xi32, #tpu.memory_space<vmem>>, %arg11: memref<64xi32, #tpu.memory_space<vmem>>, %arg12: memref<64xi32, #tpu.memory_space<vmem>>, %arg13: memref<64xi32, #tpu.memory_space<vmem>>, %arg14: memref<64xi32, #tpu.memory_space<vmem>>, %arg15: memref<64xi32, #tpu.memory_space<vmem>>, %arg16: memref<64xi32, #tpu.memory_space<vmem>>, %arg17: memref<64xi32, #tpu.memory_space<vmem>>, %arg18: memref<64xi32, #tpu.memory_space<vmem>>, %arg19: memref<64xi32, #tpu.memory_space<vmem>>, %arg20: memref<64xi32, #tpu.memory_space<vmem>>, %arg21: memref<64xi32, #tpu.memory_space<vmem>>, %arg22: memref<64xi32, #tpu.memory_space<vmem>>, %arg23: memref<64xi32, #tpu.memory_space<vmem>>, %arg24: memref<64xi32, #tpu.memory_space<vmem>>, %arg25: memref<64xi32, #tpu.memory_space<vmem>>, %arg26: memref<64x128xf32, #tpu.memory_space<vmem>>, %arg27: memref<64x128xf32, #tpu.memory_space<vmem>>, %arg28: memref<64x128xf32, #tpu.memory_space<vmem>>, %arg29: memref<64x128xf32, #tpu.memory_space<vmem>>, %arg30: memref<64x128xf32, #tpu.memory_space<vmem>>, %arg31: memref<10240x128xf32, #tpu.memory_space<vmem_shared>>, %arg32: memref<!tpu.dma_semaphore, #tpu.memory_space<semaphore_mem>>, %arg33: memref<!tpu.dma_semaphore, #tpu.memory_space<semaphore_mem>>, %arg34: memref<!tpu.dma_semaphore, #tpu.memory_space<semaphore_mem>>, %arg35: memref<!tpu.dma_semaphore, #tpu.memory_space<semaphore_mem>>, %arg36: memref<!tpu.dma_semaphore, #tpu.memory_space<semaphore_mem>>, %arg37: memref<!tpu.dma_semaphore, #tpu.memory_space<semaphore_mem>>, %arg38: memref<!tpu.dma_semaphore, #tpu.memory_space<semaphore_mem>>, %arg39: memref<!tpu.dma_semaphore, #tpu.memory_space<semaphore_mem>>, %arg40: memref<!tpu.dma_semaphore, #tpu.memory_space<semaphore_mem>>, %arg41: memref<!tpu.dma_semaphore, #tpu.memory_space<semaphore_mem>>, %arg42: memref<!tpu.dma_semaphore, #tpu.memory_space<semaphore_mem>>, %arg43: memref<!tpu.dma_semaphore, #tpu.memory_space<semaphore_mem>>, %arg44: memref<!tpu.dma_semaphore, #tpu.memory_space<semaphore_mem>>, %arg45: memref<!tpu.dma_semaphore, #tpu.memory_space<semaphore_mem>>, %arg46: memref<!tpu.dma_semaphore, #tpu.memory_space<semaphore_mem>>, %arg47: memref<!tpu.dma_semaphore, #tpu.memory_space<semaphore_mem>>, %arg48: memref<!tpu.dma_semaphore, #tpu.memory_space<semaphore_mem>>, %arg49: memref<!tpu.dma_semaphore, #tpu.memory_space<semaphore_mem>>, %arg50: memref<!tpu.dma_semaphore, #tpu.memory_space<semaphore_mem>>, %arg51: memref<!tpu.dma_semaphore, #tpu.memory_space<semaphore_mem>>) attributes {dimension_semantics = [#tpu.dimension_semantics<core_parallel>, #tpu.dimension_semantics<subcore_parallel>], iteration_bounds = array<i64: 2, 16>, scalar_prefetch = 0 : i64, scratch_operands = 46 : i64, tpu.core_type = #tpu.core_type<sc_vector_subcore>, window_params = [{transform_indices = #map}, {transform_indices = #map1}, {transform_indices = #map1}, {transform_indices = #map}]} {
    %mul3A = arith.constant 640 : i32
    %mul3A_0 = arith.muli %arg1, %mul3A : i32
    %mul3A_1 = arith.constant 10240 : i32
    %mul3A_2 = arith.muli %arg0, %mul3A_1 : i32
    %add3A = arith.addi %mul3A_2, %mul3A_0 : i32
    "tpu.region"() ({
      %run_scoped3A = tpu.sem_alloc : memref<!tpu.dma_semaphore, #tpu.memory_space<semaphore_mem>>
      %dma_start3A_206 = arith.constant 0 : i32
      %dma_start3A_207 = tpu.memref_slice %arg31[%mul3A_0, %dma_start3A_206] : memref<10240x128xf32, #tpu.memory_space<vmem_shared>> -> memref<640x128xf32, #tpu.memory_space<vmem_shared>>
      %dma_start3A_208 = arith.constant 0 : i32
      %dma_start3A_209 = tpu.memref_slice %arg2[%add3A, %dma_start3A_208] : memref<20480x128xf32, #tpu.memory_space<hbm>> -> memref<640x128xf32, #tpu.memory_space<hbm>>
      tpu.enqueue_dma source(%dma_start3A_209 : memref<640x128xf32, #tpu.memory_space<hbm>>) target(%dma_start3A_207 : memref<640x128xf32, #tpu.memory_space<vmem_shared>>) target_semaphore(%run_scoped3A : memref<!tpu.dma_semaphore, #tpu.memory_space<semaphore_mem>>)
      %dma_wait3A_210 = arith.constant 0 : i32
      %dma_wait3A_211 = tpu.memref_slice %arg31[%mul3A_0, %dma_wait3A_210] : memref<10240x128xf32, #tpu.memory_space<vmem_shared>> -> memref<640x128xf32, #tpu.memory_space<vmem_shared>>
      %dma_wait3A_212 = arith.constant 0 : i32
      %dma_wait3A_213 = tpu.memref_slice %arg2[%add3A, %dma_wait3A_212] : memref<20480x128xf32, #tpu.memory_space<hbm>> -> memref<640x128xf32, #tpu.memory_space<hbm>>
      tpu.wait_dma2 semaphore(%run_scoped3A : memref<!tpu.dma_semaphore, #tpu.memory_space<semaphore_mem>>) src(%dma_wait3A_213 : memref<640x128xf32, #tpu.memory_space<hbm>>) dst(%dma_wait3A_211 : memref<640x128xf32, #tpu.memory_space<vmem_shared>>)
      tpu.yield
    }) : () -> ()
    %barrier3A = arith.constant 0 : index
    tpu.barrier barrier_id(%barrier3A)
    %mul3A_3 = arith.constant 16 : i32
    %mul3A_4 = arith.muli %arg0, %mul3A_3 : i32
    %add3A_5 = arith.addi %mul3A_4, %arg1 : i32
    %dma_start3A = arith.constant 0 : i32
    %dma_start3A_6 = arith.constant 0 : i32
    %dma_start3A_7 = tpu.memref_slice %arg3[%add3A_5, %dma_start3A, %dma_start3A_6] : memref<32x160x64xi32, #tpu.memory_space<hbm>> -> memref<1x1x64xi32, #tpu.memory_space<hbm>>
    %dma_start3A_8 = tpu.memref_squeeze %dma_start3A_7 : memref<1x1x64xi32, #tpu.memory_space<hbm>> -> memref<64xi32, #tpu.memory_space<hbm>>
    %dma_start3A_9 = arith.constant 0 : i32
    %dma_start3A_10 = tpu.memref_slice %arg3[%add3A_5, %dma_start3A, %dma_start3A_9] : memref<32x160x64xi32, #tpu.memory_space<hbm>> -> memref<1x1x64xi32, #tpu.memory_space<hbm>>
    %dma_start3A_11 = tpu.memref_squeeze %dma_start3A_10 : memref<1x1x64xi32, #tpu.memory_space<hbm>> -> memref<64xi32, #tpu.memory_space<hbm>>
    tpu.enqueue_dma source(%dma_start3A_11 : memref<64xi32, #tpu.memory_space<hbm>>) target(%arg6 : memref<64xi32, #tpu.memory_space<vmem>>) target_semaphore(%arg32 : memref<!tpu.dma_semaphore, #tpu.memory_space<semaphore_mem>>)
    %dma_start3A_12 = arith.constant 0 : i32
    %dma_start3A_13 = arith.constant 0 : i32
    %dma_start3A_14 = tpu.memref_slice %arg4[%add3A_5, %dma_start3A_12, %dma_start3A_13] : memref<32x160x64xi32, #tpu.memory_space<hbm>> -> memref<1x1x64xi32, #tpu.memory_space<hbm>>
    %dma_start3A_15 = tpu.memref_squeeze %dma_start3A_14 : memref<1x1x64xi32, #tpu.memory_space<hbm>> -> memref<64xi32, #tpu.memory_space<hbm>>
    %dma_start3A_16 = arith.constant 0 : i32
    %dma_start3A_17 = tpu.memref_slice %arg4[%add3A_5, %dma_start3A_12, %dma_start3A_16] : memref<32x160x64xi32, #tpu.memory_space<hbm>> -> memref<1x1x64xi32, #tpu.memory_space<hbm>>
    %dma_start3A_18 = tpu.memref_squeeze %dma_start3A_17 : memref<1x1x64xi32, #tpu.memory_space<hbm>> -> memref<64xi32, #tpu.memory_space<hbm>>
    tpu.enqueue_dma source(%dma_start3A_18 : memref<64xi32, #tpu.memory_space<hbm>>) target(%arg16 : memref<64xi32, #tpu.memory_space<vmem>>) target_semaphore(%arg32 : memref<!tpu.dma_semaphore, #tpu.memory_space<semaphore_mem>>)
    %dma_start3A_19 = arith.constant 1 : i32
    %dma_start3A_20 = arith.constant 0 : i32
    %dma_start3A_21 = tpu.memref_slice %arg3[%add3A_5, %dma_start3A_19, %dma_start3A_20] : memref<32x160x64xi32, #tpu.memory_space<hbm>> -> memref<1x1x64xi32, #tpu.memory_space<hbm>>
    %dma_start3A_22 = tpu.memref_squeeze %dma_start3A_21 : memref<1x1x64xi32, #tpu.memory_space<hbm>> -> memref<64xi32, #tpu.memory_space<hbm>>
    %dma_start3A_23 = arith.constant 0 : i32
    %dma_start3A_24 = tpu.memref_slice %arg3[%add3A_5, %dma_start3A_19, %dma_start3A_23] : memref<32x160x64xi32, #tpu.memory_space<hbm>> -> memref<1x1x64xi32, #tpu.memory_space<hbm>>
    %dma_start3A_25 = tpu.memref_squeeze %dma_start3A_24 : memref<1x1x64xi32, #tpu.memory_space<hbm>> -> memref<64xi32, #tpu.memory_space<hbm>>
    tpu.enqueue_dma source(%dma_start3A_25 : memref<64xi32, #tpu.memory_space<hbm>>) target(%arg7 : memref<64xi32, #tpu.memory_space<vmem>>) target_semaphore(%arg33 : memref<!tpu.dma_semaphore, #tpu.memory_space<semaphore_mem>>)
    %dma_start3A_26 = arith.constant 1 : i32
    %dma_start3A_27 = arith.constant 0 : i32
    %dma_start3A_28 = tpu.memref_slice %arg4[%add3A_5, %dma_start3A_26, %dma_start3A_27] : memref<32x160x64xi32, #tpu.memory_space<hbm>> -> memref<1x1x64xi32, #tpu.memory_space<hbm>>
    %dma_start3A_29 = tpu.memref_squeeze %dma_start3A_28 : memref<1x1x64xi32, #tpu.memory_space<hbm>> -> memref<64xi32, #tpu.memory_space<hbm>>
    %dma_start3A_30 = arith.constant 0 : i32
    %dma_start3A_31 = tpu.memref_slice %arg4[%add3A_5, %dma_start3A_26, %dma_start3A_30] : memref<32x160x64xi32, #tpu.memory_space<hbm>> -> memref<1x1x64xi32, #tpu.memory_space<hbm>>
    %dma_start3A_32 = tpu.memref_squeeze %dma_start3A_31 : memref<1x1x64xi32, #tpu.memory_space<hbm>> -> memref<64xi32, #tpu.memory_space<hbm>>
    tpu.enqueue_dma source(%dma_start3A_32 : memref<64xi32, #tpu.memory_space<hbm>>) target(%arg17 : memref<64xi32, #tpu.memory_space<vmem>>) target_semaphore(%arg33 : memref<!tpu.dma_semaphore, #tpu.memory_space<semaphore_mem>>)
    %dma_start3A_33 = arith.constant 2 : i32
    %dma_start3A_34 = arith.constant 0 : i32
    %dma_start3A_35 = tpu.memref_slice %arg3[%add3A_5, %dma_start3A_33, %dma_start3A_34] : memref<32x160x64xi32, #tpu.memory_space<hbm>> -> memref<1x1x64xi32, #tpu.memory_space<hbm>>
    %dma_start3A_36 = tpu.memref_squeeze %dma_start3A_35 : memref<1x1x64xi32, #tpu.memory_space<hbm>> -> memref<64xi32, #tpu.memory_space<hbm>>
    %dma_start3A_37 = arith.constant 0 : i32
    %dma_start3A_38 = tpu.memref_slice %arg3[%add3A_5, %dma_start3A_33, %dma_start3A_37] : memref<32x160x64xi32, #tpu.memory_space<hbm>> -> memref<1x1x64xi32, #tpu.memory_space<hbm>>
    %dma_start3A_39 = tpu.memref_squeeze %dma_start3A_38 : memref<1x1x64xi32, #tpu.memory_space<hbm>> -> memref<64xi32, #tpu.memory_space<hbm>>
    tpu.enqueue_dma source(%dma_start3A_39 : memref<64xi32, #tpu.memory_space<hbm>>) target(%arg8 : memref<64xi32, #tpu.memory_space<vmem>>) target_semaphore(%arg34 : memref<!tpu.dma_semaphore, #tpu.memory_space<semaphore_mem>>)
    %dma_start3A_40 = arith.constant 2 : i32
    %dma_start3A_41 = arith.constant 0 : i32
    %dma_start3A_42 = tpu.memref_slice %arg4[%add3A_5, %dma_start3A_40, %dma_start3A_41] : memref<32x160x64xi32, #tpu.memory_space<hbm>> -> memref<1x1x64xi32, #tpu.memory_space<hbm>>
    %dma_start3A_43 = tpu.memref_squeeze %dma_start3A_42 : memref<1x1x64xi32, #tpu.memory_space<hbm>> -> memref<64xi32, #tpu.memory_space<hbm>>
    %dma_start3A_44 = arith.constant 0 : i32
    %dma_start3A_45 = tpu.memref_slice %arg4[%add3A_5, %dma_start3A_40, %dma_start3A_44] : memref<32x160x64xi32, #tpu.memory_space<hbm>> -> memref<1x1x64xi32, #tpu.memory_space<hbm>>
    %dma_start3A_46 = tpu.memref_squeeze %dma_start3A_45 : memref<1x1x64xi32, #tpu.memory_space<hbm>> -> memref<64xi32, #tpu.memory_space<hbm>>
    tpu.enqueue_dma source(%dma_start3A_46 : memref<64xi32, #tpu.memory_space<hbm>>) target(%arg18 : memref<64xi32, #tpu.memory_space<vmem>>) target_semaphore(%arg34 : memref<!tpu.dma_semaphore, #tpu.memory_space<semaphore_mem>>)
    %dma_start3A_47 = arith.constant 3 : i32
    %dma_start3A_48 = arith.constant 0 : i32
    %dma_start3A_49 = tpu.memref_slice %arg3[%add3A_5, %dma_start3A_47, %dma_start3A_48] : memref<32x160x64xi32, #tpu.memory_space<hbm>> -> memref<1x1x64xi32, #tpu.memory_space<hbm>>
    %dma_start3A_50 = tpu.memref_squeeze %dma_start3A_49 : memref<1x1x64xi32, #tpu.memory_space<hbm>> -> memref<64xi32, #tpu.memory_space<hbm>>
    %dma_start3A_51 = arith.constant 0 : i32
    %dma_start3A_52 = tpu.memref_slice %arg3[%add3A_5, %dma_start3A_47, %dma_start3A_51] : memref<32x160x64xi32, #tpu.memory_space<hbm>> -> memref<1x1x64xi32, #tpu.memory_space<hbm>>
    %dma_start3A_53 = tpu.memref_squeeze %dma_start3A_52 : memref<1x1x64xi32, #tpu.memory_space<hbm>> -> memref<64xi32, #tpu.memory_space<hbm>>
    tpu.enqueue_dma source(%dma_start3A_53 : memref<64xi32, #tpu.memory_space<hbm>>) target(%arg9 : memref<64xi32, #tpu.memory_space<vmem>>) target_semaphore(%arg35 : memref<!tpu.dma_semaphore, #tpu.memory_space<semaphore_mem>>)
    %dma_start3A_54 = arith.constant 3 : i32
    %dma_start3A_55 = arith.constant 0 : i32
    %dma_start3A_56 = tpu.memref_slice %arg4[%add3A_5, %dma_start3A_54, %dma_start3A_55] : memref<32x160x64xi32, #tpu.memory_space<hbm>> -> memref<1x1x64xi32, #tpu.memory_space<hbm>>
    %dma_start3A_57 = tpu.memref_squeeze %dma_start3A_56 : memref<1x1x64xi32, #tpu.memory_space<hbm>> -> memref<64xi32, #tpu.memory_space<hbm>>
    %dma_start3A_58 = arith.constant 0 : i32
    %dma_start3A_59 = tpu.memref_slice %arg4[%add3A_5, %dma_start3A_54, %dma_start3A_58] : memref<32x160x64xi32, #tpu.memory_space<hbm>> -> memref<1x1x64xi32, #tpu.memory_space<hbm>>
    %dma_start3A_60 = tpu.memref_squeeze %dma_start3A_59 : memref<1x1x64xi32, #tpu.memory_space<hbm>> -> memref<64xi32, #tpu.memory_space<hbm>>
    tpu.enqueue_dma source(%dma_start3A_60 : memref<64xi32, #tpu.memory_space<hbm>>) target(%arg19 : memref<64xi32, #tpu.memory_space<vmem>>) target_semaphore(%arg35 : memref<!tpu.dma_semaphore, #tpu.memory_space<semaphore_mem>>)
    %dma_start3A_61 = arith.constant 4 : i32
    %dma_start3A_62 = arith.constant 0 : i32
    %dma_start3A_63 = tpu.memref_slice %arg3[%add3A_5, %dma_start3A_61, %dma_start3A_62] : memref<32x160x64xi32, #tpu.memory_space<hbm>> -> memref<1x1x64xi32, #tpu.memory_space<hbm>>
    %dma_start3A_64 = tpu.memref_squeeze %dma_start3A_63 : memref<1x1x64xi32, #tpu.memory_space<hbm>> -> memref<64xi32, #tpu.memory_space<hbm>>
    %dma_start3A_65 = arith.constant 0 : i32
    %dma_start3A_66 = tpu.memref_slice %arg3[%add3A_5, %dma_start3A_61, %dma_start3A_65] : memref<32x160x64xi32, #tpu.memory_space<hbm>> -> memref<1x1x64xi32, #tpu.memory_space<hbm>>
    %dma_start3A_67 = tpu.memref_squeeze %dma_start3A_66 : memref<1x1x64xi32, #tpu.memory_space<hbm>> -> memref<64xi32, #tpu.memory_space<hbm>>
    tpu.enqueue_dma source(%dma_start3A_67 : memref<64xi32, #tpu.memory_space<hbm>>) target(%arg10 : memref<64xi32, #tpu.memory_space<vmem>>) target_semaphore(%arg36 : memref<!tpu.dma_semaphore, #tpu.memory_space<semaphore_mem>>)
    %dma_start3A_68 = arith.constant 4 : i32
    %dma_start3A_69 = arith.constant 0 : i32
    %dma_start3A_70 = tpu.memref_slice %arg4[%add3A_5, %dma_start3A_68, %dma_start3A_69] : memref<32x160x64xi32, #tpu.memory_space<hbm>> -> memref<1x1x64xi32, #tpu.memory_space<hbm>>
    %dma_start3A_71 = tpu.memref_squeeze %dma_start3A_70 : memref<1x1x64xi32, #tpu.memory_space<hbm>> -> memref<64xi32, #tpu.memory_space<hbm>>
    %dma_start3A_72 = arith.constant 0 : i32
    %dma_start3A_73 = tpu.memref_slice %arg4[%add3A_5, %dma_start3A_68, %dma_start3A_72] : memref<32x160x64xi32, #tpu.memory_space<hbm>> -> memref<1x1x64xi32, #tpu.memory_space<hbm>>
    %dma_start3A_74 = tpu.memref_squeeze %dma_start3A_73 : memref<1x1x64xi32, #tpu.memory_space<hbm>> -> memref<64xi32, #tpu.memory_space<hbm>>
    tpu.enqueue_dma source(%dma_start3A_74 : memref<64xi32, #tpu.memory_space<hbm>>) target(%arg20 : memref<64xi32, #tpu.memory_space<vmem>>) target_semaphore(%arg36 : memref<!tpu.dma_semaphore, #tpu.memory_space<semaphore_mem>>)
    %dma_start3A_75 = arith.constant 5 : i32
    %dma_start3A_76 = arith.constant 0 : i32
    %dma_start3A_77 = tpu.memref_slice %arg3[%add3A_5, %dma_start3A_75, %dma_start3A_76] : memref<32x160x64xi32, #tpu.memory_space<hbm>> -> memref<1x1x64xi32, #tpu.memory_space<hbm>>
    %dma_start3A_78 = tpu.memref_squeeze %dma_start3A_77 : memref<1x1x64xi32, #tpu.memory_space<hbm>> -> memref<64xi32, #tpu.memory_space<hbm>>
    %dma_start3A_79 = arith.constant 0 : i32
    %dma_start3A_80 = tpu.memref_slice %arg3[%add3A_5, %dma_start3A_75, %dma_start3A_79] : memref<32x160x64xi32, #tpu.memory_space<hbm>> -> memref<1x1x64xi32, #tpu.memory_space<hbm>>
    %dma_start3A_81 = tpu.memref_squeeze %dma_start3A_80 : memref<1x1x64xi32, #tpu.memory_space<hbm>> -> memref<64xi32, #tpu.memory_space<hbm>>
    tpu.enqueue_dma source(%dma_start3A_81 : memref<64xi32, #tpu.memory_space<hbm>>) target(%arg11 : memref<64xi32, #tpu.memory_space<vmem>>) target_semaphore(%arg37 : memref<!tpu.dma_semaphore, #tpu.memory_space<semaphore_mem>>)
    %dma_start3A_82 = arith.constant 5 : i32
    %dma_start3A_83 = arith.constant 0 : i32
    %dma_start3A_84 = tpu.memref_slice %arg4[%add3A_5, %dma_start3A_82, %dma_start3A_83] : memref<32x160x64xi32, #tpu.memory_space<hbm>> -> memref<1x1x64xi32, #tpu.memory_space<hbm>>
    %dma_start3A_85 = tpu.memref_squeeze %dma_start3A_84 : memref<1x1x64xi32, #tpu.memory_space<hbm>> -> memref<64xi32, #tpu.memory_space<hbm>>
    %dma_start3A_86 = arith.constant 0 : i32
    %dma_start3A_87 = tpu.memref_slice %arg4[%add3A_5, %dma_start3A_82, %dma_start3A_86] : memref<32x160x64xi32, #tpu.memory_space<hbm>> -> memref<1x1x64xi32, #tpu.memory_space<hbm>>
    %dma_start3A_88 = tpu.memref_squeeze %dma_start3A_87 : memref<1x1x64xi32, #tpu.memory_space<hbm>> -> memref<64xi32, #tpu.memory_space<hbm>>
    tpu.enqueue_dma source(%dma_start3A_88 : memref<64xi32, #tpu.memory_space<hbm>>) target(%arg21 : memref<64xi32, #tpu.memory_space<vmem>>) target_semaphore(%arg37 : memref<!tpu.dma_semaphore, #tpu.memory_space<semaphore_mem>>)
    %dma_start3A_89 = arith.constant 6 : i32
    %dma_start3A_90 = arith.constant 0 : i32
    %dma_start3A_91 = tpu.memref_slice %arg3[%add3A_5, %dma_start3A_89, %dma_start3A_90] : memref<32x160x64xi32, #tpu.memory_space<hbm>> -> memref<1x1x64xi32, #tpu.memory_space<hbm>>
    %dma_start3A_92 = tpu.memref_squeeze %dma_start3A_91 : memref<1x1x64xi32, #tpu.memory_space<hbm>> -> memref<64xi32, #tpu.memory_space<hbm>>
    %dma_start3A_93 = arith.constant 0 : i32
    %dma_start3A_94 = tpu.memref_slice %arg3[%add3A_5, %dma_start3A_89, %dma_start3A_93] : memref<32x160x64xi32, #tpu.memory_space<hbm>> -> memref<1x1x64xi32, #tpu.memory_space<hbm>>
    %dma_start3A_95 = tpu.memref_squeeze %dma_start3A_94 : memref<1x1x64xi32, #tpu.memory_space<hbm>> -> memref<64xi32, #tpu.memory_space<hbm>>
    tpu.enqueue_dma source(%dma_start3A_95 : memref<64xi32, #tpu.memory_space<hbm>>) target(%arg12 : memref<64xi32, #tpu.memory_space<vmem>>) target_semaphore(%arg38 : memref<!tpu.dma_semaphore, #tpu.memory_space<semaphore_mem>>)
    %dma_start3A_96 = arith.constant 6 : i32
    %dma_start3A_97 = arith.constant 0 : i32
    %dma_start3A_98 = tpu.memref_slice %arg4[%add3A_5, %dma_start3A_96, %dma_start3A_97] : memref<32x160x64xi32, #tpu.memory_space<hbm>> -> memref<1x1x64xi32, #tpu.memory_space<hbm>>
    %dma_start3A_99 = tpu.memref_squeeze %dma_start3A_98 : memref<1x1x64xi32, #tpu.memory_space<hbm>> -> memref<64xi32, #tpu.memory_space<hbm>>
    %dma_start3A_100 = arith.constant 0 : i32
    %dma_start3A_101 = tpu.memref_slice %arg4[%add3A_5, %dma_start3A_96, %dma_start3A_100] : memref<32x160x64xi32, #tpu.memory_space<hbm>> -> memref<1x1x64xi32, #tpu.memory_space<hbm>>
    %dma_start3A_102 = tpu.memref_squeeze %dma_start3A_101 : memref<1x1x64xi32, #tpu.memory_space<hbm>> -> memref<64xi32, #tpu.memory_space<hbm>>
    tpu.enqueue_dma source(%dma_start3A_102 : memref<64xi32, #tpu.memory_space<hbm>>) target(%arg22 : memref<64xi32, #tpu.memory_space<vmem>>) target_semaphore(%arg38 : memref<!tpu.dma_semaphore, #tpu.memory_space<semaphore_mem>>)
    %dma_start3A_103 = arith.constant 7 : i32
    %dma_start3A_104 = arith.constant 0 : i32
    %dma_start3A_105 = tpu.memref_slice %arg3[%add3A_5, %dma_start3A_103, %dma_start3A_104] : memref<32x160x64xi32, #tpu.memory_space<hbm>> -> memref<1x1x64xi32, #tpu.memory_space<hbm>>
    %dma_start3A_106 = tpu.memref_squeeze %dma_start3A_105 : memref<1x1x64xi32, #tpu.memory_space<hbm>> -> memref<64xi32, #tpu.memory_space<hbm>>
    %dma_start3A_107 = arith.constant 0 : i32
    %dma_start3A_108 = tpu.memref_slice %arg3[%add3A_5, %dma_start3A_103, %dma_start3A_107] : memref<32x160x64xi32, #tpu.memory_space<hbm>> -> memref<1x1x64xi32, #tpu.memory_space<hbm>>
    %dma_start3A_109 = tpu.memref_squeeze %dma_start3A_108 : memref<1x1x64xi32, #tpu.memory_space<hbm>> -> memref<64xi32, #tpu.memory_space<hbm>>
    tpu.enqueue_dma source(%dma_start3A_109 : memref<64xi32, #tpu.memory_space<hbm>>) target(%arg13 : memref<64xi32, #tpu.memory_space<vmem>>) target_semaphore(%arg39 : memref<!tpu.dma_semaphore, #tpu.memory_space<semaphore_mem>>)
    %dma_start3A_110 = arith.constant 7 : i32
    %dma_start3A_111 = arith.constant 0 : i32
    %dma_start3A_112 = tpu.memref_slice %arg4[%add3A_5, %dma_start3A_110, %dma_start3A_111] : memref<32x160x64xi32, #tpu.memory_space<hbm>> -> memref<1x1x64xi32, #tpu.memory_space<hbm>>
    %dma_start3A_113 = tpu.memref_squeeze %dma_start3A_112 : memref<1x1x64xi32, #tpu.memory_space<hbm>> -> memref<64xi32, #tpu.memory_space<hbm>>
    %dma_start3A_114 = arith.constant 0 : i32
    %dma_start3A_115 = tpu.memref_slice %arg4[%add3A_5, %dma_start3A_110, %dma_start3A_114] : memref<32x160x64xi32, #tpu.memory_space<hbm>> -> memref<1x1x64xi32, #tpu.memory_space<hbm>>
    %dma_start3A_116 = tpu.memref_squeeze %dma_start3A_115 : memref<1x1x64xi32, #tpu.memory_space<hbm>> -> memref<64xi32, #tpu.memory_space<hbm>>
    tpu.enqueue_dma source(%dma_start3A_116 : memref<64xi32, #tpu.memory_space<hbm>>) target(%arg23 : memref<64xi32, #tpu.memory_space<vmem>>) target_semaphore(%arg39 : memref<!tpu.dma_semaphore, #tpu.memory_space<semaphore_mem>>)
    %dma_start3A_117 = arith.constant 8 : i32
    %dma_start3A_118 = arith.constant 0 : i32
    %dma_start3A_119 = tpu.memref_slice %arg3[%add3A_5, %dma_start3A_117, %dma_start3A_118] : memref<32x160x64xi32, #tpu.memory_space<hbm>> -> memref<1x1x64xi32, #tpu.memory_space<hbm>>
    %dma_start3A_120 = tpu.memref_squeeze %dma_start3A_119 : memref<1x1x64xi32, #tpu.memory_space<hbm>> -> memref<64xi32, #tpu.memory_space<hbm>>
    %dma_start3A_121 = arith.constant 0 : i32
    %dma_start3A_122 = tpu.memref_slice %arg3[%add3A_5, %dma_start3A_117, %dma_start3A_121] : memref<32x160x64xi32, #tpu.memory_space<hbm>> -> memref<1x1x64xi32, #tpu.memory_space<hbm>>
    %dma_start3A_123 = tpu.memref_squeeze %dma_start3A_122 : memref<1x1x64xi32, #tpu.memory_space<hbm>> -> memref<64xi32, #tpu.memory_space<hbm>>
    tpu.enqueue_dma source(%dma_start3A_123 : memref<64xi32, #tpu.memory_space<hbm>>) target(%arg14 : memref<64xi32, #tpu.memory_space<vmem>>) target_semaphore(%arg40 : memref<!tpu.dma_semaphore, #tpu.memory_space<semaphore_mem>>)
    %dma_start3A_124 = arith.constant 8 : i32
    %dma_start3A_125 = arith.constant 0 : i32
    %dma_start3A_126 = tpu.memref_slice %arg4[%add3A_5, %dma_start3A_124, %dma_start3A_125] : memref<32x160x64xi32, #tpu.memory_space<hbm>> -> memref<1x1x64xi32, #tpu.memory_space<hbm>>
    %dma_start3A_127 = tpu.memref_squeeze %dma_start3A_126 : memref<1x1x64xi32, #tpu.memory_space<hbm>> -> memref<64xi32, #tpu.memory_space<hbm>>
    %dma_start3A_128 = arith.constant 0 : i32
    %dma_start3A_129 = tpu.memref_slice %arg4[%add3A_5, %dma_start3A_124, %dma_start3A_128] : memref<32x160x64xi32, #tpu.memory_space<hbm>> -> memref<1x1x64xi32, #tpu.memory_space<hbm>>
    %dma_start3A_130 = tpu.memref_squeeze %dma_start3A_129 : memref<1x1x64xi32, #tpu.memory_space<hbm>> -> memref<64xi32, #tpu.memory_space<hbm>>
    tpu.enqueue_dma source(%dma_start3A_130 : memref<64xi32, #tpu.memory_space<hbm>>) target(%arg24 : memref<64xi32, #tpu.memory_space<vmem>>) target_semaphore(%arg40 : memref<!tpu.dma_semaphore, #tpu.memory_space<semaphore_mem>>)
    %dma_wait3A = arith.constant 0 : i32
    %dma_wait3A_131 = arith.constant 0 : i32
    %dma_wait3A_132 = tpu.memref_slice %arg3[%add3A_5, %dma_wait3A, %dma_wait3A_131] : memref<32x160x64xi32, #tpu.memory_space<hbm>> -> memref<1x1x64xi32, #tpu.memory_space<hbm>>
    %dma_wait3A_133 = tpu.memref_squeeze %dma_wait3A_132 : memref<1x1x64xi32, #tpu.memory_space<hbm>> -> memref<64xi32, #tpu.memory_space<hbm>>
    %dma_wait3A_134 = arith.constant 0 : i32
    %dma_wait3A_135 = tpu.memref_slice %arg3[%add3A_5, %dma_wait3A, %dma_wait3A_134] : memref<32x160x64xi32, #tpu.memory_space<hbm>> -> memref<1x1x64xi32, #tpu.memory_space<hbm>>
    %dma_wait3A_136 = tpu.memref_squeeze %dma_wait3A_135 : memref<1x1x64xi32, #tpu.memory_space<hbm>> -> memref<64xi32, #tpu.memory_space<hbm>>
    tpu.wait_dma2 semaphore(%arg32 : memref<!tpu.dma_semaphore, #tpu.memory_space<semaphore_mem>>) src(%dma_wait3A_136 : memref<64xi32, #tpu.memory_space<hbm>>) dst(%arg6 : memref<64xi32, #tpu.memory_space<vmem>>)
    %dma_wait3A_137 = arith.constant 0 : i32
    %dma_wait3A_138 = arith.constant 0 : i32
    %dma_wait3A_139 = tpu.memref_slice %arg4[%add3A_5, %dma_wait3A_137, %dma_wait3A_138] : memref<32x160x64xi32, #tpu.memory_space<hbm>> -> memref<1x1x64xi32, #tpu.memory_space<hbm>>
    %dma_wait3A_140 = tpu.memref_squeeze %dma_wait3A_139 : memref<1x1x64xi32, #tpu.memory_space<hbm>> -> memref<64xi32, #tpu.memory_space<hbm>>
    %dma_wait3A_141 = arith.constant 0 : i32
    %dma_wait3A_142 = tpu.memref_slice %arg4[%add3A_5, %dma_wait3A_137, %dma_wait3A_141] : memref<32x160x64xi32, #tpu.memory_space<hbm>> -> memref<1x1x64xi32, #tpu.memory_space<hbm>>
    %dma_wait3A_143 = tpu.memref_squeeze %dma_wait3A_142 : memref<1x1x64xi32, #tpu.memory_space<hbm>> -> memref<64xi32, #tpu.memory_space<hbm>>
    tpu.wait_dma2 semaphore(%arg32 : memref<!tpu.dma_semaphore, #tpu.memory_space<semaphore_mem>>) src(%dma_wait3A_143 : memref<64xi32, #tpu.memory_space<hbm>>) dst(%arg16 : memref<64xi32, #tpu.memory_space<vmem>>)
    %dma_start3A_144 = arith.constant 0 : i32
    %dma_start3A_145 = arith.constant 0 : i32
    %dma_start3A_146 = tpu.memref_slice %arg2[%dma_start3A_144, %dma_start3A_145] : memref<20480x128xf32, #tpu.memory_space<hbm>> -> memref<20480x128xf32, #tpu.memory_space<hbm>>
    tpu.enqueue_indirect_dma source(%dma_start3A_146 : memref<20480x128xf32, #tpu.memory_space<hbm>>) target(%arg26 : memref<64x128xf32, #tpu.memory_space<vmem>>) offsets(%arg6 : memref<64xi32, #tpu.memory_space<vmem>>) semaphore(%arg42 : memref<!tpu.dma_semaphore, #tpu.memory_space<semaphore_mem>>)
    %dma_wait3A_147 = arith.constant 0 : i32
    %dma_wait3A_148 = arith.constant 0 : i32
    %dma_wait3A_149 = tpu.memref_slice %arg3[%add3A_5, %dma_wait3A_147, %dma_wait3A_148] : memref<32x160x64xi32, #tpu.memory_space<hbm>> -> memref<1x1x64xi32, #tpu.memory_space<hbm>>
    %dma_wait3A_150 = tpu.memref_squeeze %dma_wait3A_149 : memref<1x1x64xi32, #tpu.memory_space<hbm>> -> memref<64xi32, #tpu.memory_space<hbm>>
    %dma_wait3A_151 = arith.constant 0 : i32
    %dma_wait3A_152 = tpu.memref_slice %arg3[%add3A_5, %dma_wait3A_147, %dma_wait3A_151] : memref<32x160x64xi32, #tpu.memory_space<hbm>> -> memref<1x1x64xi32, #tpu.memory_space<hbm>>
    %dma_wait3A_153 = tpu.memref_squeeze %dma_wait3A_152 : memref<1x1x64xi32, #tpu.memory_space<hbm>> -> memref<64xi32, #tpu.memory_space<hbm>>
    tpu.wait_dma2 semaphore(%arg33 : memref<!tpu.dma_semaphore, #tpu.memory_space<semaphore_mem>>) src(%dma_wait3A_153 : memref<64xi32, #tpu.memory_space<hbm>>) dst(%arg7 : memref<64xi32, #tpu.memory_space<vmem>>)
    %dma_wait3A_154 = arith.constant 0 : i32
    %dma_wait3A_155 = arith.constant 0 : i32
    %dma_wait3A_156 = tpu.memref_slice %arg4[%add3A_5, %dma_wait3A_154, %dma_wait3A_155] : memref<32x160x64xi32, #tpu.memory_space<hbm>> -> memref<1x1x64xi32, #tpu.memory_space<hbm>>
    %dma_wait3A_157 = tpu.memref_squeeze %dma_wait3A_156 : memref<1x1x64xi32, #tpu.memory_space<hbm>> -> memref<64xi32, #tpu.memory_space<hbm>>
    %dma_wait3A_158 = arith.constant 0 : i32
    %dma_wait3A_159 = tpu.memref_slice %arg4[%add3A_5, %dma_wait3A_154, %dma_wait3A_158] : memref<32x160x64xi32, #tpu.memory_space<hbm>> -> memref<1x1x64xi32, #tpu.memory_space<hbm>>
    %dma_wait3A_160 = tpu.memref_squeeze %dma_wait3A_159 : memref<1x1x64xi32, #tpu.memory_space<hbm>> -> memref<64xi32, #tpu.memory_space<hbm>>
    tpu.wait_dma2 semaphore(%arg33 : memref<!tpu.dma_semaphore, #tpu.memory_space<semaphore_mem>>) src(%dma_wait3A_160 : memref<64xi32, #tpu.memory_space<hbm>>) dst(%arg17 : memref<64xi32, #tpu.memory_space<vmem>>)
    %dma_start3A_161 = arith.constant 0 : i32
    %dma_start3A_162 = arith.constant 0 : i32
    %dma_start3A_163 = tpu.memref_slice %arg2[%dma_start3A_161, %dma_start3A_162] : memref<20480x128xf32, #tpu.memory_space<hbm>> -> memref<20480x128xf32, #tpu.memory_space<hbm>>
    tpu.enqueue_indirect_dma source(%dma_start3A_163 : memref<20480x128xf32, #tpu.memory_space<hbm>>) target(%arg27 : memref<64x128xf32, #tpu.memory_space<vmem>>) offsets(%arg7 : memref<64xi32, #tpu.memory_space<vmem>>) semaphore(%arg43 : memref<!tpu.dma_semaphore, #tpu.memory_space<semaphore_mem>>)
    %dma_wait3A_164 = arith.constant 0 : i32
    %dma_wait3A_165 = arith.constant 0 : i32
    %dma_wait3A_166 = tpu.memref_slice %arg3[%add3A_5, %dma_wait3A_164, %dma_wait3A_165] : memref<32x160x64xi32, #tpu.memory_space<hbm>> -> memref<1x1x64xi32, #tpu.memory_space<hbm>>
    %dma_wait3A_167 = tpu.memref_squeeze %dma_wait3A_166 : memref<1x1x64xi32, #tpu.memory_space<hbm>> -> memref<64xi32, #tpu.memory_space<hbm>>
    %dma_wait3A_168 = arith.constant 0 : i32
    %dma_wait3A_169 = tpu.memref_slice %arg3[%add3A_5, %dma_wait3A_164, %dma_wait3A_168] : memref<32x160x64xi32, #tpu.memory_space<hbm>> -> memref<1x1x64xi32, #tpu.memory_space<hbm>>
    %dma_wait3A_170 = tpu.memref_squeeze %dma_wait3A_169 : memref<1x1x64xi32, #tpu.memory_space<hbm>> -> memref<64xi32, #tpu.memory_space<hbm>>
    tpu.wait_dma2 semaphore(%arg34 : memref<!tpu.dma_semaphore, #tpu.memory_space<semaphore_mem>>) src(%dma_wait3A_170 : memref<64xi32, #tpu.memory_space<hbm>>) dst(%arg8 : memref<64xi32, #tpu.memory_space<vmem>>)
    %dma_wait3A_171 = arith.constant 0 : i32
    %dma_wait3A_172 = arith.constant 0 : i32
    %dma_wait3A_173 = tpu.memref_slice %arg4[%add3A_5, %dma_wait3A_171, %dma_wait3A_172] : memref<32x160x64xi32, #tpu.memory_space<hbm>> -> memref<1x1x64xi32, #tpu.memory_space<hbm>>
    %dma_wait3A_174 = tpu.memref_squeeze %dma_wait3A_173 : memref<1x1x64xi32, #tpu.memory_space<hbm>> -> memref<64xi32, #tpu.memory_space<hbm>>
    %dma_wait3A_175 = arith.constant 0 : i32
    %dma_wait3A_176 = tpu.memref_slice %arg4[%add3A_5, %dma_wait3A_171, %dma_wait3A_175] : memref<32x160x64xi32, #tpu.memory_space<hbm>> -> memref<1x1x64xi32, #tpu.memory_space<hbm>>
    %dma_wait3A_177 = tpu.memref_squeeze %dma_wait3A_176 : memref<1x1x64xi32, #tpu.memory_space<hbm>> -> memref<64xi32, #tpu.memory_space<hbm>>
    tpu.wait_dma2 semaphore(%arg34 : memref<!tpu.dma_semaphore, #tpu.memory_space<semaphore_mem>>) src(%dma_wait3A_177 : memref<64xi32, #tpu.memory_space<hbm>>) dst(%arg18 : memref<64xi32, #tpu.memory_space<vmem>>)
    %dma_start3A_178 = arith.constant 0 : i32
    %dma_start3A_179 = arith.constant 0 : i32
    %dma_start3A_180 = tpu.memref_slice %arg2[%dma_start3A_178, %dma_start3A_179] : memref<20480x128xf32, #tpu.memory_space<hbm>> -> memref<20480x128xf32, #tpu.memory_space<hbm>>
    tpu.enqueue_indirect_dma source(%dma_start3A_180 : memref<20480x128xf32, #tpu.memory_space<hbm>>) target(%arg28 : memref<64x128xf32, #tpu.memory_space<vmem>>) offsets(%arg8 : memref<64xi32, #tpu.memory_space<vmem>>) semaphore(%arg44 : memref<!tpu.dma_semaphore, #tpu.memory_space<semaphore_mem>>)
    %dma_wait3A_181 = arith.constant 0 : i32
    %dma_wait3A_182 = arith.constant 0 : i32
    %dma_wait3A_183 = tpu.memref_slice %arg3[%add3A_5, %dma_wait3A_181, %dma_wait3A_182] : memref<32x160x64xi32, #tpu.memory_space<hbm>> -> memref<1x1x64xi32, #tpu.memory_space<hbm>>
    %dma_wait3A_184 = tpu.memref_squeeze %dma_wait3A_183 : memref<1x1x64xi32, #tpu.memory_space<hbm>> -> memref<64xi32, #tpu.memory_space<hbm>>
    %dma_wait3A_185 = arith.constant 0 : i32
    %dma_wait3A_186 = tpu.memref_slice %arg3[%add3A_5, %dma_wait3A_181, %dma_wait3A_185] : memref<32x160x64xi32, #tpu.memory_space<hbm>> -> memref<1x1x64xi32, #tpu.memory_space<hbm>>
    %dma_wait3A_187 = tpu.memref_squeeze %dma_wait3A_186 : memref<1x1x64xi32, #tpu.memory_space<hbm>> -> memref<64xi32, #tpu.memory_space<hbm>>
    tpu.wait_dma2 semaphore(%arg35 : memref<!tpu.dma_semaphore, #tpu.memory_space<semaphore_mem>>) src(%dma_wait3A_187 : memref<64xi32, #tpu.memory_space<hbm>>) dst(%arg9 : memref<64xi32, #tpu.memory_space<vmem>>)
    %dma_wait3A_188 = arith.constant 0 : i32
    %dma_wait3A_189 = arith.constant 0 : i32
    %dma_wait3A_190 = tpu.memref_slice %arg4[%add3A_5, %dma_wait3A_188, %dma_wait3A_189] : memref<32x160x64xi32, #tpu.memory_space<hbm>> -> memref<1x1x64xi32, #tpu.memory_space<hbm>>
    %dma_wait3A_191 = tpu.memref_squeeze %dma_wait3A_190 : memref<1x1x64xi32, #tpu.memory_space<hbm>> -> memref<64xi32, #tpu.memory_space<hbm>>
    %dma_wait3A_192 = arith.constant 0 : i32
    %dma_wait3A_193 = tpu.memref_slice %arg4[%add3A_5, %dma_wait3A_188, %dma_wait3A_192] : memref<32x160x64xi32, #tpu.memory_space<hbm>> -> memref<1x1x64xi32, #tpu.memory_space<hbm>>
    %dma_wait3A_194 = tpu.memref_squeeze %dma_wait3A_193 : memref<1x1x64xi32, #tpu.memory_space<hbm>> -> memref<64xi32, #tpu.memory_space<hbm>>
    tpu.wait_dma2 semaphore(%arg35 : memref<!tpu.dma_semaphore, #tpu.memory_space<semaphore_mem>>) src(%dma_wait3A_194 : memref<64xi32, #tpu.memory_space<hbm>>) dst(%arg19 : memref<64xi32, #tpu.memory_space<vmem>>)
    %dma_start3A_195 = arith.constant 0 : i32
    %dma_start3A_196 = arith.constant 0 : i32
    %dma_start3A_197 = tpu.memref_slice %arg2[%dma_start3A_195, %dma_start3A_196] : memref<20480x128xf32, #tpu.memory_space<hbm>> -> memref<20480x128xf32, #tpu.memory_space<hbm>>
    tpu.enqueue_indirect_dma source(%dma_start3A_197 : memref<20480x128xf32, #tpu.memory_space<hbm>>) target(%arg29 : memref<64x128xf32, #tpu.memory_space<vmem>>) offsets(%arg9 : memref<64xi32, #tpu.memory_space<vmem>>) semaphore(%arg45 : memref<!tpu.dma_semaphore, #tpu.memory_space<semaphore_mem>>)
    %scan3A = arith.constant 0 : i32
    %scan3A_198 = arith.constant 16 : i32
    %scan3A_199 = arith.addi %scan3A, %scan3A_198 : i32
    %scan3A_200 = arith.constant 1 : i32
    scf.for %scan3A_206 = %scan3A to %scan3A_199 step %scan3A_200  : i32 {
      %mul3A_207 = arith.constant 1 : i32
      %mul3A_208 = arith.muli %scan3A_206, %mul3A_207 : i32
      %add3A_209 = arith.constant 0 : i32
      %add3A_210 = arith.addi %add3A_209, %mul3A_208 : i32
      %dma_wait3A_211 = arith.constant 0 : i32
      %dma_wait3A_212 = arith.constant 0 : i32
      %dma_wait3A_213 = tpu.memref_slice %arg2[%dma_wait3A_211, %dma_wait3A_212] : memref<20480x128xf32, #tpu.memory_space<hbm>> -> memref<20480x128xf32, #tpu.memory_space<hbm>>
      tpu.wait_indirect_dma semaphore(%arg42 : memref<!tpu.dma_semaphore, #tpu.memory_space<semaphore_mem>>) src(%dma_wait3A_213 : memref<20480x128xf32, #tpu.memory_space<hbm>>) dst(%arg26 : memref<64x128xf32, #tpu.memory_space<vmem>>)
      %dma_start3A_214 = arith.constant 0 : i32
      %dma_start3A_215 = arith.constant 0 : i32
      %dma_start3A_216 = tpu.memref_slice %arg31[%dma_start3A_214, %dma_start3A_215] : memref<10240x128xf32, #tpu.memory_space<vmem_shared>> -> memref<10240x128xf32, #tpu.memory_space<vmem_shared>>
      tpu.enqueue_indirect_dma source(%arg26 : memref<64x128xf32, #tpu.memory_space<vmem>>) target(%dma_start3A_216 : memref<10240x128xf32, #tpu.memory_space<vmem_shared>>) offsets(%arg16 : memref<64xi32, #tpu.memory_space<vmem>>) semaphore(%arg47 : memref<!tpu.dma_semaphore, #tpu.memory_space<semaphore_mem>>) {add = true}
      %gt3A = arith.constant 0 : i32
      %gt3A_217 = arith.cmpi sgt, %add3A_210, %gt3A : i32
      %convert_element_type3A = arith.extui %gt3A_217 : i1 to i32
      %cond3A = arith.constant 0 : i32
      %cond3A_218 = arith.cmpi ne, %convert_element_type3A, %cond3A : i32
      scf.if %cond3A_218 {
        %dma_wait3A_483 = arith.constant 0 : i32
        %dma_wait3A_484 = arith.constant 0 : i32
        %dma_wait3A_485 = tpu.memref_slice %arg31[%dma_wait3A_483, %dma_wait3A_484] : memref<10240x128xf32, #tpu.memory_space<vmem_shared>> -> memref<10240x128xf32, #tpu.memory_space<vmem_shared>>
        tpu.wait_indirect_dma semaphore(%arg51 : memref<!tpu.dma_semaphore, #tpu.memory_space<semaphore_mem>>) src(%arg30 : memref<64x128xf32, #tpu.memory_space<vmem>>) dst(%dma_wait3A_485 : memref<10240x128xf32, #tpu.memory_space<vmem_shared>>)
      } else {
      }
      %mul3A_219 = arith.constant 10 : i32
      %mul3A_220 = arith.muli %mul3A_219, %add3A_210 : i32
      %add3A_221 = arith.constant 10 : i32
      %add3A_222 = arith.addi %mul3A_220, %add3A_221 : i32
      %sub3A = arith.constant 1 : i32
      %sub3A_223 = arith.subi %add3A_222, %sub3A : i32
      %dma_start3A_224 = arith.constant 0 : i32
      %dma_start3A_225 = tpu.memref_slice %arg3[%add3A_5, %sub3A_223, %dma_start3A_224] : memref<32x160x64xi32, #tpu.memory_space<hbm>> -> memref<1x1x64xi32, #tpu.memory_space<hbm>>
      %dma_start3A_226 = tpu.memref_squeeze %dma_start3A_225 : memref<1x1x64xi32, #tpu.memory_space<hbm>> -> memref<64xi32, #tpu.memory_space<hbm>>
      %dma_start3A_227 = arith.constant 0 : i32
      %dma_start3A_228 = tpu.memref_slice %arg3[%add3A_5, %sub3A_223, %dma_start3A_227] : memref<32x160x64xi32, #tpu.memory_space<hbm>> -> memref<1x1x64xi32, #tpu.memory_space<hbm>>
      %dma_start3A_229 = tpu.memref_squeeze %dma_start3A_228 : memref<1x1x64xi32, #tpu.memory_space<hbm>> -> memref<64xi32, #tpu.memory_space<hbm>>
      tpu.enqueue_dma source(%dma_start3A_229 : memref<64xi32, #tpu.memory_space<hbm>>) target(%arg15 : memref<64xi32, #tpu.memory_space<vmem>>) target_semaphore(%arg41 : memref<!tpu.dma_semaphore, #tpu.memory_space<semaphore_mem>>)
      %dma_start3A_230 = arith.constant 0 : i32
      %dma_start3A_231 = tpu.memref_slice %arg4[%add3A_5, %sub3A_223, %dma_start3A_230] : memref<32x160x64xi32, #tpu.memory_space<hbm>> -> memref<1x1x64xi32, #tpu.memory_space<hbm>>
      %dma_start3A_232 = tpu.memref_squeeze %dma_start3A_231 : memref<1x1x64xi32, #tpu.memory_space<hbm>> -> memref<64xi32, #tpu.memory_space<hbm>>
      %dma_start3A_233 = arith.constant 0 : i32
      %dma_start3A_234 = tpu.memref_slice %arg4[%add3A_5, %sub3A_223, %dma_start3A_233] : memref<32x160x64xi32, #tpu.memory_space<hbm>> -> memref<1x1x64xi32, #tpu.memory_space<hbm>>
      %dma_start3A_235 = tpu.memref_squeeze %dma_start3A_234 : memref<1x1x64xi32, #tpu.memory_space<hbm>> -> memref<64xi32, #tpu.memory_space<hbm>>
      tpu.enqueue_dma source(%dma_start3A_235 : memref<64xi32, #tpu.memory_space<hbm>>) target(%arg25 : memref<64xi32, #tpu.memory_space<vmem>>) target_semaphore(%arg41 : memref<!tpu.dma_semaphore, #tpu.memory_space<semaphore_mem>>)
      %dma_wait3A_236 = arith.constant 0 : i32
      %dma_wait3A_237 = arith.constant 0 : i32
      %dma_wait3A_238 = tpu.memref_slice %arg3[%add3A_5, %dma_wait3A_236, %dma_wait3A_237] : memref<32x160x64xi32, #tpu.memory_space<hbm>> -> memref<1x1x64xi32, #tpu.memory_space<hbm>>
      %dma_wait3A_239 = tpu.memref_squeeze %dma_wait3A_238 : memref<1x1x64xi32, #tpu.memory_space<hbm>> -> memref<64xi32, #tpu.memory_space<hbm>>
      %dma_wait3A_240 = arith.constant 0 : i32
      %dma_wait3A_241 = tpu.memref_slice %arg3[%add3A_5, %dma_wait3A_236, %dma_wait3A_240] : memref<32x160x64xi32, #tpu.memory_space<hbm>> -> memref<1x1x64xi32, #tpu.memory_space<hbm>>
      %dma_wait3A_242 = tpu.memref_squeeze %dma_wait3A_241 : memref<1x1x64xi32, #tpu.memory_space<hbm>> -> memref<64xi32, #tpu.memory_space<hbm>>
      tpu.wait_dma2 semaphore(%arg36 : memref<!tpu.dma_semaphore, #tpu.memory_space<semaphore_mem>>) src(%dma_wait3A_242 : memref<64xi32, #tpu.memory_space<hbm>>) dst(%arg10 : memref<64xi32, #tpu.memory_space<vmem>>)
      %dma_wait3A_243 = arith.constant 0 : i32
      %dma_wait3A_244 = arith.constant 0 : i32
      %dma_wait3A_245 = tpu.memref_slice %arg4[%add3A_5, %dma_wait3A_243, %dma_wait3A_244] : memref<32x160x64xi32, #tpu.memory_space<hbm>> -> memref<1x1x64xi32, #tpu.memory_space<hbm>>
      %dma_wait3A_246 = tpu.memref_squeeze %dma_wait3A_245 : memref<1x1x64xi32, #tpu.memory_space<hbm>> -> memref<64xi32, #tpu.memory_space<hbm>>
      %dma_wait3A_247 = arith.constant 0 : i32
      %dma_wait3A_248 = tpu.memref_slice %arg4[%add3A_5, %dma_wait3A_243, %dma_wait3A_247] : memref<32x160x64xi32, #tpu.memory_space<hbm>> -> memref<1x1x64xi32, #tpu.memory_space<hbm>>
      %dma_wait3A_249 = tpu.memref_squeeze %dma_wait3A_248 : memref<1x1x64xi32, #tpu.memory_space<hbm>> -> memref<64xi32, #tpu.memory_space<hbm>>
      tpu.wait_dma2 semaphore(%arg36 : memref<!tpu.dma_semaphore, #tpu.memory_space<semaphore_mem>>) src(%dma_wait3A_249 : memref<64xi32, #tpu.memory_space<hbm>>) dst(%arg20 : memref<64xi32, #tpu.memory_space<vmem>>)
      %dma_start3A_250 = arith.constant 0 : i32
      %dma_start3A_251 = arith.constant 0 : i32
      %dma_start3A_252 = tpu.memref_slice %arg2[%dma_start3A_250, %dma_start3A_251] : memref<20480x128xf32, #tpu.memory_space<hbm>> -> memref<20480x128xf32, #tpu.memory_space<hbm>>
      tpu.enqueue_indirect_dma source(%dma_start3A_252 : memref<20480x128xf32, #tpu.memory_space<hbm>>) target(%arg30 : memref<64x128xf32, #tpu.memory_space<vmem>>) offsets(%arg10 : memref<64xi32, #tpu.memory_space<vmem>>) semaphore(%arg46 : memref<!tpu.dma_semaphore, #tpu.memory_space<semaphore_mem>>)
      %dma_wait3A_253 = arith.constant 0 : i32
      %dma_wait3A_254 = arith.constant 0 : i32
      %dma_wait3A_255 = tpu.memref_slice %arg2[%dma_wait3A_253, %dma_wait3A_254] : memref<20480x128xf32, #tpu.memory_space<hbm>> -> memref<20480x128xf32, #tpu.memory_space<hbm>>
      tpu.wait_indirect_dma semaphore(%arg43 : memref<!tpu.dma_semaphore, #tpu.memory_space<semaphore_mem>>) src(%dma_wait3A_255 : memref<20480x128xf32, #tpu.memory_space<hbm>>) dst(%arg27 : memref<64x128xf32, #tpu.memory_space<vmem>>)
      %dma_start3A_256 = arith.constant 0 : i32
      %dma_start3A_257 = arith.constant 0 : i32
      %dma_start3A_258 = tpu.memref_slice %arg31[%dma_start3A_256, %dma_start3A_257] : memref<10240x128xf32, #tpu.memory_space<vmem_shared>> -> memref<10240x128xf32, #tpu.memory_space<vmem_shared>>
      tpu.enqueue_indirect_dma source(%arg27 : memref<64x128xf32, #tpu.memory_space<vmem>>) target(%dma_start3A_258 : memref<10240x128xf32, #tpu.memory_space<vmem_shared>>) offsets(%arg17 : memref<64xi32, #tpu.memory_space<vmem>>) semaphore(%arg48 : memref<!tpu.dma_semaphore, #tpu.memory_space<semaphore_mem>>) {add = true}
      %dma_wait3A_259 = arith.constant 0 : i32
      %dma_wait3A_260 = arith.constant 0 : i32
      %dma_wait3A_261 = tpu.memref_slice %arg31[%dma_wait3A_259, %dma_wait3A_260] : memref<10240x128xf32, #tpu.memory_space<vmem_shared>> -> memref<10240x128xf32, #tpu.memory_space<vmem_shared>>
      tpu.wait_indirect_dma semaphore(%arg47 : memref<!tpu.dma_semaphore, #tpu.memory_space<semaphore_mem>>) src(%arg26 : memref<64x128xf32, #tpu.memory_space<vmem>>) dst(%dma_wait3A_261 : memref<10240x128xf32, #tpu.memory_space<vmem_shared>>)
      %lt3A = arith.constant 15 : i32
      %lt3A_262 = arith.cmpi slt, %add3A_210, %lt3A : i32
      %convert_element_type3A_263 = arith.extui %lt3A_262 : i1 to i32
      %cond3A_264 = arith.constant 0 : i32
      %cond3A_265 = arith.cmpi ne, %convert_element_type3A_263, %cond3A_264 : i32
      scf.if %cond3A_265 {
        %mul3A_483 = arith.constant 10 : i32
        %mul3A_484 = arith.muli %mul3A_483, %add3A_210 : i32
        %add3A_485 = arith.constant 1 : i32
        %add3A_486 = arith.addi %mul3A_484, %add3A_485 : i32
        %add3A_487 = arith.constant 10 : i32
        %add3A_488 = arith.addi %add3A_486, %add3A_487 : i32
        %sub3A_489 = arith.constant 1 : i32
        %sub3A_490 = arith.subi %add3A_488, %sub3A_489 : i32
        %dma_start3A_491 = arith.constant 0 : i32
        %dma_start3A_492 = tpu.memref_slice %arg3[%add3A_5, %sub3A_490, %dma_start3A_491] : memref<32x160x64xi32, #tpu.memory_space<hbm>> -> memref<1x1x64xi32, #tpu.memory_space<hbm>>
        %dma_start3A_493 = tpu.memref_squeeze %dma_start3A_492 : memref<1x1x64xi32, #tpu.memory_space<hbm>> -> memref<64xi32, #tpu.memory_space<hbm>>
        %dma_start3A_494 = arith.constant 0 : i32
        %dma_start3A_495 = tpu.memref_slice %arg3[%add3A_5, %sub3A_490, %dma_start3A_494] : memref<32x160x64xi32, #tpu.memory_space<hbm>> -> memref<1x1x64xi32, #tpu.memory_space<hbm>>
        %dma_start3A_496 = tpu.memref_squeeze %dma_start3A_495 : memref<1x1x64xi32, #tpu.memory_space<hbm>> -> memref<64xi32, #tpu.memory_space<hbm>>
        tpu.enqueue_dma source(%dma_start3A_496 : memref<64xi32, #tpu.memory_space<hbm>>) target(%arg6 : memref<64xi32, #tpu.memory_space<vmem>>) target_semaphore(%arg32 : memref<!tpu.dma_semaphore, #tpu.memory_space<semaphore_mem>>)
        %dma_start3A_497 = arith.constant 0 : i32
        %dma_start3A_498 = tpu.memref_slice %arg4[%add3A_5, %sub3A_490, %dma_start3A_497] : memref<32x160x64xi32, #tpu.memory_space<hbm>> -> memref<1x1x64xi32, #tpu.memory_space<hbm>>
        %dma_start3A_499 = tpu.memref_squeeze %dma_start3A_498 : memref<1x1x64xi32, #tpu.memory_space<hbm>> -> memref<64xi32, #tpu.memory_space<hbm>>
        %dma_start3A_500 = arith.constant 0 : i32
        %dma_start3A_501 = tpu.memref_slice %arg4[%add3A_5, %sub3A_490, %dma_start3A_500] : memref<32x160x64xi32, #tpu.memory_space<hbm>> -> memref<1x1x64xi32, #tpu.memory_space<hbm>>
        %dma_start3A_502 = tpu.memref_squeeze %dma_start3A_501 : memref<1x1x64xi32, #tpu.memory_space<hbm>> -> memref<64xi32, #tpu.memory_space<hbm>>
        tpu.enqueue_dma source(%dma_start3A_502 : memref<64xi32, #tpu.memory_space<hbm>>) target(%arg16 : memref<64xi32, #tpu.memory_space<vmem>>) target_semaphore(%arg32 : memref<!tpu.dma_semaphore, #tpu.memory_space<semaphore_mem>>)
      } else {
      }
      %dma_wait3A_266 = arith.constant 0 : i32
      %dma_wait3A_267 = arith.constant 0 : i32
      %dma_wait3A_268 = tpu.memref_slice %arg3[%add3A_5, %dma_wait3A_266, %dma_wait3A_267] : memref<32x160x64xi32, #tpu.memory_space<hbm>> -> memref<1x1x64xi32, #tpu.memory_space<hbm>>
      %dma_wait3A_269 = tpu.memref_squeeze %dma_wait3A_268 : memref<1x1x64xi32, #tpu.memory_space<hbm>> -> memref<64xi32, #tpu.memory_space<hbm>>
      %dma_wait3A_270 = arith.constant 0 : i32
      %dma_wait3A_271 = tpu.memref_slice %arg3[%add3A_5, %dma_wait3A_266, %dma_wait3A_270] : memref<32x160x64xi32, #tpu.memory_space<hbm>> -> memref<1x1x64xi32, #tpu.memory_space<hbm>>
      %dma_wait3A_272 = tpu.memref_squeeze %dma_wait3A_271 : memref<1x1x64xi32, #tpu.memory_space<hbm>> -> memref<64xi32, #tpu.memory_space<hbm>>
      tpu.wait_dma2 semaphore(%arg37 : memref<!tpu.dma_semaphore, #tpu.memory_space<semaphore_mem>>) src(%dma_wait3A_272 : memref<64xi32, #tpu.memory_space<hbm>>) dst(%arg11 : memref<64xi32, #tpu.memory_space<vmem>>)
      %dma_wait3A_273 = arith.constant 0 : i32
      %dma_wait3A_274 = arith.constant 0 : i32
      %dma_wait3A_275 = tpu.memref_slice %arg4[%add3A_5, %dma_wait3A_273, %dma_wait3A_274] : memref<32x160x64xi32, #tpu.memory_space<hbm>> -> memref<1x1x64xi32, #tpu.memory_space<hbm>>
      %dma_wait3A_276 = tpu.memref_squeeze %dma_wait3A_275 : memref<1x1x64xi32, #tpu.memory_space<hbm>> -> memref<64xi32, #tpu.memory_space<hbm>>
      %dma_wait3A_277 = arith.constant 0 : i32
      %dma_wait3A_278 = tpu.memref_slice %arg4[%add3A_5, %dma_wait3A_273, %dma_wait3A_277] : memref<32x160x64xi32, #tpu.memory_space<hbm>> -> memref<1x1x64xi32, #tpu.memory_space<hbm>>
      %dma_wait3A_279 = tpu.memref_squeeze %dma_wait3A_278 : memref<1x1x64xi32, #tpu.memory_space<hbm>> -> memref<64xi32, #tpu.memory_space<hbm>>
      tpu.wait_dma2 semaphore(%arg37 : memref<!tpu.dma_semaphore, #tpu.memory_space<semaphore_mem>>) src(%dma_wait3A_279 : memref<64xi32, #tpu.memory_space<hbm>>) dst(%arg21 : memref<64xi32, #tpu.memory_space<vmem>>)
      %dma_start3A_280 = arith.constant 0 : i32
      %dma_start3A_281 = arith.constant 0 : i32
      %dma_start3A_282 = tpu.memref_slice %arg2[%dma_start3A_280, %dma_start3A_281] : memref<20480x128xf32, #tpu.memory_space<hbm>> -> memref<20480x128xf32, #tpu.memory_space<hbm>>
      tpu.enqueue_indirect_dma source(%dma_start3A_282 : memref<20480x128xf32, #tpu.memory_space<hbm>>) target(%arg26 : memref<64x128xf32, #tpu.memory_space<vmem>>) offsets(%arg11 : memref<64xi32, #tpu.memory_space<vmem>>) semaphore(%arg42 : memref<!tpu.dma_semaphore, #tpu.memory_space<semaphore_mem>>)
      %dma_wait3A_283 = arith.constant 0 : i32
      %dma_wait3A_284 = arith.constant 0 : i32
      %dma_wait3A_285 = tpu.memref_slice %arg2[%dma_wait3A_283, %dma_wait3A_284] : memref<20480x128xf32, #tpu.memory_space<hbm>> -> memref<20480x128xf32, #tpu.memory_space<hbm>>
      tpu.wait_indirect_dma semaphore(%arg44 : memref<!tpu.dma_semaphore, #tpu.memory_space<semaphore_mem>>) src(%dma_wait3A_285 : memref<20480x128xf32, #tpu.memory_space<hbm>>) dst(%arg28 : memref<64x128xf32, #tpu.memory_space<vmem>>)
      %dma_start3A_286 = arith.constant 0 : i32
      %dma_start3A_287 = arith.constant 0 : i32
      %dma_start3A_288 = tpu.memref_slice %arg31[%dma_start3A_286, %dma_start3A_287] : memref<10240x128xf32, #tpu.memory_space<vmem_shared>> -> memref<10240x128xf32, #tpu.memory_space<vmem_shared>>
      tpu.enqueue_indirect_dma source(%arg28 : memref<64x128xf32, #tpu.memory_space<vmem>>) target(%dma_start3A_288 : memref<10240x128xf32, #tpu.memory_space<vmem_shared>>) offsets(%arg18 : memref<64xi32, #tpu.memory_space<vmem>>) semaphore(%arg49 : memref<!tpu.dma_semaphore, #tpu.memory_space<semaphore_mem>>) {add = true}
      %dma_wait3A_289 = arith.constant 0 : i32
      %dma_wait3A_290 = arith.constant 0 : i32
      %dma_wait3A_291 = tpu.memref_slice %arg31[%dma_wait3A_289, %dma_wait3A_290] : memref<10240x128xf32, #tpu.memory_space<vmem_shared>> -> memref<10240x128xf32, #tpu.memory_space<vmem_shared>>
      tpu.wait_indirect_dma semaphore(%arg48 : memref<!tpu.dma_semaphore, #tpu.memory_space<semaphore_mem>>) src(%arg27 : memref<64x128xf32, #tpu.memory_space<vmem>>) dst(%dma_wait3A_291 : memref<10240x128xf32, #tpu.memory_space<vmem_shared>>)
      %lt3A_292 = arith.constant 15 : i32
      %lt3A_293 = arith.cmpi slt, %add3A_210, %lt3A_292 : i32
      %convert_element_type3A_294 = arith.extui %lt3A_293 : i1 to i32
      %cond3A_295 = arith.constant 0 : i32
      %cond3A_296 = arith.cmpi ne, %convert_element_type3A_294, %cond3A_295 : i32
      scf.if %cond3A_296 {
        %mul3A_483 = arith.constant 10 : i32
        %mul3A_484 = arith.muli %mul3A_483, %add3A_210 : i32
        %add3A_485 = arith.constant 2 : i32
        %add3A_486 = arith.addi %mul3A_484, %add3A_485 : i32
        %add3A_487 = arith.constant 10 : i32
        %add3A_488 = arith.addi %add3A_486, %add3A_487 : i32
        %sub3A_489 = arith.constant 1 : i32
        %sub3A_490 = arith.subi %add3A_488, %sub3A_489 : i32
        %dma_start3A_491 = arith.constant 0 : i32
        %dma_start3A_492 = tpu.memref_slice %arg3[%add3A_5, %sub3A_490, %dma_start3A_491] : memref<32x160x64xi32, #tpu.memory_space<hbm>> -> memref<1x1x64xi32, #tpu.memory_space<hbm>>
        %dma_start3A_493 = tpu.memref_squeeze %dma_start3A_492 : memref<1x1x64xi32, #tpu.memory_space<hbm>> -> memref<64xi32, #tpu.memory_space<hbm>>
        %dma_start3A_494 = arith.constant 0 : i32
        %dma_start3A_495 = tpu.memref_slice %arg3[%add3A_5, %sub3A_490, %dma_start3A_494] : memref<32x160x64xi32, #tpu.memory_space<hbm>> -> memref<1x1x64xi32, #tpu.memory_space<hbm>>
        %dma_start3A_496 = tpu.memref_squeeze %dma_start3A_495 : memref<1x1x64xi32, #tpu.memory_space<hbm>> -> memref<64xi32, #tpu.memory_space<hbm>>
        tpu.enqueue_dma source(%dma_start3A_496 : memref<64xi32, #tpu.memory_space<hbm>>) target(%arg7 : memref<64xi32, #tpu.memory_space<vmem>>) target_semaphore(%arg33 : memref<!tpu.dma_semaphore, #tpu.memory_space<semaphore_mem>>)
        %dma_start3A_497 = arith.constant 0 : i32
        %dma_start3A_498 = tpu.memref_slice %arg4[%add3A_5, %sub3A_490, %dma_start3A_497] : memref<32x160x64xi32, #tpu.memory_space<hbm>> -> memref<1x1x64xi32, #tpu.memory_space<hbm>>
        %dma_start3A_499 = tpu.memref_squeeze %dma_start3A_498 : memref<1x1x64xi32, #tpu.memory_space<hbm>> -> memref<64xi32, #tpu.memory_space<hbm>>
        %dma_start3A_500 = arith.constant 0 : i32
        %dma_start3A_501 = tpu.memref_slice %arg4[%add3A_5, %sub3A_490, %dma_start3A_500] : memref<32x160x64xi32, #tpu.memory_space<hbm>> -> memref<1x1x64xi32, #tpu.memory_space<hbm>>
        %dma_start3A_502 = tpu.memref_squeeze %dma_start3A_501 : memref<1x1x64xi32, #tpu.memory_space<hbm>> -> memref<64xi32, #tpu.memory_space<hbm>>
        tpu.enqueue_dma source(%dma_start3A_502 : memref<64xi32, #tpu.memory_space<hbm>>) target(%arg17 : memref<64xi32, #tpu.memory_space<vmem>>) target_semaphore(%arg33 : memref<!tpu.dma_semaphore, #tpu.memory_space<semaphore_mem>>)
      } else {
      }
      %dma_wait3A_297 = arith.constant 0 : i32
      %dma_wait3A_298 = arith.constant 0 : i32
      %dma_wait3A_299 = tpu.memref_slice %arg3[%add3A_5, %dma_wait3A_297, %dma_wait3A_298] : memref<32x160x64xi32, #tpu.memory_space<hbm>> -> memref<1x1x64xi32, #tpu.memory_space<hbm>>
      %dma_wait3A_300 = tpu.memref_squeeze %dma_wait3A_299 : memref<1x1x64xi32, #tpu.memory_space<hbm>> -> memref<64xi32, #tpu.memory_space<hbm>>
      %dma_wait3A_301 = arith.constant 0 : i32
      %dma_wait3A_302 = tpu.memref_slice %arg3[%add3A_5, %dma_wait3A_297, %dma_wait3A_301] : memref<32x160x64xi32, #tpu.memory_space<hbm>> -> memref<1x1x64xi32, #tpu.memory_space<hbm>>
      %dma_wait3A_303 = tpu.memref_squeeze %dma_wait3A_302 : memref<1x1x64xi32, #tpu.memory_space<hbm>> -> memref<64xi32, #tpu.memory_space<hbm>>
      tpu.wait_dma2 semaphore(%arg38 : memref<!tpu.dma_semaphore, #tpu.memory_space<semaphore_mem>>) src(%dma_wait3A_303 : memref<64xi32, #tpu.memory_space<hbm>>) dst(%arg12 : memref<64xi32, #tpu.memory_space<vmem>>)
      %dma_wait3A_304 = arith.constant 0 : i32
      %dma_wait3A_305 = arith.constant 0 : i32
      %dma_wait3A_306 = tpu.memref_slice %arg4[%add3A_5, %dma_wait3A_304, %dma_wait3A_305] : memref<32x160x64xi32, #tpu.memory_space<hbm>> -> memref<1x1x64xi32, #tpu.memory_space<hbm>>
      %dma_wait3A_307 = tpu.memref_squeeze %dma_wait3A_306 : memref<1x1x64xi32, #tpu.memory_space<hbm>> -> memref<64xi32, #tpu.memory_space<hbm>>
      %dma_wait3A_308 = arith.constant 0 : i32
      %dma_wait3A_309 = tpu.memref_slice %arg4[%add3A_5, %dma_wait3A_304, %dma_wait3A_308] : memref<32x160x64xi32, #tpu.memory_space<hbm>> -> memref<1x1x64xi32, #tpu.memory_space<hbm>>
      %dma_wait3A_310 = tpu.memref_squeeze %dma_wait3A_309 : memref<1x1x64xi32, #tpu.memory_space<hbm>> -> memref<64xi32, #tpu.memory_space<hbm>>
      tpu.wait_dma2 semaphore(%arg38 : memref<!tpu.dma_semaphore, #tpu.memory_space<semaphore_mem>>) src(%dma_wait3A_310 : memref<64xi32, #tpu.memory_space<hbm>>) dst(%arg22 : memref<64xi32, #tpu.memory_space<vmem>>)
      %dma_start3A_311 = arith.constant 0 : i32
      %dma_start3A_312 = arith.constant 0 : i32
      %dma_start3A_313 = tpu.memref_slice %arg2[%dma_start3A_311, %dma_start3A_312] : memref<20480x128xf32, #tpu.memory_space<hbm>> -> memref<20480x128xf32, #tpu.memory_space<hbm>>
      tpu.enqueue_indirect_dma source(%dma_start3A_313 : memref<20480x128xf32, #tpu.memory_space<hbm>>) target(%arg27 : memref<64x128xf32, #tpu.memory_space<vmem>>) offsets(%arg12 : memref<64xi32, #tpu.memory_space<vmem>>) semaphore(%arg43 : memref<!tpu.dma_semaphore, #tpu.memory_space<semaphore_mem>>)
      %dma_wait3A_314 = arith.constant 0 : i32
      %dma_wait3A_315 = arith.constant 0 : i32
      %dma_wait3A_316 = tpu.memref_slice %arg2[%dma_wait3A_314, %dma_wait3A_315] : memref<20480x128xf32, #tpu.memory_space<hbm>> -> memref<20480x128xf32, #tpu.memory_space<hbm>>
      tpu.wait_indirect_dma semaphore(%arg45 : memref<!tpu.dma_semaphore, #tpu.memory_space<semaphore_mem>>) src(%dma_wait3A_316 : memref<20480x128xf32, #tpu.memory_space<hbm>>) dst(%arg29 : memref<64x128xf32, #tpu.memory_space<vmem>>)
      %dma_start3A_317 = arith.constant 0 : i32
      %dma_start3A_318 = arith.constant 0 : i32
      %dma_start3A_319 = tpu.memref_slice %arg31[%dma_start3A_317, %dma_start3A_318] : memref<10240x128xf32, #tpu.memory_space<vmem_shared>> -> memref<10240x128xf32, #tpu.memory_space<vmem_shared>>
      tpu.enqueue_indirect_dma source(%arg29 : memref<64x128xf32, #tpu.memory_space<vmem>>) target(%dma_start3A_319 : memref<10240x128xf32, #tpu.memory_space<vmem_shared>>) offsets(%arg19 : memref<64xi32, #tpu.memory_space<vmem>>) semaphore(%arg50 : memref<!tpu.dma_semaphore, #tpu.memory_space<semaphore_mem>>) {add = true}
      %dma_wait3A_320 = arith.constant 0 : i32
      %dma_wait3A_321 = arith.constant 0 : i32
      %dma_wait3A_322 = tpu.memref_slice %arg31[%dma_wait3A_320, %dma_wait3A_321] : memref<10240x128xf32, #tpu.memory_space<vmem_shared>> -> memref<10240x128xf32, #tpu.memory_space<vmem_shared>>
      tpu.wait_indirect_dma semaphore(%arg49 : memref<!tpu.dma_semaphore, #tpu.memory_space<semaphore_mem>>) src(%arg28 : memref<64x128xf32, #tpu.memory_space<vmem>>) dst(%dma_wait3A_322 : memref<10240x128xf32, #tpu.memory_space<vmem_shared>>)
      %lt3A_323 = arith.constant 15 : i32
      %lt3A_324 = arith.cmpi slt, %add3A_210, %lt3A_323 : i32
      %convert_element_type3A_325 = arith.extui %lt3A_324 : i1 to i32
      %cond3A_326 = arith.constant 0 : i32
      %cond3A_327 = arith.cmpi ne, %convert_element_type3A_325, %cond3A_326 : i32
      scf.if %cond3A_327 {
        %mul3A_483 = arith.constant 10 : i32
        %mul3A_484 = arith.muli %mul3A_483, %add3A_210 : i32
        %add3A_485 = arith.constant 3 : i32
        %add3A_486 = arith.addi %mul3A_484, %add3A_485 : i32
        %add3A_487 = arith.constant 10 : i32
        %add3A_488 = arith.addi %add3A_486, %add3A_487 : i32
        %sub3A_489 = arith.constant 1 : i32
        %sub3A_490 = arith.subi %add3A_488, %sub3A_489 : i32
        %dma_start3A_491 = arith.constant 0 : i32
        %dma_start3A_492 = tpu.memref_slice %arg3[%add3A_5, %sub3A_490, %dma_start3A_491] : memref<32x160x64xi32, #tpu.memory_space<hbm>> -> memref<1x1x64xi32, #tpu.memory_space<hbm>>
        %dma_start3A_493 = tpu.memref_squeeze %dma_start3A_492 : memref<1x1x64xi32, #tpu.memory_space<hbm>> -> memref<64xi32, #tpu.memory_space<hbm>>
        %dma_start3A_494 = arith.constant 0 : i32
        %dma_start3A_495 = tpu.memref_slice %arg3[%add3A_5, %sub3A_490, %dma_start3A_494] : memref<32x160x64xi32, #tpu.memory_space<hbm>> -> memref<1x1x64xi32, #tpu.memory_space<hbm>>
        %dma_start3A_496 = tpu.memref_squeeze %dma_start3A_495 : memref<1x1x64xi32, #tpu.memory_space<hbm>> -> memref<64xi32, #tpu.memory_space<hbm>>
        tpu.enqueue_dma source(%dma_start3A_496 : memref<64xi32, #tpu.memory_space<hbm>>) target(%arg8 : memref<64xi32, #tpu.memory_space<vmem>>) target_semaphore(%arg34 : memref<!tpu.dma_semaphore, #tpu.memory_space<semaphore_mem>>)
        %dma_start3A_497 = arith.constant 0 : i32
        %dma_start3A_498 = tpu.memref_slice %arg4[%add3A_5, %sub3A_490, %dma_start3A_497] : memref<32x160x64xi32, #tpu.memory_space<hbm>> -> memref<1x1x64xi32, #tpu.memory_space<hbm>>
        %dma_start3A_499 = tpu.memref_squeeze %dma_start3A_498 : memref<1x1x64xi32, #tpu.memory_space<hbm>> -> memref<64xi32, #tpu.memory_space<hbm>>
        %dma_start3A_500 = arith.constant 0 : i32
        %dma_start3A_501 = tpu.memref_slice %arg4[%add3A_5, %sub3A_490, %dma_start3A_500] : memref<32x160x64xi32, #tpu.memory_space<hbm>> -> memref<1x1x64xi32, #tpu.memory_space<hbm>>
        %dma_start3A_502 = tpu.memref_squeeze %dma_start3A_501 : memref<1x1x64xi32, #tpu.memory_space<hbm>> -> memref<64xi32, #tpu.memory_space<hbm>>
        tpu.enqueue_dma source(%dma_start3A_502 : memref<64xi32, #tpu.memory_space<hbm>>) target(%arg18 : memref<64xi32, #tpu.memory_space<vmem>>) target_semaphore(%arg34 : memref<!tpu.dma_semaphore, #tpu.memory_space<semaphore_mem>>)
      } else {
      }
      %dma_wait3A_328 = arith.constant 0 : i32
      %dma_wait3A_329 = arith.constant 0 : i32
      %dma_wait3A_330 = tpu.memref_slice %arg3[%add3A_5, %dma_wait3A_328, %dma_wait3A_329] : memref<32x160x64xi32, #tpu.memory_space<hbm>> -> memref<1x1x64xi32, #tpu.memory_space<hbm>>
      %dma_wait3A_331 = tpu.memref_squeeze %dma_wait3A_330 : memref<1x1x64xi32, #tpu.memory_space<hbm>> -> memref<64xi32, #tpu.memory_space<hbm>>
      %dma_wait3A_332 = arith.constant 0 : i32
      %dma_wait3A_333 = tpu.memref_slice %arg3[%add3A_5, %dma_wait3A_328, %dma_wait3A_332] : memref<32x160x64xi32, #tpu.memory_space<hbm>> -> memref<1x1x64xi32, #tpu.memory_space<hbm>>
      %dma_wait3A_334 = tpu.memref_squeeze %dma_wait3A_333 : memref<1x1x64xi32, #tpu.memory_space<hbm>> -> memref<64xi32, #tpu.memory_space<hbm>>
      tpu.wait_dma2 semaphore(%arg39 : memref<!tpu.dma_semaphore, #tpu.memory_space<semaphore_mem>>) src(%dma_wait3A_334 : memref<64xi32, #tpu.memory_space<hbm>>) dst(%arg13 : memref<64xi32, #tpu.memory_space<vmem>>)
      %dma_wait3A_335 = arith.constant 0 : i32
      %dma_wait3A_336 = arith.constant 0 : i32
      %dma_wait3A_337 = tpu.memref_slice %arg4[%add3A_5, %dma_wait3A_335, %dma_wait3A_336] : memref<32x160x64xi32, #tpu.memory_space<hbm>> -> memref<1x1x64xi32, #tpu.memory_space<hbm>>
      %dma_wait3A_338 = tpu.memref_squeeze %dma_wait3A_337 : memref<1x1x64xi32, #tpu.memory_space<hbm>> -> memref<64xi32, #tpu.memory_space<hbm>>
      %dma_wait3A_339 = arith.constant 0 : i32
      %dma_wait3A_340 = tpu.memref_slice %arg4[%add3A_5, %dma_wait3A_335, %dma_wait3A_339] : memref<32x160x64xi32, #tpu.memory_space<hbm>> -> memref<1x1x64xi32, #tpu.memory_space<hbm>>
      %dma_wait3A_341 = tpu.memref_squeeze %dma_wait3A_340 : memref<1x1x64xi32, #tpu.memory_space<hbm>> -> memref<64xi32, #tpu.memory_space<hbm>>
      tpu.wait_dma2 semaphore(%arg39 : memref<!tpu.dma_semaphore, #tpu.memory_space<semaphore_mem>>) src(%dma_wait3A_341 : memref<64xi32, #tpu.memory_space<hbm>>) dst(%arg23 : memref<64xi32, #tpu.memory_space<vmem>>)
      %dma_start3A_342 = arith.constant 0 : i32
      %dma_start3A_343 = arith.constant 0 : i32
      %dma_start3A_344 = tpu.memref_slice %arg2[%dma_start3A_342, %dma_start3A_343] : memref<20480x128xf32, #tpu.memory_space<hbm>> -> memref<20480x128xf32, #tpu.memory_space<hbm>>
      tpu.enqueue_indirect_dma source(%dma_start3A_344 : memref<20480x128xf32, #tpu.memory_space<hbm>>) target(%arg28 : memref<64x128xf32, #tpu.memory_space<vmem>>) offsets(%arg13 : memref<64xi32, #tpu.memory_space<vmem>>) semaphore(%arg44 : memref<!tpu.dma_semaphore, #tpu.memory_space<semaphore_mem>>)
      %dma_wait3A_345 = arith.constant 0 : i32
      %dma_wait3A_346 = arith.constant 0 : i32
      %dma_wait3A_347 = tpu.memref_slice %arg2[%dma_wait3A_345, %dma_wait3A_346] : memref<20480x128xf32, #tpu.memory_space<hbm>> -> memref<20480x128xf32, #tpu.memory_space<hbm>>
      tpu.wait_indirect_dma semaphore(%arg46 : memref<!tpu.dma_semaphore, #tpu.memory_space<semaphore_mem>>) src(%dma_wait3A_347 : memref<20480x128xf32, #tpu.memory_space<hbm>>) dst(%arg30 : memref<64x128xf32, #tpu.memory_space<vmem>>)
      %dma_start3A_348 = arith.constant 0 : i32
      %dma_start3A_349 = arith.constant 0 : i32
      %dma_start3A_350 = tpu.memref_slice %arg31[%dma_start3A_348, %dma_start3A_349] : memref<10240x128xf32, #tpu.memory_space<vmem_shared>> -> memref<10240x128xf32, #tpu.memory_space<vmem_shared>>
      tpu.enqueue_indirect_dma source(%arg30 : memref<64x128xf32, #tpu.memory_space<vmem>>) target(%dma_start3A_350 : memref<10240x128xf32, #tpu.memory_space<vmem_shared>>) offsets(%arg20 : memref<64xi32, #tpu.memory_space<vmem>>) semaphore(%arg51 : memref<!tpu.dma_semaphore, #tpu.memory_space<semaphore_mem>>) {add = true}
      %dma_wait3A_351 = arith.constant 0 : i32
      %dma_wait3A_352 = arith.constant 0 : i32
      %dma_wait3A_353 = tpu.memref_slice %arg31[%dma_wait3A_351, %dma_wait3A_352] : memref<10240x128xf32, #tpu.memory_space<vmem_shared>> -> memref<10240x128xf32, #tpu.memory_space<vmem_shared>>
      tpu.wait_indirect_dma semaphore(%arg50 : memref<!tpu.dma_semaphore, #tpu.memory_space<semaphore_mem>>) src(%arg29 : memref<64x128xf32, #tpu.memory_space<vmem>>) dst(%dma_wait3A_353 : memref<10240x128xf32, #tpu.memory_space<vmem_shared>>)
      %lt3A_354 = arith.constant 15 : i32
      %lt3A_355 = arith.cmpi slt, %add3A_210, %lt3A_354 : i32
      %convert_element_type3A_356 = arith.extui %lt3A_355 : i1 to i32
      %cond3A_357 = arith.constant 0 : i32
      %cond3A_358 = arith.cmpi ne, %convert_element_type3A_356, %cond3A_357 : i32
      scf.if %cond3A_358 {
        %mul3A_483 = arith.constant 10 : i32
        %mul3A_484 = arith.muli %mul3A_483, %add3A_210 : i32
        %add3A_485 = arith.constant 4 : i32
        %add3A_486 = arith.addi %mul3A_484, %add3A_485 : i32
        %add3A_487 = arith.constant 10 : i32
        %add3A_488 = arith.addi %add3A_486, %add3A_487 : i32
        %sub3A_489 = arith.constant 1 : i32
        %sub3A_490 = arith.subi %add3A_488, %sub3A_489 : i32
        %dma_start3A_491 = arith.constant 0 : i32
        %dma_start3A_492 = tpu.memref_slice %arg3[%add3A_5, %sub3A_490, %dma_start3A_491] : memref<32x160x64xi32, #tpu.memory_space<hbm>> -> memref<1x1x64xi32, #tpu.memory_space<hbm>>
        %dma_start3A_493 = tpu.memref_squeeze %dma_start3A_492 : memref<1x1x64xi32, #tpu.memory_space<hbm>> -> memref<64xi32, #tpu.memory_space<hbm>>
        %dma_start3A_494 = arith.constant 0 : i32
        %dma_start3A_495 = tpu.memref_slice %arg3[%add3A_5, %sub3A_490, %dma_start3A_494] : memref<32x160x64xi32, #tpu.memory_space<hbm>> -> memref<1x1x64xi32, #tpu.memory_space<hbm>>
        %dma_start3A_496 = tpu.memref_squeeze %dma_start3A_495 : memref<1x1x64xi32, #tpu.memory_space<hbm>> -> memref<64xi32, #tpu.memory_space<hbm>>
        tpu.enqueue_dma source(%dma_start3A_496 : memref<64xi32, #tpu.memory_space<hbm>>) target(%arg9 : memref<64xi32, #tpu.memory_space<vmem>>) target_semaphore(%arg35 : memref<!tpu.dma_semaphore, #tpu.memory_space<semaphore_mem>>)
        %dma_start3A_497 = arith.constant 0 : i32
        %dma_start3A_498 = tpu.memref_slice %arg4[%add3A_5, %sub3A_490, %dma_start3A_497] : memref<32x160x64xi32, #tpu.memory_space<hbm>> -> memref<1x1x64xi32, #tpu.memory_space<hbm>>
        %dma_start3A_499 = tpu.memref_squeeze %dma_start3A_498 : memref<1x1x64xi32, #tpu.memory_space<hbm>> -> memref<64xi32, #tpu.memory_space<hbm>>
        %dma_start3A_500 = arith.constant 0 : i32
        %dma_start3A_501 = tpu.memref_slice %arg4[%add3A_5, %sub3A_490, %dma_start3A_500] : memref<32x160x64xi32, #tpu.memory_space<hbm>> -> memref<1x1x64xi32, #tpu.memory_space<hbm>>
        %dma_start3A_502 = tpu.memref_squeeze %dma_start3A_501 : memref<1x1x64xi32, #tpu.memory_space<hbm>> -> memref<64xi32, #tpu.memory_space<hbm>>
        tpu.enqueue_dma source(%dma_start3A_502 : memref<64xi32, #tpu.memory_space<hbm>>) target(%arg19 : memref<64xi32, #tpu.memory_space<vmem>>) target_semaphore(%arg35 : memref<!tpu.dma_semaphore, #tpu.memory_space<semaphore_mem>>)
      } else {
      }
      %dma_wait3A_359 = arith.constant 0 : i32
      %dma_wait3A_360 = arith.constant 0 : i32
      %dma_wait3A_361 = tpu.memref_slice %arg3[%add3A_5, %dma_wait3A_359, %dma_wait3A_360] : memref<32x160x64xi32, #tpu.memory_space<hbm>> -> memref<1x1x64xi32, #tpu.memory_space<hbm>>
      %dma_wait3A_362 = tpu.memref_squeeze %dma_wait3A_361 : memref<1x1x64xi32, #tpu.memory_space<hbm>> -> memref<64xi32, #tpu.memory_space<hbm>>
      %dma_wait3A_363 = arith.constant 0 : i32
      %dma_wait3A_364 = tpu.memref_slice %arg3[%add3A_5, %dma_wait3A_359, %dma_wait3A_363] : memref<32x160x64xi32, #tpu.memory_space<hbm>> -> memref<1x1x64xi32, #tpu.memory_space<hbm>>
      %dma_wait3A_365 = tpu.memref_squeeze %dma_wait3A_364 : memref<1x1x64xi32, #tpu.memory_space<hbm>> -> memref<64xi32, #tpu.memory_space<hbm>>
      tpu.wait_dma2 semaphore(%arg40 : memref<!tpu.dma_semaphore, #tpu.memory_space<semaphore_mem>>) src(%dma_wait3A_365 : memref<64xi32, #tpu.memory_space<hbm>>) dst(%arg14 : memref<64xi32, #tpu.memory_space<vmem>>)
      %dma_wait3A_366 = arith.constant 0 : i32
      %dma_wait3A_367 = arith.constant 0 : i32
      %dma_wait3A_368 = tpu.memref_slice %arg4[%add3A_5, %dma_wait3A_366, %dma_wait3A_367] : memref<32x160x64xi32, #tpu.memory_space<hbm>> -> memref<1x1x64xi32, #tpu.memory_space<hbm>>
      %dma_wait3A_369 = tpu.memref_squeeze %dma_wait3A_368 : memref<1x1x64xi32, #tpu.memory_space<hbm>> -> memref<64xi32, #tpu.memory_space<hbm>>
      %dma_wait3A_370 = arith.constant 0 : i32
      %dma_wait3A_371 = tpu.memref_slice %arg4[%add3A_5, %dma_wait3A_366, %dma_wait3A_370] : memref<32x160x64xi32, #tpu.memory_space<hbm>> -> memref<1x1x64xi32, #tpu.memory_space<hbm>>
      %dma_wait3A_372 = tpu.memref_squeeze %dma_wait3A_371 : memref<1x1x64xi32, #tpu.memory_space<hbm>> -> memref<64xi32, #tpu.memory_space<hbm>>
      tpu.wait_dma2 semaphore(%arg40 : memref<!tpu.dma_semaphore, #tpu.memory_space<semaphore_mem>>) src(%dma_wait3A_372 : memref<64xi32, #tpu.memory_space<hbm>>) dst(%arg24 : memref<64xi32, #tpu.memory_space<vmem>>)
      %dma_start3A_373 = arith.constant 0 : i32
      %dma_start3A_374 = arith.constant 0 : i32
      %dma_start3A_375 = tpu.memref_slice %arg2[%dma_start3A_373, %dma_start3A_374] : memref<20480x128xf32, #tpu.memory_space<hbm>> -> memref<20480x128xf32, #tpu.memory_space<hbm>>
      tpu.enqueue_indirect_dma source(%dma_start3A_375 : memref<20480x128xf32, #tpu.memory_space<hbm>>) target(%arg29 : memref<64x128xf32, #tpu.memory_space<vmem>>) offsets(%arg14 : memref<64xi32, #tpu.memory_space<vmem>>) semaphore(%arg45 : memref<!tpu.dma_semaphore, #tpu.memory_space<semaphore_mem>>)
      %dma_wait3A_376 = arith.constant 0 : i32
      %dma_wait3A_377 = arith.constant 0 : i32
      %dma_wait3A_378 = tpu.memref_slice %arg2[%dma_wait3A_376, %dma_wait3A_377] : memref<20480x128xf32, #tpu.memory_space<hbm>> -> memref<20480x128xf32, #tpu.memory_space<hbm>>
      tpu.wait_indirect_dma semaphore(%arg42 : memref<!tpu.dma_semaphore, #tpu.memory_space<semaphore_mem>>) src(%dma_wait3A_378 : memref<20480x128xf32, #tpu.memory_space<hbm>>) dst(%arg26 : memref<64x128xf32, #tpu.memory_space<vmem>>)
      %dma_start3A_379 = arith.constant 0 : i32
      %dma_start3A_380 = arith.constant 0 : i32
      %dma_start3A_381 = tpu.memref_slice %arg31[%dma_start3A_379, %dma_start3A_380] : memref<10240x128xf32, #tpu.memory_space<vmem_shared>> -> memref<10240x128xf32, #tpu.memory_space<vmem_shared>>
      tpu.enqueue_indirect_dma source(%arg26 : memref<64x128xf32, #tpu.memory_space<vmem>>) target(%dma_start3A_381 : memref<10240x128xf32, #tpu.memory_space<vmem_shared>>) offsets(%arg21 : memref<64xi32, #tpu.memory_space<vmem>>) semaphore(%arg47 : memref<!tpu.dma_semaphore, #tpu.memory_space<semaphore_mem>>) {add = true}
      %dma_wait3A_382 = arith.constant 0 : i32
      %dma_wait3A_383 = arith.constant 0 : i32
      %dma_wait3A_384 = tpu.memref_slice %arg31[%dma_wait3A_382, %dma_wait3A_383] : memref<10240x128xf32, #tpu.memory_space<vmem_shared>> -> memref<10240x128xf32, #tpu.memory_space<vmem_shared>>
      tpu.wait_indirect_dma semaphore(%arg51 : memref<!tpu.dma_semaphore, #tpu.memory_space<semaphore_mem>>) src(%arg30 : memref<64x128xf32, #tpu.memory_space<vmem>>) dst(%dma_wait3A_384 : memref<10240x128xf32, #tpu.memory_space<vmem_shared>>)
      %lt3A_385 = arith.constant 15 : i32
      %lt3A_386 = arith.cmpi slt, %add3A_210, %lt3A_385 : i32
      %convert_element_type3A_387 = arith.extui %lt3A_386 : i1 to i32
      %cond3A_388 = arith.constant 0 : i32
      %cond3A_389 = arith.cmpi ne, %convert_element_type3A_387, %cond3A_388 : i32
      scf.if %cond3A_389 {
        %mul3A_483 = arith.constant 10 : i32
        %mul3A_484 = arith.muli %mul3A_483, %add3A_210 : i32
        %add3A_485 = arith.constant 5 : i32
        %add3A_486 = arith.addi %mul3A_484, %add3A_485 : i32
        %add3A_487 = arith.constant 10 : i32
        %add3A_488 = arith.addi %add3A_486, %add3A_487 : i32
        %sub3A_489 = arith.constant 1 : i32
        %sub3A_490 = arith.subi %add3A_488, %sub3A_489 : i32
        %dma_start3A_491 = arith.constant 0 : i32
        %dma_start3A_492 = tpu.memref_slice %arg3[%add3A_5, %sub3A_490, %dma_start3A_491] : memref<32x160x64xi32, #tpu.memory_space<hbm>> -> memref<1x1x64xi32, #tpu.memory_space<hbm>>
        %dma_start3A_493 = tpu.memref_squeeze %dma_start3A_492 : memref<1x1x64xi32, #tpu.memory_space<hbm>> -> memref<64xi32, #tpu.memory_space<hbm>>
        %dma_start3A_494 = arith.constant 0 : i32
        %dma_start3A_495 = tpu.memref_slice %arg3[%add3A_5, %sub3A_490, %dma_start3A_494] : memref<32x160x64xi32, #tpu.memory_space<hbm>> -> memref<1x1x64xi32, #tpu.memory_space<hbm>>
        %dma_start3A_496 = tpu.memref_squeeze %dma_start3A_495 : memref<1x1x64xi32, #tpu.memory_space<hbm>> -> memref<64xi32, #tpu.memory_space<hbm>>
        tpu.enqueue_dma source(%dma_start3A_496 : memref<64xi32, #tpu.memory_space<hbm>>) target(%arg10 : memref<64xi32, #tpu.memory_space<vmem>>) target_semaphore(%arg36 : memref<!tpu.dma_semaphore, #tpu.memory_space<semaphore_mem>>)
        %dma_start3A_497 = arith.constant 0 : i32
        %dma_start3A_498 = tpu.memref_slice %arg4[%add3A_5, %sub3A_490, %dma_start3A_497] : memref<32x160x64xi32, #tpu.memory_space<hbm>> -> memref<1x1x64xi32, #tpu.memory_space<hbm>>
        %dma_start3A_499 = tpu.memref_squeeze %dma_start3A_498 : memref<1x1x64xi32, #tpu.memory_space<hbm>> -> memref<64xi32, #tpu.memory_space<hbm>>
        %dma_start3A_500 = arith.constant 0 : i32
        %dma_start3A_501 = tpu.memref_slice %arg4[%add3A_5, %sub3A_490, %dma_start3A_500] : memref<32x160x64xi32, #tpu.memory_space<hbm>> -> memref<1x1x64xi32, #tpu.memory_space<hbm>>
        %dma_start3A_502 = tpu.memref_squeeze %dma_start3A_501 : memref<1x1x64xi32, #tpu.memory_space<hbm>> -> memref<64xi32, #tpu.memory_space<hbm>>
        tpu.enqueue_dma source(%dma_start3A_502 : memref<64xi32, #tpu.memory_space<hbm>>) target(%arg20 : memref<64xi32, #tpu.memory_space<vmem>>) target_semaphore(%arg36 : memref<!tpu.dma_semaphore, #tpu.memory_space<semaphore_mem>>)
      } else {
      }
      %dma_wait3A_390 = arith.constant 0 : i32
      %dma_wait3A_391 = arith.constant 0 : i32
      %dma_wait3A_392 = tpu.memref_slice %arg3[%add3A_5, %dma_wait3A_390, %dma_wait3A_391] : memref<32x160x64xi32, #tpu.memory_space<hbm>> -> memref<1x1x64xi32, #tpu.memory_space<hbm>>
      %dma_wait3A_393 = tpu.memref_squeeze %dma_wait3A_392 : memref<1x1x64xi32, #tpu.memory_space<hbm>> -> memref<64xi32, #tpu.memory_space<hbm>>
      %dma_wait3A_394 = arith.constant 0 : i32
      %dma_wait3A_395 = tpu.memref_slice %arg3[%add3A_5, %dma_wait3A_390, %dma_wait3A_394] : memref<32x160x64xi32, #tpu.memory_space<hbm>> -> memref<1x1x64xi32, #tpu.memory_space<hbm>>
      %dma_wait3A_396 = tpu.memref_squeeze %dma_wait3A_395 : memref<1x1x64xi32, #tpu.memory_space<hbm>> -> memref<64xi32, #tpu.memory_space<hbm>>
      tpu.wait_dma2 semaphore(%arg41 : memref<!tpu.dma_semaphore, #tpu.memory_space<semaphore_mem>>) src(%dma_wait3A_396 : memref<64xi32, #tpu.memory_space<hbm>>) dst(%arg15 : memref<64xi32, #tpu.memory_space<vmem>>)
      %dma_wait3A_397 = arith.constant 0 : i32
      %dma_wait3A_398 = arith.constant 0 : i32
      %dma_wait3A_399 = tpu.memref_slice %arg4[%add3A_5, %dma_wait3A_397, %dma_wait3A_398] : memref<32x160x64xi32, #tpu.memory_space<hbm>> -> memref<1x1x64xi32, #tpu.memory_space<hbm>>
      %dma_wait3A_400 = tpu.memref_squeeze %dma_wait3A_399 : memref<1x1x64xi32, #tpu.memory_space<hbm>> -> memref<64xi32, #tpu.memory_space<hbm>>
      %dma_wait3A_401 = arith.constant 0 : i32
      %dma_wait3A_402 = tpu.memref_slice %arg4[%add3A_5, %dma_wait3A_397, %dma_wait3A_401] : memref<32x160x64xi32, #tpu.memory_space<hbm>> -> memref<1x1x64xi32, #tpu.memory_space<hbm>>
      %dma_wait3A_403 = tpu.memref_squeeze %dma_wait3A_402 : memref<1x1x64xi32, #tpu.memory_space<hbm>> -> memref<64xi32, #tpu.memory_space<hbm>>
      tpu.wait_dma2 semaphore(%arg41 : memref<!tpu.dma_semaphore, #tpu.memory_space<semaphore_mem>>) src(%dma_wait3A_403 : memref<64xi32, #tpu.memory_space<hbm>>) dst(%arg25 : memref<64xi32, #tpu.memory_space<vmem>>)
      %dma_start3A_404 = arith.constant 0 : i32
      %dma_start3A_405 = arith.constant 0 : i32
      %dma_start3A_406 = tpu.memref_slice %arg2[%dma_start3A_404, %dma_start3A_405] : memref<20480x128xf32, #tpu.memory_space<hbm>> -> memref<20480x128xf32, #tpu.memory_space<hbm>>
      tpu.enqueue_indirect_dma source(%dma_start3A_406 : memref<20480x128xf32, #tpu.memory_space<hbm>>) target(%arg30 : memref<64x128xf32, #tpu.memory_space<vmem>>) offsets(%arg15 : memref<64xi32, #tpu.memory_space<vmem>>) semaphore(%arg46 : memref<!tpu.dma_semaphore, #tpu.memory_space<semaphore_mem>>)
      %dma_wait3A_407 = arith.constant 0 : i32
      %dma_wait3A_408 = arith.constant 0 : i32
      %dma_wait3A_409 = tpu.memref_slice %arg2[%dma_wait3A_407, %dma_wait3A_408] : memref<20480x128xf32, #tpu.memory_space<hbm>> -> memref<20480x128xf32, #tpu.memory_space<hbm>>
      tpu.wait_indirect_dma semaphore(%arg43 : memref<!tpu.dma_semaphore, #tpu.memory_space<semaphore_mem>>) src(%dma_wait3A_409 : memref<20480x128xf32, #tpu.memory_space<hbm>>) dst(%arg27 : memref<64x128xf32, #tpu.memory_space<vmem>>)
      %dma_start3A_410 = arith.constant 0 : i32
      %dma_start3A_411 = arith.constant 0 : i32
      %dma_start3A_412 = tpu.memref_slice %arg31[%dma_start3A_410, %dma_start3A_411] : memref<10240x128xf32, #tpu.memory_space<vmem_shared>> -> memref<10240x128xf32, #tpu.memory_space<vmem_shared>>
      tpu.enqueue_indirect_dma source(%arg27 : memref<64x128xf32, #tpu.memory_space<vmem>>) target(%dma_start3A_412 : memref<10240x128xf32, #tpu.memory_space<vmem_shared>>) offsets(%arg22 : memref<64xi32, #tpu.memory_space<vmem>>) semaphore(%arg48 : memref<!tpu.dma_semaphore, #tpu.memory_space<semaphore_mem>>) {add = true}
      %dma_wait3A_413 = arith.constant 0 : i32
      %dma_wait3A_414 = arith.constant 0 : i32
      %dma_wait3A_415 = tpu.memref_slice %arg31[%dma_wait3A_413, %dma_wait3A_414] : memref<10240x128xf32, #tpu.memory_space<vmem_shared>> -> memref<10240x128xf32, #tpu.memory_space<vmem_shared>>
      tpu.wait_indirect_dma semaphore(%arg47 : memref<!tpu.dma_semaphore, #tpu.memory_space<semaphore_mem>>) src(%arg26 : memref<64x128xf32, #tpu.memory_space<vmem>>) dst(%dma_wait3A_415 : memref<10240x128xf32, #tpu.memory_space<vmem_shared>>)
      %lt3A_416 = arith.constant 15 : i32
      %lt3A_417 = arith.cmpi slt, %add3A_210, %lt3A_416 : i32
      %convert_element_type3A_418 = arith.extui %lt3A_417 : i1 to i32
      %cond3A_419 = arith.constant 0 : i32
      %cond3A_420 = arith.cmpi ne, %convert_element_type3A_418, %cond3A_419 : i32
      scf.if %cond3A_420 {
        %mul3A_483 = arith.constant 10 : i32
        %mul3A_484 = arith.muli %mul3A_483, %add3A_210 : i32
        %add3A_485 = arith.constant 6 : i32
        %add3A_486 = arith.addi %mul3A_484, %add3A_485 : i32
        %add3A_487 = arith.constant 10 : i32
        %add3A_488 = arith.addi %add3A_486, %add3A_487 : i32
        %sub3A_489 = arith.constant 1 : i32
        %sub3A_490 = arith.subi %add3A_488, %sub3A_489 : i32
        %dma_start3A_491 = arith.constant 0 : i32
        %dma_start3A_492 = tpu.memref_slice %arg3[%add3A_5, %sub3A_490, %dma_start3A_491] : memref<32x160x64xi32, #tpu.memory_space<hbm>> -> memref<1x1x64xi32, #tpu.memory_space<hbm>>
        %dma_start3A_493 = tpu.memref_squeeze %dma_start3A_492 : memref<1x1x64xi32, #tpu.memory_space<hbm>> -> memref<64xi32, #tpu.memory_space<hbm>>
        %dma_start3A_494 = arith.constant 0 : i32
        %dma_start3A_495 = tpu.memref_slice %arg3[%add3A_5, %sub3A_490, %dma_start3A_494] : memref<32x160x64xi32, #tpu.memory_space<hbm>> -> memref<1x1x64xi32, #tpu.memory_space<hbm>>
        %dma_start3A_496 = tpu.memref_squeeze %dma_start3A_495 : memref<1x1x64xi32, #tpu.memory_space<hbm>> -> memref<64xi32, #tpu.memory_space<hbm>>
        tpu.enqueue_dma source(%dma_start3A_496 : memref<64xi32, #tpu.memory_space<hbm>>) target(%arg11 : memref<64xi32, #tpu.memory_space<vmem>>) target_semaphore(%arg37 : memref<!tpu.dma_semaphore, #tpu.memory_space<semaphore_mem>>)
        %dma_start3A_497 = arith.constant 0 : i32
        %dma_start3A_498 = tpu.memref_slice %arg4[%add3A_5, %sub3A_490, %dma_start3A_497] : memref<32x160x64xi32, #tpu.memory_space<hbm>> -> memref<1x1x64xi32, #tpu.memory_space<hbm>>
        %dma_start3A_499 = tpu.memref_squeeze %dma_start3A_498 : memref<1x1x64xi32, #tpu.memory_space<hbm>> -> memref<64xi32, #tpu.memory_space<hbm>>
        %dma_start3A_500 = arith.constant 0 : i32
        %dma_start3A_501 = tpu.memref_slice %arg4[%add3A_5, %sub3A_490, %dma_start3A_500] : memref<32x160x64xi32, #tpu.memory_space<hbm>> -> memref<1x1x64xi32, #tpu.memory_space<hbm>>
        %dma_start3A_502 = tpu.memref_squeeze %dma_start3A_501 : memref<1x1x64xi32, #tpu.memory_space<hbm>> -> memref<64xi32, #tpu.memory_space<hbm>>
        tpu.enqueue_dma source(%dma_start3A_502 : memref<64xi32, #tpu.memory_space<hbm>>) target(%arg21 : memref<64xi32, #tpu.memory_space<vmem>>) target_semaphore(%arg37 : memref<!tpu.dma_semaphore, #tpu.memory_space<semaphore_mem>>)
      } else {
      }
      %lt3A_421 = arith.constant 15 : i32
      %lt3A_422 = arith.cmpi slt, %add3A_210, %lt3A_421 : i32
      %convert_element_type3A_423 = arith.extui %lt3A_422 : i1 to i32
      %cond3A_424 = arith.constant 0 : i32
      %cond3A_425 = arith.cmpi ne, %convert_element_type3A_423, %cond3A_424 : i32
      scf.if %cond3A_425 {
        %dma_wait3A_483 = arith.constant 0 : i32
        %dma_wait3A_484 = arith.constant 0 : i32
        %dma_wait3A_485 = tpu.memref_slice %arg3[%add3A_5, %dma_wait3A_483, %dma_wait3A_484] : memref<32x160x64xi32, #tpu.memory_space<hbm>> -> memref<1x1x64xi32, #tpu.memory_space<hbm>>
        %dma_wait3A_486 = tpu.memref_squeeze %dma_wait3A_485 : memref<1x1x64xi32, #tpu.memory_space<hbm>> -> memref<64xi32, #tpu.memory_space<hbm>>
        %dma_wait3A_487 = arith.constant 0 : i32
        %dma_wait3A_488 = tpu.memref_slice %arg3[%add3A_5, %dma_wait3A_483, %dma_wait3A_487] : memref<32x160x64xi32, #tpu.memory_space<hbm>> -> memref<1x1x64xi32, #tpu.memory_space<hbm>>
        %dma_wait3A_489 = tpu.memref_squeeze %dma_wait3A_488 : memref<1x1x64xi32, #tpu.memory_space<hbm>> -> memref<64xi32, #tpu.memory_space<hbm>>
        tpu.wait_dma2 semaphore(%arg32 : memref<!tpu.dma_semaphore, #tpu.memory_space<semaphore_mem>>) src(%dma_wait3A_489 : memref<64xi32, #tpu.memory_space<hbm>>) dst(%arg6 : memref<64xi32, #tpu.memory_space<vmem>>)
        %dma_wait3A_490 = arith.constant 0 : i32
        %dma_wait3A_491 = arith.constant 0 : i32
        %dma_wait3A_492 = tpu.memref_slice %arg4[%add3A_5, %dma_wait3A_490, %dma_wait3A_491] : memref<32x160x64xi32, #tpu.memory_space<hbm>> -> memref<1x1x64xi32, #tpu.memory_space<hbm>>
        %dma_wait3A_493 = tpu.memref_squeeze %dma_wait3A_492 : memref<1x1x64xi32, #tpu.memory_space<hbm>> -> memref<64xi32, #tpu.memory_space<hbm>>
        %dma_wait3A_494 = arith.constant 0 : i32
        %dma_wait3A_495 = tpu.memref_slice %arg4[%add3A_5, %dma_wait3A_490, %dma_wait3A_494] : memref<32x160x64xi32, #tpu.memory_space<hbm>> -> memref<1x1x64xi32, #tpu.memory_space<hbm>>
        %dma_wait3A_496 = tpu.memref_squeeze %dma_wait3A_495 : memref<1x1x64xi32, #tpu.memory_space<hbm>> -> memref<64xi32, #tpu.memory_space<hbm>>
        tpu.wait_dma2 semaphore(%arg32 : memref<!tpu.dma_semaphore, #tpu.memory_space<semaphore_mem>>) src(%dma_wait3A_496 : memref<64xi32, #tpu.memory_space<hbm>>) dst(%arg16 : memref<64xi32, #tpu.memory_space<vmem>>)
        %dma_start3A_497 = arith.constant 0 : i32
        %dma_start3A_498 = arith.constant 0 : i32
        %dma_start3A_499 = tpu.memref_slice %arg2[%dma_start3A_497, %dma_start3A_498] : memref<20480x128xf32, #tpu.memory_space<hbm>> -> memref<20480x128xf32, #tpu.memory_space<hbm>>
        tpu.enqueue_indirect_dma source(%dma_start3A_499 : memref<20480x128xf32, #tpu.memory_space<hbm>>) target(%arg26 : memref<64x128xf32, #tpu.memory_space<vmem>>) offsets(%arg6 : memref<64xi32, #tpu.memory_space<vmem>>) semaphore(%arg42 : memref<!tpu.dma_semaphore, #tpu.memory_space<semaphore_mem>>)
      } else {
      }
      %dma_wait3A_426 = arith.constant 0 : i32
      %dma_wait3A_427 = arith.constant 0 : i32
      %dma_wait3A_428 = tpu.memref_slice %arg2[%dma_wait3A_426, %dma_wait3A_427] : memref<20480x128xf32, #tpu.memory_space<hbm>> -> memref<20480x128xf32, #tpu.memory_space<hbm>>
      tpu.wait_indirect_dma semaphore(%arg44 : memref<!tpu.dma_semaphore, #tpu.memory_space<semaphore_mem>>) src(%dma_wait3A_428 : memref<20480x128xf32, #tpu.memory_space<hbm>>) dst(%arg28 : memref<64x128xf32, #tpu.memory_space<vmem>>)
      %dma_start3A_429 = arith.constant 0 : i32
      %dma_start3A_430 = arith.constant 0 : i32
      %dma_start3A_431 = tpu.memref_slice %arg31[%dma_start3A_429, %dma_start3A_430] : memref<10240x128xf32, #tpu.memory_space<vmem_shared>> -> memref<10240x128xf32, #tpu.memory_space<vmem_shared>>
      tpu.enqueue_indirect_dma source(%arg28 : memref<64x128xf32, #tpu.memory_space<vmem>>) target(%dma_start3A_431 : memref<10240x128xf32, #tpu.memory_space<vmem_shared>>) offsets(%arg23 : memref<64xi32, #tpu.memory_space<vmem>>) semaphore(%arg49 : memref<!tpu.dma_semaphore, #tpu.memory_space<semaphore_mem>>) {add = true}
      %dma_wait3A_432 = arith.constant 0 : i32
      %dma_wait3A_433 = arith.constant 0 : i32
      %dma_wait3A_434 = tpu.memref_slice %arg31[%dma_wait3A_432, %dma_wait3A_433] : memref<10240x128xf32, #tpu.memory_space<vmem_shared>> -> memref<10240x128xf32, #tpu.memory_space<vmem_shared>>
      tpu.wait_indirect_dma semaphore(%arg48 : memref<!tpu.dma_semaphore, #tpu.memory_space<semaphore_mem>>) src(%arg27 : memref<64x128xf32, #tpu.memory_space<vmem>>) dst(%dma_wait3A_434 : memref<10240x128xf32, #tpu.memory_space<vmem_shared>>)
      %lt3A_435 = arith.constant 15 : i32
      %lt3A_436 = arith.cmpi slt, %add3A_210, %lt3A_435 : i32
      %convert_element_type3A_437 = arith.extui %lt3A_436 : i1 to i32
      %cond3A_438 = arith.constant 0 : i32
      %cond3A_439 = arith.cmpi ne, %convert_element_type3A_437, %cond3A_438 : i32
      scf.if %cond3A_439 {
        %mul3A_483 = arith.constant 10 : i32
        %mul3A_484 = arith.muli %mul3A_483, %add3A_210 : i32
        %add3A_485 = arith.constant 7 : i32
        %add3A_486 = arith.addi %mul3A_484, %add3A_485 : i32
        %add3A_487 = arith.constant 10 : i32
        %add3A_488 = arith.addi %add3A_486, %add3A_487 : i32
        %sub3A_489 = arith.constant 1 : i32
        %sub3A_490 = arith.subi %add3A_488, %sub3A_489 : i32
        %dma_start3A_491 = arith.constant 0 : i32
        %dma_start3A_492 = tpu.memref_slice %arg3[%add3A_5, %sub3A_490, %dma_start3A_491] : memref<32x160x64xi32, #tpu.memory_space<hbm>> -> memref<1x1x64xi32, #tpu.memory_space<hbm>>
        %dma_start3A_493 = tpu.memref_squeeze %dma_start3A_492 : memref<1x1x64xi32, #tpu.memory_space<hbm>> -> memref<64xi32, #tpu.memory_space<hbm>>
        %dma_start3A_494 = arith.constant 0 : i32
        %dma_start3A_495 = tpu.memref_slice %arg3[%add3A_5, %sub3A_490, %dma_start3A_494] : memref<32x160x64xi32, #tpu.memory_space<hbm>> -> memref<1x1x64xi32, #tpu.memory_space<hbm>>
        %dma_start3A_496 = tpu.memref_squeeze %dma_start3A_495 : memref<1x1x64xi32, #tpu.memory_space<hbm>> -> memref<64xi32, #tpu.memory_space<hbm>>
        tpu.enqueue_dma source(%dma_start3A_496 : memref<64xi32, #tpu.memory_space<hbm>>) target(%arg12 : memref<64xi32, #tpu.memory_space<vmem>>) target_semaphore(%arg38 : memref<!tpu.dma_semaphore, #tpu.memory_space<semaphore_mem>>)
        %dma_start3A_497 = arith.constant 0 : i32
        %dma_start3A_498 = tpu.memref_slice %arg4[%add3A_5, %sub3A_490, %dma_start3A_497] : memref<32x160x64xi32, #tpu.memory_space<hbm>> -> memref<1x1x64xi32, #tpu.memory_space<hbm>>
        %dma_start3A_499 = tpu.memref_squeeze %dma_start3A_498 : memref<1x1x64xi32, #tpu.memory_space<hbm>> -> memref<64xi32, #tpu.memory_space<hbm>>
        %dma_start3A_500 = arith.constant 0 : i32
        %dma_start3A_501 = tpu.memref_slice %arg4[%add3A_5, %sub3A_490, %dma_start3A_500] : memref<32x160x64xi32, #tpu.memory_space<hbm>> -> memref<1x1x64xi32, #tpu.memory_space<hbm>>
        %dma_start3A_502 = tpu.memref_squeeze %dma_start3A_501 : memref<1x1x64xi32, #tpu.memory_space<hbm>> -> memref<64xi32, #tpu.memory_space<hbm>>
        tpu.enqueue_dma source(%dma_start3A_502 : memref<64xi32, #tpu.memory_space<hbm>>) target(%arg22 : memref<64xi32, #tpu.memory_space<vmem>>) target_semaphore(%arg38 : memref<!tpu.dma_semaphore, #tpu.memory_space<semaphore_mem>>)
      } else {
      }
      %lt3A_440 = arith.constant 15 : i32
      %lt3A_441 = arith.cmpi slt, %add3A_210, %lt3A_440 : i32
      %convert_element_type3A_442 = arith.extui %lt3A_441 : i1 to i32
      %cond3A_443 = arith.constant 0 : i32
      %cond3A_444 = arith.cmpi ne, %convert_element_type3A_442, %cond3A_443 : i32
      scf.if %cond3A_444 {
        %dma_wait3A_483 = arith.constant 0 : i32
        %dma_wait3A_484 = arith.constant 0 : i32
        %dma_wait3A_485 = tpu.memref_slice %arg3[%add3A_5, %dma_wait3A_483, %dma_wait3A_484] : memref<32x160x64xi32, #tpu.memory_space<hbm>> -> memref<1x1x64xi32, #tpu.memory_space<hbm>>
        %dma_wait3A_486 = tpu.memref_squeeze %dma_wait3A_485 : memref<1x1x64xi32, #tpu.memory_space<hbm>> -> memref<64xi32, #tpu.memory_space<hbm>>
        %dma_wait3A_487 = arith.constant 0 : i32
        %dma_wait3A_488 = tpu.memref_slice %arg3[%add3A_5, %dma_wait3A_483, %dma_wait3A_487] : memref<32x160x64xi32, #tpu.memory_space<hbm>> -> memref<1x1x64xi32, #tpu.memory_space<hbm>>
        %dma_wait3A_489 = tpu.memref_squeeze %dma_wait3A_488 : memref<1x1x64xi32, #tpu.memory_space<hbm>> -> memref<64xi32, #tpu.memory_space<hbm>>
        tpu.wait_dma2 semaphore(%arg33 : memref<!tpu.dma_semaphore, #tpu.memory_space<semaphore_mem>>) src(%dma_wait3A_489 : memref<64xi32, #tpu.memory_space<hbm>>) dst(%arg7 : memref<64xi32, #tpu.memory_space<vmem>>)
        %dma_wait3A_490 = arith.constant 0 : i32
        %dma_wait3A_491 = arith.constant 0 : i32
        %dma_wait3A_492 = tpu.memref_slice %arg4[%add3A_5, %dma_wait3A_490, %dma_wait3A_491] : memref<32x160x64xi32, #tpu.memory_space<hbm>> -> memref<1x1x64xi32, #tpu.memory_space<hbm>>
        %dma_wait3A_493 = tpu.memref_squeeze %dma_wait3A_492 : memref<1x1x64xi32, #tpu.memory_space<hbm>> -> memref<64xi32, #tpu.memory_space<hbm>>
        %dma_wait3A_494 = arith.constant 0 : i32
        %dma_wait3A_495 = tpu.memref_slice %arg4[%add3A_5, %dma_wait3A_490, %dma_wait3A_494] : memref<32x160x64xi32, #tpu.memory_space<hbm>> -> memref<1x1x64xi32, #tpu.memory_space<hbm>>
        %dma_wait3A_496 = tpu.memref_squeeze %dma_wait3A_495 : memref<1x1x64xi32, #tpu.memory_space<hbm>> -> memref<64xi32, #tpu.memory_space<hbm>>
        tpu.wait_dma2 semaphore(%arg33 : memref<!tpu.dma_semaphore, #tpu.memory_space<semaphore_mem>>) src(%dma_wait3A_496 : memref<64xi32, #tpu.memory_space<hbm>>) dst(%arg17 : memref<64xi32, #tpu.memory_space<vmem>>)
        %dma_start3A_497 = arith.constant 0 : i32
        %dma_start3A_498 = arith.constant 0 : i32
        %dma_start3A_499 = tpu.memref_slice %arg2[%dma_start3A_497, %dma_start3A_498] : memref<20480x128xf32, #tpu.memory_space<hbm>> -> memref<20480x128xf32, #tpu.memory_space<hbm>>
        tpu.enqueue_indirect_dma source(%dma_start3A_499 : memref<20480x128xf32, #tpu.memory_space<hbm>>) target(%arg27 : memref<64x128xf32, #tpu.memory_space<vmem>>) offsets(%arg7 : memref<64xi32, #tpu.memory_space<vmem>>) semaphore(%arg43 : memref<!tpu.dma_semaphore, #tpu.memory_space<semaphore_mem>>)
      } else {
      }
      %dma_wait3A_445 = arith.constant 0 : i32
      %dma_wait3A_446 = arith.constant 0 : i32
      %dma_wait3A_447 = tpu.memref_slice %arg2[%dma_wait3A_445, %dma_wait3A_446] : memref<20480x128xf32, #tpu.memory_space<hbm>> -> memref<20480x128xf32, #tpu.memory_space<hbm>>
      tpu.wait_indirect_dma semaphore(%arg45 : memref<!tpu.dma_semaphore, #tpu.memory_space<semaphore_mem>>) src(%dma_wait3A_447 : memref<20480x128xf32, #tpu.memory_space<hbm>>) dst(%arg29 : memref<64x128xf32, #tpu.memory_space<vmem>>)
      %dma_start3A_448 = arith.constant 0 : i32
      %dma_start3A_449 = arith.constant 0 : i32
      %dma_start3A_450 = tpu.memref_slice %arg31[%dma_start3A_448, %dma_start3A_449] : memref<10240x128xf32, #tpu.memory_space<vmem_shared>> -> memref<10240x128xf32, #tpu.memory_space<vmem_shared>>
      tpu.enqueue_indirect_dma source(%arg29 : memref<64x128xf32, #tpu.memory_space<vmem>>) target(%dma_start3A_450 : memref<10240x128xf32, #tpu.memory_space<vmem_shared>>) offsets(%arg24 : memref<64xi32, #tpu.memory_space<vmem>>) semaphore(%arg50 : memref<!tpu.dma_semaphore, #tpu.memory_space<semaphore_mem>>) {add = true}
      %dma_wait3A_451 = arith.constant 0 : i32
      %dma_wait3A_452 = arith.constant 0 : i32
      %dma_wait3A_453 = tpu.memref_slice %arg31[%dma_wait3A_451, %dma_wait3A_452] : memref<10240x128xf32, #tpu.memory_space<vmem_shared>> -> memref<10240x128xf32, #tpu.memory_space<vmem_shared>>
      tpu.wait_indirect_dma semaphore(%arg49 : memref<!tpu.dma_semaphore, #tpu.memory_space<semaphore_mem>>) src(%arg28 : memref<64x128xf32, #tpu.memory_space<vmem>>) dst(%dma_wait3A_453 : memref<10240x128xf32, #tpu.memory_space<vmem_shared>>)
      %lt3A_454 = arith.constant 15 : i32
      %lt3A_455 = arith.cmpi slt, %add3A_210, %lt3A_454 : i32
      %convert_element_type3A_456 = arith.extui %lt3A_455 : i1 to i32
      %cond3A_457 = arith.constant 0 : i32
      %cond3A_458 = arith.cmpi ne, %convert_element_type3A_456, %cond3A_457 : i32
      scf.if %cond3A_458 {
        %mul3A_483 = arith.constant 10 : i32
        %mul3A_484 = arith.muli %mul3A_483, %add3A_210 : i32
        %add3A_485 = arith.constant 8 : i32
        %add3A_486 = arith.addi %mul3A_484, %add3A_485 : i32
        %add3A_487 = arith.constant 10 : i32
        %add3A_488 = arith.addi %add3A_486, %add3A_487 : i32
        %sub3A_489 = arith.constant 1 : i32
        %sub3A_490 = arith.subi %add3A_488, %sub3A_489 : i32
        %dma_start3A_491 = arith.constant 0 : i32
        %dma_start3A_492 = tpu.memref_slice %arg3[%add3A_5, %sub3A_490, %dma_start3A_491] : memref<32x160x64xi32, #tpu.memory_space<hbm>> -> memref<1x1x64xi32, #tpu.memory_space<hbm>>
        %dma_start3A_493 = tpu.memref_squeeze %dma_start3A_492 : memref<1x1x64xi32, #tpu.memory_space<hbm>> -> memref<64xi32, #tpu.memory_space<hbm>>
        %dma_start3A_494 = arith.constant 0 : i32
        %dma_start3A_495 = tpu.memref_slice %arg3[%add3A_5, %sub3A_490, %dma_start3A_494] : memref<32x160x64xi32, #tpu.memory_space<hbm>> -> memref<1x1x64xi32, #tpu.memory_space<hbm>>
        %dma_start3A_496 = tpu.memref_squeeze %dma_start3A_495 : memref<1x1x64xi32, #tpu.memory_space<hbm>> -> memref<64xi32, #tpu.memory_space<hbm>>
        tpu.enqueue_dma source(%dma_start3A_496 : memref<64xi32, #tpu.memory_space<hbm>>) target(%arg13 : memref<64xi32, #tpu.memory_space<vmem>>) target_semaphore(%arg39 : memref<!tpu.dma_semaphore, #tpu.memory_space<semaphore_mem>>)
        %dma_start3A_497 = arith.constant 0 : i32
        %dma_start3A_498 = tpu.memref_slice %arg4[%add3A_5, %sub3A_490, %dma_start3A_497] : memref<32x160x64xi32, #tpu.memory_space<hbm>> -> memref<1x1x64xi32, #tpu.memory_space<hbm>>
        %dma_start3A_499 = tpu.memref_squeeze %dma_start3A_498 : memref<1x1x64xi32, #tpu.memory_space<hbm>> -> memref<64xi32, #tpu.memory_space<hbm>>
        %dma_start3A_500 = arith.constant 0 : i32
        %dma_start3A_501 = tpu.memref_slice %arg4[%add3A_5, %sub3A_490, %dma_start3A_500] : memref<32x160x64xi32, #tpu.memory_space<hbm>> -> memref<1x1x64xi32, #tpu.memory_space<hbm>>
        %dma_start3A_502 = tpu.memref_squeeze %dma_start3A_501 : memref<1x1x64xi32, #tpu.memory_space<hbm>> -> memref<64xi32, #tpu.memory_space<hbm>>
        tpu.enqueue_dma source(%dma_start3A_502 : memref<64xi32, #tpu.memory_space<hbm>>) target(%arg23 : memref<64xi32, #tpu.memory_space<vmem>>) target_semaphore(%arg39 : memref<!tpu.dma_semaphore, #tpu.memory_space<semaphore_mem>>)
      } else {
      }
      %lt3A_459 = arith.constant 15 : i32
      %lt3A_460 = arith.cmpi slt, %add3A_210, %lt3A_459 : i32
      %convert_element_type3A_461 = arith.extui %lt3A_460 : i1 to i32
      %cond3A_462 = arith.constant 0 : i32
      %cond3A_463 = arith.cmpi ne, %convert_element_type3A_461, %cond3A_462 : i32
      scf.if %cond3A_463 {
        %dma_wait3A_483 = arith.constant 0 : i32
        %dma_wait3A_484 = arith.constant 0 : i32
        %dma_wait3A_485 = tpu.memref_slice %arg3[%add3A_5, %dma_wait3A_483, %dma_wait3A_484] : memref<32x160x64xi32, #tpu.memory_space<hbm>> -> memref<1x1x64xi32, #tpu.memory_space<hbm>>
        %dma_wait3A_486 = tpu.memref_squeeze %dma_wait3A_485 : memref<1x1x64xi32, #tpu.memory_space<hbm>> -> memref<64xi32, #tpu.memory_space<hbm>>
        %dma_wait3A_487 = arith.constant 0 : i32
        %dma_wait3A_488 = tpu.memref_slice %arg3[%add3A_5, %dma_wait3A_483, %dma_wait3A_487] : memref<32x160x64xi32, #tpu.memory_space<hbm>> -> memref<1x1x64xi32, #tpu.memory_space<hbm>>
        %dma_wait3A_489 = tpu.memref_squeeze %dma_wait3A_488 : memref<1x1x64xi32, #tpu.memory_space<hbm>> -> memref<64xi32, #tpu.memory_space<hbm>>
        tpu.wait_dma2 semaphore(%arg34 : memref<!tpu.dma_semaphore, #tpu.memory_space<semaphore_mem>>) src(%dma_wait3A_489 : memref<64xi32, #tpu.memory_space<hbm>>) dst(%arg8 : memref<64xi32, #tpu.memory_space<vmem>>)
        %dma_wait3A_490 = arith.constant 0 : i32
        %dma_wait3A_491 = arith.constant 0 : i32
        %dma_wait3A_492 = tpu.memref_slice %arg4[%add3A_5, %dma_wait3A_490, %dma_wait3A_491] : memref<32x160x64xi32, #tpu.memory_space<hbm>> -> memref<1x1x64xi32, #tpu.memory_space<hbm>>
        %dma_wait3A_493 = tpu.memref_squeeze %dma_wait3A_492 : memref<1x1x64xi32, #tpu.memory_space<hbm>> -> memref<64xi32, #tpu.memory_space<hbm>>
        %dma_wait3A_494 = arith.constant 0 : i32
        %dma_wait3A_495 = tpu.memref_slice %arg4[%add3A_5, %dma_wait3A_490, %dma_wait3A_494] : memref<32x160x64xi32, #tpu.memory_space<hbm>> -> memref<1x1x64xi32, #tpu.memory_space<hbm>>
        %dma_wait3A_496 = tpu.memref_squeeze %dma_wait3A_495 : memref<1x1x64xi32, #tpu.memory_space<hbm>> -> memref<64xi32, #tpu.memory_space<hbm>>
        tpu.wait_dma2 semaphore(%arg34 : memref<!tpu.dma_semaphore, #tpu.memory_space<semaphore_mem>>) src(%dma_wait3A_496 : memref<64xi32, #tpu.memory_space<hbm>>) dst(%arg18 : memref<64xi32, #tpu.memory_space<vmem>>)
        %dma_start3A_497 = arith.constant 0 : i32
        %dma_start3A_498 = arith.constant 0 : i32
        %dma_start3A_499 = tpu.memref_slice %arg2[%dma_start3A_497, %dma_start3A_498] : memref<20480x128xf32, #tpu.memory_space<hbm>> -> memref<20480x128xf32, #tpu.memory_space<hbm>>
        tpu.enqueue_indirect_dma source(%dma_start3A_499 : memref<20480x128xf32, #tpu.memory_space<hbm>>) target(%arg28 : memref<64x128xf32, #tpu.memory_space<vmem>>) offsets(%arg8 : memref<64xi32, #tpu.memory_space<vmem>>) semaphore(%arg44 : memref<!tpu.dma_semaphore, #tpu.memory_space<semaphore_mem>>)
      } else {
      }
      %dma_wait3A_464 = arith.constant 0 : i32
      %dma_wait3A_465 = arith.constant 0 : i32
      %dma_wait3A_466 = tpu.memref_slice %arg2[%dma_wait3A_464, %dma_wait3A_465] : memref<20480x128xf32, #tpu.memory_space<hbm>> -> memref<20480x128xf32, #tpu.memory_space<hbm>>
      tpu.wait_indirect_dma semaphore(%arg46 : memref<!tpu.dma_semaphore, #tpu.memory_space<semaphore_mem>>) src(%dma_wait3A_466 : memref<20480x128xf32, #tpu.memory_space<hbm>>) dst(%arg30 : memref<64x128xf32, #tpu.memory_space<vmem>>)
      %dma_start3A_467 = arith.constant 0 : i32
      %dma_start3A_468 = arith.constant 0 : i32
      %dma_start3A_469 = tpu.memref_slice %arg31[%dma_start3A_467, %dma_start3A_468] : memref<10240x128xf32, #tpu.memory_space<vmem_shared>> -> memref<10240x128xf32, #tpu.memory_space<vmem_shared>>
      tpu.enqueue_indirect_dma source(%arg30 : memref<64x128xf32, #tpu.memory_space<vmem>>) target(%dma_start3A_469 : memref<10240x128xf32, #tpu.memory_space<vmem_shared>>) offsets(%arg25 : memref<64xi32, #tpu.memory_space<vmem>>) semaphore(%arg51 : memref<!tpu.dma_semaphore, #tpu.memory_space<semaphore_mem>>) {add = true}
      %dma_wait3A_470 = arith.constant 0 : i32
      %dma_wait3A_471 = arith.constant 0 : i32
      %dma_wait3A_472 = tpu.memref_slice %arg31[%dma_wait3A_470, %dma_wait3A_471] : memref<10240x128xf32, #tpu.memory_space<vmem_shared>> -> memref<10240x128xf32, #tpu.memory_space<vmem_shared>>
      tpu.wait_indirect_dma semaphore(%arg50 : memref<!tpu.dma_semaphore, #tpu.memory_space<semaphore_mem>>) src(%arg29 : memref<64x128xf32, #tpu.memory_space<vmem>>) dst(%dma_wait3A_472 : memref<10240x128xf32, #tpu.memory_space<vmem_shared>>)
      %lt3A_473 = arith.constant 15 : i32
      %lt3A_474 = arith.cmpi slt, %add3A_210, %lt3A_473 : i32
      %convert_element_type3A_475 = arith.extui %lt3A_474 : i1 to i32
      %cond3A_476 = arith.constant 0 : i32
      %cond3A_477 = arith.cmpi ne, %convert_element_type3A_475, %cond3A_476 : i32
      scf.if %cond3A_477 {
        %mul3A_483 = arith.constant 10 : i32
        %mul3A_484 = arith.muli %mul3A_483, %add3A_210 : i32
        %add3A_485 = arith.constant 9 : i32
        %add3A_486 = arith.addi %mul3A_484, %add3A_485 : i32
        %add3A_487 = arith.constant 10 : i32
        %add3A_488 = arith.addi %add3A_486, %add3A_487 : i32
        %sub3A_489 = arith.constant 1 : i32
        %sub3A_490 = arith.subi %add3A_488, %sub3A_489 : i32
        %dma_start3A_491 = arith.constant 0 : i32
        %dma_start3A_492 = tpu.memref_slice %arg3[%add3A_5, %sub3A_490, %dma_start3A_491] : memref<32x160x64xi32, #tpu.memory_space<hbm>> -> memref<1x1x64xi32, #tpu.memory_space<hbm>>
        %dma_start3A_493 = tpu.memref_squeeze %dma_start3A_492 : memref<1x1x64xi32, #tpu.memory_space<hbm>> -> memref<64xi32, #tpu.memory_space<hbm>>
        %dma_start3A_494 = arith.constant 0 : i32
        %dma_start3A_495 = tpu.memref_slice %arg3[%add3A_5, %sub3A_490, %dma_start3A_494] : memref<32x160x64xi32, #tpu.memory_space<hbm>> -> memref<1x1x64xi32, #tpu.memory_space<hbm>>
        %dma_start3A_496 = tpu.memref_squeeze %dma_start3A_495 : memref<1x1x64xi32, #tpu.memory_space<hbm>> -> memref<64xi32, #tpu.memory_space<hbm>>
        tpu.enqueue_dma source(%dma_start3A_496 : memref<64xi32, #tpu.memory_space<hbm>>) target(%arg14 : memref<64xi32, #tpu.memory_space<vmem>>) target_semaphore(%arg40 : memref<!tpu.dma_semaphore, #tpu.memory_space<semaphore_mem>>)
        %dma_start3A_497 = arith.constant 0 : i32
        %dma_start3A_498 = tpu.memref_slice %arg4[%add3A_5, %sub3A_490, %dma_start3A_497] : memref<32x160x64xi32, #tpu.memory_space<hbm>> -> memref<1x1x64xi32, #tpu.memory_space<hbm>>
        %dma_start3A_499 = tpu.memref_squeeze %dma_start3A_498 : memref<1x1x64xi32, #tpu.memory_space<hbm>> -> memref<64xi32, #tpu.memory_space<hbm>>
        %dma_start3A_500 = arith.constant 0 : i32
        %dma_start3A_501 = tpu.memref_slice %arg4[%add3A_5, %sub3A_490, %dma_start3A_500] : memref<32x160x64xi32, #tpu.memory_space<hbm>> -> memref<1x1x64xi32, #tpu.memory_space<hbm>>
        %dma_start3A_502 = tpu.memref_squeeze %dma_start3A_501 : memref<1x1x64xi32, #tpu.memory_space<hbm>> -> memref<64xi32, #tpu.memory_space<hbm>>
        tpu.enqueue_dma source(%dma_start3A_502 : memref<64xi32, #tpu.memory_space<hbm>>) target(%arg24 : memref<64xi32, #tpu.memory_space<vmem>>) target_semaphore(%arg40 : memref<!tpu.dma_semaphore, #tpu.memory_space<semaphore_mem>>)
      } else {
      }
      %lt3A_478 = arith.constant 15 : i32
      %lt3A_479 = arith.cmpi slt, %add3A_210, %lt3A_478 : i32
      %convert_element_type3A_480 = arith.extui %lt3A_479 : i1 to i32
      %cond3A_481 = arith.constant 0 : i32
      %cond3A_482 = arith.cmpi ne, %convert_element_type3A_480, %cond3A_481 : i32
      scf.if %cond3A_482 {
        %dma_wait3A_483 = arith.constant 0 : i32
        %dma_wait3A_484 = arith.constant 0 : i32
        %dma_wait3A_485 = tpu.memref_slice %arg3[%add3A_5, %dma_wait3A_483, %dma_wait3A_484] : memref<32x160x64xi32, #tpu.memory_space<hbm>> -> memref<1x1x64xi32, #tpu.memory_space<hbm>>
        %dma_wait3A_486 = tpu.memref_squeeze %dma_wait3A_485 : memref<1x1x64xi32, #tpu.memory_space<hbm>> -> memref<64xi32, #tpu.memory_space<hbm>>
        %dma_wait3A_487 = arith.constant 0 : i32
        %dma_wait3A_488 = tpu.memref_slice %arg3[%add3A_5, %dma_wait3A_483, %dma_wait3A_487] : memref<32x160x64xi32, #tpu.memory_space<hbm>> -> memref<1x1x64xi32, #tpu.memory_space<hbm>>
        %dma_wait3A_489 = tpu.memref_squeeze %dma_wait3A_488 : memref<1x1x64xi32, #tpu.memory_space<hbm>> -> memref<64xi32, #tpu.memory_space<hbm>>
        tpu.wait_dma2 semaphore(%arg35 : memref<!tpu.dma_semaphore, #tpu.memory_space<semaphore_mem>>) src(%dma_wait3A_489 : memref<64xi32, #tpu.memory_space<hbm>>) dst(%arg9 : memref<64xi32, #tpu.memory_space<vmem>>)
        %dma_wait3A_490 = arith.constant 0 : i32
        %dma_wait3A_491 = arith.constant 0 : i32
        %dma_wait3A_492 = tpu.memref_slice %arg4[%add3A_5, %dma_wait3A_490, %dma_wait3A_491] : memref<32x160x64xi32, #tpu.memory_space<hbm>> -> memref<1x1x64xi32, #tpu.memory_space<hbm>>
        %dma_wait3A_493 = tpu.memref_squeeze %dma_wait3A_492 : memref<1x1x64xi32, #tpu.memory_space<hbm>> -> memref<64xi32, #tpu.memory_space<hbm>>
        %dma_wait3A_494 = arith.constant 0 : i32
        %dma_wait3A_495 = tpu.memref_slice %arg4[%add3A_5, %dma_wait3A_490, %dma_wait3A_494] : memref<32x160x64xi32, #tpu.memory_space<hbm>> -> memref<1x1x64xi32, #tpu.memory_space<hbm>>
        %dma_wait3A_496 = tpu.memref_squeeze %dma_wait3A_495 : memref<1x1x64xi32, #tpu.memory_space<hbm>> -> memref<64xi32, #tpu.memory_space<hbm>>
        tpu.wait_dma2 semaphore(%arg35 : memref<!tpu.dma_semaphore, #tpu.memory_space<semaphore_mem>>) src(%dma_wait3A_496 : memref<64xi32, #tpu.memory_space<hbm>>) dst(%arg19 : memref<64xi32, #tpu.memory_space<vmem>>)
        %dma_start3A_497 = arith.constant 0 : i32
        %dma_start3A_498 = arith.constant 0 : i32
        %dma_start3A_499 = tpu.memref_slice %arg2[%dma_start3A_497, %dma_start3A_498] : memref<20480x128xf32, #tpu.memory_space<hbm>> -> memref<20480x128xf32, #tpu.memory_space<hbm>>
        tpu.enqueue_indirect_dma source(%dma_start3A_499 : memref<20480x128xf32, #tpu.memory_space<hbm>>) target(%arg29 : memref<64x128xf32, #tpu.memory_space<vmem>>) offsets(%arg9 : memref<64xi32, #tpu.memory_space<vmem>>) semaphore(%arg45 : memref<!tpu.dma_semaphore, #tpu.memory_space<semaphore_mem>>)
      } else {
      }
    }
    %scan3A_201 = arith.constant 16 : i32
    %dma_wait3A_202 = arith.constant 0 : i32
    %dma_wait3A_203 = arith.constant 0 : i32
    %dma_wait3A_204 = tpu.memref_slice %arg31[%dma_wait3A_202, %dma_wait3A_203] : memref<10240x128xf32, #tpu.memory_space<vmem_shared>> -> memref<10240x128xf32, #tpu.memory_space<vmem_shared>>
    tpu.wait_indirect_dma semaphore(%arg51 : memref<!tpu.dma_semaphore, #tpu.memory_space<semaphore_mem>>) src(%arg30 : memref<64x128xf32, #tpu.memory_space<vmem>>) dst(%dma_wait3A_204 : memref<10240x128xf32, #tpu.memory_space<vmem_shared>>)
    %barrier3A_205 = arith.constant 0 : index
    tpu.barrier barrier_id(%barrier3A_205)
    "tpu.region"() ({
      %run_scoped3A = tpu.sem_alloc : memref<!tpu.dma_semaphore, #tpu.memory_space<semaphore_mem>>
      %dma_start3A_206 = arith.constant 0 : i32
      %dma_start3A_207 = tpu.memref_slice %arg5[%add3A, %dma_start3A_206] : memref<20480x128xf32, #tpu.memory_space<hbm>> -> memref<640x128xf32, #tpu.memory_space<hbm>>
      %dma_start3A_208 = arith.constant 0 : i32
      %dma_start3A_209 = tpu.memref_slice %arg31[%mul3A_0, %dma_start3A_208] : memref<10240x128xf32, #tpu.memory_space<vmem_shared>> -> memref<640x128xf32, #tpu.memory_space<vmem_shared>>
      tpu.enqueue_dma source(%dma_start3A_209 : memref<640x128xf32, #tpu.memory_space<vmem_shared>>) target(%dma_start3A_207 : memref<640x128xf32, #tpu.memory_space<hbm>>) target_semaphore(%run_scoped3A : memref<!tpu.dma_semaphore, #tpu.memory_space<semaphore_mem>>)
      %dma_wait3A_210 = arith.constant 0 : i32
      %dma_wait3A_211 = tpu.memref_slice %arg5[%add3A, %dma_wait3A_210] : memref<20480x128xf32, #tpu.memory_space<hbm>> -> memref<640x128xf32, #tpu.memory_space<hbm>>
      %dma_wait3A_212 = arith.constant 0 : i32
      %dma_wait3A_213 = tpu.memref_slice %arg31[%mul3A_0, %dma_wait3A_212] : memref<10240x128xf32, #tpu.memory_space<vmem_shared>> -> memref<640x128xf32, #tpu.memory_space<vmem_shared>>
      tpu.wait_dma2 semaphore(%run_scoped3A : memref<!tpu.dma_semaphore, #tpu.memory_space<semaphore_mem>>) src(%dma_wait3A_213 : memref<640x128xf32, #tpu.memory_space<vmem_shared>>) dst(%dma_wait3A_211 : memref<640x128xf32, #tpu.memory_space<hbm>>)
      tpu.yield
    }) : () -> ()
    return
  }
}

#map = affine_map<(d0, d1) -> (0, 0)>
#map1 = affine_map<(d0, d1) -> (0, 0, 0)>
module attributes {stable_mosaic.version = 14 : i64} {
  func.func @_agg_l3(%arg0: i32, %arg1: i32, %arg2: memref<10240x128xf32, #tpu.memory_space<hbm>>, %arg3: memref<10240x128xf32, #tpu.memory_space<hbm>>, %arg4: memref<32x80x64xi32, #tpu.memory_space<hbm>>, %arg5: memref<32x80x64xi32, #tpu.memory_space<hbm>>, %arg6: memref<20480x128xf32, #tpu.memory_space<hbm>>, %arg7: memref<64xi32, #tpu.memory_space<vmem>>, %arg8: memref<64xi32, #tpu.memory_space<vmem>>, %arg9: memref<64xi32, #tpu.memory_space<vmem>>, %arg10: memref<64xi32, #tpu.memory_space<vmem>>, %arg11: memref<64xi32, #tpu.memory_space<vmem>>, %arg12: memref<64xi32, #tpu.memory_space<vmem>>, %arg13: memref<64xi32, #tpu.memory_space<vmem>>, %arg14: memref<64xi32, #tpu.memory_space<vmem>>, %arg15: memref<64xi32, #tpu.memory_space<vmem>>, %arg16: memref<64xi32, #tpu.memory_space<vmem>>, %arg17: memref<64xi32, #tpu.memory_space<vmem>>, %arg18: memref<64xi32, #tpu.memory_space<vmem>>, %arg19: memref<64xi32, #tpu.memory_space<vmem>>, %arg20: memref<64xi32, #tpu.memory_space<vmem>>, %arg21: memref<64xi32, #tpu.memory_space<vmem>>, %arg22: memref<64xi32, #tpu.memory_space<vmem>>, %arg23: memref<64xi32, #tpu.memory_space<vmem>>, %arg24: memref<64xi32, #tpu.memory_space<vmem>>, %arg25: memref<64xi32, #tpu.memory_space<vmem>>, %arg26: memref<64xi32, #tpu.memory_space<vmem>>, %arg27: memref<64x128xf32, #tpu.memory_space<vmem>>, %arg28: memref<64x128xf32, #tpu.memory_space<vmem>>, %arg29: memref<64x128xf32, #tpu.memory_space<vmem>>, %arg30: memref<64x128xf32, #tpu.memory_space<vmem>>, %arg31: memref<64x128xf32, #tpu.memory_space<vmem>>, %arg32: memref<10240x128xf32, #tpu.memory_space<vmem_shared>>, %arg33: memref<!tpu.dma_semaphore, #tpu.memory_space<semaphore_mem>>, %arg34: memref<!tpu.dma_semaphore, #tpu.memory_space<semaphore_mem>>, %arg35: memref<!tpu.dma_semaphore, #tpu.memory_space<semaphore_mem>>, %arg36: memref<!tpu.dma_semaphore, #tpu.memory_space<semaphore_mem>>, %arg37: memref<!tpu.dma_semaphore, #tpu.memory_space<semaphore_mem>>, %arg38: memref<!tpu.dma_semaphore, #tpu.memory_space<semaphore_mem>>, %arg39: memref<!tpu.dma_semaphore, #tpu.memory_space<semaphore_mem>>, %arg40: memref<!tpu.dma_semaphore, #tpu.memory_space<semaphore_mem>>, %arg41: memref<!tpu.dma_semaphore, #tpu.memory_space<semaphore_mem>>, %arg42: memref<!tpu.dma_semaphore, #tpu.memory_space<semaphore_mem>>, %arg43: memref<!tpu.dma_semaphore, #tpu.memory_space<semaphore_mem>>, %arg44: memref<!tpu.dma_semaphore, #tpu.memory_space<semaphore_mem>>, %arg45: memref<!tpu.dma_semaphore, #tpu.memory_space<semaphore_mem>>, %arg46: memref<!tpu.dma_semaphore, #tpu.memory_space<semaphore_mem>>, %arg47: memref<!tpu.dma_semaphore, #tpu.memory_space<semaphore_mem>>, %arg48: memref<!tpu.dma_semaphore, #tpu.memory_space<semaphore_mem>>, %arg49: memref<!tpu.dma_semaphore, #tpu.memory_space<semaphore_mem>>, %arg50: memref<!tpu.dma_semaphore, #tpu.memory_space<semaphore_mem>>, %arg51: memref<!tpu.dma_semaphore, #tpu.memory_space<semaphore_mem>>, %arg52: memref<!tpu.dma_semaphore, #tpu.memory_space<semaphore_mem>>) attributes {dimension_semantics = [#tpu.dimension_semantics<core_parallel>, #tpu.dimension_semantics<subcore_parallel>], iteration_bounds = array<i64: 2, 16>, scalar_prefetch = 0 : i64, scratch_operands = 46 : i64, tpu.core_type = #tpu.core_type<sc_vector_subcore>, window_params = [{transform_indices = #map}, {transform_indices = #map}, {transform_indices = #map1}, {transform_indices = #map1}, {transform_indices = #map}]} {
    %mul3A = arith.constant 16 : i32
    %mul3A_0 = arith.muli %arg0, %mul3A : i32
    %add3A = arith.addi %mul3A_0, %arg1 : i32
    %mul3A_1 = arith.constant 640 : i32
    %mul3A_2 = arith.muli %arg1, %mul3A_1 : i32
    "tpu.region"() ({
      %run_scoped3A = tpu.sem_alloc : memref<!tpu.dma_semaphore, #tpu.memory_space<semaphore_mem>>
      %dma_start3A_206 = arith.constant 0 : i32
      %dma_start3A_207 = tpu.memref_slice %arg32[%mul3A_2, %dma_start3A_206] : memref<10240x128xf32, #tpu.memory_space<vmem_shared>> -> memref<640x128xf32, #tpu.memory_space<vmem_shared>>
      %dma_start3A_208 = arith.constant 0 : i32
      %dma_start3A_209 = tpu.memref_slice %arg3[%mul3A_2, %dma_start3A_208] : memref<10240x128xf32, #tpu.memory_space<hbm>> -> memref<640x128xf32, #tpu.memory_space<hbm>>
      tpu.enqueue_dma source(%dma_start3A_209 : memref<640x128xf32, #tpu.memory_space<hbm>>) target(%dma_start3A_207 : memref<640x128xf32, #tpu.memory_space<vmem_shared>>) target_semaphore(%run_scoped3A : memref<!tpu.dma_semaphore, #tpu.memory_space<semaphore_mem>>)
      %dma_wait3A_210 = arith.constant 0 : i32
      %dma_wait3A_211 = tpu.memref_slice %arg32[%mul3A_2, %dma_wait3A_210] : memref<10240x128xf32, #tpu.memory_space<vmem_shared>> -> memref<640x128xf32, #tpu.memory_space<vmem_shared>>
      %dma_wait3A_212 = arith.constant 0 : i32
      %dma_wait3A_213 = tpu.memref_slice %arg3[%mul3A_2, %dma_wait3A_212] : memref<10240x128xf32, #tpu.memory_space<hbm>> -> memref<640x128xf32, #tpu.memory_space<hbm>>
      tpu.wait_dma2 semaphore(%run_scoped3A : memref<!tpu.dma_semaphore, #tpu.memory_space<semaphore_mem>>) src(%dma_wait3A_213 : memref<640x128xf32, #tpu.memory_space<hbm>>) dst(%dma_wait3A_211 : memref<640x128xf32, #tpu.memory_space<vmem_shared>>)
      tpu.yield
    }) : () -> ()
    %barrier3A = arith.constant 0 : index
    tpu.barrier barrier_id(%barrier3A)
    %dma_start3A = arith.constant 0 : i32
    %dma_start3A_3 = arith.constant 0 : i32
    %dma_start3A_4 = tpu.memref_slice %arg4[%add3A, %dma_start3A, %dma_start3A_3] : memref<32x80x64xi32, #tpu.memory_space<hbm>> -> memref<1x1x64xi32, #tpu.memory_space<hbm>>
    %dma_start3A_5 = tpu.memref_squeeze %dma_start3A_4 : memref<1x1x64xi32, #tpu.memory_space<hbm>> -> memref<64xi32, #tpu.memory_space<hbm>>
    %dma_start3A_6 = arith.constant 0 : i32
    %dma_start3A_7 = tpu.memref_slice %arg4[%add3A, %dma_start3A, %dma_start3A_6] : memref<32x80x64xi32, #tpu.memory_space<hbm>> -> memref<1x1x64xi32, #tpu.memory_space<hbm>>
    %dma_start3A_8 = tpu.memref_squeeze %dma_start3A_7 : memref<1x1x64xi32, #tpu.memory_space<hbm>> -> memref<64xi32, #tpu.memory_space<hbm>>
    tpu.enqueue_dma source(%dma_start3A_8 : memref<64xi32, #tpu.memory_space<hbm>>) target(%arg7 : memref<64xi32, #tpu.memory_space<vmem>>) target_semaphore(%arg33 : memref<!tpu.dma_semaphore, #tpu.memory_space<semaphore_mem>>)
    %dma_start3A_9 = arith.constant 0 : i32
    %dma_start3A_10 = arith.constant 0 : i32
    %dma_start3A_11 = tpu.memref_slice %arg5[%add3A, %dma_start3A_9, %dma_start3A_10] : memref<32x80x64xi32, #tpu.memory_space<hbm>> -> memref<1x1x64xi32, #tpu.memory_space<hbm>>
    %dma_start3A_12 = tpu.memref_squeeze %dma_start3A_11 : memref<1x1x64xi32, #tpu.memory_space<hbm>> -> memref<64xi32, #tpu.memory_space<hbm>>
    %dma_start3A_13 = arith.constant 0 : i32
    %dma_start3A_14 = tpu.memref_slice %arg5[%add3A, %dma_start3A_9, %dma_start3A_13] : memref<32x80x64xi32, #tpu.memory_space<hbm>> -> memref<1x1x64xi32, #tpu.memory_space<hbm>>
    %dma_start3A_15 = tpu.memref_squeeze %dma_start3A_14 : memref<1x1x64xi32, #tpu.memory_space<hbm>> -> memref<64xi32, #tpu.memory_space<hbm>>
    tpu.enqueue_dma source(%dma_start3A_15 : memref<64xi32, #tpu.memory_space<hbm>>) target(%arg17 : memref<64xi32, #tpu.memory_space<vmem>>) target_semaphore(%arg33 : memref<!tpu.dma_semaphore, #tpu.memory_space<semaphore_mem>>)
    %dma_start3A_16 = arith.constant 1 : i32
    %dma_start3A_17 = arith.constant 0 : i32
    %dma_start3A_18 = tpu.memref_slice %arg4[%add3A, %dma_start3A_16, %dma_start3A_17] : memref<32x80x64xi32, #tpu.memory_space<hbm>> -> memref<1x1x64xi32, #tpu.memory_space<hbm>>
    %dma_start3A_19 = tpu.memref_squeeze %dma_start3A_18 : memref<1x1x64xi32, #tpu.memory_space<hbm>> -> memref<64xi32, #tpu.memory_space<hbm>>
    %dma_start3A_20 = arith.constant 0 : i32
    %dma_start3A_21 = tpu.memref_slice %arg4[%add3A, %dma_start3A_16, %dma_start3A_20] : memref<32x80x64xi32, #tpu.memory_space<hbm>> -> memref<1x1x64xi32, #tpu.memory_space<hbm>>
    %dma_start3A_22 = tpu.memref_squeeze %dma_start3A_21 : memref<1x1x64xi32, #tpu.memory_space<hbm>> -> memref<64xi32, #tpu.memory_space<hbm>>
    tpu.enqueue_dma source(%dma_start3A_22 : memref<64xi32, #tpu.memory_space<hbm>>) target(%arg8 : memref<64xi32, #tpu.memory_space<vmem>>) target_semaphore(%arg34 : memref<!tpu.dma_semaphore, #tpu.memory_space<semaphore_mem>>)
    %dma_start3A_23 = arith.constant 1 : i32
    %dma_start3A_24 = arith.constant 0 : i32
    %dma_start3A_25 = tpu.memref_slice %arg5[%add3A, %dma_start3A_23, %dma_start3A_24] : memref<32x80x64xi32, #tpu.memory_space<hbm>> -> memref<1x1x64xi32, #tpu.memory_space<hbm>>
    %dma_start3A_26 = tpu.memref_squeeze %dma_start3A_25 : memref<1x1x64xi32, #tpu.memory_space<hbm>> -> memref<64xi32, #tpu.memory_space<hbm>>
    %dma_start3A_27 = arith.constant 0 : i32
    %dma_start3A_28 = tpu.memref_slice %arg5[%add3A, %dma_start3A_23, %dma_start3A_27] : memref<32x80x64xi32, #tpu.memory_space<hbm>> -> memref<1x1x64xi32, #tpu.memory_space<hbm>>
    %dma_start3A_29 = tpu.memref_squeeze %dma_start3A_28 : memref<1x1x64xi32, #tpu.memory_space<hbm>> -> memref<64xi32, #tpu.memory_space<hbm>>
    tpu.enqueue_dma source(%dma_start3A_29 : memref<64xi32, #tpu.memory_space<hbm>>) target(%arg18 : memref<64xi32, #tpu.memory_space<vmem>>) target_semaphore(%arg34 : memref<!tpu.dma_semaphore, #tpu.memory_space<semaphore_mem>>)
    %dma_start3A_30 = arith.constant 2 : i32
    %dma_start3A_31 = arith.constant 0 : i32
    %dma_start3A_32 = tpu.memref_slice %arg4[%add3A, %dma_start3A_30, %dma_start3A_31] : memref<32x80x64xi32, #tpu.memory_space<hbm>> -> memref<1x1x64xi32, #tpu.memory_space<hbm>>
    %dma_start3A_33 = tpu.memref_squeeze %dma_start3A_32 : memref<1x1x64xi32, #tpu.memory_space<hbm>> -> memref<64xi32, #tpu.memory_space<hbm>>
    %dma_start3A_34 = arith.constant 0 : i32
    %dma_start3A_35 = tpu.memref_slice %arg4[%add3A, %dma_start3A_30, %dma_start3A_34] : memref<32x80x64xi32, #tpu.memory_space<hbm>> -> memref<1x1x64xi32, #tpu.memory_space<hbm>>
    %dma_start3A_36 = tpu.memref_squeeze %dma_start3A_35 : memref<1x1x64xi32, #tpu.memory_space<hbm>> -> memref<64xi32, #tpu.memory_space<hbm>>
    tpu.enqueue_dma source(%dma_start3A_36 : memref<64xi32, #tpu.memory_space<hbm>>) target(%arg9 : memref<64xi32, #tpu.memory_space<vmem>>) target_semaphore(%arg35 : memref<!tpu.dma_semaphore, #tpu.memory_space<semaphore_mem>>)
    %dma_start3A_37 = arith.constant 2 : i32
    %dma_start3A_38 = arith.constant 0 : i32
    %dma_start3A_39 = tpu.memref_slice %arg5[%add3A, %dma_start3A_37, %dma_start3A_38] : memref<32x80x64xi32, #tpu.memory_space<hbm>> -> memref<1x1x64xi32, #tpu.memory_space<hbm>>
    %dma_start3A_40 = tpu.memref_squeeze %dma_start3A_39 : memref<1x1x64xi32, #tpu.memory_space<hbm>> -> memref<64xi32, #tpu.memory_space<hbm>>
    %dma_start3A_41 = arith.constant 0 : i32
    %dma_start3A_42 = tpu.memref_slice %arg5[%add3A, %dma_start3A_37, %dma_start3A_41] : memref<32x80x64xi32, #tpu.memory_space<hbm>> -> memref<1x1x64xi32, #tpu.memory_space<hbm>>
    %dma_start3A_43 = tpu.memref_squeeze %dma_start3A_42 : memref<1x1x64xi32, #tpu.memory_space<hbm>> -> memref<64xi32, #tpu.memory_space<hbm>>
    tpu.enqueue_dma source(%dma_start3A_43 : memref<64xi32, #tpu.memory_space<hbm>>) target(%arg19 : memref<64xi32, #tpu.memory_space<vmem>>) target_semaphore(%arg35 : memref<!tpu.dma_semaphore, #tpu.memory_space<semaphore_mem>>)
    %dma_start3A_44 = arith.constant 3 : i32
    %dma_start3A_45 = arith.constant 0 : i32
    %dma_start3A_46 = tpu.memref_slice %arg4[%add3A, %dma_start3A_44, %dma_start3A_45] : memref<32x80x64xi32, #tpu.memory_space<hbm>> -> memref<1x1x64xi32, #tpu.memory_space<hbm>>
    %dma_start3A_47 = tpu.memref_squeeze %dma_start3A_46 : memref<1x1x64xi32, #tpu.memory_space<hbm>> -> memref<64xi32, #tpu.memory_space<hbm>>
    %dma_start3A_48 = arith.constant 0 : i32
    %dma_start3A_49 = tpu.memref_slice %arg4[%add3A, %dma_start3A_44, %dma_start3A_48] : memref<32x80x64xi32, #tpu.memory_space<hbm>> -> memref<1x1x64xi32, #tpu.memory_space<hbm>>
    %dma_start3A_50 = tpu.memref_squeeze %dma_start3A_49 : memref<1x1x64xi32, #tpu.memory_space<hbm>> -> memref<64xi32, #tpu.memory_space<hbm>>
    tpu.enqueue_dma source(%dma_start3A_50 : memref<64xi32, #tpu.memory_space<hbm>>) target(%arg10 : memref<64xi32, #tpu.memory_space<vmem>>) target_semaphore(%arg36 : memref<!tpu.dma_semaphore, #tpu.memory_space<semaphore_mem>>)
    %dma_start3A_51 = arith.constant 3 : i32
    %dma_start3A_52 = arith.constant 0 : i32
    %dma_start3A_53 = tpu.memref_slice %arg5[%add3A, %dma_start3A_51, %dma_start3A_52] : memref<32x80x64xi32, #tpu.memory_space<hbm>> -> memref<1x1x64xi32, #tpu.memory_space<hbm>>
    %dma_start3A_54 = tpu.memref_squeeze %dma_start3A_53 : memref<1x1x64xi32, #tpu.memory_space<hbm>> -> memref<64xi32, #tpu.memory_space<hbm>>
    %dma_start3A_55 = arith.constant 0 : i32
    %dma_start3A_56 = tpu.memref_slice %arg5[%add3A, %dma_start3A_51, %dma_start3A_55] : memref<32x80x64xi32, #tpu.memory_space<hbm>> -> memref<1x1x64xi32, #tpu.memory_space<hbm>>
    %dma_start3A_57 = tpu.memref_squeeze %dma_start3A_56 : memref<1x1x64xi32, #tpu.memory_space<hbm>> -> memref<64xi32, #tpu.memory_space<hbm>>
    tpu.enqueue_dma source(%dma_start3A_57 : memref<64xi32, #tpu.memory_space<hbm>>) target(%arg20 : memref<64xi32, #tpu.memory_space<vmem>>) target_semaphore(%arg36 : memref<!tpu.dma_semaphore, #tpu.memory_space<semaphore_mem>>)
    %dma_start3A_58 = arith.constant 4 : i32
    %dma_start3A_59 = arith.constant 0 : i32
    %dma_start3A_60 = tpu.memref_slice %arg4[%add3A, %dma_start3A_58, %dma_start3A_59] : memref<32x80x64xi32, #tpu.memory_space<hbm>> -> memref<1x1x64xi32, #tpu.memory_space<hbm>>
    %dma_start3A_61 = tpu.memref_squeeze %dma_start3A_60 : memref<1x1x64xi32, #tpu.memory_space<hbm>> -> memref<64xi32, #tpu.memory_space<hbm>>
    %dma_start3A_62 = arith.constant 0 : i32
    %dma_start3A_63 = tpu.memref_slice %arg4[%add3A, %dma_start3A_58, %dma_start3A_62] : memref<32x80x64xi32, #tpu.memory_space<hbm>> -> memref<1x1x64xi32, #tpu.memory_space<hbm>>
    %dma_start3A_64 = tpu.memref_squeeze %dma_start3A_63 : memref<1x1x64xi32, #tpu.memory_space<hbm>> -> memref<64xi32, #tpu.memory_space<hbm>>
    tpu.enqueue_dma source(%dma_start3A_64 : memref<64xi32, #tpu.memory_space<hbm>>) target(%arg11 : memref<64xi32, #tpu.memory_space<vmem>>) target_semaphore(%arg37 : memref<!tpu.dma_semaphore, #tpu.memory_space<semaphore_mem>>)
    %dma_start3A_65 = arith.constant 4 : i32
    %dma_start3A_66 = arith.constant 0 : i32
    %dma_start3A_67 = tpu.memref_slice %arg5[%add3A, %dma_start3A_65, %dma_start3A_66] : memref<32x80x64xi32, #tpu.memory_space<hbm>> -> memref<1x1x64xi32, #tpu.memory_space<hbm>>
    %dma_start3A_68 = tpu.memref_squeeze %dma_start3A_67 : memref<1x1x64xi32, #tpu.memory_space<hbm>> -> memref<64xi32, #tpu.memory_space<hbm>>
    %dma_start3A_69 = arith.constant 0 : i32
    %dma_start3A_70 = tpu.memref_slice %arg5[%add3A, %dma_start3A_65, %dma_start3A_69] : memref<32x80x64xi32, #tpu.memory_space<hbm>> -> memref<1x1x64xi32, #tpu.memory_space<hbm>>
    %dma_start3A_71 = tpu.memref_squeeze %dma_start3A_70 : memref<1x1x64xi32, #tpu.memory_space<hbm>> -> memref<64xi32, #tpu.memory_space<hbm>>
    tpu.enqueue_dma source(%dma_start3A_71 : memref<64xi32, #tpu.memory_space<hbm>>) target(%arg21 : memref<64xi32, #tpu.memory_space<vmem>>) target_semaphore(%arg37 : memref<!tpu.dma_semaphore, #tpu.memory_space<semaphore_mem>>)
    %dma_start3A_72 = arith.constant 5 : i32
    %dma_start3A_73 = arith.constant 0 : i32
    %dma_start3A_74 = tpu.memref_slice %arg4[%add3A, %dma_start3A_72, %dma_start3A_73] : memref<32x80x64xi32, #tpu.memory_space<hbm>> -> memref<1x1x64xi32, #tpu.memory_space<hbm>>
    %dma_start3A_75 = tpu.memref_squeeze %dma_start3A_74 : memref<1x1x64xi32, #tpu.memory_space<hbm>> -> memref<64xi32, #tpu.memory_space<hbm>>
    %dma_start3A_76 = arith.constant 0 : i32
    %dma_start3A_77 = tpu.memref_slice %arg4[%add3A, %dma_start3A_72, %dma_start3A_76] : memref<32x80x64xi32, #tpu.memory_space<hbm>> -> memref<1x1x64xi32, #tpu.memory_space<hbm>>
    %dma_start3A_78 = tpu.memref_squeeze %dma_start3A_77 : memref<1x1x64xi32, #tpu.memory_space<hbm>> -> memref<64xi32, #tpu.memory_space<hbm>>
    tpu.enqueue_dma source(%dma_start3A_78 : memref<64xi32, #tpu.memory_space<hbm>>) target(%arg12 : memref<64xi32, #tpu.memory_space<vmem>>) target_semaphore(%arg38 : memref<!tpu.dma_semaphore, #tpu.memory_space<semaphore_mem>>)
    %dma_start3A_79 = arith.constant 5 : i32
    %dma_start3A_80 = arith.constant 0 : i32
    %dma_start3A_81 = tpu.memref_slice %arg5[%add3A, %dma_start3A_79, %dma_start3A_80] : memref<32x80x64xi32, #tpu.memory_space<hbm>> -> memref<1x1x64xi32, #tpu.memory_space<hbm>>
    %dma_start3A_82 = tpu.memref_squeeze %dma_start3A_81 : memref<1x1x64xi32, #tpu.memory_space<hbm>> -> memref<64xi32, #tpu.memory_space<hbm>>
    %dma_start3A_83 = arith.constant 0 : i32
    %dma_start3A_84 = tpu.memref_slice %arg5[%add3A, %dma_start3A_79, %dma_start3A_83] : memref<32x80x64xi32, #tpu.memory_space<hbm>> -> memref<1x1x64xi32, #tpu.memory_space<hbm>>
    %dma_start3A_85 = tpu.memref_squeeze %dma_start3A_84 : memref<1x1x64xi32, #tpu.memory_space<hbm>> -> memref<64xi32, #tpu.memory_space<hbm>>
    tpu.enqueue_dma source(%dma_start3A_85 : memref<64xi32, #tpu.memory_space<hbm>>) target(%arg22 : memref<64xi32, #tpu.memory_space<vmem>>) target_semaphore(%arg38 : memref<!tpu.dma_semaphore, #tpu.memory_space<semaphore_mem>>)
    %dma_start3A_86 = arith.constant 6 : i32
    %dma_start3A_87 = arith.constant 0 : i32
    %dma_start3A_88 = tpu.memref_slice %arg4[%add3A, %dma_start3A_86, %dma_start3A_87] : memref<32x80x64xi32, #tpu.memory_space<hbm>> -> memref<1x1x64xi32, #tpu.memory_space<hbm>>
    %dma_start3A_89 = tpu.memref_squeeze %dma_start3A_88 : memref<1x1x64xi32, #tpu.memory_space<hbm>> -> memref<64xi32, #tpu.memory_space<hbm>>
    %dma_start3A_90 = arith.constant 0 : i32
    %dma_start3A_91 = tpu.memref_slice %arg4[%add3A, %dma_start3A_86, %dma_start3A_90] : memref<32x80x64xi32, #tpu.memory_space<hbm>> -> memref<1x1x64xi32, #tpu.memory_space<hbm>>
    %dma_start3A_92 = tpu.memref_squeeze %dma_start3A_91 : memref<1x1x64xi32, #tpu.memory_space<hbm>> -> memref<64xi32, #tpu.memory_space<hbm>>
    tpu.enqueue_dma source(%dma_start3A_92 : memref<64xi32, #tpu.memory_space<hbm>>) target(%arg13 : memref<64xi32, #tpu.memory_space<vmem>>) target_semaphore(%arg39 : memref<!tpu.dma_semaphore, #tpu.memory_space<semaphore_mem>>)
    %dma_start3A_93 = arith.constant 6 : i32
    %dma_start3A_94 = arith.constant 0 : i32
    %dma_start3A_95 = tpu.memref_slice %arg5[%add3A, %dma_start3A_93, %dma_start3A_94] : memref<32x80x64xi32, #tpu.memory_space<hbm>> -> memref<1x1x64xi32, #tpu.memory_space<hbm>>
    %dma_start3A_96 = tpu.memref_squeeze %dma_start3A_95 : memref<1x1x64xi32, #tpu.memory_space<hbm>> -> memref<64xi32, #tpu.memory_space<hbm>>
    %dma_start3A_97 = arith.constant 0 : i32
    %dma_start3A_98 = tpu.memref_slice %arg5[%add3A, %dma_start3A_93, %dma_start3A_97] : memref<32x80x64xi32, #tpu.memory_space<hbm>> -> memref<1x1x64xi32, #tpu.memory_space<hbm>>
    %dma_start3A_99 = tpu.memref_squeeze %dma_start3A_98 : memref<1x1x64xi32, #tpu.memory_space<hbm>> -> memref<64xi32, #tpu.memory_space<hbm>>
    tpu.enqueue_dma source(%dma_start3A_99 : memref<64xi32, #tpu.memory_space<hbm>>) target(%arg23 : memref<64xi32, #tpu.memory_space<vmem>>) target_semaphore(%arg39 : memref<!tpu.dma_semaphore, #tpu.memory_space<semaphore_mem>>)
    %dma_start3A_100 = arith.constant 7 : i32
    %dma_start3A_101 = arith.constant 0 : i32
    %dma_start3A_102 = tpu.memref_slice %arg4[%add3A, %dma_start3A_100, %dma_start3A_101] : memref<32x80x64xi32, #tpu.memory_space<hbm>> -> memref<1x1x64xi32, #tpu.memory_space<hbm>>
    %dma_start3A_103 = tpu.memref_squeeze %dma_start3A_102 : memref<1x1x64xi32, #tpu.memory_space<hbm>> -> memref<64xi32, #tpu.memory_space<hbm>>
    %dma_start3A_104 = arith.constant 0 : i32
    %dma_start3A_105 = tpu.memref_slice %arg4[%add3A, %dma_start3A_100, %dma_start3A_104] : memref<32x80x64xi32, #tpu.memory_space<hbm>> -> memref<1x1x64xi32, #tpu.memory_space<hbm>>
    %dma_start3A_106 = tpu.memref_squeeze %dma_start3A_105 : memref<1x1x64xi32, #tpu.memory_space<hbm>> -> memref<64xi32, #tpu.memory_space<hbm>>
    tpu.enqueue_dma source(%dma_start3A_106 : memref<64xi32, #tpu.memory_space<hbm>>) target(%arg14 : memref<64xi32, #tpu.memory_space<vmem>>) target_semaphore(%arg40 : memref<!tpu.dma_semaphore, #tpu.memory_space<semaphore_mem>>)
    %dma_start3A_107 = arith.constant 7 : i32
    %dma_start3A_108 = arith.constant 0 : i32
    %dma_start3A_109 = tpu.memref_slice %arg5[%add3A, %dma_start3A_107, %dma_start3A_108] : memref<32x80x64xi32, #tpu.memory_space<hbm>> -> memref<1x1x64xi32, #tpu.memory_space<hbm>>
    %dma_start3A_110 = tpu.memref_squeeze %dma_start3A_109 : memref<1x1x64xi32, #tpu.memory_space<hbm>> -> memref<64xi32, #tpu.memory_space<hbm>>
    %dma_start3A_111 = arith.constant 0 : i32
    %dma_start3A_112 = tpu.memref_slice %arg5[%add3A, %dma_start3A_107, %dma_start3A_111] : memref<32x80x64xi32, #tpu.memory_space<hbm>> -> memref<1x1x64xi32, #tpu.memory_space<hbm>>
    %dma_start3A_113 = tpu.memref_squeeze %dma_start3A_112 : memref<1x1x64xi32, #tpu.memory_space<hbm>> -> memref<64xi32, #tpu.memory_space<hbm>>
    tpu.enqueue_dma source(%dma_start3A_113 : memref<64xi32, #tpu.memory_space<hbm>>) target(%arg24 : memref<64xi32, #tpu.memory_space<vmem>>) target_semaphore(%arg40 : memref<!tpu.dma_semaphore, #tpu.memory_space<semaphore_mem>>)
    %dma_start3A_114 = arith.constant 8 : i32
    %dma_start3A_115 = arith.constant 0 : i32
    %dma_start3A_116 = tpu.memref_slice %arg4[%add3A, %dma_start3A_114, %dma_start3A_115] : memref<32x80x64xi32, #tpu.memory_space<hbm>> -> memref<1x1x64xi32, #tpu.memory_space<hbm>>
    %dma_start3A_117 = tpu.memref_squeeze %dma_start3A_116 : memref<1x1x64xi32, #tpu.memory_space<hbm>> -> memref<64xi32, #tpu.memory_space<hbm>>
    %dma_start3A_118 = arith.constant 0 : i32
    %dma_start3A_119 = tpu.memref_slice %arg4[%add3A, %dma_start3A_114, %dma_start3A_118] : memref<32x80x64xi32, #tpu.memory_space<hbm>> -> memref<1x1x64xi32, #tpu.memory_space<hbm>>
    %dma_start3A_120 = tpu.memref_squeeze %dma_start3A_119 : memref<1x1x64xi32, #tpu.memory_space<hbm>> -> memref<64xi32, #tpu.memory_space<hbm>>
    tpu.enqueue_dma source(%dma_start3A_120 : memref<64xi32, #tpu.memory_space<hbm>>) target(%arg15 : memref<64xi32, #tpu.memory_space<vmem>>) target_semaphore(%arg41 : memref<!tpu.dma_semaphore, #tpu.memory_space<semaphore_mem>>)
    %dma_start3A_121 = arith.constant 8 : i32
    %dma_start3A_122 = arith.constant 0 : i32
    %dma_start3A_123 = tpu.memref_slice %arg5[%add3A, %dma_start3A_121, %dma_start3A_122] : memref<32x80x64xi32, #tpu.memory_space<hbm>> -> memref<1x1x64xi32, #tpu.memory_space<hbm>>
    %dma_start3A_124 = tpu.memref_squeeze %dma_start3A_123 : memref<1x1x64xi32, #tpu.memory_space<hbm>> -> memref<64xi32, #tpu.memory_space<hbm>>
    %dma_start3A_125 = arith.constant 0 : i32
    %dma_start3A_126 = tpu.memref_slice %arg5[%add3A, %dma_start3A_121, %dma_start3A_125] : memref<32x80x64xi32, #tpu.memory_space<hbm>> -> memref<1x1x64xi32, #tpu.memory_space<hbm>>
    %dma_start3A_127 = tpu.memref_squeeze %dma_start3A_126 : memref<1x1x64xi32, #tpu.memory_space<hbm>> -> memref<64xi32, #tpu.memory_space<hbm>>
    tpu.enqueue_dma source(%dma_start3A_127 : memref<64xi32, #tpu.memory_space<hbm>>) target(%arg25 : memref<64xi32, #tpu.memory_space<vmem>>) target_semaphore(%arg41 : memref<!tpu.dma_semaphore, #tpu.memory_space<semaphore_mem>>)
    %dma_wait3A = arith.constant 0 : i32
    %dma_wait3A_128 = arith.constant 0 : i32
    %dma_wait3A_129 = tpu.memref_slice %arg4[%add3A, %dma_wait3A, %dma_wait3A_128] : memref<32x80x64xi32, #tpu.memory_space<hbm>> -> memref<1x1x64xi32, #tpu.memory_space<hbm>>
    %dma_wait3A_130 = tpu.memref_squeeze %dma_wait3A_129 : memref<1x1x64xi32, #tpu.memory_space<hbm>> -> memref<64xi32, #tpu.memory_space<hbm>>
    %dma_wait3A_131 = arith.constant 0 : i32
    %dma_wait3A_132 = tpu.memref_slice %arg4[%add3A, %dma_wait3A, %dma_wait3A_131] : memref<32x80x64xi32, #tpu.memory_space<hbm>> -> memref<1x1x64xi32, #tpu.memory_space<hbm>>
    %dma_wait3A_133 = tpu.memref_squeeze %dma_wait3A_132 : memref<1x1x64xi32, #tpu.memory_space<hbm>> -> memref<64xi32, #tpu.memory_space<hbm>>
    tpu.wait_dma2 semaphore(%arg33 : memref<!tpu.dma_semaphore, #tpu.memory_space<semaphore_mem>>) src(%dma_wait3A_133 : memref<64xi32, #tpu.memory_space<hbm>>) dst(%arg7 : memref<64xi32, #tpu.memory_space<vmem>>)
    %dma_wait3A_134 = arith.constant 0 : i32
    %dma_wait3A_135 = arith.constant 0 : i32
    %dma_wait3A_136 = tpu.memref_slice %arg5[%add3A, %dma_wait3A_134, %dma_wait3A_135] : memref<32x80x64xi32, #tpu.memory_space<hbm>> -> memref<1x1x64xi32, #tpu.memory_space<hbm>>
    %dma_wait3A_137 = tpu.memref_squeeze %dma_wait3A_136 : memref<1x1x64xi32, #tpu.memory_space<hbm>> -> memref<64xi32, #tpu.memory_space<hbm>>
    %dma_wait3A_138 = arith.constant 0 : i32
    %dma_wait3A_139 = tpu.memref_slice %arg5[%add3A, %dma_wait3A_134, %dma_wait3A_138] : memref<32x80x64xi32, #tpu.memory_space<hbm>> -> memref<1x1x64xi32, #tpu.memory_space<hbm>>
    %dma_wait3A_140 = tpu.memref_squeeze %dma_wait3A_139 : memref<1x1x64xi32, #tpu.memory_space<hbm>> -> memref<64xi32, #tpu.memory_space<hbm>>
    tpu.wait_dma2 semaphore(%arg33 : memref<!tpu.dma_semaphore, #tpu.memory_space<semaphore_mem>>) src(%dma_wait3A_140 : memref<64xi32, #tpu.memory_space<hbm>>) dst(%arg17 : memref<64xi32, #tpu.memory_space<vmem>>)
    %dma_start3A_141 = arith.constant 0 : i32
    %dma_start3A_142 = arith.constant 0 : i32
    %dma_start3A_143 = tpu.memref_slice %arg2[%dma_start3A_141, %dma_start3A_142] : memref<10240x128xf32, #tpu.memory_space<hbm>> -> memref<10240x128xf32, #tpu.memory_space<hbm>>
    tpu.enqueue_indirect_dma source(%dma_start3A_143 : memref<10240x128xf32, #tpu.memory_space<hbm>>) target(%arg27 : memref<64x128xf32, #tpu.memory_space<vmem>>) offsets(%arg7 : memref<64xi32, #tpu.memory_space<vmem>>) semaphore(%arg43 : memref<!tpu.dma_semaphore, #tpu.memory_space<semaphore_mem>>)
    %dma_wait3A_144 = arith.constant 0 : i32
    %dma_wait3A_145 = arith.constant 0 : i32
    %dma_wait3A_146 = tpu.memref_slice %arg4[%add3A, %dma_wait3A_144, %dma_wait3A_145] : memref<32x80x64xi32, #tpu.memory_space<hbm>> -> memref<1x1x64xi32, #tpu.memory_space<hbm>>
    %dma_wait3A_147 = tpu.memref_squeeze %dma_wait3A_146 : memref<1x1x64xi32, #tpu.memory_space<hbm>> -> memref<64xi32, #tpu.memory_space<hbm>>
    %dma_wait3A_148 = arith.constant 0 : i32
    %dma_wait3A_149 = tpu.memref_slice %arg4[%add3A, %dma_wait3A_144, %dma_wait3A_148] : memref<32x80x64xi32, #tpu.memory_space<hbm>> -> memref<1x1x64xi32, #tpu.memory_space<hbm>>
    %dma_wait3A_150 = tpu.memref_squeeze %dma_wait3A_149 : memref<1x1x64xi32, #tpu.memory_space<hbm>> -> memref<64xi32, #tpu.memory_space<hbm>>
    tpu.wait_dma2 semaphore(%arg34 : memref<!tpu.dma_semaphore, #tpu.memory_space<semaphore_mem>>) src(%dma_wait3A_150 : memref<64xi32, #tpu.memory_space<hbm>>) dst(%arg8 : memref<64xi32, #tpu.memory_space<vmem>>)
    %dma_wait3A_151 = arith.constant 0 : i32
    %dma_wait3A_152 = arith.constant 0 : i32
    %dma_wait3A_153 = tpu.memref_slice %arg5[%add3A, %dma_wait3A_151, %dma_wait3A_152] : memref<32x80x64xi32, #tpu.memory_space<hbm>> -> memref<1x1x64xi32, #tpu.memory_space<hbm>>
    %dma_wait3A_154 = tpu.memref_squeeze %dma_wait3A_153 : memref<1x1x64xi32, #tpu.memory_space<hbm>> -> memref<64xi32, #tpu.memory_space<hbm>>
    %dma_wait3A_155 = arith.constant 0 : i32
    %dma_wait3A_156 = tpu.memref_slice %arg5[%add3A, %dma_wait3A_151, %dma_wait3A_155] : memref<32x80x64xi32, #tpu.memory_space<hbm>> -> memref<1x1x64xi32, #tpu.memory_space<hbm>>
    %dma_wait3A_157 = tpu.memref_squeeze %dma_wait3A_156 : memref<1x1x64xi32, #tpu.memory_space<hbm>> -> memref<64xi32, #tpu.memory_space<hbm>>
    tpu.wait_dma2 semaphore(%arg34 : memref<!tpu.dma_semaphore, #tpu.memory_space<semaphore_mem>>) src(%dma_wait3A_157 : memref<64xi32, #tpu.memory_space<hbm>>) dst(%arg18 : memref<64xi32, #tpu.memory_space<vmem>>)
    %dma_start3A_158 = arith.constant 0 : i32
    %dma_start3A_159 = arith.constant 0 : i32
    %dma_start3A_160 = tpu.memref_slice %arg2[%dma_start3A_158, %dma_start3A_159] : memref<10240x128xf32, #tpu.memory_space<hbm>> -> memref<10240x128xf32, #tpu.memory_space<hbm>>
    tpu.enqueue_indirect_dma source(%dma_start3A_160 : memref<10240x128xf32, #tpu.memory_space<hbm>>) target(%arg28 : memref<64x128xf32, #tpu.memory_space<vmem>>) offsets(%arg8 : memref<64xi32, #tpu.memory_space<vmem>>) semaphore(%arg44 : memref<!tpu.dma_semaphore, #tpu.memory_space<semaphore_mem>>)
    %dma_wait3A_161 = arith.constant 0 : i32
    %dma_wait3A_162 = arith.constant 0 : i32
    %dma_wait3A_163 = tpu.memref_slice %arg4[%add3A, %dma_wait3A_161, %dma_wait3A_162] : memref<32x80x64xi32, #tpu.memory_space<hbm>> -> memref<1x1x64xi32, #tpu.memory_space<hbm>>
    %dma_wait3A_164 = tpu.memref_squeeze %dma_wait3A_163 : memref<1x1x64xi32, #tpu.memory_space<hbm>> -> memref<64xi32, #tpu.memory_space<hbm>>
    %dma_wait3A_165 = arith.constant 0 : i32
    %dma_wait3A_166 = tpu.memref_slice %arg4[%add3A, %dma_wait3A_161, %dma_wait3A_165] : memref<32x80x64xi32, #tpu.memory_space<hbm>> -> memref<1x1x64xi32, #tpu.memory_space<hbm>>
    %dma_wait3A_167 = tpu.memref_squeeze %dma_wait3A_166 : memref<1x1x64xi32, #tpu.memory_space<hbm>> -> memref<64xi32, #tpu.memory_space<hbm>>
    tpu.wait_dma2 semaphore(%arg35 : memref<!tpu.dma_semaphore, #tpu.memory_space<semaphore_mem>>) src(%dma_wait3A_167 : memref<64xi32, #tpu.memory_space<hbm>>) dst(%arg9 : memref<64xi32, #tpu.memory_space<vmem>>)
    %dma_wait3A_168 = arith.constant 0 : i32
    %dma_wait3A_169 = arith.constant 0 : i32
    %dma_wait3A_170 = tpu.memref_slice %arg5[%add3A, %dma_wait3A_168, %dma_wait3A_169] : memref<32x80x64xi32, #tpu.memory_space<hbm>> -> memref<1x1x64xi32, #tpu.memory_space<hbm>>
    %dma_wait3A_171 = tpu.memref_squeeze %dma_wait3A_170 : memref<1x1x64xi32, #tpu.memory_space<hbm>> -> memref<64xi32, #tpu.memory_space<hbm>>
    %dma_wait3A_172 = arith.constant 0 : i32
    %dma_wait3A_173 = tpu.memref_slice %arg5[%add3A, %dma_wait3A_168, %dma_wait3A_172] : memref<32x80x64xi32, #tpu.memory_space<hbm>> -> memref<1x1x64xi32, #tpu.memory_space<hbm>>
    %dma_wait3A_174 = tpu.memref_squeeze %dma_wait3A_173 : memref<1x1x64xi32, #tpu.memory_space<hbm>> -> memref<64xi32, #tpu.memory_space<hbm>>
    tpu.wait_dma2 semaphore(%arg35 : memref<!tpu.dma_semaphore, #tpu.memory_space<semaphore_mem>>) src(%dma_wait3A_174 : memref<64xi32, #tpu.memory_space<hbm>>) dst(%arg19 : memref<64xi32, #tpu.memory_space<vmem>>)
    %dma_start3A_175 = arith.constant 0 : i32
    %dma_start3A_176 = arith.constant 0 : i32
    %dma_start3A_177 = tpu.memref_slice %arg2[%dma_start3A_175, %dma_start3A_176] : memref<10240x128xf32, #tpu.memory_space<hbm>> -> memref<10240x128xf32, #tpu.memory_space<hbm>>
    tpu.enqueue_indirect_dma source(%dma_start3A_177 : memref<10240x128xf32, #tpu.memory_space<hbm>>) target(%arg29 : memref<64x128xf32, #tpu.memory_space<vmem>>) offsets(%arg9 : memref<64xi32, #tpu.memory_space<vmem>>) semaphore(%arg45 : memref<!tpu.dma_semaphore, #tpu.memory_space<semaphore_mem>>)
    %dma_wait3A_178 = arith.constant 0 : i32
    %dma_wait3A_179 = arith.constant 0 : i32
    %dma_wait3A_180 = tpu.memref_slice %arg4[%add3A, %dma_wait3A_178, %dma_wait3A_179] : memref<32x80x64xi32, #tpu.memory_space<hbm>> -> memref<1x1x64xi32, #tpu.memory_space<hbm>>
    %dma_wait3A_181 = tpu.memref_squeeze %dma_wait3A_180 : memref<1x1x64xi32, #tpu.memory_space<hbm>> -> memref<64xi32, #tpu.memory_space<hbm>>
    %dma_wait3A_182 = arith.constant 0 : i32
    %dma_wait3A_183 = tpu.memref_slice %arg4[%add3A, %dma_wait3A_178, %dma_wait3A_182] : memref<32x80x64xi32, #tpu.memory_space<hbm>> -> memref<1x1x64xi32, #tpu.memory_space<hbm>>
    %dma_wait3A_184 = tpu.memref_squeeze %dma_wait3A_183 : memref<1x1x64xi32, #tpu.memory_space<hbm>> -> memref<64xi32, #tpu.memory_space<hbm>>
    tpu.wait_dma2 semaphore(%arg36 : memref<!tpu.dma_semaphore, #tpu.memory_space<semaphore_mem>>) src(%dma_wait3A_184 : memref<64xi32, #tpu.memory_space<hbm>>) dst(%arg10 : memref<64xi32, #tpu.memory_space<vmem>>)
    %dma_wait3A_185 = arith.constant 0 : i32
    %dma_wait3A_186 = arith.constant 0 : i32
    %dma_wait3A_187 = tpu.memref_slice %arg5[%add3A, %dma_wait3A_185, %dma_wait3A_186] : memref<32x80x64xi32, #tpu.memory_space<hbm>> -> memref<1x1x64xi32, #tpu.memory_space<hbm>>
    %dma_wait3A_188 = tpu.memref_squeeze %dma_wait3A_187 : memref<1x1x64xi32, #tpu.memory_space<hbm>> -> memref<64xi32, #tpu.memory_space<hbm>>
    %dma_wait3A_189 = arith.constant 0 : i32
    %dma_wait3A_190 = tpu.memref_slice %arg5[%add3A, %dma_wait3A_185, %dma_wait3A_189] : memref<32x80x64xi32, #tpu.memory_space<hbm>> -> memref<1x1x64xi32, #tpu.memory_space<hbm>>
    %dma_wait3A_191 = tpu.memref_squeeze %dma_wait3A_190 : memref<1x1x64xi32, #tpu.memory_space<hbm>> -> memref<64xi32, #tpu.memory_space<hbm>>
    tpu.wait_dma2 semaphore(%arg36 : memref<!tpu.dma_semaphore, #tpu.memory_space<semaphore_mem>>) src(%dma_wait3A_191 : memref<64xi32, #tpu.memory_space<hbm>>) dst(%arg20 : memref<64xi32, #tpu.memory_space<vmem>>)
    %dma_start3A_192 = arith.constant 0 : i32
    %dma_start3A_193 = arith.constant 0 : i32
    %dma_start3A_194 = tpu.memref_slice %arg2[%dma_start3A_192, %dma_start3A_193] : memref<10240x128xf32, #tpu.memory_space<hbm>> -> memref<10240x128xf32, #tpu.memory_space<hbm>>
    tpu.enqueue_indirect_dma source(%dma_start3A_194 : memref<10240x128xf32, #tpu.memory_space<hbm>>) target(%arg30 : memref<64x128xf32, #tpu.memory_space<vmem>>) offsets(%arg10 : memref<64xi32, #tpu.memory_space<vmem>>) semaphore(%arg46 : memref<!tpu.dma_semaphore, #tpu.memory_space<semaphore_mem>>)
    %scan3A = arith.constant 0 : i32
    %scan3A_195 = arith.constant 8 : i32
    %scan3A_196 = arith.addi %scan3A, %scan3A_195 : i32
    %scan3A_197 = arith.constant 1 : i32
    scf.for %scan3A_206 = %scan3A to %scan3A_196 step %scan3A_197  : i32 {
      %mul3A_207 = arith.constant 1 : i32
      %mul3A_208 = arith.muli %scan3A_206, %mul3A_207 : i32
      %add3A_209 = arith.constant 0 : i32
      %add3A_210 = arith.addi %add3A_209, %mul3A_208 : i32
      %dma_wait3A_211 = arith.constant 0 : i32
      %dma_wait3A_212 = arith.constant 0 : i32
      %dma_wait3A_213 = tpu.memref_slice %arg2[%dma_wait3A_211, %dma_wait3A_212] : memref<10240x128xf32, #tpu.memory_space<hbm>> -> memref<10240x128xf32, #tpu.memory_space<hbm>>
      tpu.wait_indirect_dma semaphore(%arg43 : memref<!tpu.dma_semaphore, #tpu.memory_space<semaphore_mem>>) src(%dma_wait3A_213 : memref<10240x128xf32, #tpu.memory_space<hbm>>) dst(%arg27 : memref<64x128xf32, #tpu.memory_space<vmem>>)
      %dma_start3A_214 = arith.constant 0 : i32
      %dma_start3A_215 = arith.constant 0 : i32
      %dma_start3A_216 = tpu.memref_slice %arg32[%dma_start3A_214, %dma_start3A_215] : memref<10240x128xf32, #tpu.memory_space<vmem_shared>> -> memref<10240x128xf32, #tpu.memory_space<vmem_shared>>
      tpu.enqueue_indirect_dma source(%arg27 : memref<64x128xf32, #tpu.memory_space<vmem>>) target(%dma_start3A_216 : memref<10240x128xf32, #tpu.memory_space<vmem_shared>>) offsets(%arg17 : memref<64xi32, #tpu.memory_space<vmem>>) semaphore(%arg48 : memref<!tpu.dma_semaphore, #tpu.memory_space<semaphore_mem>>) {add = true}
      %gt3A = arith.constant 0 : i32
      %gt3A_217 = arith.cmpi sgt, %add3A_210, %gt3A : i32
      %convert_element_type3A = arith.extui %gt3A_217 : i1 to i32
      %cond3A = arith.constant 0 : i32
      %cond3A_218 = arith.cmpi ne, %convert_element_type3A, %cond3A : i32
      scf.if %cond3A_218 {
        %dma_wait3A_483 = arith.constant 0 : i32
        %dma_wait3A_484 = arith.constant 0 : i32
        %dma_wait3A_485 = tpu.memref_slice %arg32[%dma_wait3A_483, %dma_wait3A_484] : memref<10240x128xf32, #tpu.memory_space<vmem_shared>> -> memref<10240x128xf32, #tpu.memory_space<vmem_shared>>
        tpu.wait_indirect_dma semaphore(%arg52 : memref<!tpu.dma_semaphore, #tpu.memory_space<semaphore_mem>>) src(%arg31 : memref<64x128xf32, #tpu.memory_space<vmem>>) dst(%dma_wait3A_485 : memref<10240x128xf32, #tpu.memory_space<vmem_shared>>)
      } else {
      }
      %mul3A_219 = arith.constant 10 : i32
      %mul3A_220 = arith.muli %mul3A_219, %add3A_210 : i32
      %add3A_221 = arith.constant 10 : i32
      %add3A_222 = arith.addi %mul3A_220, %add3A_221 : i32
      %sub3A = arith.constant 1 : i32
      %sub3A_223 = arith.subi %add3A_222, %sub3A : i32
      %dma_start3A_224 = arith.constant 0 : i32
      %dma_start3A_225 = tpu.memref_slice %arg4[%add3A, %sub3A_223, %dma_start3A_224] : memref<32x80x64xi32, #tpu.memory_space<hbm>> -> memref<1x1x64xi32, #tpu.memory_space<hbm>>
      %dma_start3A_226 = tpu.memref_squeeze %dma_start3A_225 : memref<1x1x64xi32, #tpu.memory_space<hbm>> -> memref<64xi32, #tpu.memory_space<hbm>>
      %dma_start3A_227 = arith.constant 0 : i32
      %dma_start3A_228 = tpu.memref_slice %arg4[%add3A, %sub3A_223, %dma_start3A_227] : memref<32x80x64xi32, #tpu.memory_space<hbm>> -> memref<1x1x64xi32, #tpu.memory_space<hbm>>
      %dma_start3A_229 = tpu.memref_squeeze %dma_start3A_228 : memref<1x1x64xi32, #tpu.memory_space<hbm>> -> memref<64xi32, #tpu.memory_space<hbm>>
      tpu.enqueue_dma source(%dma_start3A_229 : memref<64xi32, #tpu.memory_space<hbm>>) target(%arg16 : memref<64xi32, #tpu.memory_space<vmem>>) target_semaphore(%arg42 : memref<!tpu.dma_semaphore, #tpu.memory_space<semaphore_mem>>)
      %dma_start3A_230 = arith.constant 0 : i32
      %dma_start3A_231 = tpu.memref_slice %arg5[%add3A, %sub3A_223, %dma_start3A_230] : memref<32x80x64xi32, #tpu.memory_space<hbm>> -> memref<1x1x64xi32, #tpu.memory_space<hbm>>
      %dma_start3A_232 = tpu.memref_squeeze %dma_start3A_231 : memref<1x1x64xi32, #tpu.memory_space<hbm>> -> memref<64xi32, #tpu.memory_space<hbm>>
      %dma_start3A_233 = arith.constant 0 : i32
      %dma_start3A_234 = tpu.memref_slice %arg5[%add3A, %sub3A_223, %dma_start3A_233] : memref<32x80x64xi32, #tpu.memory_space<hbm>> -> memref<1x1x64xi32, #tpu.memory_space<hbm>>
      %dma_start3A_235 = tpu.memref_squeeze %dma_start3A_234 : memref<1x1x64xi32, #tpu.memory_space<hbm>> -> memref<64xi32, #tpu.memory_space<hbm>>
      tpu.enqueue_dma source(%dma_start3A_235 : memref<64xi32, #tpu.memory_space<hbm>>) target(%arg26 : memref<64xi32, #tpu.memory_space<vmem>>) target_semaphore(%arg42 : memref<!tpu.dma_semaphore, #tpu.memory_space<semaphore_mem>>)
      %dma_wait3A_236 = arith.constant 0 : i32
      %dma_wait3A_237 = arith.constant 0 : i32
      %dma_wait3A_238 = tpu.memref_slice %arg4[%add3A, %dma_wait3A_236, %dma_wait3A_237] : memref<32x80x64xi32, #tpu.memory_space<hbm>> -> memref<1x1x64xi32, #tpu.memory_space<hbm>>
      %dma_wait3A_239 = tpu.memref_squeeze %dma_wait3A_238 : memref<1x1x64xi32, #tpu.memory_space<hbm>> -> memref<64xi32, #tpu.memory_space<hbm>>
      %dma_wait3A_240 = arith.constant 0 : i32
      %dma_wait3A_241 = tpu.memref_slice %arg4[%add3A, %dma_wait3A_236, %dma_wait3A_240] : memref<32x80x64xi32, #tpu.memory_space<hbm>> -> memref<1x1x64xi32, #tpu.memory_space<hbm>>
      %dma_wait3A_242 = tpu.memref_squeeze %dma_wait3A_241 : memref<1x1x64xi32, #tpu.memory_space<hbm>> -> memref<64xi32, #tpu.memory_space<hbm>>
      tpu.wait_dma2 semaphore(%arg37 : memref<!tpu.dma_semaphore, #tpu.memory_space<semaphore_mem>>) src(%dma_wait3A_242 : memref<64xi32, #tpu.memory_space<hbm>>) dst(%arg11 : memref<64xi32, #tpu.memory_space<vmem>>)
      %dma_wait3A_243 = arith.constant 0 : i32
      %dma_wait3A_244 = arith.constant 0 : i32
      %dma_wait3A_245 = tpu.memref_slice %arg5[%add3A, %dma_wait3A_243, %dma_wait3A_244] : memref<32x80x64xi32, #tpu.memory_space<hbm>> -> memref<1x1x64xi32, #tpu.memory_space<hbm>>
      %dma_wait3A_246 = tpu.memref_squeeze %dma_wait3A_245 : memref<1x1x64xi32, #tpu.memory_space<hbm>> -> memref<64xi32, #tpu.memory_space<hbm>>
      %dma_wait3A_247 = arith.constant 0 : i32
      %dma_wait3A_248 = tpu.memref_slice %arg5[%add3A, %dma_wait3A_243, %dma_wait3A_247] : memref<32x80x64xi32, #tpu.memory_space<hbm>> -> memref<1x1x64xi32, #tpu.memory_space<hbm>>
      %dma_wait3A_249 = tpu.memref_squeeze %dma_wait3A_248 : memref<1x1x64xi32, #tpu.memory_space<hbm>> -> memref<64xi32, #tpu.memory_space<hbm>>
      tpu.wait_dma2 semaphore(%arg37 : memref<!tpu.dma_semaphore, #tpu.memory_space<semaphore_mem>>) src(%dma_wait3A_249 : memref<64xi32, #tpu.memory_space<hbm>>) dst(%arg21 : memref<64xi32, #tpu.memory_space<vmem>>)
      %dma_start3A_250 = arith.constant 0 : i32
      %dma_start3A_251 = arith.constant 0 : i32
      %dma_start3A_252 = tpu.memref_slice %arg2[%dma_start3A_250, %dma_start3A_251] : memref<10240x128xf32, #tpu.memory_space<hbm>> -> memref<10240x128xf32, #tpu.memory_space<hbm>>
      tpu.enqueue_indirect_dma source(%dma_start3A_252 : memref<10240x128xf32, #tpu.memory_space<hbm>>) target(%arg31 : memref<64x128xf32, #tpu.memory_space<vmem>>) offsets(%arg11 : memref<64xi32, #tpu.memory_space<vmem>>) semaphore(%arg47 : memref<!tpu.dma_semaphore, #tpu.memory_space<semaphore_mem>>)
      %dma_wait3A_253 = arith.constant 0 : i32
      %dma_wait3A_254 = arith.constant 0 : i32
      %dma_wait3A_255 = tpu.memref_slice %arg2[%dma_wait3A_253, %dma_wait3A_254] : memref<10240x128xf32, #tpu.memory_space<hbm>> -> memref<10240x128xf32, #tpu.memory_space<hbm>>
      tpu.wait_indirect_dma semaphore(%arg44 : memref<!tpu.dma_semaphore, #tpu.memory_space<semaphore_mem>>) src(%dma_wait3A_255 : memref<10240x128xf32, #tpu.memory_space<hbm>>) dst(%arg28 : memref<64x128xf32, #tpu.memory_space<vmem>>)
      %dma_start3A_256 = arith.constant 0 : i32
      %dma_start3A_257 = arith.constant 0 : i32
      %dma_start3A_258 = tpu.memref_slice %arg32[%dma_start3A_256, %dma_start3A_257] : memref<10240x128xf32, #tpu.memory_space<vmem_shared>> -> memref<10240x128xf32, #tpu.memory_space<vmem_shared>>
      tpu.enqueue_indirect_dma source(%arg28 : memref<64x128xf32, #tpu.memory_space<vmem>>) target(%dma_start3A_258 : memref<10240x128xf32, #tpu.memory_space<vmem_shared>>) offsets(%arg18 : memref<64xi32, #tpu.memory_space<vmem>>) semaphore(%arg49 : memref<!tpu.dma_semaphore, #tpu.memory_space<semaphore_mem>>) {add = true}
      %dma_wait3A_259 = arith.constant 0 : i32
      %dma_wait3A_260 = arith.constant 0 : i32
      %dma_wait3A_261 = tpu.memref_slice %arg32[%dma_wait3A_259, %dma_wait3A_260] : memref<10240x128xf32, #tpu.memory_space<vmem_shared>> -> memref<10240x128xf32, #tpu.memory_space<vmem_shared>>
      tpu.wait_indirect_dma semaphore(%arg48 : memref<!tpu.dma_semaphore, #tpu.memory_space<semaphore_mem>>) src(%arg27 : memref<64x128xf32, #tpu.memory_space<vmem>>) dst(%dma_wait3A_261 : memref<10240x128xf32, #tpu.memory_space<vmem_shared>>)
      %lt3A = arith.constant 7 : i32
      %lt3A_262 = arith.cmpi slt, %add3A_210, %lt3A : i32
      %convert_element_type3A_263 = arith.extui %lt3A_262 : i1 to i32
      %cond3A_264 = arith.constant 0 : i32
      %cond3A_265 = arith.cmpi ne, %convert_element_type3A_263, %cond3A_264 : i32
      scf.if %cond3A_265 {
        %mul3A_483 = arith.constant 10 : i32
        %mul3A_484 = arith.muli %mul3A_483, %add3A_210 : i32
        %add3A_485 = arith.constant 1 : i32
        %add3A_486 = arith.addi %mul3A_484, %add3A_485 : i32
        %add3A_487 = arith.constant 10 : i32
        %add3A_488 = arith.addi %add3A_486, %add3A_487 : i32
        %sub3A_489 = arith.constant 1 : i32
        %sub3A_490 = arith.subi %add3A_488, %sub3A_489 : i32
        %dma_start3A_491 = arith.constant 0 : i32
        %dma_start3A_492 = tpu.memref_slice %arg4[%add3A, %sub3A_490, %dma_start3A_491] : memref<32x80x64xi32, #tpu.memory_space<hbm>> -> memref<1x1x64xi32, #tpu.memory_space<hbm>>
        %dma_start3A_493 = tpu.memref_squeeze %dma_start3A_492 : memref<1x1x64xi32, #tpu.memory_space<hbm>> -> memref<64xi32, #tpu.memory_space<hbm>>
        %dma_start3A_494 = arith.constant 0 : i32
        %dma_start3A_495 = tpu.memref_slice %arg4[%add3A, %sub3A_490, %dma_start3A_494] : memref<32x80x64xi32, #tpu.memory_space<hbm>> -> memref<1x1x64xi32, #tpu.memory_space<hbm>>
        %dma_start3A_496 = tpu.memref_squeeze %dma_start3A_495 : memref<1x1x64xi32, #tpu.memory_space<hbm>> -> memref<64xi32, #tpu.memory_space<hbm>>
        tpu.enqueue_dma source(%dma_start3A_496 : memref<64xi32, #tpu.memory_space<hbm>>) target(%arg7 : memref<64xi32, #tpu.memory_space<vmem>>) target_semaphore(%arg33 : memref<!tpu.dma_semaphore, #tpu.memory_space<semaphore_mem>>)
        %dma_start3A_497 = arith.constant 0 : i32
        %dma_start3A_498 = tpu.memref_slice %arg5[%add3A, %sub3A_490, %dma_start3A_497] : memref<32x80x64xi32, #tpu.memory_space<hbm>> -> memref<1x1x64xi32, #tpu.memory_space<hbm>>
        %dma_start3A_499 = tpu.memref_squeeze %dma_start3A_498 : memref<1x1x64xi32, #tpu.memory_space<hbm>> -> memref<64xi32, #tpu.memory_space<hbm>>
        %dma_start3A_500 = arith.constant 0 : i32
        %dma_start3A_501 = tpu.memref_slice %arg5[%add3A, %sub3A_490, %dma_start3A_500] : memref<32x80x64xi32, #tpu.memory_space<hbm>> -> memref<1x1x64xi32, #tpu.memory_space<hbm>>
        %dma_start3A_502 = tpu.memref_squeeze %dma_start3A_501 : memref<1x1x64xi32, #tpu.memory_space<hbm>> -> memref<64xi32, #tpu.memory_space<hbm>>
        tpu.enqueue_dma source(%dma_start3A_502 : memref<64xi32, #tpu.memory_space<hbm>>) target(%arg17 : memref<64xi32, #tpu.memory_space<vmem>>) target_semaphore(%arg33 : memref<!tpu.dma_semaphore, #tpu.memory_space<semaphore_mem>>)
      } else {
      }
      %dma_wait3A_266 = arith.constant 0 : i32
      %dma_wait3A_267 = arith.constant 0 : i32
      %dma_wait3A_268 = tpu.memref_slice %arg4[%add3A, %dma_wait3A_266, %dma_wait3A_267] : memref<32x80x64xi32, #tpu.memory_space<hbm>> -> memref<1x1x64xi32, #tpu.memory_space<hbm>>
      %dma_wait3A_269 = tpu.memref_squeeze %dma_wait3A_268 : memref<1x1x64xi32, #tpu.memory_space<hbm>> -> memref<64xi32, #tpu.memory_space<hbm>>
      %dma_wait3A_270 = arith.constant 0 : i32
      %dma_wait3A_271 = tpu.memref_slice %arg4[%add3A, %dma_wait3A_266, %dma_wait3A_270] : memref<32x80x64xi32, #tpu.memory_space<hbm>> -> memref<1x1x64xi32, #tpu.memory_space<hbm>>
      %dma_wait3A_272 = tpu.memref_squeeze %dma_wait3A_271 : memref<1x1x64xi32, #tpu.memory_space<hbm>> -> memref<64xi32, #tpu.memory_space<hbm>>
      tpu.wait_dma2 semaphore(%arg38 : memref<!tpu.dma_semaphore, #tpu.memory_space<semaphore_mem>>) src(%dma_wait3A_272 : memref<64xi32, #tpu.memory_space<hbm>>) dst(%arg12 : memref<64xi32, #tpu.memory_space<vmem>>)
      %dma_wait3A_273 = arith.constant 0 : i32
      %dma_wait3A_274 = arith.constant 0 : i32
      %dma_wait3A_275 = tpu.memref_slice %arg5[%add3A, %dma_wait3A_273, %dma_wait3A_274] : memref<32x80x64xi32, #tpu.memory_space<hbm>> -> memref<1x1x64xi32, #tpu.memory_space<hbm>>
      %dma_wait3A_276 = tpu.memref_squeeze %dma_wait3A_275 : memref<1x1x64xi32, #tpu.memory_space<hbm>> -> memref<64xi32, #tpu.memory_space<hbm>>
      %dma_wait3A_277 = arith.constant 0 : i32
      %dma_wait3A_278 = tpu.memref_slice %arg5[%add3A, %dma_wait3A_273, %dma_wait3A_277] : memref<32x80x64xi32, #tpu.memory_space<hbm>> -> memref<1x1x64xi32, #tpu.memory_space<hbm>>
      %dma_wait3A_279 = tpu.memref_squeeze %dma_wait3A_278 : memref<1x1x64xi32, #tpu.memory_space<hbm>> -> memref<64xi32, #tpu.memory_space<hbm>>
      tpu.wait_dma2 semaphore(%arg38 : memref<!tpu.dma_semaphore, #tpu.memory_space<semaphore_mem>>) src(%dma_wait3A_279 : memref<64xi32, #tpu.memory_space<hbm>>) dst(%arg22 : memref<64xi32, #tpu.memory_space<vmem>>)
      %dma_start3A_280 = arith.constant 0 : i32
      %dma_start3A_281 = arith.constant 0 : i32
      %dma_start3A_282 = tpu.memref_slice %arg2[%dma_start3A_280, %dma_start3A_281] : memref<10240x128xf32, #tpu.memory_space<hbm>> -> memref<10240x128xf32, #tpu.memory_space<hbm>>
      tpu.enqueue_indirect_dma source(%dma_start3A_282 : memref<10240x128xf32, #tpu.memory_space<hbm>>) target(%arg27 : memref<64x128xf32, #tpu.memory_space<vmem>>) offsets(%arg12 : memref<64xi32, #tpu.memory_space<vmem>>) semaphore(%arg43 : memref<!tpu.dma_semaphore, #tpu.memory_space<semaphore_mem>>)
      %dma_wait3A_283 = arith.constant 0 : i32
      %dma_wait3A_284 = arith.constant 0 : i32
      %dma_wait3A_285 = tpu.memref_slice %arg2[%dma_wait3A_283, %dma_wait3A_284] : memref<10240x128xf32, #tpu.memory_space<hbm>> -> memref<10240x128xf32, #tpu.memory_space<hbm>>
      tpu.wait_indirect_dma semaphore(%arg45 : memref<!tpu.dma_semaphore, #tpu.memory_space<semaphore_mem>>) src(%dma_wait3A_285 : memref<10240x128xf32, #tpu.memory_space<hbm>>) dst(%arg29 : memref<64x128xf32, #tpu.memory_space<vmem>>)
      %dma_start3A_286 = arith.constant 0 : i32
      %dma_start3A_287 = arith.constant 0 : i32
      %dma_start3A_288 = tpu.memref_slice %arg32[%dma_start3A_286, %dma_start3A_287] : memref<10240x128xf32, #tpu.memory_space<vmem_shared>> -> memref<10240x128xf32, #tpu.memory_space<vmem_shared>>
      tpu.enqueue_indirect_dma source(%arg29 : memref<64x128xf32, #tpu.memory_space<vmem>>) target(%dma_start3A_288 : memref<10240x128xf32, #tpu.memory_space<vmem_shared>>) offsets(%arg19 : memref<64xi32, #tpu.memory_space<vmem>>) semaphore(%arg50 : memref<!tpu.dma_semaphore, #tpu.memory_space<semaphore_mem>>) {add = true}
      %dma_wait3A_289 = arith.constant 0 : i32
      %dma_wait3A_290 = arith.constant 0 : i32
      %dma_wait3A_291 = tpu.memref_slice %arg32[%dma_wait3A_289, %dma_wait3A_290] : memref<10240x128xf32, #tpu.memory_space<vmem_shared>> -> memref<10240x128xf32, #tpu.memory_space<vmem_shared>>
      tpu.wait_indirect_dma semaphore(%arg49 : memref<!tpu.dma_semaphore, #tpu.memory_space<semaphore_mem>>) src(%arg28 : memref<64x128xf32, #tpu.memory_space<vmem>>) dst(%dma_wait3A_291 : memref<10240x128xf32, #tpu.memory_space<vmem_shared>>)
      %lt3A_292 = arith.constant 7 : i32
      %lt3A_293 = arith.cmpi slt, %add3A_210, %lt3A_292 : i32
      %convert_element_type3A_294 = arith.extui %lt3A_293 : i1 to i32
      %cond3A_295 = arith.constant 0 : i32
      %cond3A_296 = arith.cmpi ne, %convert_element_type3A_294, %cond3A_295 : i32
      scf.if %cond3A_296 {
        %mul3A_483 = arith.constant 10 : i32
        %mul3A_484 = arith.muli %mul3A_483, %add3A_210 : i32
        %add3A_485 = arith.constant 2 : i32
        %add3A_486 = arith.addi %mul3A_484, %add3A_485 : i32
        %add3A_487 = arith.constant 10 : i32
        %add3A_488 = arith.addi %add3A_486, %add3A_487 : i32
        %sub3A_489 = arith.constant 1 : i32
        %sub3A_490 = arith.subi %add3A_488, %sub3A_489 : i32
        %dma_start3A_491 = arith.constant 0 : i32
        %dma_start3A_492 = tpu.memref_slice %arg4[%add3A, %sub3A_490, %dma_start3A_491] : memref<32x80x64xi32, #tpu.memory_space<hbm>> -> memref<1x1x64xi32, #tpu.memory_space<hbm>>
        %dma_start3A_493 = tpu.memref_squeeze %dma_start3A_492 : memref<1x1x64xi32, #tpu.memory_space<hbm>> -> memref<64xi32, #tpu.memory_space<hbm>>
        %dma_start3A_494 = arith.constant 0 : i32
        %dma_start3A_495 = tpu.memref_slice %arg4[%add3A, %sub3A_490, %dma_start3A_494] : memref<32x80x64xi32, #tpu.memory_space<hbm>> -> memref<1x1x64xi32, #tpu.memory_space<hbm>>
        %dma_start3A_496 = tpu.memref_squeeze %dma_start3A_495 : memref<1x1x64xi32, #tpu.memory_space<hbm>> -> memref<64xi32, #tpu.memory_space<hbm>>
        tpu.enqueue_dma source(%dma_start3A_496 : memref<64xi32, #tpu.memory_space<hbm>>) target(%arg8 : memref<64xi32, #tpu.memory_space<vmem>>) target_semaphore(%arg34 : memref<!tpu.dma_semaphore, #tpu.memory_space<semaphore_mem>>)
        %dma_start3A_497 = arith.constant 0 : i32
        %dma_start3A_498 = tpu.memref_slice %arg5[%add3A, %sub3A_490, %dma_start3A_497] : memref<32x80x64xi32, #tpu.memory_space<hbm>> -> memref<1x1x64xi32, #tpu.memory_space<hbm>>
        %dma_start3A_499 = tpu.memref_squeeze %dma_start3A_498 : memref<1x1x64xi32, #tpu.memory_space<hbm>> -> memref<64xi32, #tpu.memory_space<hbm>>
        %dma_start3A_500 = arith.constant 0 : i32
        %dma_start3A_501 = tpu.memref_slice %arg5[%add3A, %sub3A_490, %dma_start3A_500] : memref<32x80x64xi32, #tpu.memory_space<hbm>> -> memref<1x1x64xi32, #tpu.memory_space<hbm>>
        %dma_start3A_502 = tpu.memref_squeeze %dma_start3A_501 : memref<1x1x64xi32, #tpu.memory_space<hbm>> -> memref<64xi32, #tpu.memory_space<hbm>>
        tpu.enqueue_dma source(%dma_start3A_502 : memref<64xi32, #tpu.memory_space<hbm>>) target(%arg18 : memref<64xi32, #tpu.memory_space<vmem>>) target_semaphore(%arg34 : memref<!tpu.dma_semaphore, #tpu.memory_space<semaphore_mem>>)
      } else {
      }
      %dma_wait3A_297 = arith.constant 0 : i32
      %dma_wait3A_298 = arith.constant 0 : i32
      %dma_wait3A_299 = tpu.memref_slice %arg4[%add3A, %dma_wait3A_297, %dma_wait3A_298] : memref<32x80x64xi32, #tpu.memory_space<hbm>> -> memref<1x1x64xi32, #tpu.memory_space<hbm>>
      %dma_wait3A_300 = tpu.memref_squeeze %dma_wait3A_299 : memref<1x1x64xi32, #tpu.memory_space<hbm>> -> memref<64xi32, #tpu.memory_space<hbm>>
      %dma_wait3A_301 = arith.constant 0 : i32
      %dma_wait3A_302 = tpu.memref_slice %arg4[%add3A, %dma_wait3A_297, %dma_wait3A_301] : memref<32x80x64xi32, #tpu.memory_space<hbm>> -> memref<1x1x64xi32, #tpu.memory_space<hbm>>
      %dma_wait3A_303 = tpu.memref_squeeze %dma_wait3A_302 : memref<1x1x64xi32, #tpu.memory_space<hbm>> -> memref<64xi32, #tpu.memory_space<hbm>>
      tpu.wait_dma2 semaphore(%arg39 : memref<!tpu.dma_semaphore, #tpu.memory_space<semaphore_mem>>) src(%dma_wait3A_303 : memref<64xi32, #tpu.memory_space<hbm>>) dst(%arg13 : memref<64xi32, #tpu.memory_space<vmem>>)
      %dma_wait3A_304 = arith.constant 0 : i32
      %dma_wait3A_305 = arith.constant 0 : i32
      %dma_wait3A_306 = tpu.memref_slice %arg5[%add3A, %dma_wait3A_304, %dma_wait3A_305] : memref<32x80x64xi32, #tpu.memory_space<hbm>> -> memref<1x1x64xi32, #tpu.memory_space<hbm>>
      %dma_wait3A_307 = tpu.memref_squeeze %dma_wait3A_306 : memref<1x1x64xi32, #tpu.memory_space<hbm>> -> memref<64xi32, #tpu.memory_space<hbm>>
      %dma_wait3A_308 = arith.constant 0 : i32
      %dma_wait3A_309 = tpu.memref_slice %arg5[%add3A, %dma_wait3A_304, %dma_wait3A_308] : memref<32x80x64xi32, #tpu.memory_space<hbm>> -> memref<1x1x64xi32, #tpu.memory_space<hbm>>
      %dma_wait3A_310 = tpu.memref_squeeze %dma_wait3A_309 : memref<1x1x64xi32, #tpu.memory_space<hbm>> -> memref<64xi32, #tpu.memory_space<hbm>>
      tpu.wait_dma2 semaphore(%arg39 : memref<!tpu.dma_semaphore, #tpu.memory_space<semaphore_mem>>) src(%dma_wait3A_310 : memref<64xi32, #tpu.memory_space<hbm>>) dst(%arg23 : memref<64xi32, #tpu.memory_space<vmem>>)
      %dma_start3A_311 = arith.constant 0 : i32
      %dma_start3A_312 = arith.constant 0 : i32
      %dma_start3A_313 = tpu.memref_slice %arg2[%dma_start3A_311, %dma_start3A_312] : memref<10240x128xf32, #tpu.memory_space<hbm>> -> memref<10240x128xf32, #tpu.memory_space<hbm>>
      tpu.enqueue_indirect_dma source(%dma_start3A_313 : memref<10240x128xf32, #tpu.memory_space<hbm>>) target(%arg28 : memref<64x128xf32, #tpu.memory_space<vmem>>) offsets(%arg13 : memref<64xi32, #tpu.memory_space<vmem>>) semaphore(%arg44 : memref<!tpu.dma_semaphore, #tpu.memory_space<semaphore_mem>>)
      %dma_wait3A_314 = arith.constant 0 : i32
      %dma_wait3A_315 = arith.constant 0 : i32
      %dma_wait3A_316 = tpu.memref_slice %arg2[%dma_wait3A_314, %dma_wait3A_315] : memref<10240x128xf32, #tpu.memory_space<hbm>> -> memref<10240x128xf32, #tpu.memory_space<hbm>>
      tpu.wait_indirect_dma semaphore(%arg46 : memref<!tpu.dma_semaphore, #tpu.memory_space<semaphore_mem>>) src(%dma_wait3A_316 : memref<10240x128xf32, #tpu.memory_space<hbm>>) dst(%arg30 : memref<64x128xf32, #tpu.memory_space<vmem>>)
      %dma_start3A_317 = arith.constant 0 : i32
      %dma_start3A_318 = arith.constant 0 : i32
      %dma_start3A_319 = tpu.memref_slice %arg32[%dma_start3A_317, %dma_start3A_318] : memref<10240x128xf32, #tpu.memory_space<vmem_shared>> -> memref<10240x128xf32, #tpu.memory_space<vmem_shared>>
      tpu.enqueue_indirect_dma source(%arg30 : memref<64x128xf32, #tpu.memory_space<vmem>>) target(%dma_start3A_319 : memref<10240x128xf32, #tpu.memory_space<vmem_shared>>) offsets(%arg20 : memref<64xi32, #tpu.memory_space<vmem>>) semaphore(%arg51 : memref<!tpu.dma_semaphore, #tpu.memory_space<semaphore_mem>>) {add = true}
      %dma_wait3A_320 = arith.constant 0 : i32
      %dma_wait3A_321 = arith.constant 0 : i32
      %dma_wait3A_322 = tpu.memref_slice %arg32[%dma_wait3A_320, %dma_wait3A_321] : memref<10240x128xf32, #tpu.memory_space<vmem_shared>> -> memref<10240x128xf32, #tpu.memory_space<vmem_shared>>
      tpu.wait_indirect_dma semaphore(%arg50 : memref<!tpu.dma_semaphore, #tpu.memory_space<semaphore_mem>>) src(%arg29 : memref<64x128xf32, #tpu.memory_space<vmem>>) dst(%dma_wait3A_322 : memref<10240x128xf32, #tpu.memory_space<vmem_shared>>)
      %lt3A_323 = arith.constant 7 : i32
      %lt3A_324 = arith.cmpi slt, %add3A_210, %lt3A_323 : i32
      %convert_element_type3A_325 = arith.extui %lt3A_324 : i1 to i32
      %cond3A_326 = arith.constant 0 : i32
      %cond3A_327 = arith.cmpi ne, %convert_element_type3A_325, %cond3A_326 : i32
      scf.if %cond3A_327 {
        %mul3A_483 = arith.constant 10 : i32
        %mul3A_484 = arith.muli %mul3A_483, %add3A_210 : i32
        %add3A_485 = arith.constant 3 : i32
        %add3A_486 = arith.addi %mul3A_484, %add3A_485 : i32
        %add3A_487 = arith.constant 10 : i32
        %add3A_488 = arith.addi %add3A_486, %add3A_487 : i32
        %sub3A_489 = arith.constant 1 : i32
        %sub3A_490 = arith.subi %add3A_488, %sub3A_489 : i32
        %dma_start3A_491 = arith.constant 0 : i32
        %dma_start3A_492 = tpu.memref_slice %arg4[%add3A, %sub3A_490, %dma_start3A_491] : memref<32x80x64xi32, #tpu.memory_space<hbm>> -> memref<1x1x64xi32, #tpu.memory_space<hbm>>
        %dma_start3A_493 = tpu.memref_squeeze %dma_start3A_492 : memref<1x1x64xi32, #tpu.memory_space<hbm>> -> memref<64xi32, #tpu.memory_space<hbm>>
        %dma_start3A_494 = arith.constant 0 : i32
        %dma_start3A_495 = tpu.memref_slice %arg4[%add3A, %sub3A_490, %dma_start3A_494] : memref<32x80x64xi32, #tpu.memory_space<hbm>> -> memref<1x1x64xi32, #tpu.memory_space<hbm>>
        %dma_start3A_496 = tpu.memref_squeeze %dma_start3A_495 : memref<1x1x64xi32, #tpu.memory_space<hbm>> -> memref<64xi32, #tpu.memory_space<hbm>>
        tpu.enqueue_dma source(%dma_start3A_496 : memref<64xi32, #tpu.memory_space<hbm>>) target(%arg9 : memref<64xi32, #tpu.memory_space<vmem>>) target_semaphore(%arg35 : memref<!tpu.dma_semaphore, #tpu.memory_space<semaphore_mem>>)
        %dma_start3A_497 = arith.constant 0 : i32
        %dma_start3A_498 = tpu.memref_slice %arg5[%add3A, %sub3A_490, %dma_start3A_497] : memref<32x80x64xi32, #tpu.memory_space<hbm>> -> memref<1x1x64xi32, #tpu.memory_space<hbm>>
        %dma_start3A_499 = tpu.memref_squeeze %dma_start3A_498 : memref<1x1x64xi32, #tpu.memory_space<hbm>> -> memref<64xi32, #tpu.memory_space<hbm>>
        %dma_start3A_500 = arith.constant 0 : i32
        %dma_start3A_501 = tpu.memref_slice %arg5[%add3A, %sub3A_490, %dma_start3A_500] : memref<32x80x64xi32, #tpu.memory_space<hbm>> -> memref<1x1x64xi32, #tpu.memory_space<hbm>>
        %dma_start3A_502 = tpu.memref_squeeze %dma_start3A_501 : memref<1x1x64xi32, #tpu.memory_space<hbm>> -> memref<64xi32, #tpu.memory_space<hbm>>
        tpu.enqueue_dma source(%dma_start3A_502 : memref<64xi32, #tpu.memory_space<hbm>>) target(%arg19 : memref<64xi32, #tpu.memory_space<vmem>>) target_semaphore(%arg35 : memref<!tpu.dma_semaphore, #tpu.memory_space<semaphore_mem>>)
      } else {
      }
      %dma_wait3A_328 = arith.constant 0 : i32
      %dma_wait3A_329 = arith.constant 0 : i32
      %dma_wait3A_330 = tpu.memref_slice %arg4[%add3A, %dma_wait3A_328, %dma_wait3A_329] : memref<32x80x64xi32, #tpu.memory_space<hbm>> -> memref<1x1x64xi32, #tpu.memory_space<hbm>>
      %dma_wait3A_331 = tpu.memref_squeeze %dma_wait3A_330 : memref<1x1x64xi32, #tpu.memory_space<hbm>> -> memref<64xi32, #tpu.memory_space<hbm>>
      %dma_wait3A_332 = arith.constant 0 : i32
      %dma_wait3A_333 = tpu.memref_slice %arg4[%add3A, %dma_wait3A_328, %dma_wait3A_332] : memref<32x80x64xi32, #tpu.memory_space<hbm>> -> memref<1x1x64xi32, #tpu.memory_space<hbm>>
      %dma_wait3A_334 = tpu.memref_squeeze %dma_wait3A_333 : memref<1x1x64xi32, #tpu.memory_space<hbm>> -> memref<64xi32, #tpu.memory_space<hbm>>
      tpu.wait_dma2 semaphore(%arg40 : memref<!tpu.dma_semaphore, #tpu.memory_space<semaphore_mem>>) src(%dma_wait3A_334 : memref<64xi32, #tpu.memory_space<hbm>>) dst(%arg14 : memref<64xi32, #tpu.memory_space<vmem>>)
      %dma_wait3A_335 = arith.constant 0 : i32
      %dma_wait3A_336 = arith.constant 0 : i32
      %dma_wait3A_337 = tpu.memref_slice %arg5[%add3A, %dma_wait3A_335, %dma_wait3A_336] : memref<32x80x64xi32, #tpu.memory_space<hbm>> -> memref<1x1x64xi32, #tpu.memory_space<hbm>>
      %dma_wait3A_338 = tpu.memref_squeeze %dma_wait3A_337 : memref<1x1x64xi32, #tpu.memory_space<hbm>> -> memref<64xi32, #tpu.memory_space<hbm>>
      %dma_wait3A_339 = arith.constant 0 : i32
      %dma_wait3A_340 = tpu.memref_slice %arg5[%add3A, %dma_wait3A_335, %dma_wait3A_339] : memref<32x80x64xi32, #tpu.memory_space<hbm>> -> memref<1x1x64xi32, #tpu.memory_space<hbm>>
      %dma_wait3A_341 = tpu.memref_squeeze %dma_wait3A_340 : memref<1x1x64xi32, #tpu.memory_space<hbm>> -> memref<64xi32, #tpu.memory_space<hbm>>
      tpu.wait_dma2 semaphore(%arg40 : memref<!tpu.dma_semaphore, #tpu.memory_space<semaphore_mem>>) src(%dma_wait3A_341 : memref<64xi32, #tpu.memory_space<hbm>>) dst(%arg24 : memref<64xi32, #tpu.memory_space<vmem>>)
      %dma_start3A_342 = arith.constant 0 : i32
      %dma_start3A_343 = arith.constant 0 : i32
      %dma_start3A_344 = tpu.memref_slice %arg2[%dma_start3A_342, %dma_start3A_343] : memref<10240x128xf32, #tpu.memory_space<hbm>> -> memref<10240x128xf32, #tpu.memory_space<hbm>>
      tpu.enqueue_indirect_dma source(%dma_start3A_344 : memref<10240x128xf32, #tpu.memory_space<hbm>>) target(%arg29 : memref<64x128xf32, #tpu.memory_space<vmem>>) offsets(%arg14 : memref<64xi32, #tpu.memory_space<vmem>>) semaphore(%arg45 : memref<!tpu.dma_semaphore, #tpu.memory_space<semaphore_mem>>)
      %dma_wait3A_345 = arith.constant 0 : i32
      %dma_wait3A_346 = arith.constant 0 : i32
      %dma_wait3A_347 = tpu.memref_slice %arg2[%dma_wait3A_345, %dma_wait3A_346] : memref<10240x128xf32, #tpu.memory_space<hbm>> -> memref<10240x128xf32, #tpu.memory_space<hbm>>
      tpu.wait_indirect_dma semaphore(%arg47 : memref<!tpu.dma_semaphore, #tpu.memory_space<semaphore_mem>>) src(%dma_wait3A_347 : memref<10240x128xf32, #tpu.memory_space<hbm>>) dst(%arg31 : memref<64x128xf32, #tpu.memory_space<vmem>>)
      %dma_start3A_348 = arith.constant 0 : i32
      %dma_start3A_349 = arith.constant 0 : i32
      %dma_start3A_350 = tpu.memref_slice %arg32[%dma_start3A_348, %dma_start3A_349] : memref<10240x128xf32, #tpu.memory_space<vmem_shared>> -> memref<10240x128xf32, #tpu.memory_space<vmem_shared>>
      tpu.enqueue_indirect_dma source(%arg31 : memref<64x128xf32, #tpu.memory_space<vmem>>) target(%dma_start3A_350 : memref<10240x128xf32, #tpu.memory_space<vmem_shared>>) offsets(%arg21 : memref<64xi32, #tpu.memory_space<vmem>>) semaphore(%arg52 : memref<!tpu.dma_semaphore, #tpu.memory_space<semaphore_mem>>) {add = true}
      %dma_wait3A_351 = arith.constant 0 : i32
      %dma_wait3A_352 = arith.constant 0 : i32
      %dma_wait3A_353 = tpu.memref_slice %arg32[%dma_wait3A_351, %dma_wait3A_352] : memref<10240x128xf32, #tpu.memory_space<vmem_shared>> -> memref<10240x128xf32, #tpu.memory_space<vmem_shared>>
      tpu.wait_indirect_dma semaphore(%arg51 : memref<!tpu.dma_semaphore, #tpu.memory_space<semaphore_mem>>) src(%arg30 : memref<64x128xf32, #tpu.memory_space<vmem>>) dst(%dma_wait3A_353 : memref<10240x128xf32, #tpu.memory_space<vmem_shared>>)
      %lt3A_354 = arith.constant 7 : i32
      %lt3A_355 = arith.cmpi slt, %add3A_210, %lt3A_354 : i32
      %convert_element_type3A_356 = arith.extui %lt3A_355 : i1 to i32
      %cond3A_357 = arith.constant 0 : i32
      %cond3A_358 = arith.cmpi ne, %convert_element_type3A_356, %cond3A_357 : i32
      scf.if %cond3A_358 {
        %mul3A_483 = arith.constant 10 : i32
        %mul3A_484 = arith.muli %mul3A_483, %add3A_210 : i32
        %add3A_485 = arith.constant 4 : i32
        %add3A_486 = arith.addi %mul3A_484, %add3A_485 : i32
        %add3A_487 = arith.constant 10 : i32
        %add3A_488 = arith.addi %add3A_486, %add3A_487 : i32
        %sub3A_489 = arith.constant 1 : i32
        %sub3A_490 = arith.subi %add3A_488, %sub3A_489 : i32
        %dma_start3A_491 = arith.constant 0 : i32
        %dma_start3A_492 = tpu.memref_slice %arg4[%add3A, %sub3A_490, %dma_start3A_491] : memref<32x80x64xi32, #tpu.memory_space<hbm>> -> memref<1x1x64xi32, #tpu.memory_space<hbm>>
        %dma_start3A_493 = tpu.memref_squeeze %dma_start3A_492 : memref<1x1x64xi32, #tpu.memory_space<hbm>> -> memref<64xi32, #tpu.memory_space<hbm>>
        %dma_start3A_494 = arith.constant 0 : i32
        %dma_start3A_495 = tpu.memref_slice %arg4[%add3A, %sub3A_490, %dma_start3A_494] : memref<32x80x64xi32, #tpu.memory_space<hbm>> -> memref<1x1x64xi32, #tpu.memory_space<hbm>>
        %dma_start3A_496 = tpu.memref_squeeze %dma_start3A_495 : memref<1x1x64xi32, #tpu.memory_space<hbm>> -> memref<64xi32, #tpu.memory_space<hbm>>
        tpu.enqueue_dma source(%dma_start3A_496 : memref<64xi32, #tpu.memory_space<hbm>>) target(%arg10 : memref<64xi32, #tpu.memory_space<vmem>>) target_semaphore(%arg36 : memref<!tpu.dma_semaphore, #tpu.memory_space<semaphore_mem>>)
        %dma_start3A_497 = arith.constant 0 : i32
        %dma_start3A_498 = tpu.memref_slice %arg5[%add3A, %sub3A_490, %dma_start3A_497] : memref<32x80x64xi32, #tpu.memory_space<hbm>> -> memref<1x1x64xi32, #tpu.memory_space<hbm>>
        %dma_start3A_499 = tpu.memref_squeeze %dma_start3A_498 : memref<1x1x64xi32, #tpu.memory_space<hbm>> -> memref<64xi32, #tpu.memory_space<hbm>>
        %dma_start3A_500 = arith.constant 0 : i32
        %dma_start3A_501 = tpu.memref_slice %arg5[%add3A, %sub3A_490, %dma_start3A_500] : memref<32x80x64xi32, #tpu.memory_space<hbm>> -> memref<1x1x64xi32, #tpu.memory_space<hbm>>
        %dma_start3A_502 = tpu.memref_squeeze %dma_start3A_501 : memref<1x1x64xi32, #tpu.memory_space<hbm>> -> memref<64xi32, #tpu.memory_space<hbm>>
        tpu.enqueue_dma source(%dma_start3A_502 : memref<64xi32, #tpu.memory_space<hbm>>) target(%arg20 : memref<64xi32, #tpu.memory_space<vmem>>) target_semaphore(%arg36 : memref<!tpu.dma_semaphore, #tpu.memory_space<semaphore_mem>>)
      } else {
      }
      %dma_wait3A_359 = arith.constant 0 : i32
      %dma_wait3A_360 = arith.constant 0 : i32
      %dma_wait3A_361 = tpu.memref_slice %arg4[%add3A, %dma_wait3A_359, %dma_wait3A_360] : memref<32x80x64xi32, #tpu.memory_space<hbm>> -> memref<1x1x64xi32, #tpu.memory_space<hbm>>
      %dma_wait3A_362 = tpu.memref_squeeze %dma_wait3A_361 : memref<1x1x64xi32, #tpu.memory_space<hbm>> -> memref<64xi32, #tpu.memory_space<hbm>>
      %dma_wait3A_363 = arith.constant 0 : i32
      %dma_wait3A_364 = tpu.memref_slice %arg4[%add3A, %dma_wait3A_359, %dma_wait3A_363] : memref<32x80x64xi32, #tpu.memory_space<hbm>> -> memref<1x1x64xi32, #tpu.memory_space<hbm>>
      %dma_wait3A_365 = tpu.memref_squeeze %dma_wait3A_364 : memref<1x1x64xi32, #tpu.memory_space<hbm>> -> memref<64xi32, #tpu.memory_space<hbm>>
      tpu.wait_dma2 semaphore(%arg41 : memref<!tpu.dma_semaphore, #tpu.memory_space<semaphore_mem>>) src(%dma_wait3A_365 : memref<64xi32, #tpu.memory_space<hbm>>) dst(%arg15 : memref<64xi32, #tpu.memory_space<vmem>>)
      %dma_wait3A_366 = arith.constant 0 : i32
      %dma_wait3A_367 = arith.constant 0 : i32
      %dma_wait3A_368 = tpu.memref_slice %arg5[%add3A, %dma_wait3A_366, %dma_wait3A_367] : memref<32x80x64xi32, #tpu.memory_space<hbm>> -> memref<1x1x64xi32, #tpu.memory_space<hbm>>
      %dma_wait3A_369 = tpu.memref_squeeze %dma_wait3A_368 : memref<1x1x64xi32, #tpu.memory_space<hbm>> -> memref<64xi32, #tpu.memory_space<hbm>>
      %dma_wait3A_370 = arith.constant 0 : i32
      %dma_wait3A_371 = tpu.memref_slice %arg5[%add3A, %dma_wait3A_366, %dma_wait3A_370] : memref<32x80x64xi32, #tpu.memory_space<hbm>> -> memref<1x1x64xi32, #tpu.memory_space<hbm>>
      %dma_wait3A_372 = tpu.memref_squeeze %dma_wait3A_371 : memref<1x1x64xi32, #tpu.memory_space<hbm>> -> memref<64xi32, #tpu.memory_space<hbm>>
      tpu.wait_dma2 semaphore(%arg41 : memref<!tpu.dma_semaphore, #tpu.memory_space<semaphore_mem>>) src(%dma_wait3A_372 : memref<64xi32, #tpu.memory_space<hbm>>) dst(%arg25 : memref<64xi32, #tpu.memory_space<vmem>>)
      %dma_start3A_373 = arith.constant 0 : i32
      %dma_start3A_374 = arith.constant 0 : i32
      %dma_start3A_375 = tpu.memref_slice %arg2[%dma_start3A_373, %dma_start3A_374] : memref<10240x128xf32, #tpu.memory_space<hbm>> -> memref<10240x128xf32, #tpu.memory_space<hbm>>
      tpu.enqueue_indirect_dma source(%dma_start3A_375 : memref<10240x128xf32, #tpu.memory_space<hbm>>) target(%arg30 : memref<64x128xf32, #tpu.memory_space<vmem>>) offsets(%arg15 : memref<64xi32, #tpu.memory_space<vmem>>) semaphore(%arg46 : memref<!tpu.dma_semaphore, #tpu.memory_space<semaphore_mem>>)
      %dma_wait3A_376 = arith.constant 0 : i32
      %dma_wait3A_377 = arith.constant 0 : i32
      %dma_wait3A_378 = tpu.memref_slice %arg2[%dma_wait3A_376, %dma_wait3A_377] : memref<10240x128xf32, #tpu.memory_space<hbm>> -> memref<10240x128xf32, #tpu.memory_space<hbm>>
      tpu.wait_indirect_dma semaphore(%arg43 : memref<!tpu.dma_semaphore, #tpu.memory_space<semaphore_mem>>) src(%dma_wait3A_378 : memref<10240x128xf32, #tpu.memory_space<hbm>>) dst(%arg27 : memref<64x128xf32, #tpu.memory_space<vmem>>)
      %dma_start3A_379 = arith.constant 0 : i32
      %dma_start3A_380 = arith.constant 0 : i32
      %dma_start3A_381 = tpu.memref_slice %arg32[%dma_start3A_379, %dma_start3A_380] : memref<10240x128xf32, #tpu.memory_space<vmem_shared>> -> memref<10240x128xf32, #tpu.memory_space<vmem_shared>>
      tpu.enqueue_indirect_dma source(%arg27 : memref<64x128xf32, #tpu.memory_space<vmem>>) target(%dma_start3A_381 : memref<10240x128xf32, #tpu.memory_space<vmem_shared>>) offsets(%arg22 : memref<64xi32, #tpu.memory_space<vmem>>) semaphore(%arg48 : memref<!tpu.dma_semaphore, #tpu.memory_space<semaphore_mem>>) {add = true}
      %dma_wait3A_382 = arith.constant 0 : i32
      %dma_wait3A_383 = arith.constant 0 : i32
      %dma_wait3A_384 = tpu.memref_slice %arg32[%dma_wait3A_382, %dma_wait3A_383] : memref<10240x128xf32, #tpu.memory_space<vmem_shared>> -> memref<10240x128xf32, #tpu.memory_space<vmem_shared>>
      tpu.wait_indirect_dma semaphore(%arg52 : memref<!tpu.dma_semaphore, #tpu.memory_space<semaphore_mem>>) src(%arg31 : memref<64x128xf32, #tpu.memory_space<vmem>>) dst(%dma_wait3A_384 : memref<10240x128xf32, #tpu.memory_space<vmem_shared>>)
      %lt3A_385 = arith.constant 7 : i32
      %lt3A_386 = arith.cmpi slt, %add3A_210, %lt3A_385 : i32
      %convert_element_type3A_387 = arith.extui %lt3A_386 : i1 to i32
      %cond3A_388 = arith.constant 0 : i32
      %cond3A_389 = arith.cmpi ne, %convert_element_type3A_387, %cond3A_388 : i32
      scf.if %cond3A_389 {
        %mul3A_483 = arith.constant 10 : i32
        %mul3A_484 = arith.muli %mul3A_483, %add3A_210 : i32
        %add3A_485 = arith.constant 5 : i32
        %add3A_486 = arith.addi %mul3A_484, %add3A_485 : i32
        %add3A_487 = arith.constant 10 : i32
        %add3A_488 = arith.addi %add3A_486, %add3A_487 : i32
        %sub3A_489 = arith.constant 1 : i32
        %sub3A_490 = arith.subi %add3A_488, %sub3A_489 : i32
        %dma_start3A_491 = arith.constant 0 : i32
        %dma_start3A_492 = tpu.memref_slice %arg4[%add3A, %sub3A_490, %dma_start3A_491] : memref<32x80x64xi32, #tpu.memory_space<hbm>> -> memref<1x1x64xi32, #tpu.memory_space<hbm>>
        %dma_start3A_493 = tpu.memref_squeeze %dma_start3A_492 : memref<1x1x64xi32, #tpu.memory_space<hbm>> -> memref<64xi32, #tpu.memory_space<hbm>>
        %dma_start3A_494 = arith.constant 0 : i32
        %dma_start3A_495 = tpu.memref_slice %arg4[%add3A, %sub3A_490, %dma_start3A_494] : memref<32x80x64xi32, #tpu.memory_space<hbm>> -> memref<1x1x64xi32, #tpu.memory_space<hbm>>
        %dma_start3A_496 = tpu.memref_squeeze %dma_start3A_495 : memref<1x1x64xi32, #tpu.memory_space<hbm>> -> memref<64xi32, #tpu.memory_space<hbm>>
        tpu.enqueue_dma source(%dma_start3A_496 : memref<64xi32, #tpu.memory_space<hbm>>) target(%arg11 : memref<64xi32, #tpu.memory_space<vmem>>) target_semaphore(%arg37 : memref<!tpu.dma_semaphore, #tpu.memory_space<semaphore_mem>>)
        %dma_start3A_497 = arith.constant 0 : i32
        %dma_start3A_498 = tpu.memref_slice %arg5[%add3A, %sub3A_490, %dma_start3A_497] : memref<32x80x64xi32, #tpu.memory_space<hbm>> -> memref<1x1x64xi32, #tpu.memory_space<hbm>>
        %dma_start3A_499 = tpu.memref_squeeze %dma_start3A_498 : memref<1x1x64xi32, #tpu.memory_space<hbm>> -> memref<64xi32, #tpu.memory_space<hbm>>
        %dma_start3A_500 = arith.constant 0 : i32
        %dma_start3A_501 = tpu.memref_slice %arg5[%add3A, %sub3A_490, %dma_start3A_500] : memref<32x80x64xi32, #tpu.memory_space<hbm>> -> memref<1x1x64xi32, #tpu.memory_space<hbm>>
        %dma_start3A_502 = tpu.memref_squeeze %dma_start3A_501 : memref<1x1x64xi32, #tpu.memory_space<hbm>> -> memref<64xi32, #tpu.memory_space<hbm>>
        tpu.enqueue_dma source(%dma_start3A_502 : memref<64xi32, #tpu.memory_space<hbm>>) target(%arg21 : memref<64xi32, #tpu.memory_space<vmem>>) target_semaphore(%arg37 : memref<!tpu.dma_semaphore, #tpu.memory_space<semaphore_mem>>)
      } else {
      }
      %dma_wait3A_390 = arith.constant 0 : i32
      %dma_wait3A_391 = arith.constant 0 : i32
      %dma_wait3A_392 = tpu.memref_slice %arg4[%add3A, %dma_wait3A_390, %dma_wait3A_391] : memref<32x80x64xi32, #tpu.memory_space<hbm>> -> memref<1x1x64xi32, #tpu.memory_space<hbm>>
      %dma_wait3A_393 = tpu.memref_squeeze %dma_wait3A_392 : memref<1x1x64xi32, #tpu.memory_space<hbm>> -> memref<64xi32, #tpu.memory_space<hbm>>
      %dma_wait3A_394 = arith.constant 0 : i32
      %dma_wait3A_395 = tpu.memref_slice %arg4[%add3A, %dma_wait3A_390, %dma_wait3A_394] : memref<32x80x64xi32, #tpu.memory_space<hbm>> -> memref<1x1x64xi32, #tpu.memory_space<hbm>>
      %dma_wait3A_396 = tpu.memref_squeeze %dma_wait3A_395 : memref<1x1x64xi32, #tpu.memory_space<hbm>> -> memref<64xi32, #tpu.memory_space<hbm>>
      tpu.wait_dma2 semaphore(%arg42 : memref<!tpu.dma_semaphore, #tpu.memory_space<semaphore_mem>>) src(%dma_wait3A_396 : memref<64xi32, #tpu.memory_space<hbm>>) dst(%arg16 : memref<64xi32, #tpu.memory_space<vmem>>)
      %dma_wait3A_397 = arith.constant 0 : i32
      %dma_wait3A_398 = arith.constant 0 : i32
      %dma_wait3A_399 = tpu.memref_slice %arg5[%add3A, %dma_wait3A_397, %dma_wait3A_398] : memref<32x80x64xi32, #tpu.memory_space<hbm>> -> memref<1x1x64xi32, #tpu.memory_space<hbm>>
      %dma_wait3A_400 = tpu.memref_squeeze %dma_wait3A_399 : memref<1x1x64xi32, #tpu.memory_space<hbm>> -> memref<64xi32, #tpu.memory_space<hbm>>
      %dma_wait3A_401 = arith.constant 0 : i32
      %dma_wait3A_402 = tpu.memref_slice %arg5[%add3A, %dma_wait3A_397, %dma_wait3A_401] : memref<32x80x64xi32, #tpu.memory_space<hbm>> -> memref<1x1x64xi32, #tpu.memory_space<hbm>>
      %dma_wait3A_403 = tpu.memref_squeeze %dma_wait3A_402 : memref<1x1x64xi32, #tpu.memory_space<hbm>> -> memref<64xi32, #tpu.memory_space<hbm>>
      tpu.wait_dma2 semaphore(%arg42 : memref<!tpu.dma_semaphore, #tpu.memory_space<semaphore_mem>>) src(%dma_wait3A_403 : memref<64xi32, #tpu.memory_space<hbm>>) dst(%arg26 : memref<64xi32, #tpu.memory_space<vmem>>)
      %dma_start3A_404 = arith.constant 0 : i32
      %dma_start3A_405 = arith.constant 0 : i32
      %dma_start3A_406 = tpu.memref_slice %arg2[%dma_start3A_404, %dma_start3A_405] : memref<10240x128xf32, #tpu.memory_space<hbm>> -> memref<10240x128xf32, #tpu.memory_space<hbm>>
      tpu.enqueue_indirect_dma source(%dma_start3A_406 : memref<10240x128xf32, #tpu.memory_space<hbm>>) target(%arg31 : memref<64x128xf32, #tpu.memory_space<vmem>>) offsets(%arg16 : memref<64xi32, #tpu.memory_space<vmem>>) semaphore(%arg47 : memref<!tpu.dma_semaphore, #tpu.memory_space<semaphore_mem>>)
      %dma_wait3A_407 = arith.constant 0 : i32
      %dma_wait3A_408 = arith.constant 0 : i32
      %dma_wait3A_409 = tpu.memref_slice %arg2[%dma_wait3A_407, %dma_wait3A_408] : memref<10240x128xf32, #tpu.memory_space<hbm>> -> memref<10240x128xf32, #tpu.memory_space<hbm>>
      tpu.wait_indirect_dma semaphore(%arg44 : memref<!tpu.dma_semaphore, #tpu.memory_space<semaphore_mem>>) src(%dma_wait3A_409 : memref<10240x128xf32, #tpu.memory_space<hbm>>) dst(%arg28 : memref<64x128xf32, #tpu.memory_space<vmem>>)
      %dma_start3A_410 = arith.constant 0 : i32
      %dma_start3A_411 = arith.constant 0 : i32
      %dma_start3A_412 = tpu.memref_slice %arg32[%dma_start3A_410, %dma_start3A_411] : memref<10240x128xf32, #tpu.memory_space<vmem_shared>> -> memref<10240x128xf32, #tpu.memory_space<vmem_shared>>
      tpu.enqueue_indirect_dma source(%arg28 : memref<64x128xf32, #tpu.memory_space<vmem>>) target(%dma_start3A_412 : memref<10240x128xf32, #tpu.memory_space<vmem_shared>>) offsets(%arg23 : memref<64xi32, #tpu.memory_space<vmem>>) semaphore(%arg49 : memref<!tpu.dma_semaphore, #tpu.memory_space<semaphore_mem>>) {add = true}
      %dma_wait3A_413 = arith.constant 0 : i32
      %dma_wait3A_414 = arith.constant 0 : i32
      %dma_wait3A_415 = tpu.memref_slice %arg32[%dma_wait3A_413, %dma_wait3A_414] : memref<10240x128xf32, #tpu.memory_space<vmem_shared>> -> memref<10240x128xf32, #tpu.memory_space<vmem_shared>>
      tpu.wait_indirect_dma semaphore(%arg48 : memref<!tpu.dma_semaphore, #tpu.memory_space<semaphore_mem>>) src(%arg27 : memref<64x128xf32, #tpu.memory_space<vmem>>) dst(%dma_wait3A_415 : memref<10240x128xf32, #tpu.memory_space<vmem_shared>>)
      %lt3A_416 = arith.constant 7 : i32
      %lt3A_417 = arith.cmpi slt, %add3A_210, %lt3A_416 : i32
      %convert_element_type3A_418 = arith.extui %lt3A_417 : i1 to i32
      %cond3A_419 = arith.constant 0 : i32
      %cond3A_420 = arith.cmpi ne, %convert_element_type3A_418, %cond3A_419 : i32
      scf.if %cond3A_420 {
        %mul3A_483 = arith.constant 10 : i32
        %mul3A_484 = arith.muli %mul3A_483, %add3A_210 : i32
        %add3A_485 = arith.constant 6 : i32
        %add3A_486 = arith.addi %mul3A_484, %add3A_485 : i32
        %add3A_487 = arith.constant 10 : i32
        %add3A_488 = arith.addi %add3A_486, %add3A_487 : i32
        %sub3A_489 = arith.constant 1 : i32
        %sub3A_490 = arith.subi %add3A_488, %sub3A_489 : i32
        %dma_start3A_491 = arith.constant 0 : i32
        %dma_start3A_492 = tpu.memref_slice %arg4[%add3A, %sub3A_490, %dma_start3A_491] : memref<32x80x64xi32, #tpu.memory_space<hbm>> -> memref<1x1x64xi32, #tpu.memory_space<hbm>>
        %dma_start3A_493 = tpu.memref_squeeze %dma_start3A_492 : memref<1x1x64xi32, #tpu.memory_space<hbm>> -> memref<64xi32, #tpu.memory_space<hbm>>
        %dma_start3A_494 = arith.constant 0 : i32
        %dma_start3A_495 = tpu.memref_slice %arg4[%add3A, %sub3A_490, %dma_start3A_494] : memref<32x80x64xi32, #tpu.memory_space<hbm>> -> memref<1x1x64xi32, #tpu.memory_space<hbm>>
        %dma_start3A_496 = tpu.memref_squeeze %dma_start3A_495 : memref<1x1x64xi32, #tpu.memory_space<hbm>> -> memref<64xi32, #tpu.memory_space<hbm>>
        tpu.enqueue_dma source(%dma_start3A_496 : memref<64xi32, #tpu.memory_space<hbm>>) target(%arg12 : memref<64xi32, #tpu.memory_space<vmem>>) target_semaphore(%arg38 : memref<!tpu.dma_semaphore, #tpu.memory_space<semaphore_mem>>)
        %dma_start3A_497 = arith.constant 0 : i32
        %dma_start3A_498 = tpu.memref_slice %arg5[%add3A, %sub3A_490, %dma_start3A_497] : memref<32x80x64xi32, #tpu.memory_space<hbm>> -> memref<1x1x64xi32, #tpu.memory_space<hbm>>
        %dma_start3A_499 = tpu.memref_squeeze %dma_start3A_498 : memref<1x1x64xi32, #tpu.memory_space<hbm>> -> memref<64xi32, #tpu.memory_space<hbm>>
        %dma_start3A_500 = arith.constant 0 : i32
        %dma_start3A_501 = tpu.memref_slice %arg5[%add3A, %sub3A_490, %dma_start3A_500] : memref<32x80x64xi32, #tpu.memory_space<hbm>> -> memref<1x1x64xi32, #tpu.memory_space<hbm>>
        %dma_start3A_502 = tpu.memref_squeeze %dma_start3A_501 : memref<1x1x64xi32, #tpu.memory_space<hbm>> -> memref<64xi32, #tpu.memory_space<hbm>>
        tpu.enqueue_dma source(%dma_start3A_502 : memref<64xi32, #tpu.memory_space<hbm>>) target(%arg22 : memref<64xi32, #tpu.memory_space<vmem>>) target_semaphore(%arg38 : memref<!tpu.dma_semaphore, #tpu.memory_space<semaphore_mem>>)
      } else {
      }
      %lt3A_421 = arith.constant 7 : i32
      %lt3A_422 = arith.cmpi slt, %add3A_210, %lt3A_421 : i32
      %convert_element_type3A_423 = arith.extui %lt3A_422 : i1 to i32
      %cond3A_424 = arith.constant 0 : i32
      %cond3A_425 = arith.cmpi ne, %convert_element_type3A_423, %cond3A_424 : i32
      scf.if %cond3A_425 {
        %dma_wait3A_483 = arith.constant 0 : i32
        %dma_wait3A_484 = arith.constant 0 : i32
        %dma_wait3A_485 = tpu.memref_slice %arg4[%add3A, %dma_wait3A_483, %dma_wait3A_484] : memref<32x80x64xi32, #tpu.memory_space<hbm>> -> memref<1x1x64xi32, #tpu.memory_space<hbm>>
        %dma_wait3A_486 = tpu.memref_squeeze %dma_wait3A_485 : memref<1x1x64xi32, #tpu.memory_space<hbm>> -> memref<64xi32, #tpu.memory_space<hbm>>
        %dma_wait3A_487 = arith.constant 0 : i32
        %dma_wait3A_488 = tpu.memref_slice %arg4[%add3A, %dma_wait3A_483, %dma_wait3A_487] : memref<32x80x64xi32, #tpu.memory_space<hbm>> -> memref<1x1x64xi32, #tpu.memory_space<hbm>>
        %dma_wait3A_489 = tpu.memref_squeeze %dma_wait3A_488 : memref<1x1x64xi32, #tpu.memory_space<hbm>> -> memref<64xi32, #tpu.memory_space<hbm>>
        tpu.wait_dma2 semaphore(%arg33 : memref<!tpu.dma_semaphore, #tpu.memory_space<semaphore_mem>>) src(%dma_wait3A_489 : memref<64xi32, #tpu.memory_space<hbm>>) dst(%arg7 : memref<64xi32, #tpu.memory_space<vmem>>)
        %dma_wait3A_490 = arith.constant 0 : i32
        %dma_wait3A_491 = arith.constant 0 : i32
        %dma_wait3A_492 = tpu.memref_slice %arg5[%add3A, %dma_wait3A_490, %dma_wait3A_491] : memref<32x80x64xi32, #tpu.memory_space<hbm>> -> memref<1x1x64xi32, #tpu.memory_space<hbm>>
        %dma_wait3A_493 = tpu.memref_squeeze %dma_wait3A_492 : memref<1x1x64xi32, #tpu.memory_space<hbm>> -> memref<64xi32, #tpu.memory_space<hbm>>
        %dma_wait3A_494 = arith.constant 0 : i32
        %dma_wait3A_495 = tpu.memref_slice %arg5[%add3A, %dma_wait3A_490, %dma_wait3A_494] : memref<32x80x64xi32, #tpu.memory_space<hbm>> -> memref<1x1x64xi32, #tpu.memory_space<hbm>>
        %dma_wait3A_496 = tpu.memref_squeeze %dma_wait3A_495 : memref<1x1x64xi32, #tpu.memory_space<hbm>> -> memref<64xi32, #tpu.memory_space<hbm>>
        tpu.wait_dma2 semaphore(%arg33 : memref<!tpu.dma_semaphore, #tpu.memory_space<semaphore_mem>>) src(%dma_wait3A_496 : memref<64xi32, #tpu.memory_space<hbm>>) dst(%arg17 : memref<64xi32, #tpu.memory_space<vmem>>)
        %dma_start3A_497 = arith.constant 0 : i32
        %dma_start3A_498 = arith.constant 0 : i32
        %dma_start3A_499 = tpu.memref_slice %arg2[%dma_start3A_497, %dma_start3A_498] : memref<10240x128xf32, #tpu.memory_space<hbm>> -> memref<10240x128xf32, #tpu.memory_space<hbm>>
        tpu.enqueue_indirect_dma source(%dma_start3A_499 : memref<10240x128xf32, #tpu.memory_space<hbm>>) target(%arg27 : memref<64x128xf32, #tpu.memory_space<vmem>>) offsets(%arg7 : memref<64xi32, #tpu.memory_space<vmem>>) semaphore(%arg43 : memref<!tpu.dma_semaphore, #tpu.memory_space<semaphore_mem>>)
      } else {
      }
      %dma_wait3A_426 = arith.constant 0 : i32
      %dma_wait3A_427 = arith.constant 0 : i32
      %dma_wait3A_428 = tpu.memref_slice %arg2[%dma_wait3A_426, %dma_wait3A_427] : memref<10240x128xf32, #tpu.memory_space<hbm>> -> memref<10240x128xf32, #tpu.memory_space<hbm>>
      tpu.wait_indirect_dma semaphore(%arg45 : memref<!tpu.dma_semaphore, #tpu.memory_space<semaphore_mem>>) src(%dma_wait3A_428 : memref<10240x128xf32, #tpu.memory_space<hbm>>) dst(%arg29 : memref<64x128xf32, #tpu.memory_space<vmem>>)
      %dma_start3A_429 = arith.constant 0 : i32
      %dma_start3A_430 = arith.constant 0 : i32
      %dma_start3A_431 = tpu.memref_slice %arg32[%dma_start3A_429, %dma_start3A_430] : memref<10240x128xf32, #tpu.memory_space<vmem_shared>> -> memref<10240x128xf32, #tpu.memory_space<vmem_shared>>
      tpu.enqueue_indirect_dma source(%arg29 : memref<64x128xf32, #tpu.memory_space<vmem>>) target(%dma_start3A_431 : memref<10240x128xf32, #tpu.memory_space<vmem_shared>>) offsets(%arg24 : memref<64xi32, #tpu.memory_space<vmem>>) semaphore(%arg50 : memref<!tpu.dma_semaphore, #tpu.memory_space<semaphore_mem>>) {add = true}
      %dma_wait3A_432 = arith.constant 0 : i32
      %dma_wait3A_433 = arith.constant 0 : i32
      %dma_wait3A_434 = tpu.memref_slice %arg32[%dma_wait3A_432, %dma_wait3A_433] : memref<10240x128xf32, #tpu.memory_space<vmem_shared>> -> memref<10240x128xf32, #tpu.memory_space<vmem_shared>>
      tpu.wait_indirect_dma semaphore(%arg49 : memref<!tpu.dma_semaphore, #tpu.memory_space<semaphore_mem>>) src(%arg28 : memref<64x128xf32, #tpu.memory_space<vmem>>) dst(%dma_wait3A_434 : memref<10240x128xf32, #tpu.memory_space<vmem_shared>>)
      %lt3A_435 = arith.constant 7 : i32
      %lt3A_436 = arith.cmpi slt, %add3A_210, %lt3A_435 : i32
      %convert_element_type3A_437 = arith.extui %lt3A_436 : i1 to i32
      %cond3A_438 = arith.constant 0 : i32
      %cond3A_439 = arith.cmpi ne, %convert_element_type3A_437, %cond3A_438 : i32
      scf.if %cond3A_439 {
        %mul3A_483 = arith.constant 10 : i32
        %mul3A_484 = arith.muli %mul3A_483, %add3A_210 : i32
        %add3A_485 = arith.constant 7 : i32
        %add3A_486 = arith.addi %mul3A_484, %add3A_485 : i32
        %add3A_487 = arith.constant 10 : i32
        %add3A_488 = arith.addi %add3A_486, %add3A_487 : i32
        %sub3A_489 = arith.constant 1 : i32
        %sub3A_490 = arith.subi %add3A_488, %sub3A_489 : i32
        %dma_start3A_491 = arith.constant 0 : i32
        %dma_start3A_492 = tpu.memref_slice %arg4[%add3A, %sub3A_490, %dma_start3A_491] : memref<32x80x64xi32, #tpu.memory_space<hbm>> -> memref<1x1x64xi32, #tpu.memory_space<hbm>>
        %dma_start3A_493 = tpu.memref_squeeze %dma_start3A_492 : memref<1x1x64xi32, #tpu.memory_space<hbm>> -> memref<64xi32, #tpu.memory_space<hbm>>
        %dma_start3A_494 = arith.constant 0 : i32
        %dma_start3A_495 = tpu.memref_slice %arg4[%add3A, %sub3A_490, %dma_start3A_494] : memref<32x80x64xi32, #tpu.memory_space<hbm>> -> memref<1x1x64xi32, #tpu.memory_space<hbm>>
        %dma_start3A_496 = tpu.memref_squeeze %dma_start3A_495 : memref<1x1x64xi32, #tpu.memory_space<hbm>> -> memref<64xi32, #tpu.memory_space<hbm>>
        tpu.enqueue_dma source(%dma_start3A_496 : memref<64xi32, #tpu.memory_space<hbm>>) target(%arg13 : memref<64xi32, #tpu.memory_space<vmem>>) target_semaphore(%arg39 : memref<!tpu.dma_semaphore, #tpu.memory_space<semaphore_mem>>)
        %dma_start3A_497 = arith.constant 0 : i32
        %dma_start3A_498 = tpu.memref_slice %arg5[%add3A, %sub3A_490, %dma_start3A_497] : memref<32x80x64xi32, #tpu.memory_space<hbm>> -> memref<1x1x64xi32, #tpu.memory_space<hbm>>
        %dma_start3A_499 = tpu.memref_squeeze %dma_start3A_498 : memref<1x1x64xi32, #tpu.memory_space<hbm>> -> memref<64xi32, #tpu.memory_space<hbm>>
        %dma_start3A_500 = arith.constant 0 : i32
        %dma_start3A_501 = tpu.memref_slice %arg5[%add3A, %sub3A_490, %dma_start3A_500] : memref<32x80x64xi32, #tpu.memory_space<hbm>> -> memref<1x1x64xi32, #tpu.memory_space<hbm>>
        %dma_start3A_502 = tpu.memref_squeeze %dma_start3A_501 : memref<1x1x64xi32, #tpu.memory_space<hbm>> -> memref<64xi32, #tpu.memory_space<hbm>>
        tpu.enqueue_dma source(%dma_start3A_502 : memref<64xi32, #tpu.memory_space<hbm>>) target(%arg23 : memref<64xi32, #tpu.memory_space<vmem>>) target_semaphore(%arg39 : memref<!tpu.dma_semaphore, #tpu.memory_space<semaphore_mem>>)
      } else {
      }
      %lt3A_440 = arith.constant 7 : i32
      %lt3A_441 = arith.cmpi slt, %add3A_210, %lt3A_440 : i32
      %convert_element_type3A_442 = arith.extui %lt3A_441 : i1 to i32
      %cond3A_443 = arith.constant 0 : i32
      %cond3A_444 = arith.cmpi ne, %convert_element_type3A_442, %cond3A_443 : i32
      scf.if %cond3A_444 {
        %dma_wait3A_483 = arith.constant 0 : i32
        %dma_wait3A_484 = arith.constant 0 : i32
        %dma_wait3A_485 = tpu.memref_slice %arg4[%add3A, %dma_wait3A_483, %dma_wait3A_484] : memref<32x80x64xi32, #tpu.memory_space<hbm>> -> memref<1x1x64xi32, #tpu.memory_space<hbm>>
        %dma_wait3A_486 = tpu.memref_squeeze %dma_wait3A_485 : memref<1x1x64xi32, #tpu.memory_space<hbm>> -> memref<64xi32, #tpu.memory_space<hbm>>
        %dma_wait3A_487 = arith.constant 0 : i32
        %dma_wait3A_488 = tpu.memref_slice %arg4[%add3A, %dma_wait3A_483, %dma_wait3A_487] : memref<32x80x64xi32, #tpu.memory_space<hbm>> -> memref<1x1x64xi32, #tpu.memory_space<hbm>>
        %dma_wait3A_489 = tpu.memref_squeeze %dma_wait3A_488 : memref<1x1x64xi32, #tpu.memory_space<hbm>> -> memref<64xi32, #tpu.memory_space<hbm>>
        tpu.wait_dma2 semaphore(%arg34 : memref<!tpu.dma_semaphore, #tpu.memory_space<semaphore_mem>>) src(%dma_wait3A_489 : memref<64xi32, #tpu.memory_space<hbm>>) dst(%arg8 : memref<64xi32, #tpu.memory_space<vmem>>)
        %dma_wait3A_490 = arith.constant 0 : i32
        %dma_wait3A_491 = arith.constant 0 : i32
        %dma_wait3A_492 = tpu.memref_slice %arg5[%add3A, %dma_wait3A_490, %dma_wait3A_491] : memref<32x80x64xi32, #tpu.memory_space<hbm>> -> memref<1x1x64xi32, #tpu.memory_space<hbm>>
        %dma_wait3A_493 = tpu.memref_squeeze %dma_wait3A_492 : memref<1x1x64xi32, #tpu.memory_space<hbm>> -> memref<64xi32, #tpu.memory_space<hbm>>
        %dma_wait3A_494 = arith.constant 0 : i32
        %dma_wait3A_495 = tpu.memref_slice %arg5[%add3A, %dma_wait3A_490, %dma_wait3A_494] : memref<32x80x64xi32, #tpu.memory_space<hbm>> -> memref<1x1x64xi32, #tpu.memory_space<hbm>>
        %dma_wait3A_496 = tpu.memref_squeeze %dma_wait3A_495 : memref<1x1x64xi32, #tpu.memory_space<hbm>> -> memref<64xi32, #tpu.memory_space<hbm>>
        tpu.wait_dma2 semaphore(%arg34 : memref<!tpu.dma_semaphore, #tpu.memory_space<semaphore_mem>>) src(%dma_wait3A_496 : memref<64xi32, #tpu.memory_space<hbm>>) dst(%arg18 : memref<64xi32, #tpu.memory_space<vmem>>)
        %dma_start3A_497 = arith.constant 0 : i32
        %dma_start3A_498 = arith.constant 0 : i32
        %dma_start3A_499 = tpu.memref_slice %arg2[%dma_start3A_497, %dma_start3A_498] : memref<10240x128xf32, #tpu.memory_space<hbm>> -> memref<10240x128xf32, #tpu.memory_space<hbm>>
        tpu.enqueue_indirect_dma source(%dma_start3A_499 : memref<10240x128xf32, #tpu.memory_space<hbm>>) target(%arg28 : memref<64x128xf32, #tpu.memory_space<vmem>>) offsets(%arg8 : memref<64xi32, #tpu.memory_space<vmem>>) semaphore(%arg44 : memref<!tpu.dma_semaphore, #tpu.memory_space<semaphore_mem>>)
      } else {
      }
      %dma_wait3A_445 = arith.constant 0 : i32
      %dma_wait3A_446 = arith.constant 0 : i32
      %dma_wait3A_447 = tpu.memref_slice %arg2[%dma_wait3A_445, %dma_wait3A_446] : memref<10240x128xf32, #tpu.memory_space<hbm>> -> memref<10240x128xf32, #tpu.memory_space<hbm>>
      tpu.wait_indirect_dma semaphore(%arg46 : memref<!tpu.dma_semaphore, #tpu.memory_space<semaphore_mem>>) src(%dma_wait3A_447 : memref<10240x128xf32, #tpu.memory_space<hbm>>) dst(%arg30 : memref<64x128xf32, #tpu.memory_space<vmem>>)
      %dma_start3A_448 = arith.constant 0 : i32
      %dma_start3A_449 = arith.constant 0 : i32
      %dma_start3A_450 = tpu.memref_slice %arg32[%dma_start3A_448, %dma_start3A_449] : memref<10240x128xf32, #tpu.memory_space<vmem_shared>> -> memref<10240x128xf32, #tpu.memory_space<vmem_shared>>
      tpu.enqueue_indirect_dma source(%arg30 : memref<64x128xf32, #tpu.memory_space<vmem>>) target(%dma_start3A_450 : memref<10240x128xf32, #tpu.memory_space<vmem_shared>>) offsets(%arg25 : memref<64xi32, #tpu.memory_space<vmem>>) semaphore(%arg51 : memref<!tpu.dma_semaphore, #tpu.memory_space<semaphore_mem>>) {add = true}
      %dma_wait3A_451 = arith.constant 0 : i32
      %dma_wait3A_452 = arith.constant 0 : i32
      %dma_wait3A_453 = tpu.memref_slice %arg32[%dma_wait3A_451, %dma_wait3A_452] : memref<10240x128xf32, #tpu.memory_space<vmem_shared>> -> memref<10240x128xf32, #tpu.memory_space<vmem_shared>>
      tpu.wait_indirect_dma semaphore(%arg50 : memref<!tpu.dma_semaphore, #tpu.memory_space<semaphore_mem>>) src(%arg29 : memref<64x128xf32, #tpu.memory_space<vmem>>) dst(%dma_wait3A_453 : memref<10240x128xf32, #tpu.memory_space<vmem_shared>>)
      %lt3A_454 = arith.constant 7 : i32
      %lt3A_455 = arith.cmpi slt, %add3A_210, %lt3A_454 : i32
      %convert_element_type3A_456 = arith.extui %lt3A_455 : i1 to i32
      %cond3A_457 = arith.constant 0 : i32
      %cond3A_458 = arith.cmpi ne, %convert_element_type3A_456, %cond3A_457 : i32
      scf.if %cond3A_458 {
        %mul3A_483 = arith.constant 10 : i32
        %mul3A_484 = arith.muli %mul3A_483, %add3A_210 : i32
        %add3A_485 = arith.constant 8 : i32
        %add3A_486 = arith.addi %mul3A_484, %add3A_485 : i32
        %add3A_487 = arith.constant 10 : i32
        %add3A_488 = arith.addi %add3A_486, %add3A_487 : i32
        %sub3A_489 = arith.constant 1 : i32
        %sub3A_490 = arith.subi %add3A_488, %sub3A_489 : i32
        %dma_start3A_491 = arith.constant 0 : i32
        %dma_start3A_492 = tpu.memref_slice %arg4[%add3A, %sub3A_490, %dma_start3A_491] : memref<32x80x64xi32, #tpu.memory_space<hbm>> -> memref<1x1x64xi32, #tpu.memory_space<hbm>>
        %dma_start3A_493 = tpu.memref_squeeze %dma_start3A_492 : memref<1x1x64xi32, #tpu.memory_space<hbm>> -> memref<64xi32, #tpu.memory_space<hbm>>
        %dma_start3A_494 = arith.constant 0 : i32
        %dma_start3A_495 = tpu.memref_slice %arg4[%add3A, %sub3A_490, %dma_start3A_494] : memref<32x80x64xi32, #tpu.memory_space<hbm>> -> memref<1x1x64xi32, #tpu.memory_space<hbm>>
        %dma_start3A_496 = tpu.memref_squeeze %dma_start3A_495 : memref<1x1x64xi32, #tpu.memory_space<hbm>> -> memref<64xi32, #tpu.memory_space<hbm>>
        tpu.enqueue_dma source(%dma_start3A_496 : memref<64xi32, #tpu.memory_space<hbm>>) target(%arg14 : memref<64xi32, #tpu.memory_space<vmem>>) target_semaphore(%arg40 : memref<!tpu.dma_semaphore, #tpu.memory_space<semaphore_mem>>)
        %dma_start3A_497 = arith.constant 0 : i32
        %dma_start3A_498 = tpu.memref_slice %arg5[%add3A, %sub3A_490, %dma_start3A_497] : memref<32x80x64xi32, #tpu.memory_space<hbm>> -> memref<1x1x64xi32, #tpu.memory_space<hbm>>
        %dma_start3A_499 = tpu.memref_squeeze %dma_start3A_498 : memref<1x1x64xi32, #tpu.memory_space<hbm>> -> memref<64xi32, #tpu.memory_space<hbm>>
        %dma_start3A_500 = arith.constant 0 : i32
        %dma_start3A_501 = tpu.memref_slice %arg5[%add3A, %sub3A_490, %dma_start3A_500] : memref<32x80x64xi32, #tpu.memory_space<hbm>> -> memref<1x1x64xi32, #tpu.memory_space<hbm>>
        %dma_start3A_502 = tpu.memref_squeeze %dma_start3A_501 : memref<1x1x64xi32, #tpu.memory_space<hbm>> -> memref<64xi32, #tpu.memory_space<hbm>>
        tpu.enqueue_dma source(%dma_start3A_502 : memref<64xi32, #tpu.memory_space<hbm>>) target(%arg24 : memref<64xi32, #tpu.memory_space<vmem>>) target_semaphore(%arg40 : memref<!tpu.dma_semaphore, #tpu.memory_space<semaphore_mem>>)
      } else {
      }
      %lt3A_459 = arith.constant 7 : i32
      %lt3A_460 = arith.cmpi slt, %add3A_210, %lt3A_459 : i32
      %convert_element_type3A_461 = arith.extui %lt3A_460 : i1 to i32
      %cond3A_462 = arith.constant 0 : i32
      %cond3A_463 = arith.cmpi ne, %convert_element_type3A_461, %cond3A_462 : i32
      scf.if %cond3A_463 {
        %dma_wait3A_483 = arith.constant 0 : i32
        %dma_wait3A_484 = arith.constant 0 : i32
        %dma_wait3A_485 = tpu.memref_slice %arg4[%add3A, %dma_wait3A_483, %dma_wait3A_484] : memref<32x80x64xi32, #tpu.memory_space<hbm>> -> memref<1x1x64xi32, #tpu.memory_space<hbm>>
        %dma_wait3A_486 = tpu.memref_squeeze %dma_wait3A_485 : memref<1x1x64xi32, #tpu.memory_space<hbm>> -> memref<64xi32, #tpu.memory_space<hbm>>
        %dma_wait3A_487 = arith.constant 0 : i32
        %dma_wait3A_488 = tpu.memref_slice %arg4[%add3A, %dma_wait3A_483, %dma_wait3A_487] : memref<32x80x64xi32, #tpu.memory_space<hbm>> -> memref<1x1x64xi32, #tpu.memory_space<hbm>>
        %dma_wait3A_489 = tpu.memref_squeeze %dma_wait3A_488 : memref<1x1x64xi32, #tpu.memory_space<hbm>> -> memref<64xi32, #tpu.memory_space<hbm>>
        tpu.wait_dma2 semaphore(%arg35 : memref<!tpu.dma_semaphore, #tpu.memory_space<semaphore_mem>>) src(%dma_wait3A_489 : memref<64xi32, #tpu.memory_space<hbm>>) dst(%arg9 : memref<64xi32, #tpu.memory_space<vmem>>)
        %dma_wait3A_490 = arith.constant 0 : i32
        %dma_wait3A_491 = arith.constant 0 : i32
        %dma_wait3A_492 = tpu.memref_slice %arg5[%add3A, %dma_wait3A_490, %dma_wait3A_491] : memref<32x80x64xi32, #tpu.memory_space<hbm>> -> memref<1x1x64xi32, #tpu.memory_space<hbm>>
        %dma_wait3A_493 = tpu.memref_squeeze %dma_wait3A_492 : memref<1x1x64xi32, #tpu.memory_space<hbm>> -> memref<64xi32, #tpu.memory_space<hbm>>
        %dma_wait3A_494 = arith.constant 0 : i32
        %dma_wait3A_495 = tpu.memref_slice %arg5[%add3A, %dma_wait3A_490, %dma_wait3A_494] : memref<32x80x64xi32, #tpu.memory_space<hbm>> -> memref<1x1x64xi32, #tpu.memory_space<hbm>>
        %dma_wait3A_496 = tpu.memref_squeeze %dma_wait3A_495 : memref<1x1x64xi32, #tpu.memory_space<hbm>> -> memref<64xi32, #tpu.memory_space<hbm>>
        tpu.wait_dma2 semaphore(%arg35 : memref<!tpu.dma_semaphore, #tpu.memory_space<semaphore_mem>>) src(%dma_wait3A_496 : memref<64xi32, #tpu.memory_space<hbm>>) dst(%arg19 : memref<64xi32, #tpu.memory_space<vmem>>)
        %dma_start3A_497 = arith.constant 0 : i32
        %dma_start3A_498 = arith.constant 0 : i32
        %dma_start3A_499 = tpu.memref_slice %arg2[%dma_start3A_497, %dma_start3A_498] : memref<10240x128xf32, #tpu.memory_space<hbm>> -> memref<10240x128xf32, #tpu.memory_space<hbm>>
        tpu.enqueue_indirect_dma source(%dma_start3A_499 : memref<10240x128xf32, #tpu.memory_space<hbm>>) target(%arg29 : memref<64x128xf32, #tpu.memory_space<vmem>>) offsets(%arg9 : memref<64xi32, #tpu.memory_space<vmem>>) semaphore(%arg45 : memref<!tpu.dma_semaphore, #tpu.memory_space<semaphore_mem>>)
      } else {
      }
      %dma_wait3A_464 = arith.constant 0 : i32
      %dma_wait3A_465 = arith.constant 0 : i32
      %dma_wait3A_466 = tpu.memref_slice %arg2[%dma_wait3A_464, %dma_wait3A_465] : memref<10240x128xf32, #tpu.memory_space<hbm>> -> memref<10240x128xf32, #tpu.memory_space<hbm>>
      tpu.wait_indirect_dma semaphore(%arg47 : memref<!tpu.dma_semaphore, #tpu.memory_space<semaphore_mem>>) src(%dma_wait3A_466 : memref<10240x128xf32, #tpu.memory_space<hbm>>) dst(%arg31 : memref<64x128xf32, #tpu.memory_space<vmem>>)
      %dma_start3A_467 = arith.constant 0 : i32
      %dma_start3A_468 = arith.constant 0 : i32
      %dma_start3A_469 = tpu.memref_slice %arg32[%dma_start3A_467, %dma_start3A_468] : memref<10240x128xf32, #tpu.memory_space<vmem_shared>> -> memref<10240x128xf32, #tpu.memory_space<vmem_shared>>
      tpu.enqueue_indirect_dma source(%arg31 : memref<64x128xf32, #tpu.memory_space<vmem>>) target(%dma_start3A_469 : memref<10240x128xf32, #tpu.memory_space<vmem_shared>>) offsets(%arg26 : memref<64xi32, #tpu.memory_space<vmem>>) semaphore(%arg52 : memref<!tpu.dma_semaphore, #tpu.memory_space<semaphore_mem>>) {add = true}
      %dma_wait3A_470 = arith.constant 0 : i32
      %dma_wait3A_471 = arith.constant 0 : i32
      %dma_wait3A_472 = tpu.memref_slice %arg32[%dma_wait3A_470, %dma_wait3A_471] : memref<10240x128xf32, #tpu.memory_space<vmem_shared>> -> memref<10240x128xf32, #tpu.memory_space<vmem_shared>>
      tpu.wait_indirect_dma semaphore(%arg51 : memref<!tpu.dma_semaphore, #tpu.memory_space<semaphore_mem>>) src(%arg30 : memref<64x128xf32, #tpu.memory_space<vmem>>) dst(%dma_wait3A_472 : memref<10240x128xf32, #tpu.memory_space<vmem_shared>>)
      %lt3A_473 = arith.constant 7 : i32
      %lt3A_474 = arith.cmpi slt, %add3A_210, %lt3A_473 : i32
      %convert_element_type3A_475 = arith.extui %lt3A_474 : i1 to i32
      %cond3A_476 = arith.constant 0 : i32
      %cond3A_477 = arith.cmpi ne, %convert_element_type3A_475, %cond3A_476 : i32
      scf.if %cond3A_477 {
        %mul3A_483 = arith.constant 10 : i32
        %mul3A_484 = arith.muli %mul3A_483, %add3A_210 : i32
        %add3A_485 = arith.constant 9 : i32
        %add3A_486 = arith.addi %mul3A_484, %add3A_485 : i32
        %add3A_487 = arith.constant 10 : i32
        %add3A_488 = arith.addi %add3A_486, %add3A_487 : i32
        %sub3A_489 = arith.constant 1 : i32
        %sub3A_490 = arith.subi %add3A_488, %sub3A_489 : i32
        %dma_start3A_491 = arith.constant 0 : i32
        %dma_start3A_492 = tpu.memref_slice %arg4[%add3A, %sub3A_490, %dma_start3A_491] : memref<32x80x64xi32, #tpu.memory_space<hbm>> -> memref<1x1x64xi32, #tpu.memory_space<hbm>>
        %dma_start3A_493 = tpu.memref_squeeze %dma_start3A_492 : memref<1x1x64xi32, #tpu.memory_space<hbm>> -> memref<64xi32, #tpu.memory_space<hbm>>
        %dma_start3A_494 = arith.constant 0 : i32
        %dma_start3A_495 = tpu.memref_slice %arg4[%add3A, %sub3A_490, %dma_start3A_494] : memref<32x80x64xi32, #tpu.memory_space<hbm>> -> memref<1x1x64xi32, #tpu.memory_space<hbm>>
        %dma_start3A_496 = tpu.memref_squeeze %dma_start3A_495 : memref<1x1x64xi32, #tpu.memory_space<hbm>> -> memref<64xi32, #tpu.memory_space<hbm>>
        tpu.enqueue_dma source(%dma_start3A_496 : memref<64xi32, #tpu.memory_space<hbm>>) target(%arg15 : memref<64xi32, #tpu.memory_space<vmem>>) target_semaphore(%arg41 : memref<!tpu.dma_semaphore, #tpu.memory_space<semaphore_mem>>)
        %dma_start3A_497 = arith.constant 0 : i32
        %dma_start3A_498 = tpu.memref_slice %arg5[%add3A, %sub3A_490, %dma_start3A_497] : memref<32x80x64xi32, #tpu.memory_space<hbm>> -> memref<1x1x64xi32, #tpu.memory_space<hbm>>
        %dma_start3A_499 = tpu.memref_squeeze %dma_start3A_498 : memref<1x1x64xi32, #tpu.memory_space<hbm>> -> memref<64xi32, #tpu.memory_space<hbm>>
        %dma_start3A_500 = arith.constant 0 : i32
        %dma_start3A_501 = tpu.memref_slice %arg5[%add3A, %sub3A_490, %dma_start3A_500] : memref<32x80x64xi32, #tpu.memory_space<hbm>> -> memref<1x1x64xi32, #tpu.memory_space<hbm>>
        %dma_start3A_502 = tpu.memref_squeeze %dma_start3A_501 : memref<1x1x64xi32, #tpu.memory_space<hbm>> -> memref<64xi32, #tpu.memory_space<hbm>>
        tpu.enqueue_dma source(%dma_start3A_502 : memref<64xi32, #tpu.memory_space<hbm>>) target(%arg25 : memref<64xi32, #tpu.memory_space<vmem>>) target_semaphore(%arg41 : memref<!tpu.dma_semaphore, #tpu.memory_space<semaphore_mem>>)
      } else {
      }
      %lt3A_478 = arith.constant 7 : i32
      %lt3A_479 = arith.cmpi slt, %add3A_210, %lt3A_478 : i32
      %convert_element_type3A_480 = arith.extui %lt3A_479 : i1 to i32
      %cond3A_481 = arith.constant 0 : i32
      %cond3A_482 = arith.cmpi ne, %convert_element_type3A_480, %cond3A_481 : i32
      scf.if %cond3A_482 {
        %dma_wait3A_483 = arith.constant 0 : i32
        %dma_wait3A_484 = arith.constant 0 : i32
        %dma_wait3A_485 = tpu.memref_slice %arg4[%add3A, %dma_wait3A_483, %dma_wait3A_484] : memref<32x80x64xi32, #tpu.memory_space<hbm>> -> memref<1x1x64xi32, #tpu.memory_space<hbm>>
        %dma_wait3A_486 = tpu.memref_squeeze %dma_wait3A_485 : memref<1x1x64xi32, #tpu.memory_space<hbm>> -> memref<64xi32, #tpu.memory_space<hbm>>
        %dma_wait3A_487 = arith.constant 0 : i32
        %dma_wait3A_488 = tpu.memref_slice %arg4[%add3A, %dma_wait3A_483, %dma_wait3A_487] : memref<32x80x64xi32, #tpu.memory_space<hbm>> -> memref<1x1x64xi32, #tpu.memory_space<hbm>>
        %dma_wait3A_489 = tpu.memref_squeeze %dma_wait3A_488 : memref<1x1x64xi32, #tpu.memory_space<hbm>> -> memref<64xi32, #tpu.memory_space<hbm>>
        tpu.wait_dma2 semaphore(%arg36 : memref<!tpu.dma_semaphore, #tpu.memory_space<semaphore_mem>>) src(%dma_wait3A_489 : memref<64xi32, #tpu.memory_space<hbm>>) dst(%arg10 : memref<64xi32, #tpu.memory_space<vmem>>)
        %dma_wait3A_490 = arith.constant 0 : i32
        %dma_wait3A_491 = arith.constant 0 : i32
        %dma_wait3A_492 = tpu.memref_slice %arg5[%add3A, %dma_wait3A_490, %dma_wait3A_491] : memref<32x80x64xi32, #tpu.memory_space<hbm>> -> memref<1x1x64xi32, #tpu.memory_space<hbm>>
        %dma_wait3A_493 = tpu.memref_squeeze %dma_wait3A_492 : memref<1x1x64xi32, #tpu.memory_space<hbm>> -> memref<64xi32, #tpu.memory_space<hbm>>
        %dma_wait3A_494 = arith.constant 0 : i32
        %dma_wait3A_495 = tpu.memref_slice %arg5[%add3A, %dma_wait3A_490, %dma_wait3A_494] : memref<32x80x64xi32, #tpu.memory_space<hbm>> -> memref<1x1x64xi32, #tpu.memory_space<hbm>>
        %dma_wait3A_496 = tpu.memref_squeeze %dma_wait3A_495 : memref<1x1x64xi32, #tpu.memory_space<hbm>> -> memref<64xi32, #tpu.memory_space<hbm>>
        tpu.wait_dma2 semaphore(%arg36 : memref<!tpu.dma_semaphore, #tpu.memory_space<semaphore_mem>>) src(%dma_wait3A_496 : memref<64xi32, #tpu.memory_space<hbm>>) dst(%arg20 : memref<64xi32, #tpu.memory_space<vmem>>)
        %dma_start3A_497 = arith.constant 0 : i32
        %dma_start3A_498 = arith.constant 0 : i32
        %dma_start3A_499 = tpu.memref_slice %arg2[%dma_start3A_497, %dma_start3A_498] : memref<10240x128xf32, #tpu.memory_space<hbm>> -> memref<10240x128xf32, #tpu.memory_space<hbm>>
        tpu.enqueue_indirect_dma source(%dma_start3A_499 : memref<10240x128xf32, #tpu.memory_space<hbm>>) target(%arg30 : memref<64x128xf32, #tpu.memory_space<vmem>>) offsets(%arg10 : memref<64xi32, #tpu.memory_space<vmem>>) semaphore(%arg46 : memref<!tpu.dma_semaphore, #tpu.memory_space<semaphore_mem>>)
      } else {
      }
    }
    %scan3A_198 = arith.constant 8 : i32
    %dma_wait3A_199 = arith.constant 0 : i32
    %dma_wait3A_200 = arith.constant 0 : i32
    %dma_wait3A_201 = tpu.memref_slice %arg32[%dma_wait3A_199, %dma_wait3A_200] : memref<10240x128xf32, #tpu.memory_space<vmem_shared>> -> memref<10240x128xf32, #tpu.memory_space<vmem_shared>>
    tpu.wait_indirect_dma semaphore(%arg52 : memref<!tpu.dma_semaphore, #tpu.memory_space<semaphore_mem>>) src(%arg31 : memref<64x128xf32, #tpu.memory_space<vmem>>) dst(%dma_wait3A_201 : memref<10240x128xf32, #tpu.memory_space<vmem_shared>>)
    %barrier3A_202 = arith.constant 0 : index
    tpu.barrier barrier_id(%barrier3A_202)
    %mul3A_203 = arith.constant 10240 : i32
    %mul3A_204 = arith.muli %arg0, %mul3A_203 : i32
    %add3A_205 = arith.addi %mul3A_204, %mul3A_2 : i32
    "tpu.region"() ({
      %run_scoped3A = tpu.sem_alloc : memref<!tpu.dma_semaphore, #tpu.memory_space<semaphore_mem>>
      %dma_start3A_206 = arith.constant 0 : i32
      %dma_start3A_207 = tpu.memref_slice %arg6[%add3A_205, %dma_start3A_206] : memref<20480x128xf32, #tpu.memory_space<hbm>> -> memref<640x128xf32, #tpu.memory_space<hbm>>
      %dma_start3A_208 = arith.constant 0 : i32
      %dma_start3A_209 = tpu.memref_slice %arg32[%mul3A_2, %dma_start3A_208] : memref<10240x128xf32, #tpu.memory_space<vmem_shared>> -> memref<640x128xf32, #tpu.memory_space<vmem_shared>>
      tpu.enqueue_dma source(%dma_start3A_209 : memref<640x128xf32, #tpu.memory_space<vmem_shared>>) target(%dma_start3A_207 : memref<640x128xf32, #tpu.memory_space<hbm>>) target_semaphore(%run_scoped3A : memref<!tpu.dma_semaphore, #tpu.memory_space<semaphore_mem>>)
      %dma_wait3A_210 = arith.constant 0 : i32
      %dma_wait3A_211 = tpu.memref_slice %arg6[%add3A_205, %dma_wait3A_210] : memref<20480x128xf32, #tpu.memory_space<hbm>> -> memref<640x128xf32, #tpu.memory_space<hbm>>
      %dma_wait3A_212 = arith.constant 0 : i32
      %dma_wait3A_213 = tpu.memref_slice %arg32[%mul3A_2, %dma_wait3A_212] : memref<10240x128xf32, #tpu.memory_space<vmem_shared>> -> memref<640x128xf32, #tpu.memory_space<vmem_shared>>
      tpu.wait_dma2 semaphore(%run_scoped3A : memref<!tpu.dma_semaphore, #tpu.memory_space<semaphore_mem>>) src(%dma_wait3A_213 : memref<640x128xf32, #tpu.memory_space<vmem_shared>>) dst(%dma_wait3A_211 : memref<640x128xf32, #tpu.memory_space<hbm>>)
      tpu.yield
    }) : () -> ()
    return
  }
}

module attributes {stable_mosaic.version = 14 : i64} {
  func.func @_tc1_body(%arg0: i32, %arg1: memref<1280x256xf32, #tpu.memory_space<vmem>>, %arg2: memref<256x256xf32, #tpu.memory_space<vmem>>, %arg3: memref<2x1280x1xf32, #tpu.memory_space<vmem>>, %arg4: memref<2x1280x128xf32, #tpu.memory_space<vmem>>, %arg5: memref<1280x1xf32, #tpu.memory_space<vmem>>) attributes {dimension_semantics = [#tpu.dimension_semantics<arbitrary>], iteration_bounds = array<i64: 8>, scalar_prefetch = 0 : i64, scratch_operands = 0 : i64, tpu.core_type = #tpu.core_type<tc>, window_params = [{transform_indices = @transform_0, window_bounds = array<i64: 1280, 256>}, {pipeline_mode = #tpu.pipeline_mode<synchronous>, transform_indices = @transform_1, window_bounds = array<i64: 256, 256>}, {transform_indices = @transform_2, window_bounds = array<i64: 2, 1280, 1>}, {transform_indices = @transform_3, window_bounds = array<i64: 2, 1280, 128>}, {transform_indices = @transform_4, window_bounds = array<i64: 1280, 1>}]} {
    %get3A = arith.constant 0 : index
    %get3A_0 = arith.constant 0 : index
    %get3A_1 = arith.constant 0 : index
    %get3A_2 = vector.load %arg3[%get3A, %get3A_0, %get3A_1] : memref<2x1280x1xf32, #tpu.memory_space<vmem>>, vector<1x1280x1xf32>
    %get3A_3 = vector.shape_cast %get3A_2 : vector<1x1280x1xf32> to vector<1280xf32>
    %get3A_4 = arith.constant 1 : index
    %get3A_5 = arith.constant 0 : index
    %get3A_6 = arith.constant 0 : index
    %get3A_7 = vector.load %arg3[%get3A_4, %get3A_5, %get3A_6] : memref<2x1280x1xf32, #tpu.memory_space<vmem>>, vector<1x1280x1xf32>
    %get3A_8 = vector.shape_cast %get3A_7 : vector<1x1280x1xf32> to vector<1280xf32>
    %add3A = arith.addf %get3A_3, %get3A_8 : vector<1280xf32>
    %add3A_9 = arith.constant 1.000000e+00 : f32
    %add3A_10 = vector.broadcast %add3A_9 : f32 to vector<1280xf32>
    %add3A_11 = arith.addf %add3A, %add3A_10 : vector<1280xf32>
    %rsqrt3A = math.rsqrt %add3A_11 : vector<1280xf32>
    %broadcast_in_dim3A = vector.shape_cast %rsqrt3A : vector<1280xf32> to vector<1280x1xf32>
    %swap3A = arith.constant 0 : index
    %swap3A_12 = arith.constant 0 : index
    %swap3A_13 = vector.load %arg5[%swap3A, %swap3A_12] : memref<1280x1xf32, #tpu.memory_space<vmem>>, vector<1280x1xf32>
    tpu.vector_store %arg5[%swap3A, %swap3A_12], %broadcast_in_dim3A {strides = array<i32>} : memref<1280x1xf32, #tpu.memory_space<vmem>>, vector<1280x1xf32>,
    %get3A_14 = arith.constant 0 : index
    %get3A_15 = arith.constant 0 : index
    %get3A_16 = vector.load %arg1[%get3A_14, %get3A_15] : memref<1280x256xf32, #tpu.memory_space<vmem>>, vector<1280x256xf32>
    %get3A_17 = arith.constant 0 : index
    %get3A_18 = arith.constant 0 : index
    %get3A_19 = vector.load %arg2[%get3A_17, %get3A_18] : memref<256x256xf32, #tpu.memory_space<vmem>>, vector<256x256xf32>
    %dot_general3A = arith.constant dense<0.000000e+00> : vector<1280x256xf32>
    %dot_general3A_20 = tpu.matmul %get3A_16, %get3A_19, %dot_general3A {dimension_numbers = #tpu.dot_dimension_numbers<[1], [0], [0], [1], [0, 0, 1, 1], [], []>, transpose_lhs_hint = false} : vector<1280x256xf32>, vector<256x256xf32>, vector<1280x256xf32> -> vector<1280x256xf32>
    %broadcast_in_dim3A_21 = vector.shape_cast %rsqrt3A : vector<1280xf32> to vector<1280x1xf32>
    %mul3A = vector.broadcast %broadcast_in_dim3A_21 : vector<1280x1xf32> to vector<1280x256xf32>
    %mul3A_22 = arith.mulf %dot_general3A_20, %mul3A : vector<1280x256xf32>
    %slice3A = vector.extract_strided_slice %mul3A_22 {offsets = [0, 0], sizes = [1280, 128], strides = [1, 1]} : vector<1280x256xf32> to vector<1280x128xf32>
    %swap3A_23 = arith.constant 0 : index
    %swap3A_24 = arith.constant 0 : index
    %swap3A_25 = arith.constant 0 : index
    %swap3A_26 = vector.load %arg4[%swap3A_23, %swap3A_24, %swap3A_25] : memref<2x1280x128xf32, #tpu.memory_space<vmem>>, vector<1x1280x128xf32>
    %swap3A_27 = vector.shape_cast %swap3A_26 : vector<1x1280x128xf32> to vector<1280x128xf32>
    %swap3A_28 = vector.shape_cast %slice3A : vector<1280x128xf32> to vector<1x1280x128xf32>
    tpu.vector_store %arg4[%swap3A_23, %swap3A_24, %swap3A_25], %swap3A_28 {strides = array<i32>} : memref<2x1280x128xf32, #tpu.memory_space<vmem>>, vector<1x1280x128xf32>,
    %slice3A_29 = vector.extract_strided_slice %mul3A_22 {offsets = [0, 128], sizes = [1280, 128], strides = [1, 1]} : vector<1280x256xf32> to vector<1280x128xf32>
    %swap3A_30 = arith.constant 1 : index
    %swap3A_31 = arith.constant 0 : index
    %swap3A_32 = arith.constant 0 : index
    %swap3A_33 = vector.load %arg4[%swap3A_30, %swap3A_31, %swap3A_32] : memref<2x1280x128xf32, #tpu.memory_space<vmem>>, vector<1x1280x128xf32>
    %swap3A_34 = vector.shape_cast %swap3A_33 : vector<1x1280x128xf32> to vector<1280x128xf32>
    %swap3A_35 = vector.shape_cast %slice3A_29 : vector<1280x128xf32> to vector<1x1280x128xf32>
    tpu.vector_store %arg4[%swap3A_30, %swap3A_31, %swap3A_32], %swap3A_35 {strides = array<i32>} : memref<2x1280x128xf32, #tpu.memory_space<vmem>>, vector<1x1280x128xf32>,
    return
  }
  func.func @transform_0(%arg0: i32) -> (i32, i32) {
    %c0_i32 = arith.constant 0 : i32
    %c0_i32_0 = arith.constant 0 : i32
    return %arg0, %c0_i32 : i32, i32
  }
  func.func @transform_1(%arg0: i32) -> (i32, i32) {
    %c0_i32 = arith.constant 0 : i32
    %c0_i32_0 = arith.constant 0 : i32
    %c0_i32_1 = arith.constant 0 : i32
    return %c0_i32, %c0_i32_0 : i32, i32
  }
  func.func @transform_2(%arg0: i32) -> (i32, i32, i32) {
    %c0_i32 = arith.constant 0 : i32
    %c0_i32_0 = arith.constant 0 : i32
    %c0_i32_1 = arith.constant 0 : i32
    return %c0_i32, %arg0, %c0_i32_0 : i32, i32, i32
  }
  func.func @transform_3(%arg0: i32) -> (i32, i32, i32) {
    %c0_i32 = arith.constant 0 : i32
    %c0_i32_0 = arith.constant 0 : i32
    %c0_i32_1 = arith.constant 0 : i32
    return %c0_i32, %arg0, %c0_i32_0 : i32, i32, i32
  }
  func.func @transform_4(%arg0: i32) -> (i32, i32) {
    %c0_i32 = arith.constant 0 : i32
    %c0_i32_0 = arith.constant 0 : i32
    return %arg0, %c0_i32 : i32, i32
  }
}

module attributes {stable_mosaic.version = 14 : i64} {
  func.func @_tc_mid2_body(%arg0: i32, %arg1: memref<2x1280x128xf32, #tpu.memory_space<vmem>>, %arg2: memref<1280x1xf32, #tpu.memory_space<vmem>>, %arg3: memref<1x256xf32, #tpu.memory_space<vmem>>, %arg4: memref<256x256xf32, #tpu.memory_space<vmem>>, %arg5: memref<2x1280x128xf32, #tpu.memory_space<vmem>>) attributes {dimension_semantics = [#tpu.dimension_semantics<arbitrary>], iteration_bounds = array<i64: 8>, scalar_prefetch = 0 : i64, scratch_operands = 0 : i64, tpu.core_type = #tpu.core_type<tc>, window_params = [{transform_indices = @transform_0, window_bounds = array<i64: 2, 1280, 128>}, {transform_indices = @transform_1, window_bounds = array<i64: 1280, 1>}, {pipeline_mode = #tpu.pipeline_mode<synchronous>, transform_indices = @transform_2, window_bounds = array<i64: 1, 256>}, {pipeline_mode = #tpu.pipeline_mode<synchronous>, transform_indices = @transform_3, window_bounds = array<i64: 256, 256>}, {transform_indices = @transform_4, window_bounds = array<i64: 2, 1280, 128>}]} {
    %get3A = arith.constant 0 : index
    %get3A_0 = arith.constant 0 : index
    %get3A_1 = vector.load %arg2[%get3A, %get3A_0] : memref<1280x1xf32, #tpu.memory_space<vmem>>, vector<1280x1xf32>
    %get3A_2 = arith.constant 0 : index
    %get3A_3 = arith.constant 0 : index
    %get3A_4 = arith.constant 0 : index
    %get3A_5 = vector.load %arg1[%get3A_2, %get3A_3, %get3A_4] : memref<2x1280x128xf32, #tpu.memory_space<vmem>>, vector<1x1280x128xf32>
    %get3A_6 = vector.shape_cast %get3A_5 : vector<1x1280x128xf32> to vector<1280x128xf32>
    %get3A_7 = arith.constant 1 : index
    %get3A_8 = arith.constant 0 : index
    %get3A_9 = arith.constant 0 : index
    %get3A_10 = vector.load %arg1[%get3A_7, %get3A_8, %get3A_9] : memref<2x1280x128xf32, #tpu.memory_space<vmem>>, vector<1x1280x128xf32>
    %get3A_11 = vector.shape_cast %get3A_10 : vector<1x1280x128xf32> to vector<1280x128xf32>
    %concatenate3A = tpu.concatenate %get3A_6, %get3A_11 in 1 : vector<1280x128xf32>, vector<1280x128xf32> -> vector<1280x256xf32>
    %mul3A = vector.broadcast %get3A_1 : vector<1280x1xf32> to vector<1280x256xf32>
    %mul3A_12 = arith.mulf %concatenate3A, %mul3A : vector<1280x256xf32>
    %get3A_13 = arith.constant 0 : index
    %get3A_14 = arith.constant 0 : index
    %get3A_15 = vector.load %arg3[%get3A_13, %get3A_14] : memref<1x256xf32, #tpu.memory_space<vmem>>, vector<1x256xf32>
    %add3A = vector.broadcast %get3A_15 : vector<1x256xf32> to vector<1280x256xf32>
    %add3A_16 = arith.addf %mul3A_12, %add3A : vector<1280x256xf32>
    %max3A = arith.constant 0.000000e+00 : f32
    %max3A_17 = vector.broadcast %max3A : f32 to vector<1280x256xf32>
    %max3A_18 = arith.maximumf %add3A_16, %max3A_17 : vector<1280x256xf32>
    %get3A_19 = arith.constant 0 : index
    %get3A_20 = arith.constant 0 : index
    %get3A_21 = vector.load %arg4[%get3A_19, %get3A_20] : memref<256x256xf32, #tpu.memory_space<vmem>>, vector<256x256xf32>
    %dot_general3A = arith.constant dense<0.000000e+00> : vector<1280x256xf32>
    %dot_general3A_22 = tpu.matmul %max3A_18, %get3A_21, %dot_general3A {dimension_numbers = #tpu.dot_dimension_numbers<[1], [0], [0], [1], [0, 0, 1, 1], [], []>, transpose_lhs_hint = false} : vector<1280x256xf32>, vector<256x256xf32>, vector<1280x256xf32> -> vector<1280x256xf32>
    %mul3A_23 = vector.broadcast %get3A_1 : vector<1280x1xf32> to vector<1280x256xf32>
    %mul3A_24 = arith.mulf %dot_general3A_22, %mul3A_23 : vector<1280x256xf32>
    %slice3A = vector.extract_strided_slice %mul3A_24 {offsets = [0, 0], sizes = [1280, 128], strides = [1, 1]} : vector<1280x256xf32> to vector<1280x128xf32>
    %swap3A = arith.constant 0 : index
    %swap3A_25 = arith.constant 0 : index
    %swap3A_26 = arith.constant 0 : index
    %swap3A_27 = vector.load %arg5[%swap3A, %swap3A_25, %swap3A_26] : memref<2x1280x128xf32, #tpu.memory_space<vmem>>, vector<1x1280x128xf32>
    %swap3A_28 = vector.shape_cast %swap3A_27 : vector<1x1280x128xf32> to vector<1280x128xf32>
    %swap3A_29 = vector.shape_cast %slice3A : vector<1280x128xf32> to vector<1x1280x128xf32>
    tpu.vector_store %arg5[%swap3A, %swap3A_25, %swap3A_26], %swap3A_29 {strides = array<i32>} : memref<2x1280x128xf32, #tpu.memory_space<vmem>>, vector<1x1280x128xf32>,
    %slice3A_30 = vector.extract_strided_slice %mul3A_24 {offsets = [0, 128], sizes = [1280, 128], strides = [1, 1]} : vector<1280x256xf32> to vector<1280x128xf32>
    %swap3A_31 = arith.constant 1 : index
    %swap3A_32 = arith.constant 0 : index
    %swap3A_33 = arith.constant 0 : index
    %swap3A_34 = vector.load %arg5[%swap3A_31, %swap3A_32, %swap3A_33] : memref<2x1280x128xf32, #tpu.memory_space<vmem>>, vector<1x1280x128xf32>
    %swap3A_35 = vector.shape_cast %swap3A_34 : vector<1x1280x128xf32> to vector<1280x128xf32>
    %swap3A_36 = vector.shape_cast %slice3A_30 : vector<1280x128xf32> to vector<1x1280x128xf32>
    tpu.vector_store %arg5[%swap3A_31, %swap3A_32, %swap3A_33], %swap3A_36 {strides = array<i32>} : memref<2x1280x128xf32, #tpu.memory_space<vmem>>, vector<1x1280x128xf32>,
    return
  }
  func.func @transform_0(%arg0: i32) -> (i32, i32, i32) {
    %c0_i32 = arith.constant 0 : i32
    %c0_i32_0 = arith.constant 0 : i32
    %c0_i32_1 = arith.constant 0 : i32
    return %c0_i32, %arg0, %c0_i32_0 : i32, i32, i32
  }
  func.func @transform_1(%arg0: i32) -> (i32, i32) {
    %c0_i32 = arith.constant 0 : i32
    %c0_i32_0 = arith.constant 0 : i32
    return %arg0, %c0_i32 : i32, i32
  }
  func.func @transform_2(%arg0: i32) -> (i32, i32) {
    %c0_i32 = arith.constant 0 : i32
    %c0_i32_0 = arith.constant 0 : i32
    %c0_i32_1 = arith.constant 0 : i32
    return %c0_i32, %c0_i32_0 : i32, i32
  }
  func.func @transform_3(%arg0: i32) -> (i32, i32) {
    %c0_i32 = arith.constant 0 : i32
    %c0_i32_0 = arith.constant 0 : i32
    %c0_i32_1 = arith.constant 0 : i32
    return %c0_i32, %c0_i32_0 : i32, i32
  }
  func.func @transform_4(%arg0: i32) -> (i32, i32, i32) {
    %c0_i32 = arith.constant 0 : i32
    %c0_i32_0 = arith.constant 0 : i32
    %c0_i32_1 = arith.constant 0 : i32
    return %c0_i32, %arg0, %c0_i32_0 : i32, i32, i32
  }
}

module attributes {stable_mosaic.version = 14 : i64} {
  func.func @_tc_mid3_body(%arg0: i32, %arg1: memref<2x1280x128xf32, #tpu.memory_space<vmem>>, %arg2: memref<1280x1xf32, #tpu.memory_space<vmem>>, %arg3: memref<1x256xf32, #tpu.memory_space<vmem>>, %arg4: memref<256x128xf32, #tpu.memory_space<vmem>>, %arg5: memref<1280x128xf32, #tpu.memory_space<vmem>>, %arg6: memref<1280x128xf32, #tpu.memory_space<vmem>>) attributes {dimension_semantics = [#tpu.dimension_semantics<arbitrary>], iteration_bounds = array<i64: 8>, scalar_prefetch = 0 : i64, scratch_operands = 0 : i64, tpu.core_type = #tpu.core_type<tc>, window_params = [{transform_indices = @transform_0, window_bounds = array<i64: 2, 1280, 128>}, {transform_indices = @transform_1, window_bounds = array<i64: 1280, 1>}, {pipeline_mode = #tpu.pipeline_mode<synchronous>, transform_indices = @transform_2, window_bounds = array<i64: 1, 256>}, {pipeline_mode = #tpu.pipeline_mode<synchronous>, transform_indices = @transform_3, window_bounds = array<i64: 256, 128>}, {transform_indices = @transform_4, window_bounds = array<i64: 1280, 128>}, {transform_indices = @transform_5, window_bounds = array<i64: 1280, 128>}]} {
    %get3A = arith.constant 0 : index
    %get3A_0 = arith.constant 0 : index
    %get3A_1 = vector.load %arg2[%get3A, %get3A_0] : memref<1280x1xf32, #tpu.memory_space<vmem>>, vector<1280x1xf32>
    %get3A_2 = arith.constant 0 : index
    %get3A_3 = arith.constant 0 : index
    %get3A_4 = arith.constant 0 : index
    %get3A_5 = vector.load %arg1[%get3A_2, %get3A_3, %get3A_4] : memref<2x1280x128xf32, #tpu.memory_space<vmem>>, vector<1x1280x128xf32>
    %get3A_6 = vector.shape_cast %get3A_5 : vector<1x1280x128xf32> to vector<1280x128xf32>
    %get3A_7 = arith.constant 1 : index
    %get3A_8 = arith.constant 0 : index
    %get3A_9 = arith.constant 0 : index
    %get3A_10 = vector.load %arg1[%get3A_7, %get3A_8, %get3A_9] : memref<2x1280x128xf32, #tpu.memory_space<vmem>>, vector<1x1280x128xf32>
    %get3A_11 = vector.shape_cast %get3A_10 : vector<1x1280x128xf32> to vector<1280x128xf32>
    %concatenate3A = tpu.concatenate %get3A_6, %get3A_11 in 1 : vector<1280x128xf32>, vector<1280x128xf32> -> vector<1280x256xf32>
    %mul3A = vector.broadcast %get3A_1 : vector<1280x1xf32> to vector<1280x256xf32>
    %mul3A_12 = arith.mulf %concatenate3A, %mul3A : vector<1280x256xf32>
    %get3A_13 = arith.constant 0 : index
    %get3A_14 = arith.constant 0 : index
    %get3A_15 = vector.load %arg3[%get3A_13, %get3A_14] : memref<1x256xf32, #tpu.memory_space<vmem>>, vector<1x256xf32>
    %add3A = vector.broadcast %get3A_15 : vector<1x256xf32> to vector<1280x256xf32>
    %add3A_16 = arith.addf %mul3A_12, %add3A : vector<1280x256xf32>
    %max3A = arith.constant 0.000000e+00 : f32
    %max3A_17 = vector.broadcast %max3A : f32 to vector<1280x256xf32>
    %max3A_18 = arith.maximumf %add3A_16, %max3A_17 : vector<1280x256xf32>
    %get3A_19 = arith.constant 0 : index
    %get3A_20 = arith.constant 0 : index
    %get3A_21 = vector.load %arg4[%get3A_19, %get3A_20] : memref<256x128xf32, #tpu.memory_space<vmem>>, vector<256x128xf32>
    %dot_general3A = arith.constant dense<0.000000e+00> : vector<1280x128xf32>
    %dot_general3A_22 = tpu.matmul %max3A_18, %get3A_21, %dot_general3A {dimension_numbers = #tpu.dot_dimension_numbers<[1], [0], [0], [1], [0, 0, 1, 1], [], []>, transpose_lhs_hint = false} : vector<1280x256xf32>, vector<256x128xf32>, vector<1280x128xf32> -> vector<1280x128xf32>
    %mul3A_23 = vector.broadcast %get3A_1 : vector<1280x1xf32> to vector<1280x128xf32>
    %mul3A_24 = arith.mulf %dot_general3A_22, %mul3A_23 : vector<1280x128xf32>
    %swap3A = arith.constant 0 : index
    %swap3A_25 = arith.constant 0 : index
    %swap3A_26 = vector.load %arg5[%swap3A, %swap3A_25] : memref<1280x128xf32, #tpu.memory_space<vmem>>, vector<1280x128xf32>
    tpu.vector_store %arg5[%swap3A, %swap3A_25], %mul3A_24 {strides = array<i32>} : memref<1280x128xf32, #tpu.memory_space<vmem>>, vector<1280x128xf32>,
    %mul3A_27 = arith.constant 5.000000e-01 : f32
    %mul3A_28 = vector.broadcast %mul3A_27 : f32 to vector<1280x128xf32>
    %mul3A_29 = arith.mulf %mul3A_28, %mul3A_24 : vector<1280x128xf32>
    %swap3A_30 = arith.constant 0 : index
    %swap3A_31 = arith.constant 0 : index
    %swap3A_32 = vector.load %arg6[%swap3A_30, %swap3A_31] : memref<1280x128xf32, #tpu.memory_space<vmem>>, vector<1280x128xf32>
    tpu.vector_store %arg6[%swap3A_30, %swap3A_31], %mul3A_29 {strides = array<i32>} : memref<1280x128xf32, #tpu.memory_space<vmem>>, vector<1280x128xf32>,
    return
  }
  func.func @transform_0(%arg0: i32) -> (i32, i32, i32) {
    %c0_i32 = arith.constant 0 : i32
    %c0_i32_0 = arith.constant 0 : i32
    %c0_i32_1 = arith.constant 0 : i32
    return %c0_i32, %arg0, %c0_i32_0 : i32, i32, i32
  }
  func.func @transform_1(%arg0: i32) -> (i32, i32) {
    %c0_i32 = arith.constant 0 : i32
    %c0_i32_0 = arith.constant 0 : i32
    return %arg0, %c0_i32 : i32, i32
  }
  func.func @transform_2(%arg0: i32) -> (i32, i32) {
    %c0_i32 = arith.constant 0 : i32
    %c0_i32_0 = arith.constant 0 : i32
    %c0_i32_1 = arith.constant 0 : i32
    return %c0_i32, %c0_i32_0 : i32, i32
  }
  func.func @transform_3(%arg0: i32) -> (i32, i32) {
    %c0_i32 = arith.constant 0 : i32
    %c0_i32_0 = arith.constant 0 : i32
    %c0_i32_1 = arith.constant 0 : i32
    return %c0_i32, %c0_i32_0 : i32, i32
  }
  func.func @transform_4(%arg0: i32) -> (i32, i32) {
    %c0_i32 = arith.constant 0 : i32
    %c0_i32_0 = arith.constant 0 : i32
    return %arg0, %c0_i32 : i32, i32
  }
  func.func @transform_5(%arg0: i32) -> (i32, i32) {
    %c0_i32 = arith.constant 0 : i32
    %c0_i32_0 = arith.constant 0 : i32
    return %arg0, %c0_i32 : i32, i32
  }
}

module attributes {stable_mosaic.version = 14 : i64} {
  func.func @_tc_fin_body(%arg0: i32, %arg1: memref<2x1280x128xf32, #tpu.memory_space<vmem>>, %arg2: memref<1280x1xf32, #tpu.memory_space<vmem>>, %arg3: memref<1x128xf32, #tpu.memory_space<vmem>>, %arg4: memref<1280x128xf32, #tpu.memory_space<vmem>>) attributes {dimension_semantics = [#tpu.dimension_semantics<arbitrary>], iteration_bounds = array<i64: 8>, scalar_prefetch = 0 : i64, scratch_operands = 0 : i64, tpu.core_type = #tpu.core_type<tc>, window_params = [{transform_indices = @transform_0, window_bounds = array<i64: 2, 1280, 128>}, {transform_indices = @transform_1, window_bounds = array<i64: 1280, 1>}, {pipeline_mode = #tpu.pipeline_mode<synchronous>, transform_indices = @transform_2, window_bounds = array<i64: 1, 128>}, {transform_indices = @transform_3, window_bounds = array<i64: 1280, 128>}]} {
    %get3A = arith.constant 0 : index
    %get3A_0 = arith.constant 0 : index
    %get3A_1 = arith.constant 0 : index
    %get3A_2 = vector.load %arg1[%get3A, %get3A_0, %get3A_1] : memref<2x1280x128xf32, #tpu.memory_space<vmem>>, vector<1x1280x128xf32>
    %get3A_3 = vector.shape_cast %get3A_2 : vector<1x1280x128xf32> to vector<1280x128xf32>
    %get3A_4 = arith.constant 1 : index
    %get3A_5 = arith.constant 0 : index
    %get3A_6 = arith.constant 0 : index
    %get3A_7 = vector.load %arg1[%get3A_4, %get3A_5, %get3A_6] : memref<2x1280x128xf32, #tpu.memory_space<vmem>>, vector<1x1280x128xf32>
    %get3A_8 = vector.shape_cast %get3A_7 : vector<1x1280x128xf32> to vector<1280x128xf32>
    %add3A = arith.addf %get3A_3, %get3A_8 : vector<1280x128xf32>
    %get3A_9 = arith.constant 0 : index
    %get3A_10 = arith.constant 0 : index
    %get3A_11 = vector.load %arg2[%get3A_9, %get3A_10] : memref<1280x1xf32, #tpu.memory_space<vmem>>, vector<1280x1xf32>
    %mul3A = vector.broadcast %get3A_11 : vector<1280x1xf32> to vector<1280x128xf32>
    %mul3A_12 = arith.mulf %add3A, %mul3A : vector<1280x128xf32>
    %get3A_13 = arith.constant 0 : index
    %get3A_14 = arith.constant 0 : index
    %get3A_15 = vector.load %arg3[%get3A_13, %get3A_14] : memref<1x128xf32, #tpu.memory_space<vmem>>, vector<1x128xf32>
    %add3A_16 = vector.broadcast %get3A_15 : vector<1x128xf32> to vector<1280x128xf32>
    %add3A_17 = arith.addf %mul3A_12, %add3A_16 : vector<1280x128xf32>
    %logistic3A = arith.negf %add3A_17 : vector<1280x128xf32>
    %logistic3A_18 = math.exp %logistic3A : vector<1280x128xf32>
    %logistic3A_19 = arith.constant 1.000000e+00 : f32
    %logistic3A_20 = vector.broadcast %logistic3A_19 : f32 to vector<1280x128xf32>
    %logistic3A_21 = arith.addf %logistic3A_20, %logistic3A_18 : vector<1280x128xf32>
    %logistic3A_22 = arith.divf %logistic3A_20, %logistic3A_21 : vector<1280x128xf32>
    %swap3A = arith.constant 0 : index
    %swap3A_23 = arith.constant 0 : index
    %swap3A_24 = vector.load %arg4[%swap3A, %swap3A_23] : memref<1280x128xf32, #tpu.memory_space<vmem>>, vector<1280x128xf32>
    tpu.vector_store %arg4[%swap3A, %swap3A_23], %logistic3A_22 {strides = array<i32>} : memref<1280x128xf32, #tpu.memory_space<vmem>>, vector<1280x128xf32>,
    return
  }
  func.func @transform_0(%arg0: i32) -> (i32, i32, i32) {
    %c0_i32 = arith.constant 0 : i32
    %c0_i32_0 = arith.constant 0 : i32
    %c0_i32_1 = arith.constant 0 : i32
    return %c0_i32, %arg0, %c0_i32_0 : i32, i32, i32
  }
  func.func @transform_1(%arg0: i32) -> (i32, i32) {
    %c0_i32 = arith.constant 0 : i32
    %c0_i32_0 = arith.constant 0 : i32
    return %arg0, %c0_i32 : i32, i32
  }
  func.func @transform_2(%arg0: i32) -> (i32, i32) {
    %c0_i32 = arith.constant 0 : i32
    %c0_i32_0 = arith.constant 0 : i32
    %c0_i32_1 = arith.constant 0 : i32
    return %c0_i32, %c0_i32_0 : i32, i32
  }
  func.func @transform_3(%arg0: i32) -> (i32, i32) {
    %c0_i32 = arith.constant 0 : i32
    %c0_i32_0 = arith.constant 0 : i32
    return %arg0, %c0_i32 : i32, i32
  }
}

</mosaic_0001>

<sc_bundles>
// kernel: kernel.10.cloned.1.call-start
scs
__scs_entry_jumppad:
0x0: {  	(pc) =	sbr.rel $0x88, $3  }
0x1: {  	(tag) =	ssettag $0x0;
	lr =	simm.s32 $0x1  }
0x2: {  	[smem:$0x3F99] =	sst lr;
	_ =	strace $0xD0000000  }
0x3: {  	_ = 	snop  }
0x4: {  	_ = 	snop  }
0x5: {  	_ = 	snop  }
0x6: {  	_ = 	snop  }
0x7: {  	_ = 	snop  }
__scs_overlays_trampoline_lowered:
0x8: {  	[smem:$0x3FA8] =	sst s0  }
0x9: {  	[smem:$0x3FA9] =	sst s1  }
0xa: {  	[smem:$0x3FAA] =	sst s2  }
0xb: {  	[smem:$0x3FAB] =	sst s3  }
0xc: {  	[smem:$0x3FAC] =	sst s4  }
0xd: {  	[smem:$0x3FAD] =	sst s5  }
0xe: {  	[smem:$0x3FAE] =	sst s6  }
0xf: {  	[smem:$0x3FAF] =	sst s7  }
0x10: {  	[smem:$0x3FB0] =	sst s8  }
0x11: {  	[smem:$0x3FB1] =	sst s9;
	s0 =	simm.s32 @!p0 $0x0  }
0x12: {  	s1 =	sld [smem:$0x3F97];
	s0 =	simm.s32 @p0 $0x1  }
0x13: {  	[smem:$0x3FB2] =	sst s0;
	s0 =	simm.s32 @!p1 $0x0  }
0x14: {  	s2 =	sld [smem:$0x3F96];
	s0 =	simm.s32 @p1 $0x1  }
0x15: {  	[smem:$0x3FB3] =	sst s0;
	s0 =	simm.s32 @!p2 $0x0  }
0x16: {  	s3 =	sld [smem:$0x3FDB];
	s0 =	simm.s32 @p2 $0x1  }
0x17: {  	s4 =	simm.s32 $0x1BF5;
	[smem:$0x3FB5] =	sst s0  }
0x18: {  	s0 =	sld [smem:$0x3F98];
	_ =	swait.ge [sflag:s4], $0x0  }
0x19: {  	s7 =	sld [smem:$0x3F99]  }
0x1a: {  	s8 =	sadd.s32 $0xFFFFE003, lr  }
0x1b: {  	s9 =	sadd.s32 $0xFFFFFEF7, lr;
	s5 =	simm.s32 $0xFFFFFFFF;
	p2 =	slt.u32 s8, $0xFFFFF086  }
0x1c: {  	p1 =	slt.u32 s9, $0xF7A;
	s5 =	simm.s32 @!p2 $0x0  }
0x1d: {  	s5 =	simm.s32 @p1 $0x1;
	p0 =	seq.s32 s7, s2  }
0x1e: {  	s7 =	smul.u32 @!p0 $0xF7A, s2;
	p2 =	seq.s32 @!p0 s5, $0x0  }
0x1f: {  	s9 =	smul.u32 $0xF7A, s1;
	s8 =	simm.s32 @!p0 $0x1BF5;
	p2 =	por !p2, p0  }
0x20: {  	[sflag:s8] =	ssyncset.s32 @!p0 $0xFFFFF086;
	s6 =	sadd.s32 @!p0 s3, s7;
	s7 =	simm.s32 @!p0 $0x108  }
0x21: {  	s3 =	sadd.s32 s3, s9;
	s6 =	sadd.s32 @!p0 $0x88, s6;
	s7 =	simm.s32 @p2 $0x1082  }
0x22: {  	[simem:s7], [sflag:s8] =	dma.local @!p0 [hbm:s6], $0xF7A  }
0x23: {  	s9 =	sor.u32 $0xD0000000, s2;
	s6 =	simm.s32 $0x108;
	_ =	swait.ge @!p0 [sflag:s8], $0x0  }
0x24: {  	s3 =	sadd.s32 $0x88, s3;
	s6 =	simm.s32 @!p1 $0x1082;
	[sflag:s4] =	ssyncset.s32 $0xFFFFF086  }
0x25: {  	[simem:s6], [sflag:s4] =	dma.local [hbm:s3], $0xF7A  }
0x26: {  	[smem:$0x3F99] =	sst s1;
	(tag) =	ssettag s2;
	_ =	strace s9  }
0x27: {  	s1 =	sld [smem:$0x3FA9]  }
0x28: {  	s2 =	sld [smem:$0x3FAA]  }
0x29: {  	s4 =	sld [smem:$0x3FAC]  }
0x2a: {  	p0 =	seq.s32 s5, $0x0;
	s5 =	sld [smem:$0x3FAD]  }
0x2b: {  	s6 =	sld [smem:$0x3FAE]  }
0x2c: {  	s7 =	sld [smem:$0x3FAF]  }
0x2d: {  	s3 =	simm.s32 $0x108;
	s8 =	sld [smem:$0x3FB0]  }
0x2e: {  	s3 =	simm.s32 @!p0 $0x1082;
	s9 =	sld [smem:$0x3FB1]  }
0x2f: {  	lr =	sadd.s32 s0, s3;
	s0 =	sld [smem:$0x3FA8]  }
0x30: {  	s3 =	sld [smem:$0x3FAB]  }
0x31: {  	[smem:$0x3FB4] =	sst s10  }
0x32: {  	s10 =	sld [smem:$0x3FB2];
	_ =	sdelay $0x3  }
0x33: {  	p0 =	seq.s32 s10, $0x1;
	s10 =	sld [smem:$0x3FB4];
	_ =	sdelay $0x3  }
0x34: {  	[smem:$0x3FB4] =	sst s10  }
0x35: {  	s10 =	sld [smem:$0x3FB3];
	_ =	sdelay $0x3  }
0x36: {  	p1 =	seq.s32 s10, $0x1;
	s10 =	sld [smem:$0x3FB4];
	_ =	sdelay $0x3  }
0x37: {  	[smem:$0x3FB4] =	sst s10  }
0x38: {  	s10 =	sld [smem:$0x3FB5]  }
0x39: {  	_ = 	snop;
	(pc) =	sbr.ind lr, $3  }
0x3a: {  	_ = 	snop  }
0x3b: {  	_ = 	snop  }
0x3c: {  	p2 =	seq.s32 s10, $0x1;
	s10 =	sld [smem:$0x3FB4]  }
0x3d: {  	_ =	shalt  }
0x3e: {  	_ =	shalt  }
0x3f: {  	_ =	shalt  }
0x40: {  	_ =	shalt  }
0x41: {  	_ =	shalt  }
0x42: {  	_ =	shalt  }
0x43: {  	_ =	shalt  }
0x44: {  	_ =	shalt  }
0x45: {  	_ =	shalt  }
0x46: {  	_ =	shalt  }
0x47: {  	_ =	shalt  }
0x48: {  	_ =	shalt  }
0x49: {  	_ =	shalt  }
0x4a: {  	_ =	shalt  }
0x4b: {  	_ =	shalt  }
0x4c: {  	_ =	shalt  }
0x4d: {  	_ =	shalt  }
0x4e: {  	_ =	shalt  }
0x4f: {  	_ =	shalt  }
0x50: {  	_ =	shalt  }
0x51: {  	_ =	shalt  }
0x52: {  	_ =	shalt  }
0x53: {  	_ =	shalt  }
0x54: {  	_ =	shalt  }
0x55: {  	_ =	shalt  }
0x56: {  	_ =	shalt  }
0x57: {  	_ =	shalt  }
0x58: {  	_ =	shalt  }
0x59: {  	_ =	shalt  }
0x5a: {  	_ =	shalt  }
0x5b: {  	_ =	shalt  }
0x5c: {  	_ =	shalt  }
0x5d: {  	_ =	shalt  }
0x5e: {  	_ =	shalt  }
0x5f: {  	_ =	shalt  }
0x60: {  	_ =	shalt  }
0x61: {  	_ =	shalt  }
0x62: {  	_ =	shalt  }
0x63: {  	_ =	shalt  }
0x64: {  	_ =	shalt  }
0x65: {  	_ =	shalt  }
0x66: {  	_ =	shalt  }
0x67: {  	_ =	shalt  }
0x68: {  	_ =	shalt  }
0x69: {  	_ =	shalt  }
0x6a: {  	_ =	shalt  }
0x6b: {  	_ =	shalt  }
0x6c: {  	_ =	shalt  }
0x6d: {  	_ =	shalt  }
0x6e: {  	_ =	shalt  }
0x6f: {  	_ =	shalt  }
0x70: {  	_ =	shalt  }
0x71: {  	_ =	shalt  }
0x72: {  	_ =	shalt  }
0x73: {  	_ =	shalt  }
0x74: {  	_ =	shalt  }
0x75: {  	_ =	shalt  }
0x76: {  	_ =	shalt  }
0x77: {  	_ =	shalt  }
0x78: {  	_ =	shalt  }
0x79: {  	_ =	shalt  }
0x7a: {  	_ =	shalt  }
0x7b: {  	_ =	shalt  }
0x7c: {  	_ =	shalt  }
0x7d: {  	_ =	shalt  }
0x7e: {  	_ =	shalt  }
0x7f: {  	_ =	shalt  }
0x80: {  	_ =	shalt  }
0x81: {  	_ =	shalt  }
0x82: {  	_ =	shalt  }
0x83: {  	_ =	shalt  }
0x84: {  	_ =	shalt  }
0x85: {  	_ =	shalt  }
0x86: {  	_ =	shalt  }
0x87: {  	_ =	shalt  }
.Lfunc_end0:
.L_simem_size_0:
called_computation_lowered:
.L_overlay_start_0:
0x88: {  	s2 =	sld [smem:$0x3FD9]  }
0x89: {  	s3 =	sld [smem:$0x3FFE];
	_ =	sdelay $0x1  }
0x8a: {  	s1 =	srdreg.scid  }
0x8b: {  	s0 =	sand.u32 $0x1, s1  }
0x8c: {  	s16 =	sshll.u32 s0, $0xA;
	s2 =	sadd.s32 s3, s2  }
0x8d: {  	s2 =	sadd.s32 s2, s16  }
0x8e: {  	[smem:$0x3FC0] =	sst s2  }
0x8f: {  	_ = 	snop  }
0x90: {  	(tm) =	ssettm $0x1  }
0x91: {  	s17 =	sld [smem:$0x3FFB];
	_ =	sdelay $0x3  }
0x92: {  	_ =	strace s17  }
0x93: {  	s2 =	sld [smem:$0x3FFC];
	_ =	sdelay $0x3  }
0x94: {  	_ =	strace s2  }
0x95: {  	s2 =	sld [smem:$0x3FFD];
	_ =	sdelay $0x3  }
0x96: {  	_ =	strace s2  }
0x97: {  	_ =	strace $0x8FFFFFFF  }
0x98: {  	s18 =	sld [smem:$0x3FDB];
	_ =	sdelay $0x1  }
0x99: {  	s19 =	simm.s32 $_scs_section_size  }
0x9a: {  	s4 =	simm.s32 $_size__tile_overlayer_lowered;
	s5 =	simm.s32 $_tile_overlayer_lowered  }
0x9b: {  	s22 =	simm.s32 $0x1BFF;
	s21 =	sshll.u32 s5, $0x1;
	s2 =	sadd.s32 s19, s18  }
0x9c: {  	s6 =	simm.s32 $0x0;
	s20 =	sshll.u32 s4, $0x1;
	s4 =	sadd.s32 s21, s2  }
0x9d: {  	[timem:s6], [sflag:s22] =	dma.local [hbm:s4], s20  }
0x9e: {  	_ =	swait.ge [sflag:s22], s20  }
0x9f: {  	s3 =	ssub.s32 $0x0, s20;
	[sflag:s22] =	ssyncset.done $0x0  }
0xa0: {  	[sflag:s22] =	ssyncadd.s32 s3;
	_ =	sdelay $0x1  }
0xa1: {  	s23 =	simm.s32 $0x1B8B  }
0xa2: {  	_ =	swait.ge [sflag:s23], $0x1  }
0xa3: {  	[sflag:s23] =	ssyncset.done $0x0  }
0xa4: {  	s25 =	simm.s32 $0x1B8E;
	s24 =	sld [smem:$0x3FFE];
	[sflag:s23] =	ssyncadd.s32 $0xFFFFFFFF  }
0xa5: {  	s26 =	simm.s32 $execute0_lowered;
	[smem:$0x3FD2] =	sst s25  }
0xa6: {  	s4 =	sshll.u32 s26, $0x1;
	_ =	strace $0x80000046;
	[dreg:$0x1] =	wrdreg $0xFFFFFFFF  }
0xa7: {  	s28 =	simm.s32 $_size_execute0_lowered;
	s2 =	sadd.s32 s2, s4;
	[dreg:$0x0] =	wrdreg $0x0  }
0xa8: {  	s4 =	sshll.u32 s28, $0x1;
	[dreg:$0x2] =	wrdreg s2  }
0xa9: {  	[dreg:$0x3] =	wrdreg s4  }
0xaa: {  	[dreg:$0x4] =	wrdreg $0xC0  }
0xab: {  	_ =	task [dreg:s6], $0x5FFFF  }
0xac: {  	[dreg:$0x1] =	wrdreg $0xFFFFFFFF  }
0xad: {  	[dreg:$0x0] =	wrdreg $0x60  }
0xae: {  	[dreg:$0x2] =	wrdreg s24  }
0xaf: {  	[dreg:$0x3] =	wrdreg $0x3800  }
0xb0: {  	[dreg:$0x4] =	wrdreg $0x9  }
0xb1: {  	_ =	task.clear_ibuf [dreg:s6], $0x5FFFF;
	_ =	strace $0x90000046  }
0xb2: {  	s29 =	simm.s32 $0x9;
	_ =	strace $0x80000048  }
0xb3: {  	_ =	swait.ge [sflag:s29], $0x1  }
0xb4: {  	[sflag:s29] =	ssyncadd.s32 $0xFFFFFFFF  }
0xb5: {  	_ =	strace $0x90000048  }
0xb6: {  	_ =	sfence  }
0xb7: {  	s30 =	sld [smem:$0x0];
	_ =	sdelay $0x2  }
0xb8: {  	s31 =	sshll.u32 s1, $0xD;
	s1 =	sshrl.u32 s1, $0x2  }
0xb9: {  	s3 =	sand.u32 $0x4000, s31;
	s1 =	sadd.s32 s1, s30  }
0xba: {  	s0 =	sor.u32 s3, s0;
	s1 =	sshll.u32 s1, $0x11  }
0xbb: {  	s0 =	sor.u32 s1, s0  }
0xbc: {  	s0 =	sadd.s32 $0x8F2B, s0  }
0xbd: {  	[sflag:s0] =	ssyncadd.remote.s32 $0x1  }
0xbe: {  	_ =	sfence.sel $0xFFFF  }
0xbf: {  	[dreg:$0x0] =	wrdreg $0xFFFFFFFF;
	(pc) =	sbr.abs _section_cstart, $3  }
0xc0: {  	[dreg:$0x1] =	wrdreg $0xFFFFFFFF  }
0xc1: {  	_ =	task.clear_ibuf [dreg:s6], $0x2FFFF;
	_ =	strace $0x9FFFFFFF  }
0xc2: {  	(tm) =	ssettm $0x7FFFFFFF  }
0xc3: {  	_ =	shalt  }
tec
execute0_lowered:
.L_overlay_start_1:
0x0: {  	(tag) =	ssettag $0x1  }
0x1: {  	s4 =	rddreg [dreg:$0x0]  }
0x2: {  	s0 =	srdreg.scid;
	s2 =	rddreg [dreg:$0x1]  }
0x3: {  	s1 =	rddreg [dreg:$0x2];
	s5 =	sand.u32 $0x1, s0  }
0x4: {  	s0 =	stileid.u32;
	s6 =	smul.u32 $0x14000, s5  }
0x5: {  	s3 =	simm.s32 $0x0;
	s11 =	simm.s32 $0x80;
	s7 =	smul.u32 $0x1400, s0  }
0x6: {  	s14 =	simm.s32 $0x0;
	[smem:$0x7FF] =	sst s3;
	s8 =	smul.u32 $0x280, s0  }
0x7: {  	s9 =	smul.u32 $0x2800, s5;
	s5 =	ssub.s32 $0x2, s5;
	s12 =	sshll.u32 s0, $0x6  }
0x8: {  	_ =	strace $0x80000047;
	s29 =	sshrl.u32 s5, $0x1;
	s12 =	sor.u32 $0x1C01, s12  }
0x9: {  	s6 =	sadd.s32 s7, s6;
	s28 =	sadd.s32 s8, s9;
	s31 =	ssub.s32 s5, s29  }
0xa: {  	s9 =	simm.s32 $0x1;
	s6 =	sshrl.u32 s6, $0x3;
	s7 =	sshrl.u32 s28, $0x3  }
0xb: {  	s10 =	sadd.s32 s6, s4;
	s30 =	sadd.s32 s7, s4;
	s4 =	sadd.s32 s8, s2  }
0xc: {  	s6 =	smax.u32 s31, $0x1;
	s8 =	simm.s32 $0x100;
	s5 =	sadd.s32 $0x7A00, s30  }
0xd: {  	v0 =	vimm.f32 $1.000000000e+00;
	v1 =	vimm.f32 $0.0e+00;
	s7 =	sadd.s32 $0x2A00, s10;
	s10 =	simm.s32 $0x40;
	s13 =	sshrl.u32 s4, $0x3  }
.LBB2_1:
0xe: {  	[tilespmem:$0x80] =	vst v0  }
0xf: {  	[tilespmem:$0x90] =	vst v0  }
0x10: {  	[tilespmem:$0xA0] =	vst v0  }
0x11: {  	[tilespmem:$0xB0] =	vst v0  }
0x12: {  	[tilespmem:$0x100] =	vst v1  }
0x13: {  	[tilespmem:$0x110] =	vst v1  }
0x14: {  	[tilespmem:$0x120] =	vst v1  }
0x15: {  	[tilespmem:$0x130] =	vst v1  }
0x16: {  	[tilespmem:$0x140] =	vst v1  }
0x17: {  	[tilespmem:$0x150] =	vst v1  }
0x18: {  	[tilespmem:$0x160] =	vst v1  }
0x19: {  	[tilespmem:$0x170] =	vst v1  }
0x1a: {  	[tilespmem:$0x180] =	vst v1  }
0x1b: {  	[tilespmem:$0x190] =	vst v1  }
0x1c: {  	[tilespmem:$0x1A0] =	vst v1  }
0x1d: {  	[tilespmem:$0x1B0] =	vst v1  }
0x1e: {  	[tilespmem:$0x1C0] =	vst v1  }
0x1f: {  	[tilespmem:$0x1D0] =	vst v1  }
0x20: {  	[tilespmem:$0x1E0] =	vst v1  }
0x21: {  	[tilespmem:$0x1F0] =	vst v1  }
0x22: {  	[tilespmem:$0x200] =	vst v1  }
0x23: {  	[tilespmem:$0x210] =	vst v1  }
0x24: {  	[tilespmem:$0x220] =	vst v1  }
0x25: {  	[tilespmem:$0x230] =	vst v1  }
0x26: {  	[tilespmem:$0x240] =	vst v1  }
0x27: {  	[tilespmem:$0x250] =	vst v1  }
0x28: {  	[tilespmem:$0x260] =	vst v1  }
0x29: {  	[tilespmem:$0x270] =	vst v1  }
0x2a: {  	[tilespmem:$0x280] =	vst v1  }
0x2b: {  	[tilespmem:$0x290] =	vst v1  }
0x2c: {  	[tilespmem:$0x2A0] =	vst v1  }
0x2d: {  	[tilespmem:$0x2B0] =	vst v1  }
0x2e: {  	[tilespmem:$0x2C0] =	vst v1  }
0x2f: {  	[tilespmem:$0x2D0] =	vst v1  }
0x30: {  	[tilespmem:$0x2E0] =	vst v1  }
0x31: {  	[tilespmem:$0x2F0] =	vst v1  }
0x32: {  	[tilespmem:$0x300] =	vst v1  }
0x33: {  	[tilespmem:$0x310] =	vst v1  }
0x34: {  	[tilespmem:$0x320] =	vst v1  }
0x35: {  	[tilespmem:$0x330] =	vst v1  }
0x36: {  	[tilespmem:$0x340] =	vst v1  }
0x37: {  	[tilespmem:$0x350] =	vst v1  }
0x38: {  	[tilespmem:$0x360] =	vst v1  }
0x39: {  	[tilespmem:$0x370] =	vst v1  }
0x3a: {  	[spmem:s4] =	stream.linear.scatter [tilespmem:s8], [sflag:$0x1], $0x280, $0x38;
	[tilespmem:$0x600] =	vst v63  }
0x3b: {  	_ =	swait.ge [sflag:s9], $0x280  }
0x3c: {  	[sflag:s9] =	ssyncset.done $0x0  }
0x3d: {  	[sflag:s9] =	ssyncadd.s32 $0xFFFFFD80  }
0x3e: {  	s15 =	sadd.s32 $0x0, s7;
	[bflag:$0x0] =	sbarrier.arrive $0xFFFF  }
0x3f: {  	[tilespmem:s3], [sflag:$0x1] =	stream.linear.gather [hbm4b:s15+s3], $0x40, $0x38;
	[tilespmem:$0x600] =	vst v63  }
0x40: {  	_ =	swait.ge [sflag:s9], $0x40  }
0x41: {  	[sflag:s9] =	ssyncset.done $0x0  }
0x42: {  	[sflag:s9] =	ssyncadd.s32 $0xFFFFFFC0  }
0x43: {  	[spmem:s2] =	stream.indirect.scatter.add.f32 [tilespmem:s11], [sflag:$0x1], $0x1, s3, s10, $0xb8;
	[tilespmem:$0x600] =	vst v63  }
0x44: {  	_ =	swait.ge [sflag:s9], $0x40  }
0x45: {  	s16 =	simm.s32 $0x10;
	s15 =	simm.s32 $0x8;
	[sflag:s9] =	ssyncset.done $0x0  }
.LBB2_2:
0x46: {  	s17 =	sadd.s32 s15, s7  }
0x47: {  	[sflag:s9] =	ssyncadd.s32 $0xFFFFFFC0;
	s15 =	smov.u32 s16;
	s18 =	sadd.s32 $0x8, s16  }
0x48: {  	[tilespmem:s3], [sflag:$0x1] =	stream.linear.gather [hbm4b:s17+s3], $0x40, $0x38;
	[tilespmem:$0x600] =	vst v63  }
0x49: {  	p0 =	sne.s32 s16, $0x278;
	_ =	swait.ge [sflag:s9], $0x40  }
.Ltmp0:
0x4a: {  	[sflag:s9] =	ssyncset.done $0x0;
	(pc) =	sbr.rel @p0 .LBB2_2-.Ltmp0, $4  }
0x4b: {  	[sflag:s9] =	ssyncadd.s32 $0xFFFFFFC0  }
0x4c: {  	[spmem:s2] =	stream.indirect.scatter.add.f32 [tilespmem:s11], [sflag:$0x1], $0x1, s3, s10, $0xb8;
	[tilespmem:$0x600] =	vst v63  }
0x4d: {  	_ =	swait.ge [sflag:s9], $0x40  }
0x4e: {  	s16 =	smov.u32 s18;
	[sflag:s9] =	ssyncset.done $0x0  }
0x4f: {  	s15 =	sadd.s32 s15, s7;
	[sflag:s9] =	ssyncadd.s32 $0xFFFFFFC0  }
0x50: {  	[tilespmem:s3], [sflag:$0x1] =	stream.linear.gather [hbm4b:s15+s3], $0x40, $0x38;
	[tilespmem:$0x600] =	vst v63  }
0x51: {  	_ =	swait.ge [sflag:s9], $0x40  }
0x52: {  	[sflag:s9] =	ssyncset.done $0x0  }
0x53: {  	[sflag:s9] =	ssyncadd.s32 $0xFFFFFFC0  }
0x54: {  	[spmem:s2] =	stream.indirect.scatter.add.f32 [tilespmem:s11], [sflag:$0x1], $0x1, s3, s10, $0xb8;
	[tilespmem:$0x600] =	vst v63  }
0x55: {  	_ =	swait.ge [sflag:s9], $0x40  }
0x56: {  	s14 =	sadd.s32 $0x1, s14;
	[sflag:s9] =	ssyncset.done $0x0  }
0x57: {  	p0 =	sne.s32 s14, s6;
	[sflag:s9] =	ssyncadd.s32 $0xFFFFFFC0  }
.Ltmp1:
0x58: {  	[bflag:$0x0] =	sbarrier.arrive $0xFFFF;
	(pc) =	sbr.rel @p0 .LBB2_1-.Ltmp1, $4  }
0x59: {  	[hbm:s5], [sflag:s12] =	dma.local [spmem:s13], $0x50  }
0x5a: {  	_ =	swait.ge [sflag:s9], $0x50  }
0x5b: {  	[sflag:s9] =	ssyncset.done $0x0  }
0x5c: {  	[sflag:s9] =	ssyncadd.s32 $0xFFFFFFB0  }
0x5d: {  	_ =	sfence.sel $0x180000  }
0x5e: {  	[bflag:$0x0] =	sbarrier.arrive $0xFFFF  }
0x5f: {  	p0 =	sne.s32 s0, $0x0;
	_ =	strace $0x90000047  }
0x60: {  	s0 =	sadd.s32 @!p0 $0x100000, s1;
	[bflag:$0x2] =	sbarrier.arrive $0xFFFF  }
0x61: {  	[sflag:s0] =	ssyncadd.tile.s32 @!p0 $0x1;
	_ =	shalt  }
.Lfunc_end2:
_tile_overlayer_lowered:
.L_overlay_start_2:
0x62: {  	(tag) =	ssettag $0x2  }
0x63: {  	s0 =	rddreg [dreg:$0x0];
	s2 =	stileid.u32  }
0x64: {  	s1 =	rddreg [dreg:$0x1];
	p0 =	sne.s32 s2, $0x0  }
0x65: {  	s3 =	rddreg [dreg:$0x2];
	[bflag:$0x3] =	sbarrier.arrive $0xFFFF;
	s2 =	simm.s32 @!p0 $0x1C01  }
0x66: {  	[timem:s3], [sflag:s2] =	dma.local @!p0 [hbm:s0], s1  }
0x67: {  	s0 =	simm.s32 @!p0 $0x1  }
0x68: {  	_ =	swait.ge @!p0 [sflag:s0], s1  }
0x69: {  	s1 =	ssub.s32 @!p0 $0x0, s1;
	[sflag:s0] =	ssyncset.done @!p0 $0x0  }
0x6a: {  	[sflag:s0] =	ssyncadd.s32 @!p0 s1  }
0x6b: {  	[bflag:$0x3] =	sbarrier.arrive $0xFFFF  }
0x6c: {  	_ =	shalt  }

// kernel: kernel.13.cloned.1.call-start
scs
__scs_entry_jumppad:
0x0: {  	(pc) =	sbr.rel $0x88, $3  }
0x1: {  	(tag) =	ssettag $0x0;
	lr =	simm.s32 $0x1  }
0x2: {  	[smem:$0x3F99] =	sst lr;
	_ =	strace $0xD0000000  }
0x3: {  	_ = 	snop  }
0x4: {  	_ = 	snop  }
0x5: {  	_ = 	snop  }
0x6: {  	_ = 	snop  }
0x7: {  	_ = 	snop  }
__scs_overlays_trampoline_lowered:
0x8: {  	[smem:$0x3FA8] =	sst s0  }
0x9: {  	[smem:$0x3FA9] =	sst s1  }
0xa: {  	[smem:$0x3FAA] =	sst s2  }
0xb: {  	[smem:$0x3FAB] =	sst s3  }
0xc: {  	[smem:$0x3FAC] =	sst s4  }
0xd: {  	[smem:$0x3FAD] =	sst s5  }
0xe: {  	[smem:$0x3FAE] =	sst s6  }
0xf: {  	[smem:$0x3FAF] =	sst s7  }
0x10: {  	[smem:$0x3FB0] =	sst s8  }
0x11: {  	[smem:$0x3FB1] =	sst s9;
	s0 =	simm.s32 @!p0 $0x0  }
0x12: {  	s1 =	sld [smem:$0x3F97];
	s0 =	simm.s32 @p0 $0x1  }
0x13: {  	[smem:$0x3FB2] =	sst s0;
	s0 =	simm.s32 @!p1 $0x0  }
0x14: {  	s2 =	sld [smem:$0x3F96];
	s0 =	simm.s32 @p1 $0x1  }
0x15: {  	[smem:$0x3FB3] =	sst s0;
	s0 =	simm.s32 @!p2 $0x0  }
0x16: {  	s3 =	sld [smem:$0x3FDB];
	s0 =	simm.s32 @p2 $0x1  }
0x17: {  	s4 =	simm.s32 $0x1BF5;
	[smem:$0x3FB5] =	sst s0  }
0x18: {  	s0 =	sld [smem:$0x3F98];
	_ =	swait.ge [sflag:s4], $0x0  }
0x19: {  	s7 =	sld [smem:$0x3F99]  }
0x1a: {  	s8 =	sadd.s32 $0xFFFFE003, lr  }
0x1b: {  	s9 =	sadd.s32 $0xFFFFFEF7, lr;
	s5 =	simm.s32 $0xFFFFFFFF;
	p2 =	slt.u32 s8, $0xFFFFF086  }
0x1c: {  	p1 =	slt.u32 s9, $0xF7A;
	s5 =	simm.s32 @!p2 $0x0  }
0x1d: {  	s5 =	simm.s32 @p1 $0x1;
	p0 =	seq.s32 s7, s2  }
0x1e: {  	s7 =	smul.u32 @!p0 $0xF7A, s2;
	p2 =	seq.s32 @!p0 s5, $0x0  }
0x1f: {  	s9 =	smul.u32 $0xF7A, s1;
	s8 =	simm.s32 @!p0 $0x1BF5;
	p2 =	por !p2, p0  }
0x20: {  	[sflag:s8] =	ssyncset.s32 @!p0 $0xFFFFF086;
	s6 =	sadd.s32 @!p0 s3, s7;
	s7 =	simm.s32 @!p0 $0x108  }
0x21: {  	s3 =	sadd.s32 s3, s9;
	s6 =	sadd.s32 @!p0 $0x88, s6;
	s7 =	simm.s32 @p2 $0x1082  }
0x22: {  	[simem:s7], [sflag:s8] =	dma.local @!p0 [hbm:s6], $0xF7A  }
0x23: {  	s9 =	sor.u32 $0xD0000000, s2;
	s6 =	simm.s32 $0x108;
	_ =	swait.ge @!p0 [sflag:s8], $0x0  }
0x24: {  	s3 =	sadd.s32 $0x88, s3;
	s6 =	simm.s32 @!p1 $0x1082;
	[sflag:s4] =	ssyncset.s32 $0xFFFFF086  }
0x25: {  	[simem:s6], [sflag:s4] =	dma.local [hbm:s3], $0xF7A  }
0x26: {  	[smem:$0x3F99] =	sst s1;
	(tag) =	ssettag s2;
	_ =	strace s9  }
0x27: {  	s1 =	sld [smem:$0x3FA9]  }
0x28: {  	s2 =	sld [smem:$0x3FAA]  }
0x29: {  	s4 =	sld [smem:$0x3FAC]  }
0x2a: {  	p0 =	seq.s32 s5, $0x0;
	s5 =	sld [smem:$0x3FAD]  }
0x2b: {  	s6 =	sld [smem:$0x3FAE]  }
0x2c: {  	s7 =	sld [smem:$0x3FAF]  }
0x2d: {  	s3 =	simm.s32 $0x108;
	s8 =	sld [smem:$0x3FB0]  }
0x2e: {  	s3 =	simm.s32 @!p0 $0x1082;
	s9 =	sld [smem:$0x3FB1]  }
0x2f: {  	lr =	sadd.s32 s0, s3;
	s0 =	sld [smem:$0x3FA8]  }
0x30: {  	s3 =	sld [smem:$0x3FAB]  }
0x31: {  	[smem:$0x3FB4] =	sst s10  }
0x32: {  	s10 =	sld [smem:$0x3FB2];
	_ =	sdelay $0x3  }
0x33: {  	p0 =	seq.s32 s10, $0x1;
	s10 =	sld [smem:$0x3FB4];
	_ =	sdelay $0x3  }
0x34: {  	[smem:$0x3FB4] =	sst s10  }
0x35: {  	s10 =	sld [smem:$0x3FB3];
	_ =	sdelay $0x3  }
0x36: {  	p1 =	seq.s32 s10, $0x1;
	s10 =	sld [smem:$0x3FB4];
	_ =	sdelay $0x3  }
0x37: {  	[smem:$0x3FB4] =	sst s10  }
0x38: {  	s10 =	sld [smem:$0x3FB5]  }
0x39: {  	_ = 	snop;
	(pc) =	sbr.ind lr, $3  }
0x3a: {  	_ = 	snop  }
0x3b: {  	_ = 	snop  }
0x3c: {  	p2 =	seq.s32 s10, $0x1;
	s10 =	sld [smem:$0x3FB4]  }
0x3d: {  	_ =	shalt  }
0x3e: {  	_ =	shalt  }
0x3f: {  	_ =	shalt  }
0x40: {  	_ =	shalt  }
0x41: {  	_ =	shalt  }
0x42: {  	_ =	shalt  }
0x43: {  	_ =	shalt  }
0x44: {  	_ =	shalt  }
0x45: {  	_ =	shalt  }
0x46: {  	_ =	shalt  }
0x47: {  	_ =	shalt  }
0x48: {  	_ =	shalt  }
0x49: {  	_ =	shalt  }
0x4a: {  	_ =	shalt  }
0x4b: {  	_ =	shalt  }
0x4c: {  	_ =	shalt  }
0x4d: {  	_ =	shalt  }
0x4e: {  	_ =	shalt  }
0x4f: {  	_ =	shalt  }
0x50: {  	_ =	shalt  }
0x51: {  	_ =	shalt  }
0x52: {  	_ =	shalt  }
0x53: {  	_ =	shalt  }
0x54: {  	_ =	shalt  }
0x55: {  	_ =	shalt  }
0x56: {  	_ =	shalt  }
0x57: {  	_ =	shalt  }
0x58: {  	_ =	shalt  }
0x59: {  	_ =	shalt  }
0x5a: {  	_ =	shalt  }
0x5b: {  	_ =	shalt  }
0x5c: {  	_ =	shalt  }
0x5d: {  	_ =	shalt  }
0x5e: {  	_ =	shalt  }
0x5f: {  	_ =	shalt  }
0x60: {  	_ =	shalt  }
0x61: {  	_ =	shalt  }
0x62: {  	_ =	shalt  }
0x63: {  	_ =	shalt  }
0x64: {  	_ =	shalt  }
0x65: {  	_ =	shalt  }
0x66: {  	_ =	shalt  }
0x67: {  	_ =	shalt  }
0x68: {  	_ =	shalt  }
0x69: {  	_ =	shalt  }
0x6a: {  	_ =	shalt  }
0x6b: {  	_ =	shalt  }
0x6c: {  	_ =	shalt  }
0x6d: {  	_ =	shalt  }
0x6e: {  	_ =	shalt  }
0x6f: {  	_ =	shalt  }
0x70: {  	_ =	shalt  }
0x71: {  	_ =	shalt  }
0x72: {  	_ =	shalt  }
0x73: {  	_ =	shalt  }
0x74: {  	_ =	shalt  }
0x75: {  	_ =	shalt  }
0x76: {  	_ =	shalt  }
0x77: {  	_ =	shalt  }
0x78: {  	_ =	shalt  }
0x79: {  	_ =	shalt  }
0x7a: {  	_ =	shalt  }
0x7b: {  	_ =	shalt  }
0x7c: {  	_ =	shalt  }
0x7d: {  	_ =	shalt  }
0x7e: {  	_ =	shalt  }
0x7f: {  	_ =	shalt  }
0x80: {  	_ =	shalt  }
0x81: {  	_ =	shalt  }
0x82: {  	_ =	shalt  }
0x83: {  	_ =	shalt  }
0x84: {  	_ =	shalt  }
0x85: {  	_ =	shalt  }
0x86: {  	_ =	shalt  }
0x87: {  	_ =	shalt  }
.Lfunc_end0:
.L_simem_size_0:
called_computation.1_lowered:
.L_overlay_start_0:
0x88: {  	s2 =	sld [smem:$0x3FD9]  }
0x89: {  	s3 =	sld [smem:$0x3FFE];
	_ =	sdelay $0x1  }
0x8a: {  	s1 =	srdreg.scid  }
0x8b: {  	s0 =	sand.u32 $0x1, s1  }
0x8c: {  	s17 =	sshll.u32 s0, $0xA;
	s2 =	sadd.s32 s3, s2  }
0x8d: {  	s2 =	sadd.s32 s2, s17  }
0x8e: {  	[smem:$0x3FC0] =	sst s2  }
0x8f: {  	_ = 	snop  }
0x90: {  	s2 =	sld [smem:$0x3FD0];
	(tm) =	ssettm $0x1  }
0x91: {  	s18 =	sld [smem:$0x3FFB];
	_ =	sdelay $0x3  }
0x92: {  	_ =	strace s18  }
0x93: {  	s3 =	sld [smem:$0x3FFC];
	_ =	sdelay $0x3  }
0x94: {  	_ =	strace s3  }
0x95: {  	s3 =	sld [smem:$0x3FFD];
	_ =	sdelay $0x3  }
0x96: {  	_ =	strace s3  }
0x97: {  	_ =	strace $0x8FFFFFFF  }
0x98: {  	s19 =	sld [smem:$0x3FDB];
	_ =	sdelay $0x1  }
0x99: {  	s4 =	simm.s32 $_scs_section_size  }
0x9a: {  	s5 =	simm.s32 $_size__tile_overlayer_lowered;
	s6 =	simm.s32 $_tile_overlayer_lowered  }
0x9b: {  	s22 =	simm.s32 $0x1BFF;
	s21 =	sshll.u32 s6, $0x1;
	s3 =	sadd.s32 s4, s19  }
0x9c: {  	s7 =	simm.s32 $0x0;
	s20 =	sshll.u32 s5, $0x1;
	s5 =	sadd.s32 s21, s3  }
0x9d: {  	[timem:s7], [sflag:s22] =	dma.local [hbm:s5], s20  }
0x9e: {  	_ =	swait.ge [sflag:s22], s20  }
0x9f: {  	s4 =	ssub.s32 $0x0, s20;
	[sflag:s22] =	ssyncset.done $0x0  }
0xa0: {  	[sflag:s22] =	ssyncadd.s32 s4;
	_ =	sdelay $0x1  }
0xa1: {  	s23 =	simm.s32 $0x1B8B  }
0xa2: {  	_ =	swait.ge [sflag:s23], $0x1  }
0xa3: {  	[sflag:s23] =	ssyncset.done $0x0  }
0xa4: {  	s25 =	simm.s32 $0x1B8E;
	s24 =	sld [smem:$0x3FFE];
	[sflag:s23] =	ssyncadd.s32 $0xFFFFFFFF  }
0xa5: {  	s26 =	simm.s32 $execute0_lowered;
	[smem:$0x3FD2] =	sst s25  }
0xa6: {  	s5 =	sshll.u32 s26, $0x1;
	_ =	strace $0x80000049;
	[dreg:$0x1] =	wrdreg $0xFFFFFFFF  }
0xa7: {  	s28 =	simm.s32 $_size_execute0_lowered;
	s3 =	sadd.s32 s3, s5;
	[dreg:$0x0] =	wrdreg $0x0  }
0xa8: {  	s5 =	sshll.u32 s28, $0x1;
	[dreg:$0x2] =	wrdreg s3  }
0xa9: {  	[dreg:$0x3] =	wrdreg s5  }
0xaa: {  	[dreg:$0x4] =	wrdreg $0xC0  }
0xab: {  	_ =	task [dreg:s7], $0x5FFFF  }
0xac: {  	[dreg:$0x1] =	wrdreg $0xFFFFFFFF  }
0xad: {  	[dreg:$0x0] =	wrdreg $0x60  }
0xae: {  	[dreg:$0x2] =	wrdreg s24  }
0xaf: {  	[dreg:$0x3] =	wrdreg s2  }
0xb0: {  	[dreg:$0x4] =	wrdreg $0xAA000  }
0xb1: {  	[dreg:$0x5] =	wrdreg $0x9  }
0xb2: {  	_ =	task.clear_ibuf [dreg:s7], $0x6FFFF;
	_ =	strace $0x90000049  }
0xb3: {  	s29 =	simm.s32 $0x9;
	_ =	strace $0x8000004B  }
0xb4: {  	_ =	swait.ge [sflag:s29], $0x1  }
0xb5: {  	[sflag:s29] =	ssyncadd.s32 $0xFFFFFFFF  }
0xb6: {  	_ =	strace $0x9000004B  }
0xb7: {  	_ =	sfence  }
0xb8: {  	s30 =	sld [smem:$0x0];
	_ =	sdelay $0x2  }
0xb9: {  	s31 =	sshll.u32 s1, $0xD;
	s1 =	sshrl.u32 s1, $0x2  }
0xba: {  	s3 =	sand.u32 $0x4000, s31;
	s1 =	sadd.s32 s1, s30  }
0xbb: {  	s0 =	sor.u32 s3, s0;
	s1 =	sshll.u32 s1, $0x11  }
0xbc: {  	s0 =	sor.u32 s1, s0  }
0xbd: {  	s0 =	sadd.s32 $0x8F2B, s0  }
0xbe: {  	[sflag:s0] =	ssyncadd.remote.s32 $0x1  }
0xbf: {  	_ =	sfence.sel $0xFFFF  }
0xc0: {  	[dreg:$0x0] =	wrdreg $0xFFFFFFFF;
	(pc) =	sbr.abs _section_cstart, $3  }
0xc1: {  	[dreg:$0x1] =	wrdreg $0xFFFFFFFF  }
0xc2: {  	_ =	task.clear_ibuf [dreg:s7], $0x2FFFF;
	_ =	strace $0x9FFFFFFF  }
0xc3: {  	(tm) =	ssettm $0x7FFFFFFF  }
tec
execute0_lowered:
.L_overlay_start_1:
0x0: {  	(tag) =	ssettag $0x1  }
0x1: {  	s0 =	rddreg [dreg:$0x0]  }
0x2: {  	s1 =	rddreg [dreg:$0x1]  }
0x3: {  	s2 =	rddreg [dreg:$0x2];
	s3 =	srdreg.scid  }
0x4: {  	s4 =	simm.s32 $0x0;
	s12 =	stileid.u32;
	s28 =	simm.s32 $0x380  }
0x5: {  	s29 =	simm.s32 $0x400;
	s3 =	sand.u32 $0x1, s3;
	s8 =	smul.u32 $0x280, s12  }
0x6: {  	[smem:$0x7FF] =	sst s4;
	s5 =	sadd.s32 $0x2A00, s0;
	s9 =	smul.u32 $0x50000, s12  }
0x7: {  	s6 =	sadd.s32 $0x58400, s0;
	s25 =	sshll.u32 s12, $0x6;
	s7 =	smul.u32 $0x2800, s3  }
0x8: {  	_ =	strace $0x8000004A;
	s23 =	sshll.u32 s3, $0x4;
	s3 =	ssub.s32 $0x2, s3  }
0x9: {  	s15 =	sor.u32 $0x1C15, s25;
	s11 =	sshrl.u32 s3, $0x1;
	s24 =	sshrl.u32 s9, $0x2  }
0xa: {  	[dreg:$0x6] =	wrdreg s15;
	s7 =	sadd.s32 s8, s7;
	s8 =	sor.u32 s12, s23  }
0xb: {  	s10 =	sshll.u32 s7, $0x4;
	s7 =	smul.u32 $0x5000, s8;
	s8 =	sadd.s32 s24, s2  }
0xc: {  	s0 =	sadd.s32 s10, s0;
	[dreg:$0x4] =	wrdreg s8;
	s10 =	sadd.s32 s5, s10  }
0xd: {  	s26 =	sshrl.u32 s7, $0x3;
	[dreg:$0x5] =	wrdreg s10;
	s0 =	sadd.s32 $0x6C400, s0  }
0xe: {  	s3 =	ssub.s32 s3, s11;
	s21 =	sadd.s32 s1, s26;
	[dreg:$0x19] =	wrdreg s0  }
0xf: {  	s30 =	sor.u32 $0x10, s26;
	s22 =	sadd.s32 s6, s26;
	[dreg:$0x13] =	wrdreg s21  }
0x10: {  	s4 =	sor.u32 $0x20, s26;
	s31 =	sadd.s32 s1, s30;
	[dreg:$0x14] =	wrdreg s22  }
0x11: {  	s12 =	sor.u32 $0x30, s26;
	s8 =	sadd.s32 s6, s30;
	[dreg:$0x7] =	wrdreg s31  }
0x12: {  	s14 =	sor.u32 $0x40, s26;
	s11 =	sadd.s32 s1, s4;
	[dreg:$0x8] =	wrdreg s8  }
0x13: {  	s17 =	sor.u32 $0x50, s26;
	s13 =	sadd.s32 s1, s12;
	[dreg:$0x9] =	wrdreg s11  }
0x14: {  	s19 =	sor.u32 $0x60, s26;
	s16 =	sadd.s32 s1, s14;
	[dreg:$0xb] =	wrdreg s13  }
0x15: {  	s23 =	sor.u32 $0x70, s26;
	s18 =	sadd.s32 s1, s17;
	[dreg:$0xd] =	wrdreg s16  }
0x16: {  	s9 =	sor.u32 $0x80, s26;
	s20 =	sadd.s32 s1, s19;
	[dreg:$0xf] =	wrdreg s18  }
0x17: {  	s0 =	simm.s32 $0x0;
	s24 =	sadd.s32 s1, s23;
	[dreg:$0x11] =	wrdreg s20  }
0x18: {  	s25 =	sadd.s32 s1, s9;
	s26 =	sadd.s32 s6, s9;
	[dreg:$0x15] =	wrdreg s24  }
0x19: {  	s30 =	smax.u32 s3, $0x1;
	s9 =	simm.s32 $0xA;
	[dreg:$0x17] =	wrdreg s25  }
0x1a: {  	s22 =	simm.s32 $0x13;
	s8 =	sadd.s32 s6, s4;
	[dreg:$0x18] =	wrdreg s26  }
0x1b: {  	[dreg:$0x1a] =	wrdreg s30;
	s31 =	sor.u32 $0x800, s7;
	s26 =	simm.s32 $0x40  }
0x1c: {  	s11 =	simm.s32 $0xA00;
	s4 =	simm.s32 $0x2A00;
	s13 =	simm.s32 $0x980  }
0x1d: {  	s18 =	simm.s32 $0x10;
	s20 =	simm.s32 $0x12;
	[dreg:$0xa] =	wrdreg s8  }
0x1e: {  	s25 =	simm.s32 $0x4A00;
	s8 =	sadd.s32 s6, s12;
	[dreg:$0x1b] =	wrdreg s31  }
.Ltmp0:
0x1f: {  	[dreg:$0xc] =	wrdreg s8;
	s8 =	sadd.s32 s6, s14;
	(pc) =	sbr.rel .LBB2_1-.Ltmp0, $4  }
0x20: {  	s12 =	simm.s32 $0x900;
	[dreg:$0xe] =	wrdreg s8;
	s8 =	sadd.s32 s6, s17  }
0x21: {  	s17 =	simm.s32 $0xC;
	[dreg:$0x10] =	wrdreg s8;
	s8 =	sadd.s32 s6, s19  }
0x22: {  	s19 =	simm.s32 $0xE;
	[dreg:$0x12] =	wrdreg s8;
	s8 =	sadd.s32 s6, s23  }
0x23: {  	s23 =	simm.s32 $0x6A00;
	[dreg:$0x16] =	wrdreg s8;
	s8 =	simm.s32 $0x15  }
.LBB2_4:
0x24: {  	_ =	swait.ge [sflag:s0], $0x2000  }
0x25: {  	[sflag:s0] =	ssyncset.done $0x0  }
0x26: {  	[sflag:s0] =	ssyncadd.s32 $0xFFFFE000  }
0x27: {  	[spmem:s2] =	stream.indirect.scatter.add.f32 [tilespmem:s10], [sflag:$0x14], $0x80, s13, s26, $0xb8;
	[tilespmem:$0x1EA00] =	vst v63  }
0x28: {  	_ =	swait.ge [sflag:s22], $0x2000  }
0x29: {  	[sflag:s22] =	ssyncset.done $0x0  }
0x2a: {  	s3 =	simm.s32 $0x14;
	[sflag:s22] =	ssyncadd.s32 $0xFFFFE000  }
0x2b: {  	_ =	swait.ge [sflag:s3], $0x2000  }
0x2c: {  	[sflag:s3] =	ssyncset.done $0x0  }
0x2d: {  	[sflag:s3] =	ssyncadd.s32 $0xFFFFE000  }
0x2e: {  	[bflag:$0x0] =	sbarrier.arrive $0xFFFF  }
0x2f: {  	s15 =	rddreg [dreg:$0x6]  }
0x30: {  	s23 =	rddreg [dreg:$0x19]  }
0x31: {  	s8 =	simm.s32 $0x15;
	s24 =	rddreg [dreg:$0x1d]  }
0x32: {  	[hbm:s23], [sflag:s15] =	dma.local [spmem:s24], $0x2800  }
0x33: {  	_ =	swait.ge [sflag:s8], $0x2800  }
0x34: {  	s30 =	rddreg [dreg:$0x1c]  }
0x35: {  	s31 =	rddreg [dreg:$0x1a];
	s0 =	sadd.s32 $0x1, s30  }
0x36: {  	p0 =	sne.s32 s0, s31  }
.Ltmp1:
0x37: {  	_ = 	snop;
	(pc) =	sbr.rel @!p0 .LBB2_5-.Ltmp1, $3  }
0x38: {  	_ =	sdelay $0x1  }
0x39: {  	s28 =	simm.s32 $0x380;
	s29 =	simm.s32 $0x400;
	[sflag:s8] =	ssyncset.done $0x0  }
0x3a: {  	s13 =	simm.s32 $0x980;
	s23 =	simm.s32 $0x6A00;
	[sflag:s8] =	ssyncadd.s32 $0xFFFFD800  }
.LBB2_1:
0x3b: {  	[dreg:$0x1c] =	wrdreg s0  }
0x3c: {  	s3 =	rddreg [dreg:$0x4]  }
0x3d: {  	s30 =	rddreg [dreg:$0x5];
	s24 =	sshrl.u32 s3, $0x3  }
0x3e: {  	[dreg:$0x1d] =	wrdreg s24  }
0x3f: {  	[spmem:s24], [sflag:s15] =	dma.local [hbm:s30], $0x2800  }
0x40: {  	_ =	swait.ge [sflag:s8], $0x2800  }
0x41: {  	[sflag:s8] =	ssyncset.done $0x0  }
0x42: {  	[sflag:s8] =	ssyncadd.s32 $0xFFFFD800  }
0x43: {  	[bflag:$0x0] =	sbarrier.arrive $0xFFFF  }
0x44: {  	s10 =	simm.s32 $0x0;
	s8 =	rddreg [dreg:$0x13]  }
0x45: {  	[tilespmem:s10], [sflag:$0x1] =	stream.linear.gather [hbm4b:s8+s10], $0x80, $0x38;
	[tilespmem:$0x1EA00] =	vst v63  }
0x46: {  	s15 =	simm.s32 $0x500;
	s14 =	rddreg [dreg:$0x14]  }
0x47: {  	[tilespmem:s15], [sflag:$0x1] =	stream.linear.gather [hbm4b:s14+s10], $0x80, $0x38;
	[tilespmem:$0x1EA00] =	vst v63  }
0x48: {  	s16 =	rddreg [dreg:$0x7];
	s8 =	simm.s32 $0x80  }
0x49: {  	[tilespmem:s8], [sflag:$0x2] =	stream.linear.gather [hbm4b:s16+s10], $0x80, $0x38;
	[tilespmem:$0x1EA00] =	vst v63  }
0x4a: {  	s24 =	simm.s32 $0x580;
	s21 =	rddreg [dreg:$0x8]  }
0x4b: {  	[tilespmem:s24], [sflag:$0x2] =	stream.linear.gather [hbm4b:s21+s10], $0x80, $0x38;
	[tilespmem:$0x1EA00] =	vst v63  }
0x4c: {  	s30 =	rddreg [dreg:$0x9];
	s15 =	simm.s32 $0x100  }
0x4d: {  	[tilespmem:s15], [sflag:$0x3] =	stream.linear.gather [hbm4b:s30+s10], $0x80, $0x38;
	[tilespmem:$0x1EA00] =	vst v63  }
0x4e: {  	s0 =	rddreg [dreg:$0xa];
	s16 =	simm.s32 $0x600  }
0x4f: {  	[tilespmem:s16], [sflag:$0x3] =	stream.linear.gather [hbm4b:s0+s10], $0x80, $0x38;
	[tilespmem:$0x1EA00] =	vst v63  }
0x50: {  	s14 =	rddreg [dreg:$0xb];
	s16 =	simm.s32 $0x180  }
0x51: {  	[tilespmem:s16], [sflag:$0x4] =	stream.linear.gather [hbm4b:s14+s10], $0x80, $0x38;
	[tilespmem:$0x1EA00] =	vst v63  }
0x52: {  	s21 =	rddreg [dreg:$0xc];
	s24 =	simm.s32 $0x680  }
0x53: {  	[tilespmem:s24], [sflag:$0x4] =	stream.linear.gather [hbm4b:s21+s10], $0x80, $0x38;
	[tilespmem:$0x1EA00] =	vst v63  }
0x54: {  	s30 =	rddreg [dreg:$0xd];
	s0 =	simm.s32 $0x200  }
0x55: {  	[tilespmem:s0], [sflag:$0x5] =	stream.linear.gather [hbm4b:s30+s10], $0x80, $0x38;
	[tilespmem:$0x1EA00] =	vst v63  }
0x56: {  	s14 =	rddreg [dreg:$0xe];
	s21 =	simm.s32 $0x700  }
0x57: {  	[tilespmem:s21], [sflag:$0x5] =	stream.linear.gather [hbm4b:s14+s10], $0x80, $0x38;
	[tilespmem:$0x1EA00] =	vst v63  }
0x58: {  	s30 =	rddreg [dreg:$0xf];
	s0 =	simm.s32 $0x280  }
0x59: {  	[tilespmem:s0], [sflag:$0x6] =	stream.linear.gather [hbm4b:s30+s10], $0x80, $0x38;
	[tilespmem:$0x1EA00] =	vst v63  }
0x5a: {  	s14 =	rddreg [dreg:$0x10];
	s21 =	simm.s32 $0x780  }
0x5b: {  	[tilespmem:s21], [sflag:$0x6] =	stream.linear.gather [hbm4b:s14+s10], $0x80, $0x38;
	[tilespmem:$0x1EA00] =	vst v63  }
0x5c: {  	s30 =	rddreg [dreg:$0x11];
	s0 =	simm.s32 $0x300  }
0x5d: {  	[tilespmem:s0], [sflag:$0x7] =	stream.linear.gather [hbm4b:s30+s10], $0x80, $0x38;
	[tilespmem:$0x1EA00] =	vst v63  }
0x5e: {  	s14 =	rddreg [dreg:$0x12];
	s21 =	simm.s32 $0x800  }
0x5f: {  	[tilespmem:s21], [sflag:$0x7] =	stream.linear.gather [hbm4b:s14+s10], $0x80, $0x38;
	[tilespmem:$0x1EA00] =	vst v63  }
0x60: {  	s24 =	rddreg [dreg:$0x15]  }
0x61: {  	[tilespmem:s28], [sflag:$0x8] =	stream.linear.gather [hbm4b:s24+s10], $0x80, $0x38;
	[tilespmem:$0x1EA00] =	vst v63  }
0x62: {  	s30 =	rddreg [dreg:$0x16];
	s0 =	simm.s32 $0x880  }
0x63: {  	[tilespmem:s0], [sflag:$0x8] =	stream.linear.gather [hbm4b:s30+s10], $0x80, $0x38;
	[tilespmem:$0x1EA00] =	vst v63  }
0x64: {  	s14 =	rddreg [dreg:$0x17]  }
0x65: {  	[tilespmem:s29], [sflag:$0x9] =	stream.linear.gather [hbm4b:s14+s10], $0x80, $0x38;
	[tilespmem:$0x1EA00] =	vst v63  }
0x66: {  	s21 =	rddreg [dreg:$0x18];
	s24 =	simm.s32 $0x1  }
0x67: {  	[tilespmem:s12], [sflag:$0x9] =	stream.linear.gather [hbm4b:s21+s10], $0x80, $0x38;
	[tilespmem:$0x1EA00] =	vst v63  }
0x68: {  	_ =	swait.ge [sflag:s24], $0x80  }
0x69: {  	[sflag:s24] =	ssyncset.done $0x0  }
0x6a: {  	[sflag:s24] =	ssyncadd.s32 $0xFFFFFF80  }
0x6b: {  	_ =	swait.ge [sflag:s24], $0x80  }
0x6c: {  	[sflag:s24] =	ssyncset.done $0x0  }
0x6d: {  	s28 =	simm.s32 $0x2;
	[sflag:s24] =	ssyncadd.s32 $0xFFFFFF80  }
0x6e: {  	[tilespmem:s11], [sflag:$0xB] =	stream.indirect.gather [hbm4b:s5+s26], $0x80, s10, s26, $0xb8;
	[tilespmem:$0x1EA00] =	vst v63  }
0x6f: {  	_ =	swait.ge [sflag:s28], $0x80  }
0x70: {  	[sflag:s28] =	ssyncset.done $0x0  }
0x71: {  	[sflag:s28] =	ssyncadd.s32 $0xFFFFFF80  }
0x72: {  	_ =	swait.ge [sflag:s28], $0x80  }
0x73: {  	[sflag:s28] =	ssyncset.done $0x0  }
0x74: {  	s29 =	simm.s32 $0x3;
	[sflag:s28] =	ssyncadd.s32 $0xFFFFFF80  }
0x75: {  	[tilespmem:s4], [sflag:$0xC] =	stream.indirect.gather [hbm4b:s5+s26], $0x80, s8, s26, $0xb8;
	[tilespmem:$0x1EA00] =	vst v63  }
0x76: {  	_ =	swait.ge [sflag:s29], $0x80  }
0x77: {  	[sflag:s29] =	ssyncset.done $0x0  }
0x78: {  	[sflag:s29] =	ssyncadd.s32 $0xFFFFFF80  }
0x79: {  	_ =	swait.ge [sflag:s29], $0x80  }
0x7a: {  	[sflag:s29] =	ssyncset.done $0x0  }
0x7b: {  	s30 =	simm.s32 $0x4;
	s24 =	simm.s32 $0x4A00;
	[sflag:s29] =	ssyncadd.s32 $0xFFFFFF80  }
0x7c: {  	[tilespmem:s24], [sflag:$0xD] =	stream.indirect.gather [hbm4b:s5+s26], $0x80, s15, s26, $0xb8;
	[tilespmem:$0x1EA00] =	vst v63  }
0x7d: {  	_ =	swait.ge [sflag:s30], $0x80  }
0x7e: {  	[sflag:s30] =	ssyncset.done $0x0  }
0x7f: {  	[sflag:s30] =	ssyncadd.s32 $0xFFFFFF80  }
0x80: {  	s31 =	simm.s32 $0x0;
	s0 =	simm.s32 $0xF;
	_ =	swait.ge [sflag:s30], $0x80  }
0x81: {  	s14 =	simm.s32 $0x8A00;
	s21 =	simm.s32 $0x900;
	[sflag:s30] =	ssyncset.done $0x0  }
0x82: {  	s11 =	simm.s32 $0x0;
	s8 =	simm.s32 $0x900;
	[sflag:s30] =	ssyncadd.s32 $0xFFFFFF80  }
0x83: {  	[tilespmem:s23], [sflag:$0xE] =	stream.indirect.gather [hbm4b:s5+s26], $0x80, s16, s26, $0xb8;
	[tilespmem:$0x1EA00] =	vst v63  }
.LBB2_2:
0x84: {  	s30 =	simm.s32 $0xB;
	s3 =	simm.s32 $0x500;
	s4 =	simm.s32 $0xA00  }
0x85: {  	s28 =	sadd.s32 $0xFFFFFB80, s8;
	p0 =	seq.s32 s8, $0x900;
	_ =	swait.ge [sflag:s30], $0x2000  }
0x86: {  	s29 =	sand.u32 $0xFC00, s28;
	s15 =	simm.s32 @!p0 $0x14;
	[sflag:s30] =	ssyncset.done $0x0  }
0x87: {  	s28 =	sand.u32 $0x380, s28;
	s29 =	sadd.s32 s7, s29;
	[sflag:s30] =	ssyncadd.s32 $0xFFFFE000  }
0x88: {  	[spmem:s2] =	stream.indirect.scatter.add.f32 [tilespmem:s4], [sflag:$0x10], $0x80, s3, s26, $0xb8;
	[tilespmem:$0x1EA00] =	vst v63  }
0x89: {  	s28 =	sor.u32 s28, s29;
	_ =	swait.ge @!p0 [sflag:s15], $0x2000  }
0x8a: {  	s28 =	sshrl.u32 s28, $0x3;
	[sflag:s15] =	ssyncset.done @!p0 $0x0  }
0x8b: {  	s12 =	simm.s32 $0x480;
	s3 =	sadd.s32 s1, s28;
	[sflag:s15] =	ssyncadd.s32 @!p0 $0xFFFFE000  }
0x8c: {  	[tilespmem:s12], [sflag:$0xA] =	stream.linear.gather [hbm4b:s3+s11], $0x80, $0x38;
	[tilespmem:$0x1EA00] =	vst v63  }
0x8d: {  	s16 =	simm.s32 $0x5;
	s10 =	sadd.s32 s6, s28  }
0x8e: {  	[tilespmem:s13], [sflag:$0xA] =	stream.linear.gather [hbm4b:s10+s11], $0x80, $0x38;
	[tilespmem:$0x1EA00] =	vst v63  }
0x8f: {  	_ =	swait.ge [sflag:s16], $0x80  }
0x90: {  	[sflag:s16] =	ssyncset.done $0x0  }
0x91: {  	[sflag:s16] =	ssyncadd.s32 $0xFFFFFF80  }
0x92: {  	_ =	swait.ge [sflag:s16], $0x80  }
0x93: {  	[sflag:s16] =	ssyncset.done $0x0  }
0x94: {  	s28 =	simm.s32 $0x200;
	p0 =	seq.s32 s8, $0x5400;
	[sflag:s16] =	ssyncadd.s32 $0xFFFFFF80  }
0x95: {  	[tilespmem:s14], [sflag:$0xF] =	stream.indirect.gather [hbm4b:s5+s26], $0x80, s28, s26, $0xb8;
	[tilespmem:$0x1EA00] =	vst v63  }
0x96: {  	s29 =	simm.s32 $0x580;
	s15 =	sadd.s32 @!p0 $0xFFFFFC00, s8;
	_ =	swait.ge [sflag:s17], $0x2000  }
0x97: {  	s10 =	simm.s32 $0x2A00;
	s28 =	sand.u32 @!p0 $0xFC00, s15;
	[sflag:s17] =	ssyncset.done $0x0  }
0x98: {  	s15 =	sand.u32 @!p0 $0x300, s15;
	s28 =	sadd.s32 @!p0 s7, s28;
	[sflag:s17] =	ssyncadd.s32 $0xFFFFE000  }
0x99: {  	[spmem:s2] =	stream.indirect.scatter.add.f32 [tilespmem:s10], [sflag:$0x11], $0x80, s29, s26, $0xb8;
	[tilespmem:$0x1EA00] =	vst v63  }
0x9a: {  	s15 =	sor.u32 @!p0 s15, s28;
	_ =	swait.ge [sflag:s18], $0x2000  }
0x9b: {  	s15 =	sshrl.u32 @!p0 s15, $0x3;
	[sflag:s18] =	ssyncset.done $0x0  }
0x9c: {  	s28 =	simm.s32 @!p0 $0x0;
	s29 =	sadd.s32 @!p0 s1, s15;
	[sflag:s18] =	ssyncadd.s32 $0xFFFFE000  }
0x9d: {  	[tilespmem:s28], [sflag:$0x1] =	stream.linear.gather @!p0 [hbm4b:s29+s28], $0x80, $0x38;
	[tilespmem:$0x1EA00] =	vst v63  }
0x9e: {  	s11 =	simm.s32 $0x6;
	s15 =	sadd.s32 @!p0 s6, s15;
	s29 =	simm.s32 @!p0 $0x500  }
0x9f: {  	[tilespmem:s29], [sflag:$0x1] =	stream.linear.gather @!p0 [hbm4b:s15+s28], $0x80, $0x38;
	[tilespmem:$0x1EA00] =	vst v63  }
0xa0: {  	_ =	swait.ge [sflag:s11], $0x80  }
0xa1: {  	[sflag:s11] =	ssyncset.done $0x0  }
0xa2: {  	[sflag:s11] =	ssyncadd.s32 $0xFFFFFF80  }
0xa3: {  	_ =	swait.ge [sflag:s11], $0x80  }
0xa4: {  	[sflag:s11] =	ssyncset.done $0x0  }
0xa5: {  	s13 =	simm.s32 $0x280;
	s15 =	simm.s32 $0xD;
	[sflag:s11] =	ssyncadd.s32 $0xFFFFFF80  }
0xa6: {  	[tilespmem:s4], [sflag:$0xB] =	stream.indirect.gather [hbm4b:s5+s26], $0x80, s13, s26, $0xb8;
	[tilespmem:$0x1EA00] =	vst v63  }
0xa7: {  	_ =	swait.ge [sflag:s15], $0x2000  }
0xa8: {  	[sflag:s15] =	ssyncset.done $0x0  }
0xa9: {  	s16 =	simm.s32 $0x600;
	[sflag:s15] =	ssyncadd.s32 $0xFFFFE000;
	s15 =	sadd.s32 @!p0 $0xFFFFFC80, s8  }
0xaa: {  	[spmem:s2] =	stream.indirect.scatter.add.f32 [tilespmem:s24], [sflag:$0x12], $0x80, s16, s26, $0xb8;
	[tilespmem:$0x1EA00] =	vst v63  }
0xab: {  	s29 =	sand.u32 @!p0 $0xFC00, s15  }
0xac: {  	s15 =	sand.u32 @!p0 $0x380, s15;
	s24 =	simm.s32 $0x11;
	s29 =	sadd.s32 @!p0 s7, s29  }
0xad: {  	_ =	swait.ge [sflag:s24], $0x2000;
	s15 =	sor.u32 @!p0 s15, s29  }
0xae: {  	[sflag:s24] =	ssyncset.done $0x0;
	s15 =	sshrl.u32 @!p0 s15, $0x3  }
0xaf: {  	s29 =	simm.s32 @!p0 $0x80;
	[sflag:s24] =	ssyncadd.s32 $0xFFFFE000;
	s16 =	sadd.s32 @!p0 s1, s15  }
0xb0: {  	[tilespmem:s29], [sflag:$0x2] =	stream.linear.gather @!p0 [hbm4b:s16+s28], $0x80, $0x38;
	[tilespmem:$0x1EA00] =	vst v63  }
0xb1: {  	s11 =	simm.s32 $0x7;
	s15 =	sadd.s32 @!p0 s6, s15;
	s16 =	simm.s32 @!p0 $0x580  }
0xb2: {  	[tilespmem:s16], [sflag:$0x2] =	stream.linear.gather @!p0 [hbm4b:s15+s28], $0x80, $0x38;
	[tilespmem:$0x1EA00] =	vst v63  }
0xb3: {  	_ =	swait.ge [sflag:s11], $0x80  }
0xb4: {  	[sflag:s11] =	ssyncset.done $0x0  }
0xb5: {  	[sflag:s11] =	ssyncadd.s32 $0xFFFFFF80  }
0xb6: {  	_ =	swait.ge [sflag:s11], $0x80  }
0xb7: {  	[sflag:s11] =	ssyncset.done $0x0  }
0xb8: {  	s13 =	simm.s32 $0x300;
	[sflag:s11] =	ssyncadd.s32 $0xFFFFFF80  }
0xb9: {  	[tilespmem:s10], [sflag:$0xC] =	stream.indirect.gather [hbm4b:s5+s26], $0x80, s13, s26, $0xb8;
	[tilespmem:$0x1EA00] =	vst v63  }
0xba: {  	_ =	swait.ge [sflag:s19], $0x2000  }
0xbb: {  	[sflag:s19] =	ssyncset.done $0x0  }
0xbc: {  	s15 =	simm.s32 $0x680;
	[sflag:s19] =	ssyncadd.s32 $0xFFFFE000  }
0xbd: {  	[spmem:s2] =	stream.indirect.scatter.add.f32 [tilespmem:s23], [sflag:$0x13], $0x80, s15, s26, $0xb8;
	[tilespmem:$0x1EA00] =	vst v63  }
0xbe: {  	s15 =	sadd.s32 @!p0 $0xFFFFFD00, s8  }
0xbf: {  	s16 =	sand.u32 @!p0 $0xFC00, s15  }
0xc0: {  	s15 =	sand.u32 @!p0 $0x300, s15;
	s16 =	sadd.s32 @!p0 s7, s16  }
0xc1: {  	_ =	swait.ge [sflag:s20], $0x2000;
	s15 =	sor.u32 @!p0 s15, s16  }
0xc2: {  	[sflag:s20] =	ssyncset.done $0x0;
	s15 =	sshrl.u32 @!p0 s15, $0x3  }
0xc3: {  	s24 =	simm.s32 @!p0 $0x100;
	[sflag:s20] =	ssyncadd.s32 $0xFFFFE000;
	s16 =	sadd.s32 @!p0 s1, s15  }
0xc4: {  	[tilespmem:s24], [sflag:$0x3] =	stream.linear.gather @!p0 [hbm4b:s16+s28], $0x80, $0x38;
	[tilespmem:$0x1EA00] =	vst v63  }
0xc5: {  	s15 =	sadd.s32 @!p0 s6, s15;
	s16 =	simm.s32 @!p0 $0x600  }
0xc6: {  	[tilespmem:s16], [sflag:$0x3] =	stream.linear.gather @!p0 [hbm4b:s15+s28], $0x80, $0x38;
	[tilespmem:$0x1EA00] =	vst v63  }
0xc7: {  	s16 =	simm.s32 $0x8  }
0xc8: {  	_ =	swait.ge [sflag:s16], $0x80  }
0xc9: {  	[sflag:s16] =	ssyncset.done $0x0  }
0xca: {  	[sflag:s16] =	ssyncadd.s32 $0xFFFFFF80  }
0xcb: {  	_ =	swait.ge [sflag:s16], $0x80  }
0xcc: {  	[sflag:s16] =	ssyncset.done $0x0  }
0xcd: {  	s24 =	simm.s32 $0x380;
	[sflag:s16] =	ssyncadd.s32 $0xFFFFFF80  }
0xce: {  	[tilespmem:s25], [sflag:$0xD] =	stream.indirect.gather [hbm4b:s5+s26], $0x80, s24, s26, $0xb8;
	[tilespmem:$0x1EA00] =	vst v63  }
0xcf: {  	s15 =	sadd.s32 @!p0 $0xFFFFFD80, s8;
	_ =	swait.ge [sflag:s0], $0x2000  }
0xd0: {  	s11 =	simm.s32 $0x700;
	s16 =	sand.u32 @!p0 $0xFC00, s15;
	[sflag:s0] =	ssyncset.done $0x0  }
0xd1: {  	s15 =	sand.u32 @!p0 $0x380, s15;
	s16 =	sadd.s32 @!p0 s7, s16;
	[sflag:s0] =	ssyncadd.s32 $0xFFFFE000  }
0xd2: {  	[spmem:s2] =	stream.indirect.scatter.add.f32 [tilespmem:s14], [sflag:$0x14], $0x80, s11, s26, $0xb8;
	[tilespmem:$0x1EA00] =	vst v63  }
0xd3: {  	s15 =	sor.u32 @!p0 s15, s16;
	_ =	swait.ge [sflag:s22], $0x2000  }
0xd4: {  	s15 =	sshrl.u32 @!p0 s15, $0x3;
	[sflag:s22] =	ssyncset.done $0x0  }
0xd5: {  	s24 =	simm.s32 @!p0 $0x180;
	s16 =	sadd.s32 @!p0 s1, s15;
	[sflag:s22] =	ssyncadd.s32 $0xFFFFE000  }
0xd6: {  	[tilespmem:s24], [sflag:$0x4] =	stream.linear.gather @!p0 [hbm4b:s16+s28], $0x80, $0x38;
	[tilespmem:$0x1EA00] =	vst v63  }
0xd7: {  	s15 =	sadd.s32 @!p0 s6, s15;
	s16 =	simm.s32 @!p0 $0x680  }
0xd8: {  	[tilespmem:s16], [sflag:$0x4] =	stream.linear.gather @!p0 [hbm4b:s15+s28], $0x80, $0x38;
	[tilespmem:$0x1EA00] =	vst v63  }
0xd9: {  	s15 =	simm.s32 $0x9  }
0xda: {  	_ =	swait.ge [sflag:s15], $0x80  }
0xdb: {  	[sflag:s15] =	ssyncset.done $0x0  }
0xdc: {  	[sflag:s15] =	ssyncadd.s32 $0xFFFFFF80  }
0xdd: {  	_ =	swait.ge [sflag:s15], $0x80  }
0xde: {  	[sflag:s15] =	ssyncset.done $0x0  }
0xdf: {  	s23 =	simm.s32 $0x6A00;
	s16 =	simm.s32 $0x400;
	[sflag:s15] =	ssyncadd.s32 $0xFFFFFF80  }
0xe0: {  	[tilespmem:s23], [sflag:$0xE] =	stream.indirect.gather [hbm4b:s5+s26], $0x80, s16, s26, $0xb8;
	[tilespmem:$0x1EA00] =	vst v63  }
0xe1: {  	_ =	swait.ge [sflag:s30], $0x2000  }
0xe2: {  	s15 =	sadd.s32 @!p0 $0xFFFFFE00, s8;
	[sflag:s30] =	ssyncset.done $0x0  }
0xe3: {  	s24 =	simm.s32 $0x780;
	s16 =	sand.u32 @!p0 $0xFC00, s15;
	[sflag:s30] =	ssyncadd.s32 $0xFFFFE000  }
0xe4: {  	[spmem:s2] =	stream.indirect.scatter.add.f32 [tilespmem:s4], [sflag:$0x10], $0x80, s24, s26, $0xb8;
	[tilespmem:$0x1EA00] =	vst v63  }
0xe5: {  	s15 =	sand.u32 @!p0 $0x300, s15;
	s16 =	sadd.s32 @!p0 s7, s16;
	s4 =	simm.s32 $0x14  }
0xe6: {  	s15 =	sor.u32 @!p0 s15, s16;
	_ =	swait.ge [sflag:s4], $0x2000  }
0xe7: {  	s15 =	sshrl.u32 @!p0 s15, $0x3;
	[sflag:s4] =	ssyncset.done $0x0  }
0xe8: {  	s16 =	sadd.s32 @!p0 s1, s15;
	s24 =	simm.s32 @!p0 $0x200;
	[sflag:s4] =	ssyncadd.s32 $0xFFFFE000  }
0xe9: {  	[tilespmem:s24], [sflag:$0x5] =	stream.linear.gather @!p0 [hbm4b:s16+s28], $0x80, $0x38;
	[tilespmem:$0x1EA00] =	vst v63  }
0xea: {  	s15 =	sadd.s32 @!p0 s6, s15;
	s16 =	simm.s32 @!p0 $0x700  }
0xeb: {  	[tilespmem:s16], [sflag:$0x5] =	stream.linear.gather @!p0 [hbm4b:s15+s28], $0x80, $0x38;
	[tilespmem:$0x1EA00] =	vst v63  }
0xec: {  	_ =	swait.ge [sflag:s9], $0x80  }
0xed: {  	[sflag:s9] =	ssyncset.done $0x0  }
0xee: {  	[sflag:s9] =	ssyncadd.s32 $0xFFFFFF80  }
0xef: {  	_ =	swait.ge [sflag:s9], $0x80  }
0xf0: {  	[sflag:s9] =	ssyncset.done $0x0  }
0xf1: {  	[sflag:s9] =	ssyncadd.s32 $0xFFFFFF80  }
0xf2: {  	[tilespmem:s14], [sflag:$0xF] =	stream.indirect.gather [hbm4b:s5+s26], $0x80, s12, s26, $0xb8;
	[tilespmem:$0x1EA00] =	vst v63  }
0xf3: {  	_ =	swait.ge [sflag:s17], $0x2000  }
0xf4: {  	[sflag:s17] =	ssyncset.done $0x0  }
0xf5: {  	s24 =	simm.s32 $0x800;
	[sflag:s17] =	ssyncadd.s32 $0xFFFFE000  }
0xf6: {  	[spmem:s2] =	stream.indirect.scatter.add.f32 [tilespmem:s10], [sflag:$0x11], $0x80, s24, s26, $0xb8;
	[tilespmem:$0x1EA00] =	vst v63  }
0xf7: {  	_ =	swait.ge [sflag:s18], $0x2000  }
0xf8: {  	[sflag:s18] =	ssyncset.done $0x0  }
0xf9: {  	s15 =	simm.s32 @p0 $0xD;
	[sflag:s18] =	ssyncadd.s32 $0xFFFFE000  }
0xfa: {  	_ =	swait.ge @p0 [sflag:s15], $0x2000  }
0xfb: {  	s16 =	simm.s32 @p0 $0x880;
	[sflag:s15] =	ssyncset.done @p0 $0x0  }
0xfc: {  	s24 =	simm.s32 @p0 $0x4A00;
	[sflag:s15] =	ssyncadd.s32 @p0 $0xFFFFE000;
	s15 =	simm.s32 @p0 $0x40  }
0xfd: {  	[spmem:s2] =	stream.indirect.scatter.add.f32 @p0 [tilespmem:s24], [sflag:$0x12], $0x80, s16, s15, $0xb8;
	[tilespmem:$0x1EA00] =	vst v63  }
0xfe: {  	s15 =	sadd.s32 @!p0 $0xFFFFFE80, s8  }
0xff: {  	s16 =	sand.u32 @!p0 $0xFC00, s15  }
0x100: {  	s24 =	simm.s32 @p0 $0x11;
	s15 =	sand.u32 @!p0 $0x380, s15;
	s16 =	sadd.s32 @!p0 s7, s16  }
0x101: {  	_ =	swait.ge @p0 [sflag:s24], $0x2000;
	s15 =	sor.u32 @!p0 s15, s16  }
0x102: {  	[sflag:s24] =	ssyncset.done @p0 $0x0;
	s15 =	sshrl.u32 @!p0 s15, $0x3  }
0x103: {  	[sflag:s24] =	ssyncadd.s32 @p0 $0xFFFFE000;
	s24 =	simm.s32 @!p0 $0x280;
	s16 =	sadd.s32 @!p0 s1, s15  }
0x104: {  	[tilespmem:s24], [sflag:$0x6] =	stream.linear.gather @!p0 [hbm4b:s16+s28], $0x80, $0x38;
	[tilespmem:$0x1EA00] =	vst v63  }
0x105: {  	s15 =	sadd.s32 @!p0 s6, s15;
	s16 =	simm.s32 @!p0 $0x780  }
0x106: {  	[tilespmem:s16], [sflag:$0x6] =	stream.linear.gather @!p0 [hbm4b:s15+s28], $0x80, $0x38;
	[tilespmem:$0x1EA00] =	vst v63  }
0x107: {  	s15 =	simm.s32 @!p0 $0x1  }
0x108: {  	_ =	swait.ge @!p0 [sflag:s15], $0x80  }
0x109: {  	[sflag:s15] =	ssyncset.done @!p0 $0x0  }
0x10a: {  	[sflag:s15] =	ssyncadd.s32 @!p0 $0xFFFFFF80  }
0x10b: {  	_ =	swait.ge @!p0 [sflag:s15], $0x80  }
0x10c: {  	[sflag:s15] =	ssyncset.done @!p0 $0x0  }
0x10d: {  	s16 =	simm.s32 @!p0 $0xA00;
	[sflag:s15] =	ssyncadd.s32 @!p0 $0xFFFFFF80;
	s15 =	simm.s32 @!p0 $0x40  }
0x10e: {  	[tilespmem:s16], [sflag:$0xB] =	stream.indirect.gather @!p0 [hbm4b:s5+s15], $0x80, s28, s15, $0xb8;
	[tilespmem:$0x1EA00] =	vst v63  }
0x10f: {  	s16 =	simm.s32 @!p0 $0xD  }
0x110: {  	_ =	swait.ge @!p0 [sflag:s16], $0x2000  }
0x111: {  	s3 =	simm.s32 @!p0 $0x4A00;
	[sflag:s16] =	ssyncset.done @!p0 $0x0  }
0x112: {  	s24 =	sadd.s32 $0xFFFFF700, s8;
	[sflag:s16] =	ssyncadd.s32 @!p0 $0xFFFFE000;
	s16 =	simm.s32 @!p0 $0x880  }
0x113: {  	[spmem:s2] =	stream.indirect.scatter.add.f32 @!p0 [tilespmem:s3], [sflag:$0x12], $0x80, s16, s15, $0xb8;
	[tilespmem:$0x1EA00] =	vst v63  }
0x114: {  	s3 =	sand.u32 @!p0 $0x7C00, s24;
	s24 =	rddreg [dreg:$0x1b]  }
0x115: {  	s16 =	simm.s32 @!p0 $0x11;
	s3 =	sadd.s32 @!p0 s3, s24;
	s24 =	sand.u32 @!p0 $0x300, s31  }
0x116: {  	_ =	swait.ge @!p0 [sflag:s16], $0x2000;
	s3 =	sor.u32 @!p0 s24, s3  }
0x117: {  	[sflag:s16] =	ssyncset.done @!p0 $0x0;
	s3 =	sshrl.u32 @!p0 s3, $0x3  }
0x118: {  	s24 =	simm.s32 @!p0 $0x300;
	[sflag:s16] =	ssyncadd.s32 @!p0 $0xFFFFE000;
	s16 =	sadd.s32 @!p0 s1, s3  }
0x119: {  	[tilespmem:s24], [sflag:$0x7] =	stream.linear.gather @!p0 [hbm4b:s16+s28], $0x80, $0x38;
	[tilespmem:$0x1EA00] =	vst v63  }
0x11a: {  	s3 =	sadd.s32 @!p0 s6, s3;
	s16 =	simm.s32 @!p0 $0x800  }
0x11b: {  	[tilespmem:s16], [sflag:$0x7] =	stream.linear.gather @!p0 [hbm4b:s3+s28], $0x80, $0x38;
	[tilespmem:$0x1EA00] =	vst v63  }
0x11c: {  	s3 =	simm.s32 @!p0 $0x2  }
0x11d: {  	_ =	swait.ge @!p0 [sflag:s3], $0x80  }
0x11e: {  	[sflag:s3] =	ssyncset.done @!p0 $0x0  }
0x11f: {  	[sflag:s3] =	ssyncadd.s32 @!p0 $0xFFFFFF80  }
0x120: {  	_ =	swait.ge @!p0 [sflag:s3], $0x80  }
0x121: {  	[sflag:s3] =	ssyncset.done @!p0 $0x0  }
0x122: {  	[sflag:s3] =	ssyncadd.s32 @!p0 $0xFFFFFF80;
	s3 =	simm.s32 @!p0 $0x2A00  }
0x123: {  	[tilespmem:s3], [sflag:$0xC] =	stream.indirect.gather @!p0 [hbm4b:s5+s15], $0x80, s29, s15, $0xb8;
	[tilespmem:$0x1EA00] =	vst v63  }
0x124: {  	_ =	swait.ge [sflag:s19], $0x2000  }
0x125: {  	[sflag:s19] =	ssyncset.done $0x0  }
.Ltmp2:
0x126: {  	[sflag:s19] =	ssyncadd.s32 $0xFFFFE000;
	(pc) =	sbr.rel @p0 .LBB2_4-.Ltmp2, $4  }
0x127: {  	[spmem:s2] =	stream.indirect.scatter.add.f32 [tilespmem:s23], [sflag:$0x13], $0x80, s21, s26, $0xb8;
	[tilespmem:$0x1EA00] =	vst v63  }
0x128: {  	s13 =	simm.s32 $0x980;
	s11 =	simm.s32 $0xA00;
	_ =	swait.ge [sflag:s20], $0x2000  }
0x129: {  	s30 =	simm.s32 $0x0;
	s4 =	simm.s32 $0x2A00;
	[sflag:s20] =	ssyncset.done $0x0  }
0x12a: {  	s12 =	simm.s32 $0x900;
	s10 =	simm.s32 $0x8A00;
	[sflag:s20] =	ssyncadd.s32 $0xFFFFE000  }
0x12b: {  	s3 =	sadd.s32 $0xFFFFFF80, s8  }
0x12c: {  	s15 =	sand.u32 $0xFC00, s3  }
0x12d: {  	s3 =	sand.u32 $0x380, s3;
	s15 =	sadd.s32 s7, s15  }
0x12e: {  	s3 =	sor.u32 s3, s15  }
0x12f: {  	s3 =	sshrl.u32 s3, $0x3  }
0x130: {  	s4 =	simm.s32 $0x380;
	s29 =	sadd.s32 s1, s3  }
0x131: {  	[tilespmem:s4], [sflag:$0x8] =	stream.linear.gather [hbm4b:s29+s30], $0x80, $0x38;
	[tilespmem:$0x1EA00] =	vst v63  }
0x132: {  	s11 =	simm.s32 $0x880;
	s14 =	simm.s32 $0x3;
	s3 =	sadd.s32 s6, s3  }
0x133: {  	[tilespmem:s11], [sflag:$0x8] =	stream.linear.gather [hbm4b:s3+s30], $0x80, $0x38;
	[tilespmem:$0x1EA00] =	vst v63  }
0x134: {  	_ =	swait.ge [sflag:s14], $0x80  }
0x135: {  	[sflag:s14] =	ssyncset.done $0x0  }
0x136: {  	[sflag:s14] =	ssyncadd.s32 $0xFFFFFF80  }
0x137: {  	_ =	swait.ge [sflag:s14], $0x80  }
0x138: {  	[sflag:s14] =	ssyncset.done $0x0  }
0x139: {  	s15 =	simm.s32 $0x100;
	[sflag:s14] =	ssyncadd.s32 $0xFFFFFF80  }
0x13a: {  	[tilespmem:s25], [sflag:$0xD] =	stream.indirect.gather [hbm4b:s5+s26], $0x80, s15, s26, $0xb8;
	[tilespmem:$0x1EA00] =	vst v63  }
0x13b: {  	_ =	swait.ge [sflag:s0], $0x2000  }
0x13c: {  	s16 =	sand.u32 $0xFC00, s8;
	[sflag:s0] =	ssyncset.done $0x0  }
0x13d: {  	s21 =	sand.u32 $0x300, s8;
	s3 =	sadd.s32 s7, s16;
	[sflag:s0] =	ssyncadd.s32 $0xFFFFE000  }
0x13e: {  	[spmem:s2] =	stream.indirect.scatter.add.f32 [tilespmem:s10], [sflag:$0x14], $0x80, s13, s26, $0xb8;
	[tilespmem:$0x1EA00] =	vst v63  }
0x13f: {  	s3 =	sor.u32 s21, s3;
	_ =	swait.ge [sflag:s22], $0x2000  }
0x140: {  	s3 =	sshrl.u32 s3, $0x3;
	[sflag:s22] =	ssyncset.done $0x0  }
0x141: {  	s28 =	simm.s32 $0x400;
	s24 =	sadd.s32 s1, s3;
	[sflag:s22] =	ssyncadd.s32 $0xFFFFE000  }
0x142: {  	[tilespmem:s28], [sflag:$0x9] =	stream.linear.gather [hbm4b:s24+s30], $0x80, $0x38;
	[tilespmem:$0x1EA00] =	vst v63  }
0x143: {  	s29 =	simm.s32 $0x4;
	s3 =	sadd.s32 s6, s3  }
0x144: {  	[tilespmem:s12], [sflag:$0x9] =	stream.linear.gather [hbm4b:s3+s30], $0x80, $0x38;
	[tilespmem:$0x1EA00] =	vst v63  }
0x145: {  	_ =	swait.ge [sflag:s29], $0x80  }
0x146: {  	[sflag:s29] =	ssyncset.done $0x0  }
0x147: {  	s31 =	sadd.s32 $0x100, s31;
	[sflag:s29] =	ssyncadd.s32 $0xFFFFFF80  }
.Ltmp3:
0x148: {  	s8 =	sadd.s32 $0x500, s8;
	_ =	swait.ge [sflag:s29], $0x80;
	(pc) =	sbr.rel .LBB2_2-.Ltmp3, $4  }
0x149: {  	s11 =	simm.s32 $0x0;
	s21 =	simm.s32 $0x900;
	[sflag:s29] =	ssyncset.done $0x0  }
0x14a: {  	s14 =	simm.s32 $0x8A00;
	s30 =	simm.s32 $0x180;
	[sflag:s29] =	ssyncadd.s32 $0xFFFFFF80  }
0x14b: {  	[tilespmem:s23], [sflag:$0xE] =	stream.indirect.gather [hbm4b:s5+s26], $0x80, s30, s26, $0xb8;
	[tilespmem:$0x1EA00] =	vst v63  }
0x14c: {  	s13 =	simm.s32 $0x980;
	s24 =	simm.s32 $0x4A00;
	s23 =	simm.s32 $0x6A00  }
.LBB2_5:
0x14d: {  	_ =	sfence.sel $0x180000  }
0x14e: {  	[bflag:$0x0] =	sbarrier.arrive $0xFFFF  }
0x14f: {  	_ =	strace $0x9000004A  }
0x150: {  	s0 =	stileid.u32;
	[bflag:$0x2] =	sbarrier.arrive $0xFFFF  }
0x151: {  	p0 =	sne.s32 s0, $0x0;
	s0 =	rddreg [dreg:$0x3]  }
0x152: {  	s0 =	sadd.s32 @!p0 $0x100000, s0  }
0x153: {  	[sflag:s0] =	ssyncadd.tile.s32 @!p0 $0x1;
	_ =	shalt  }
.Lfunc_end2:
_tile_overlayer_lowered:
.L_overlay_start_2:
0x154: {  	(tag) =	ssettag $0x2  }
0x155: {  	s0 =	rddreg [dreg:$0x0];
	s2 =	stileid.u32  }
0x156: {  	s1 =	rddreg [dreg:$0x1];
	p0 =	sne.s32 s2, $0x0  }
0x157: {  	s3 =	rddreg [dreg:$0x2];
	[bflag:$0x3] =	sbarrier.arrive $0xFFFF;
	s2 =	simm.s32 @!p0 $0x1C15  }
0x158: {  	[timem:s3], [sflag:s2] =	dma.local @!p0 [hbm:s0], s1  }
0x159: {  	s0 =	simm.s32 @!p0 $0x15  }
0x15a: {  	_ =	swait.ge @!p0 [sflag:s0], s1  }
0x15b: {  	s1 =	ssub.s32 @!p0 $0x0, s1;
	[sflag:s0] =	ssyncset.done @!p0 $0x0  }
0x15c: {  	[sflag:s0] =	ssyncadd.s32 @!p0 s1  }
0x15d: {  	[bflag:$0x3] =	sbarrier.arrive $0xFFFF  }
0x15e: {  	_ =	shalt  }

// kernel: kernel.16.cloned.1.call-start
scs
__scs_entry_jumppad:
0x0: {  	(pc) =	sbr.rel $0x88, $3  }
0x1: {  	(tag) =	ssettag $0x0;
	lr =	simm.s32 $0x1  }
0x2: {  	[smem:$0x3F99] =	sst lr;
	_ =	strace $0xD0000000  }
0x3: {  	_ = 	snop  }
0x4: {  	_ = 	snop  }
0x5: {  	_ = 	snop  }
0x6: {  	_ = 	snop  }
0x7: {  	_ = 	snop  }
__scs_overlays_trampoline_lowered:
0x8: {  	[smem:$0x3FA8] =	sst s0  }
0x9: {  	[smem:$0x3FA9] =	sst s1  }
0xa: {  	[smem:$0x3FAA] =	sst s2  }
0xb: {  	[smem:$0x3FAB] =	sst s3  }
0xc: {  	[smem:$0x3FAC] =	sst s4  }
0xd: {  	[smem:$0x3FAD] =	sst s5  }
0xe: {  	[smem:$0x3FAE] =	sst s6  }
0xf: {  	[smem:$0x3FAF] =	sst s7  }
0x10: {  	[smem:$0x3FB0] =	sst s8  }
0x11: {  	[smem:$0x3FB1] =	sst s9;
	s0 =	simm.s32 @!p0 $0x0  }
0x12: {  	s1 =	sld [smem:$0x3F97];
	s0 =	simm.s32 @p0 $0x1  }
0x13: {  	[smem:$0x3FB2] =	sst s0;
	s0 =	simm.s32 @!p1 $0x0  }
0x14: {  	s2 =	sld [smem:$0x3F96];
	s0 =	simm.s32 @p1 $0x1  }
0x15: {  	[smem:$0x3FB3] =	sst s0;
	s0 =	simm.s32 @!p2 $0x0  }
0x16: {  	s3 =	sld [smem:$0x3FDB];
	s0 =	simm.s32 @p2 $0x1  }
0x17: {  	s4 =	simm.s32 $0x1BF5;
	[smem:$0x3FB5] =	sst s0  }
0x18: {  	s0 =	sld [smem:$0x3F98];
	_ =	swait.ge [sflag:s4], $0x0  }
0x19: {  	s7 =	sld [smem:$0x3F99]  }
0x1a: {  	s8 =	sadd.s32 $0xFFFFE003, lr  }
0x1b: {  	s9 =	sadd.s32 $0xFFFFFEF7, lr;
	s5 =	simm.s32 $0xFFFFFFFF;
	p2 =	slt.u32 s8, $0xFFFFF086  }
0x1c: {  	p1 =	slt.u32 s9, $0xF7A;
	s5 =	simm.s32 @!p2 $0x0  }
0x1d: {  	s5 =	simm.s32 @p1 $0x1;
	p0 =	seq.s32 s7, s2  }
0x1e: {  	s7 =	smul.u32 @!p0 $0xF7A, s2;
	p2 =	seq.s32 @!p0 s5, $0x0  }
0x1f: {  	s9 =	smul.u32 $0xF7A, s1;
	s8 =	simm.s32 @!p0 $0x1BF5;
	p2 =	por !p2, p0  }
0x20: {  	[sflag:s8] =	ssyncset.s32 @!p0 $0xFFFFF086;
	s6 =	sadd.s32 @!p0 s3, s7;
	s7 =	simm.s32 @!p0 $0x108  }
0x21: {  	s3 =	sadd.s32 s3, s9;
	s6 =	sadd.s32 @!p0 $0x88, s6;
	s7 =	simm.s32 @p2 $0x1082  }
0x22: {  	[simem:s7], [sflag:s8] =	dma.local @!p0 [hbm:s6], $0xF7A  }
0x23: {  	s9 =	sor.u32 $0xD0000000, s2;
	s6 =	simm.s32 $0x108;
	_ =	swait.ge @!p0 [sflag:s8], $0x0  }
0x24: {  	s3 =	sadd.s32 $0x88, s3;
	s6 =	simm.s32 @!p1 $0x1082;
	[sflag:s4] =	ssyncset.s32 $0xFFFFF086  }
0x25: {  	[simem:s6], [sflag:s4] =	dma.local [hbm:s3], $0xF7A  }
0x26: {  	[smem:$0x3F99] =	sst s1;
	(tag) =	ssettag s2;
	_ =	strace s9  }
0x27: {  	s1 =	sld [smem:$0x3FA9]  }
0x28: {  	s2 =	sld [smem:$0x3FAA]  }
0x29: {  	s4 =	sld [smem:$0x3FAC]  }
0x2a: {  	p0 =	seq.s32 s5, $0x0;
	s5 =	sld [smem:$0x3FAD]  }
0x2b: {  	s6 =	sld [smem:$0x3FAE]  }
0x2c: {  	s7 =	sld [smem:$0x3FAF]  }
0x2d: {  	s3 =	simm.s32 $0x108;
	s8 =	sld [smem:$0x3FB0]  }
0x2e: {  	s3 =	simm.s32 @!p0 $0x1082;
	s9 =	sld [smem:$0x3FB1]  }
0x2f: {  	lr =	sadd.s32 s0, s3;
	s0 =	sld [smem:$0x3FA8]  }
0x30: {  	s3 =	sld [smem:$0x3FAB]  }
0x31: {  	[smem:$0x3FB4] =	sst s10  }
0x32: {  	s10 =	sld [smem:$0x3FB2];
	_ =	sdelay $0x3  }
0x33: {  	p0 =	seq.s32 s10, $0x1;
	s10 =	sld [smem:$0x3FB4];
	_ =	sdelay $0x3  }
0x34: {  	[smem:$0x3FB4] =	sst s10  }
0x35: {  	s10 =	sld [smem:$0x3FB3];
	_ =	sdelay $0x3  }
0x36: {  	p1 =	seq.s32 s10, $0x1;
	s10 =	sld [smem:$0x3FB4];
	_ =	sdelay $0x3  }
0x37: {  	[smem:$0x3FB4] =	sst s10  }
0x38: {  	s10 =	sld [smem:$0x3FB5]  }
0x39: {  	_ = 	snop;
	(pc) =	sbr.ind lr, $3  }
0x3a: {  	_ = 	snop  }
0x3b: {  	_ = 	snop  }
0x3c: {  	p2 =	seq.s32 s10, $0x1;
	s10 =	sld [smem:$0x3FB4]  }
0x3d: {  	_ =	shalt  }
0x3e: {  	_ =	shalt  }
0x3f: {  	_ =	shalt  }
0x40: {  	_ =	shalt  }
0x41: {  	_ =	shalt  }
0x42: {  	_ =	shalt  }
0x43: {  	_ =	shalt  }
0x44: {  	_ =	shalt  }
0x45: {  	_ =	shalt  }
0x46: {  	_ =	shalt  }
0x47: {  	_ =	shalt  }
0x48: {  	_ =	shalt  }
0x49: {  	_ =	shalt  }
0x4a: {  	_ =	shalt  }
0x4b: {  	_ =	shalt  }
0x4c: {  	_ =	shalt  }
0x4d: {  	_ =	shalt  }
0x4e: {  	_ =	shalt  }
0x4f: {  	_ =	shalt  }
0x50: {  	_ =	shalt  }
0x51: {  	_ =	shalt  }
0x52: {  	_ =	shalt  }
0x53: {  	_ =	shalt  }
0x54: {  	_ =	shalt  }
0x55: {  	_ =	shalt  }
0x56: {  	_ =	shalt  }
0x57: {  	_ =	shalt  }
0x58: {  	_ =	shalt  }
0x59: {  	_ =	shalt  }
0x5a: {  	_ =	shalt  }
0x5b: {  	_ =	shalt  }
0x5c: {  	_ =	shalt  }
0x5d: {  	_ =	shalt  }
0x5e: {  	_ =	shalt  }
0x5f: {  	_ =	shalt  }
0x60: {  	_ =	shalt  }
0x61: {  	_ =	shalt  }
0x62: {  	_ =	shalt  }
0x63: {  	_ =	shalt  }
0x64: {  	_ =	shalt  }
0x65: {  	_ =	shalt  }
0x66: {  	_ =	shalt  }
0x67: {  	_ =	shalt  }
0x68: {  	_ =	shalt  }
0x69: {  	_ =	shalt  }
0x6a: {  	_ =	shalt  }
0x6b: {  	_ =	shalt  }
0x6c: {  	_ =	shalt  }
0x6d: {  	_ =	shalt  }
0x6e: {  	_ =	shalt  }
0x6f: {  	_ =	shalt  }
0x70: {  	_ =	shalt  }
0x71: {  	_ =	shalt  }
0x72: {  	_ =	shalt  }
0x73: {  	_ =	shalt  }
0x74: {  	_ =	shalt  }
0x75: {  	_ =	shalt  }
0x76: {  	_ =	shalt  }
0x77: {  	_ =	shalt  }
0x78: {  	_ =	shalt  }
0x79: {  	_ =	shalt  }
0x7a: {  	_ =	shalt  }
0x7b: {  	_ =	shalt  }
0x7c: {  	_ =	shalt  }
0x7d: {  	_ =	shalt  }
0x7e: {  	_ =	shalt  }
0x7f: {  	_ =	shalt  }
0x80: {  	_ =	shalt  }
0x81: {  	_ =	shalt  }
0x82: {  	_ =	shalt  }
0x83: {  	_ =	shalt  }
0x84: {  	_ =	shalt  }
0x85: {  	_ =	shalt  }
0x86: {  	_ =	shalt  }
0x87: {  	_ =	shalt  }
.Lfunc_end0:
.L_simem_size_0:
called_computation.2_lowered:
.L_overlay_start_0:
0x88: {  	s2 =	sld [smem:$0x3FD9]  }
0x89: {  	s3 =	sld [smem:$0x3FFE];
	_ =	sdelay $0x1  }
0x8a: {  	s1 =	srdreg.scid  }
0x8b: {  	s0 =	sand.u32 $0x1, s1  }
0x8c: {  	s17 =	sshll.u32 s0, $0xA;
	s2 =	sadd.s32 s3, s2  }
0x8d: {  	s2 =	sadd.s32 s2, s17  }
0x8e: {  	[smem:$0x3FC0] =	sst s2  }
0x8f: {  	_ = 	snop  }
0x90: {  	s2 =	sld [smem:$0x3FD0];
	(tm) =	ssettm $0x1  }
0x91: {  	s18 =	sld [smem:$0x3FFB];
	_ =	sdelay $0x3  }
0x92: {  	_ =	strace s18  }
0x93: {  	s3 =	sld [smem:$0x3FFC];
	_ =	sdelay $0x3  }
0x94: {  	_ =	strace s3  }
0x95: {  	s3 =	sld [smem:$0x3FFD];
	_ =	sdelay $0x3  }
0x96: {  	_ =	strace s3  }
0x97: {  	_ =	strace $0x8FFFFFFF  }
0x98: {  	s19 =	sld [smem:$0x3FDB];
	_ =	sdelay $0x1  }
0x99: {  	s4 =	simm.s32 $_scs_section_size  }
0x9a: {  	s5 =	simm.s32 $_size__tile_overlayer_lowered;
	s6 =	simm.s32 $_tile_overlayer_lowered  }
0x9b: {  	s22 =	simm.s32 $0x1BFF;
	s21 =	sshll.u32 s6, $0x1;
	s3 =	sadd.s32 s4, s19  }
0x9c: {  	s7 =	simm.s32 $0x0;
	s20 =	sshll.u32 s5, $0x1;
	s5 =	sadd.s32 s21, s3  }
0x9d: {  	[timem:s7], [sflag:s22] =	dma.local [hbm:s5], s20  }
0x9e: {  	_ =	swait.ge [sflag:s22], s20  }
0x9f: {  	s4 =	ssub.s32 $0x0, s20;
	[sflag:s22] =	ssyncset.done $0x0  }
0xa0: {  	[sflag:s22] =	ssyncadd.s32 s4;
	_ =	sdelay $0x1  }
0xa1: {  	s23 =	simm.s32 $0x1B8B  }
0xa2: {  	_ =	swait.ge [sflag:s23], $0x1  }
0xa3: {  	[sflag:s23] =	ssyncset.done $0x0  }
0xa4: {  	s25 =	simm.s32 $0x1B8E;
	s24 =	sld [smem:$0x3FFE];
	[sflag:s23] =	ssyncadd.s32 $0xFFFFFFFF  }
0xa5: {  	s26 =	simm.s32 $execute0_lowered;
	[smem:$0x3FD2] =	sst s25  }
0xa6: {  	s5 =	sshll.u32 s26, $0x1;
	_ =	strace $0x8000004C;
	[dreg:$0x1] =	wrdreg $0xFFFFFFFF  }
0xa7: {  	s28 =	simm.s32 $_size_execute0_lowered;
	s3 =	sadd.s32 s3, s5;
	[dreg:$0x0] =	wrdreg $0x0  }
0xa8: {  	s5 =	sshll.u32 s28, $0x1;
	[dreg:$0x2] =	wrdreg s3  }
0xa9: {  	[dreg:$0x3] =	wrdreg s5  }
0xaa: {  	[dreg:$0x4] =	wrdreg $0xC0  }
0xab: {  	_ =	task [dreg:s7], $0x5FFFF  }
0xac: {  	[dreg:$0x1] =	wrdreg $0xFFFFFFFF  }
0xad: {  	[dreg:$0x0] =	wrdreg $0x60  }
0xae: {  	[dreg:$0x2] =	wrdreg s24  }
0xaf: {  	[dreg:$0x3] =	wrdreg s2  }
0xb0: {  	[dreg:$0x4] =	wrdreg $0xAA000  }
0xb1: {  	[dreg:$0x5] =	wrdreg $0x9  }
0xb2: {  	_ =	task.clear_ibuf [dreg:s7], $0x6FFFF;
	_ =	strace $0x9000004C  }
0xb3: {  	s29 =	simm.s32 $0x9;
	_ =	strace $0x8000004E  }
0xb4: {  	_ =	swait.ge [sflag:s29], $0x1  }
0xb5: {  	[sflag:s29] =	ssyncadd.s32 $0xFFFFFFFF  }
0xb6: {  	_ =	strace $0x9000004E  }
0xb7: {  	_ =	sfence  }
0xb8: {  	s30 =	sld [smem:$0x0];
	_ =	sdelay $0x2  }
0xb9: {  	s31 =	sshll.u32 s1, $0xD;
	s1 =	sshrl.u32 s1, $0x2  }
0xba: {  	s3 =	sand.u32 $0x4000, s31;
	s1 =	sadd.s32 s1, s30  }
0xbb: {  	s0 =	sor.u32 s3, s0;
	s1 =	sshll.u32 s1, $0x11  }
0xbc: {  	s0 =	sor.u32 s1, s0  }
0xbd: {  	s0 =	sadd.s32 $0x8F2B, s0  }
0xbe: {  	[sflag:s0] =	ssyncadd.remote.s32 $0x1  }
0xbf: {  	_ =	sfence.sel $0xFFFF  }
0xc0: {  	[dreg:$0x0] =	wrdreg $0xFFFFFFFF;
	(pc) =	sbr.abs _section_cstart, $3  }
0xc1: {  	[dreg:$0x1] =	wrdreg $0xFFFFFFFF  }
0xc2: {  	_ =	task.clear_ibuf [dreg:s7], $0x2FFFF;
	_ =	strace $0x9FFFFFFF  }
0xc3: {  	(tm) =	ssettm $0x7FFFFFFF  }
tec
execute0_lowered:
.L_overlay_start_1:
0x0: {  	(tag) =	ssettag $0x1  }
0x1: {  	s0 =	rddreg [dreg:$0x0]  }
0x2: {  	s1 =	rddreg [dreg:$0x1]  }
0x3: {  	s2 =	rddreg [dreg:$0x2];
	s3 =	srdreg.scid  }
0x4: {  	s4 =	simm.s32 $0x0;
	s12 =	stileid.u32;
	s28 =	simm.s32 $0x380  }
0x5: {  	s29 =	simm.s32 $0x400;
	s3 =	sand.u32 $0x1, s3;
	s8 =	smul.u32 $0x280, s12  }
0x6: {  	[smem:$0x7FF] =	sst s4;
	s5 =	sadd.s32 $0x2A00, s0;
	s9 =	smul.u32 $0x50000, s12  }
0x7: {  	s6 =	sadd.s32 $0x58400, s0;
	s25 =	sshll.u32 s12, $0x6;
	s7 =	smul.u32 $0x2800, s3  }
0x8: {  	_ =	strace $0x8000004D;
	s23 =	sshll.u32 s3, $0x4;
	s3 =	ssub.s32 $0x2, s3  }
0x9: {  	s15 =	sor.u32 $0x1C15, s25;
	s11 =	sshrl.u32 s3, $0x1;
	s24 =	sshrl.u32 s9, $0x2  }
0xa: {  	[dreg:$0x6] =	wrdreg s15;
	s7 =	sadd.s32 s8, s7;
	s8 =	sor.u32 s12, s23  }
0xb: {  	s10 =	sshll.u32 s7, $0x4;
	s7 =	smul.u32 $0x5000, s8;
	s8 =	sadd.s32 s24, s2  }
0xc: {  	s0 =	sadd.s32 s10, s0;
	[dreg:$0x4] =	wrdreg s8;
	s10 =	sadd.s32 s5, s10  }
0xd: {  	s26 =	sshrl.u32 s7, $0x3;
	[dreg:$0x5] =	wrdreg s10;
	s0 =	sadd.s32 $0x6C400, s0  }
0xe: {  	s3 =	ssub.s32 s3, s11;
	s21 =	sadd.s32 s1, s26;
	[dreg:$0x19] =	wrdreg s0  }
0xf: {  	s30 =	sor.u32 $0x10, s26;
	s22 =	sadd.s32 s6, s26;
	[dreg:$0x13] =	wrdreg s21  }
0x10: {  	s4 =	sor.u32 $0x20, s26;
	s31 =	sadd.s32 s1, s30;
	[dreg:$0x14] =	wrdreg s22  }
0x11: {  	s12 =	sor.u32 $0x30, s26;
	s8 =	sadd.s32 s6, s30;
	[dreg:$0x7] =	wrdreg s31  }
0x12: {  	s14 =	sor.u32 $0x40, s26;
	s11 =	sadd.s32 s1, s4;
	[dreg:$0x8] =	wrdreg s8  }
0x13: {  	s17 =	sor.u32 $0x50, s26;
	s13 =	sadd.s32 s1, s12;
	[dreg:$0x9] =	wrdreg s11  }
0x14: {  	s19 =	sor.u32 $0x60, s26;
	s16 =	sadd.s32 s1, s14;
	[dreg:$0xb] =	wrdreg s13  }
0x15: {  	s23 =	sor.u32 $0x70, s26;
	s18 =	sadd.s32 s1, s17;
	[dreg:$0xd] =	wrdreg s16  }
0x16: {  	s9 =	sor.u32 $0x80, s26;
	s20 =	sadd.s32 s1, s19;
	[dreg:$0xf] =	wrdreg s18  }
0x17: {  	s0 =	simm.s32 $0x0;
	s24 =	sadd.s32 s1, s23;
	[dreg:$0x11] =	wrdreg s20  }
0x18: {  	s25 =	sadd.s32 s1, s9;
	s26 =	sadd.s32 s6, s9;
	[dreg:$0x15] =	wrdreg s24  }
0x19: {  	s30 =	smax.u32 s3, $0x1;
	s9 =	simm.s32 $0xA;
	[dreg:$0x17] =	wrdreg s25  }
0x1a: {  	s22 =	simm.s32 $0x13;
	s8 =	sadd.s32 s6, s4;
	[dreg:$0x18] =	wrdreg s26  }
0x1b: {  	[dreg:$0x1a] =	wrdreg s30;
	s31 =	sor.u32 $0x800, s7;
	s26 =	simm.s32 $0x40  }
0x1c: {  	s11 =	simm.s32 $0xA00;
	s4 =	simm.s32 $0x2A00;
	s13 =	simm.s32 $0x980  }
0x1d: {  	s18 =	simm.s32 $0x10;
	s20 =	simm.s32 $0x12;
	[dreg:$0xa] =	wrdreg s8  }
0x1e: {  	s25 =	simm.s32 $0x4A00;
	s8 =	sadd.s32 s6, s12;
	[dreg:$0x1b] =	wrdreg s31  }
.Ltmp0:
0x1f: {  	[dreg:$0xc] =	wrdreg s8;
	s8 =	sadd.s32 s6, s14;
	(pc) =	sbr.rel .LBB2_1-.Ltmp0, $4  }
0x20: {  	s12 =	simm.s32 $0x900;
	[dreg:$0xe] =	wrdreg s8;
	s8 =	sadd.s32 s6, s17  }
0x21: {  	s17 =	simm.s32 $0xC;
	[dreg:$0x10] =	wrdreg s8;
	s8 =	sadd.s32 s6, s19  }
0x22: {  	s19 =	simm.s32 $0xE;
	[dreg:$0x12] =	wrdreg s8;
	s8 =	sadd.s32 s6, s23  }
0x23: {  	s23 =	simm.s32 $0x6A00;
	[dreg:$0x16] =	wrdreg s8;
	s8 =	simm.s32 $0x15  }
.LBB2_4:
0x24: {  	_ =	swait.ge [sflag:s0], $0x2000  }
0x25: {  	[sflag:s0] =	ssyncset.done $0x0  }
0x26: {  	[sflag:s0] =	ssyncadd.s32 $0xFFFFE000  }
0x27: {  	[spmem:s2] =	stream.indirect.scatter.add.f32 [tilespmem:s10], [sflag:$0x14], $0x80, s13, s26, $0xb8;
	[tilespmem:$0x1EA00] =	vst v63  }
0x28: {  	_ =	swait.ge [sflag:s22], $0x2000  }
0x29: {  	[sflag:s22] =	ssyncset.done $0x0  }
0x2a: {  	s3 =	simm.s32 $0x14;
	[sflag:s22] =	ssyncadd.s32 $0xFFFFE000  }
0x2b: {  	_ =	swait.ge [sflag:s3], $0x2000  }
0x2c: {  	[sflag:s3] =	ssyncset.done $0x0  }
0x2d: {  	[sflag:s3] =	ssyncadd.s32 $0xFFFFE000  }
0x2e: {  	[bflag:$0x0] =	sbarrier.arrive $0xFFFF  }
0x2f: {  	s15 =	rddreg [dreg:$0x6]  }
0x30: {  	s23 =	rddreg [dreg:$0x19]  }
0x31: {  	s8 =	simm.s32 $0x15;
	s24 =	rddreg [dreg:$0x1d]  }
0x32: {  	[hbm:s23], [sflag:s15] =	dma.local [spmem:s24], $0x2800  }
0x33: {  	_ =	swait.ge [sflag:s8], $0x2800  }
0x34: {  	s30 =	rddreg [dreg:$0x1c]  }
0x35: {  	s31 =	rddreg [dreg:$0x1a];
	s0 =	sadd.s32 $0x1, s30  }
0x36: {  	p0 =	sne.s32 s0, s31  }
.Ltmp1:
0x37: {  	_ = 	snop;
	(pc) =	sbr.rel @!p0 .LBB2_5-.Ltmp1, $3  }
0x38: {  	_ =	sdelay $0x1  }
0x39: {  	s28 =	simm.s32 $0x380;
	s29 =	simm.s32 $0x400;
	[sflag:s8] =	ssyncset.done $0x0  }
0x3a: {  	s13 =	simm.s32 $0x980;
	s23 =	simm.s32 $0x6A00;
	[sflag:s8] =	ssyncadd.s32 $0xFFFFD800  }
.LBB2_1:
0x3b: {  	[dreg:$0x1c] =	wrdreg s0  }
0x3c: {  	s3 =	rddreg [dreg:$0x4]  }
0x3d: {  	s30 =	rddreg [dreg:$0x5];
	s24 =	sshrl.u32 s3, $0x3  }
0x3e: {  	[dreg:$0x1d] =	wrdreg s24  }
0x3f: {  	[spmem:s24], [sflag:s15] =	dma.local [hbm:s30], $0x2800  }
0x40: {  	_ =	swait.ge [sflag:s8], $0x2800  }
0x41: {  	[sflag:s8] =	ssyncset.done $0x0  }
0x42: {  	[sflag:s8] =	ssyncadd.s32 $0xFFFFD800  }
0x43: {  	[bflag:$0x0] =	sbarrier.arrive $0xFFFF  }
0x44: {  	s10 =	simm.s32 $0x0;
	s8 =	rddreg [dreg:$0x13]  }
0x45: {  	[tilespmem:s10], [sflag:$0x1] =	stream.linear.gather [hbm4b:s8+s10], $0x80, $0x38;
	[tilespmem:$0x1EA00] =	vst v63  }
0x46: {  	s15 =	simm.s32 $0x500;
	s14 =	rddreg [dreg:$0x14]  }
0x47: {  	[tilespmem:s15], [sflag:$0x1] =	stream.linear.gather [hbm4b:s14+s10], $0x80, $0x38;
	[tilespmem:$0x1EA00] =	vst v63  }
0x48: {  	s16 =	rddreg [dreg:$0x7];
	s8 =	simm.s32 $0x80  }
0x49: {  	[tilespmem:s8], [sflag:$0x2] =	stream.linear.gather [hbm4b:s16+s10], $0x80, $0x38;
	[tilespmem:$0x1EA00] =	vst v63  }
0x4a: {  	s24 =	simm.s32 $0x580;
	s21 =	rddreg [dreg:$0x8]  }
0x4b: {  	[tilespmem:s24], [sflag:$0x2] =	stream.linear.gather [hbm4b:s21+s10], $0x80, $0x38;
	[tilespmem:$0x1EA00] =	vst v63  }
0x4c: {  	s30 =	rddreg [dreg:$0x9];
	s15 =	simm.s32 $0x100  }
0x4d: {  	[tilespmem:s15], [sflag:$0x3] =	stream.linear.gather [hbm4b:s30+s10], $0x80, $0x38;
	[tilespmem:$0x1EA00] =	vst v63  }
0x4e: {  	s0 =	rddreg [dreg:$0xa];
	s16 =	simm.s32 $0x600  }
0x4f: {  	[tilespmem:s16], [sflag:$0x3] =	stream.linear.gather [hbm4b:s0+s10], $0x80, $0x38;
	[tilespmem:$0x1EA00] =	vst v63  }
0x50: {  	s14 =	rddreg [dreg:$0xb];
	s16 =	simm.s32 $0x180  }
0x51: {  	[tilespmem:s16], [sflag:$0x4] =	stream.linear.gather [hbm4b:s14+s10], $0x80, $0x38;
	[tilespmem:$0x1EA00] =	vst v63  }
0x52: {  	s21 =	rddreg [dreg:$0xc];
	s24 =	simm.s32 $0x680  }
0x53: {  	[tilespmem:s24], [sflag:$0x4] =	stream.linear.gather [hbm4b:s21+s10], $0x80, $0x38;
	[tilespmem:$0x1EA00] =	vst v63  }
0x54: {  	s30 =	rddreg [dreg:$0xd];
	s0 =	simm.s32 $0x200  }
0x55: {  	[tilespmem:s0], [sflag:$0x5] =	stream.linear.gather [hbm4b:s30+s10], $0x80, $0x38;
	[tilespmem:$0x1EA00] =	vst v63  }
0x56: {  	s14 =	rddreg [dreg:$0xe];
	s21 =	simm.s32 $0x700  }
0x57: {  	[tilespmem:s21], [sflag:$0x5] =	stream.linear.gather [hbm4b:s14+s10], $0x80, $0x38;
	[tilespmem:$0x1EA00] =	vst v63  }
0x58: {  	s30 =	rddreg [dreg:$0xf];
	s0 =	simm.s32 $0x280  }
0x59: {  	[tilespmem:s0], [sflag:$0x6] =	stream.linear.gather [hbm4b:s30+s10], $0x80, $0x38;
	[tilespmem:$0x1EA00] =	vst v63  }
0x5a: {  	s14 =	rddreg [dreg:$0x10];
	s21 =	simm.s32 $0x780  }
0x5b: {  	[tilespmem:s21], [sflag:$0x6] =	stream.linear.gather [hbm4b:s14+s10], $0x80, $0x38;
	[tilespmem:$0x1EA00] =	vst v63  }
0x5c: {  	s30 =	rddreg [dreg:$0x11];
	s0 =	simm.s32 $0x300  }
0x5d: {  	[tilespmem:s0], [sflag:$0x7] =	stream.linear.gather [hbm4b:s30+s10], $0x80, $0x38;
	[tilespmem:$0x1EA00] =	vst v63  }
0x5e: {  	s14 =	rddreg [dreg:$0x12];
	s21 =	simm.s32 $0x800  }
0x5f: {  	[tilespmem:s21], [sflag:$0x7] =	stream.linear.gather [hbm4b:s14+s10], $0x80, $0x38;
	[tilespmem:$0x1EA00] =	vst v63  }
0x60: {  	s24 =	rddreg [dreg:$0x15]  }
0x61: {  	[tilespmem:s28], [sflag:$0x8] =	stream.linear.gather [hbm4b:s24+s10], $0x80, $0x38;
	[tilespmem:$0x1EA00] =	vst v63  }
0x62: {  	s30 =	rddreg [dreg:$0x16];
	s0 =	simm.s32 $0x880  }
0x63: {  	[tilespmem:s0], [sflag:$0x8] =	stream.linear.gather [hbm4b:s30+s10], $0x80, $0x38;
	[tilespmem:$0x1EA00] =	vst v63  }
0x64: {  	s14 =	rddreg [dreg:$0x17]  }
0x65: {  	[tilespmem:s29], [sflag:$0x9] =	stream.linear.gather [hbm4b:s14+s10], $0x80, $0x38;
	[tilespmem:$0x1EA00] =	vst v63  }
0x66: {  	s21 =	rddreg [dreg:$0x18];
	s24 =	simm.s32 $0x1  }
0x67: {  	[tilespmem:s12], [sflag:$0x9] =	stream.linear.gather [hbm4b:s21+s10], $0x80, $0x38;
	[tilespmem:$0x1EA00] =	vst v63  }
0x68: {  	_ =	swait.ge [sflag:s24], $0x80  }
0x69: {  	[sflag:s24] =	ssyncset.done $0x0  }
0x6a: {  	[sflag:s24] =	ssyncadd.s32 $0xFFFFFF80  }
0x6b: {  	_ =	swait.ge [sflag:s24], $0x80  }
0x6c: {  	[sflag:s24] =	ssyncset.done $0x0  }
0x6d: {  	s28 =	simm.s32 $0x2;
	[sflag:s24] =	ssyncadd.s32 $0xFFFFFF80  }
0x6e: {  	[tilespmem:s11], [sflag:$0xB] =	stream.indirect.gather [hbm4b:s5+s26], $0x80, s10, s26, $0xb8;
	[tilespmem:$0x1EA00] =	vst v63  }
0x6f: {  	_ =	swait.ge [sflag:s28], $0x80  }
0x70: {  	[sflag:s28] =	ssyncset.done $0x0  }
0x71: {  	[sflag:s28] =	ssyncadd.s32 $0xFFFFFF80  }
0x72: {  	_ =	swait.ge [sflag:s28], $0x80  }
0x73: {  	[sflag:s28] =	ssyncset.done $0x0  }
0x74: {  	s29 =	simm.s32 $0x3;
	[sflag:s28] =	ssyncadd.s32 $0xFFFFFF80  }
0x75: {  	[tilespmem:s4], [sflag:$0xC] =	stream.indirect.gather [hbm4b:s5+s26], $0x80, s8, s26, $0xb8;
	[tilespmem:$0x1EA00] =	vst v63  }
0x76: {  	_ =	swait.ge [sflag:s29], $0x80  }
0x77: {  	[sflag:s29] =	ssyncset.done $0x0  }
0x78: {  	[sflag:s29] =	ssyncadd.s32 $0xFFFFFF80  }
0x79: {  	_ =	swait.ge [sflag:s29], $0x80  }
0x7a: {  	[sflag:s29] =	ssyncset.done $0x0  }
0x7b: {  	s30 =	simm.s32 $0x4;
	s24 =	simm.s32 $0x4A00;
	[sflag:s29] =	ssyncadd.s32 $0xFFFFFF80  }
0x7c: {  	[tilespmem:s24], [sflag:$0xD] =	stream.indirect.gather [hbm4b:s5+s26], $0x80, s15, s26, $0xb8;
	[tilespmem:$0x1EA00] =	vst v63  }
0x7d: {  	_ =	swait.ge [sflag:s30], $0x80  }
0x7e: {  	[sflag:s30] =	ssyncset.done $0x0  }
0x7f: {  	[sflag:s30] =	ssyncadd.s32 $0xFFFFFF80  }
0x80: {  	s31 =	simm.s32 $0x0;
	s0 =	simm.s32 $0xF;
	_ =	swait.ge [sflag:s30], $0x80  }
0x81: {  	s14 =	simm.s32 $0x8A00;
	s21 =	simm.s32 $0x900;
	[sflag:s30] =	ssyncset.done $0x0  }
0x82: {  	s11 =	simm.s32 $0x0;
	s8 =	simm.s32 $0x900;
	[sflag:s30] =	ssyncadd.s32 $0xFFFFFF80  }
0x83: {  	[tilespmem:s23], [sflag:$0xE] =	stream.indirect.gather [hbm4b:s5+s26], $0x80, s16, s26, $0xb8;
	[tilespmem:$0x1EA00] =	vst v63  }
.LBB2_2:
0x84: {  	s30 =	simm.s32 $0xB;
	s3 =	simm.s32 $0x500;
	s4 =	simm.s32 $0xA00  }
0x85: {  	s28 =	sadd.s32 $0xFFFFFB80, s8;
	p0 =	seq.s32 s8, $0x900;
	_ =	swait.ge [sflag:s30], $0x2000  }
0x86: {  	s29 =	sand.u32 $0xFC00, s28;
	s15 =	simm.s32 @!p0 $0x14;
	[sflag:s30] =	ssyncset.done $0x0  }
0x87: {  	s28 =	sand.u32 $0x380, s28;
	s29 =	sadd.s32 s7, s29;
	[sflag:s30] =	ssyncadd.s32 $0xFFFFE000  }
0x88: {  	[spmem:s2] =	stream.indirect.scatter.add.f32 [tilespmem:s4], [sflag:$0x10], $0x80, s3, s26, $0xb8;
	[tilespmem:$0x1EA00] =	vst v63  }
0x89: {  	s28 =	sor.u32 s28, s29;
	_ =	swait.ge @!p0 [sflag:s15], $0x2000  }
0x8a: {  	s28 =	sshrl.u32 s28, $0x3;
	[sflag:s15] =	ssyncset.done @!p0 $0x0  }
0x8b: {  	s12 =	simm.s32 $0x480;
	s3 =	sadd.s32 s1, s28;
	[sflag:s15] =	ssyncadd.s32 @!p0 $0xFFFFE000  }
0x8c: {  	[tilespmem:s12], [sflag:$0xA] =	stream.linear.gather [hbm4b:s3+s11], $0x80, $0x38;
	[tilespmem:$0x1EA00] =	vst v63  }
0x8d: {  	s16 =	simm.s32 $0x5;
	s10 =	sadd.s32 s6, s28  }
0x8e: {  	[tilespmem:s13], [sflag:$0xA] =	stream.linear.gather [hbm4b:s10+s11], $0x80, $0x38;
	[tilespmem:$0x1EA00] =	vst v63  }
0x8f: {  	_ =	swait.ge [sflag:s16], $0x80  }
0x90: {  	[sflag:s16] =	ssyncset.done $0x0  }
0x91: {  	[sflag:s16] =	ssyncadd.s32 $0xFFFFFF80  }
0x92: {  	_ =	swait.ge [sflag:s16], $0x80  }
0x93: {  	[sflag:s16] =	ssyncset.done $0x0  }
0x94: {  	s28 =	simm.s32 $0x200;
	p0 =	seq.s32 s8, $0x5400;
	[sflag:s16] =	ssyncadd.s32 $0xFFFFFF80  }
0x95: {  	[tilespmem:s14], [sflag:$0xF] =	stream.indirect.gather [hbm4b:s5+s26], $0x80, s28, s26, $0xb8;
	[tilespmem:$0x1EA00] =	vst v63  }
0x96: {  	s29 =	simm.s32 $0x580;
	s15 =	sadd.s32 @!p0 $0xFFFFFC00, s8;
	_ =	swait.ge [sflag:s17], $0x2000  }
0x97: {  	s10 =	simm.s32 $0x2A00;
	s28 =	sand.u32 @!p0 $0xFC00, s15;
	[sflag:s17] =	ssyncset.done $0x0  }
0x98: {  	s15 =	sand.u32 @!p0 $0x300, s15;
	s28 =	sadd.s32 @!p0 s7, s28;
	[sflag:s17] =	ssyncadd.s32 $0xFFFFE000  }
0x99: {  	[spmem:s2] =	stream.indirect.scatter.add.f32 [tilespmem:s10], [sflag:$0x11], $0x80, s29, s26, $0xb8;
	[tilespmem:$0x1EA00] =	vst v63  }
0x9a: {  	s15 =	sor.u32 @!p0 s15, s28;
	_ =	swait.ge [sflag:s18], $0x2000  }
0x9b: {  	s15 =	sshrl.u32 @!p0 s15, $0x3;
	[sflag:s18] =	ssyncset.done $0x0  }
0x9c: {  	s28 =	simm.s32 @!p0 $0x0;
	s29 =	sadd.s32 @!p0 s1, s15;
	[sflag:s18] =	ssyncadd.s32 $0xFFFFE000  }
0x9d: {  	[tilespmem:s28], [sflag:$0x1] =	stream.linear.gather @!p0 [hbm4b:s29+s28], $0x80, $0x38;
	[tilespmem:$0x1EA00] =	vst v63  }
0x9e: {  	s11 =	simm.s32 $0x6;
	s15 =	sadd.s32 @!p0 s6, s15;
	s29 =	simm.s32 @!p0 $0x500  }
0x9f: {  	[tilespmem:s29], [sflag:$0x1] =	stream.linear.gather @!p0 [hbm4b:s15+s28], $0x80, $0x38;
	[tilespmem:$0x1EA00] =	vst v63  }
0xa0: {  	_ =	swait.ge [sflag:s11], $0x80  }
0xa1: {  	[sflag:s11] =	ssyncset.done $0x0  }
0xa2: {  	[sflag:s11] =	ssyncadd.s32 $0xFFFFFF80  }
0xa3: {  	_ =	swait.ge [sflag:s11], $0x80  }
0xa4: {  	[sflag:s11] =	ssyncset.done $0x0  }
0xa5: {  	s13 =	simm.s32 $0x280;
	s15 =	simm.s32 $0xD;
	[sflag:s11] =	ssyncadd.s32 $0xFFFFFF80  }
0xa6: {  	[tilespmem:s4], [sflag:$0xB] =	stream.indirect.gather [hbm4b:s5+s26], $0x80, s13, s26, $0xb8;
	[tilespmem:$0x1EA00] =	vst v63  }
0xa7: {  	_ =	swait.ge [sflag:s15], $0x2000  }
0xa8: {  	[sflag:s15] =	ssyncset.done $0x0  }
0xa9: {  	s16 =	simm.s32 $0x600;
	[sflag:s15] =	ssyncadd.s32 $0xFFFFE000;
	s15 =	sadd.s32 @!p0 $0xFFFFFC80, s8  }
0xaa: {  	[spmem:s2] =	stream.indirect.scatter.add.f32 [tilespmem:s24], [sflag:$0x12], $0x80, s16, s26, $0xb8;
	[tilespmem:$0x1EA00] =	vst v63  }
0xab: {  	s29 =	sand.u32 @!p0 $0xFC00, s15  }
0xac: {  	s15 =	sand.u32 @!p0 $0x380, s15;
	s24 =	simm.s32 $0x11;
	s29 =	sadd.s32 @!p0 s7, s29  }
0xad: {  	_ =	swait.ge [sflag:s24], $0x2000;
	s15 =	sor.u32 @!p0 s15, s29  }
0xae: {  	[sflag:s24] =	ssyncset.done $0x0;
	s15 =	sshrl.u32 @!p0 s15, $0x3  }
0xaf: {  	s29 =	simm.s32 @!p0 $0x80;
	[sflag:s24] =	ssyncadd.s32 $0xFFFFE000;
	s16 =	sadd.s32 @!p0 s1, s15  }
0xb0: {  	[tilespmem:s29], [sflag:$0x2] =	stream.linear.gather @!p0 [hbm4b:s16+s28], $0x80, $0x38;
	[tilespmem:$0x1EA00] =	vst v63  }
0xb1: {  	s11 =	simm.s32 $0x7;
	s15 =	sadd.s32 @!p0 s6, s15;
	s16 =	simm.s32 @!p0 $0x580  }
0xb2: {  	[tilespmem:s16], [sflag:$0x2] =	stream.linear.gather @!p0 [hbm4b:s15+s28], $0x80, $0x38;
	[tilespmem:$0x1EA00] =	vst v63  }
0xb3: {  	_ =	swait.ge [sflag:s11], $0x80  }
0xb4: {  	[sflag:s11] =	ssyncset.done $0x0  }
0xb5: {  	[sflag:s11] =	ssyncadd.s32 $0xFFFFFF80  }
0xb6: {  	_ =	swait.ge [sflag:s11], $0x80  }
0xb7: {  	[sflag:s11] =	ssyncset.done $0x0  }
0xb8: {  	s13 =	simm.s32 $0x300;
	[sflag:s11] =	ssyncadd.s32 $0xFFFFFF80  }
0xb9: {  	[tilespmem:s10], [sflag:$0xC] =	stream.indirect.gather [hbm4b:s5+s26], $0x80, s13, s26, $0xb8;
	[tilespmem:$0x1EA00] =	vst v63  }
0xba: {  	_ =	swait.ge [sflag:s19], $0x2000  }
0xbb: {  	[sflag:s19] =	ssyncset.done $0x0  }
0xbc: {  	s15 =	simm.s32 $0x680;
	[sflag:s19] =	ssyncadd.s32 $0xFFFFE000  }
0xbd: {  	[spmem:s2] =	stream.indirect.scatter.add.f32 [tilespmem:s23], [sflag:$0x13], $0x80, s15, s26, $0xb8;
	[tilespmem:$0x1EA00] =	vst v63  }
0xbe: {  	s15 =	sadd.s32 @!p0 $0xFFFFFD00, s8  }
0xbf: {  	s16 =	sand.u32 @!p0 $0xFC00, s15  }
0xc0: {  	s15 =	sand.u32 @!p0 $0x300, s15;
	s16 =	sadd.s32 @!p0 s7, s16  }
0xc1: {  	_ =	swait.ge [sflag:s20], $0x2000;
	s15 =	sor.u32 @!p0 s15, s16  }
0xc2: {  	[sflag:s20] =	ssyncset.done $0x0;
	s15 =	sshrl.u32 @!p0 s15, $0x3  }
0xc3: {  	s24 =	simm.s32 @!p0 $0x100;
	[sflag:s20] =	ssyncadd.s32 $0xFFFFE000;
	s16 =	sadd.s32 @!p0 s1, s15  }
0xc4: {  	[tilespmem:s24], [sflag:$0x3] =	stream.linear.gather @!p0 [hbm4b:s16+s28], $0x80, $0x38;
	[tilespmem:$0x1EA00] =	vst v63  }
0xc5: {  	s15 =	sadd.s32 @!p0 s6, s15;
	s16 =	simm.s32 @!p0 $0x600  }
0xc6: {  	[tilespmem:s16], [sflag:$0x3] =	stream.linear.gather @!p0 [hbm4b:s15+s28], $0x80, $0x38;
	[tilespmem:$0x1EA00] =	vst v63  }
0xc7: {  	s16 =	simm.s32 $0x8  }
0xc8: {  	_ =	swait.ge [sflag:s16], $0x80  }
0xc9: {  	[sflag:s16] =	ssyncset.done $0x0  }
0xca: {  	[sflag:s16] =	ssyncadd.s32 $0xFFFFFF80  }
0xcb: {  	_ =	swait.ge [sflag:s16], $0x80  }
0xcc: {  	[sflag:s16] =	ssyncset.done $0x0  }
0xcd: {  	s24 =	simm.s32 $0x380;
	[sflag:s16] =	ssyncadd.s32 $0xFFFFFF80  }
0xce: {  	[tilespmem:s25], [sflag:$0xD] =	stream.indirect.gather [hbm4b:s5+s26], $0x80, s24, s26, $0xb8;
	[tilespmem:$0x1EA00] =	vst v63  }
0xcf: {  	s15 =	sadd.s32 @!p0 $0xFFFFFD80, s8;
	_ =	swait.ge [sflag:s0], $0x2000  }
0xd0: {  	s11 =	simm.s32 $0x700;
	s16 =	sand.u32 @!p0 $0xFC00, s15;
	[sflag:s0] =	ssyncset.done $0x0  }
0xd1: {  	s15 =	sand.u32 @!p0 $0x380, s15;
	s16 =	sadd.s32 @!p0 s7, s16;
	[sflag:s0] =	ssyncadd.s32 $0xFFFFE000  }
0xd2: {  	[spmem:s2] =	stream.indirect.scatter.add.f32 [tilespmem:s14], [sflag:$0x14], $0x80, s11, s26, $0xb8;
	[tilespmem:$0x1EA00] =	vst v63  }
0xd3: {  	s15 =	sor.u32 @!p0 s15, s16;
	_ =	swait.ge [sflag:s22], $0x2000  }
0xd4: {  	s15 =	sshrl.u32 @!p0 s15, $0x3;
	[sflag:s22] =	ssyncset.done $0x0  }
0xd5: {  	s24 =	simm.s32 @!p0 $0x180;
	s16 =	sadd.s32 @!p0 s1, s15;
	[sflag:s22] =	ssyncadd.s32 $0xFFFFE000  }
0xd6: {  	[tilespmem:s24], [sflag:$0x4] =	stream.linear.gather @!p0 [hbm4b:s16+s28], $0x80, $0x38;
	[tilespmem:$0x1EA00] =	vst v63  }
0xd7: {  	s15 =	sadd.s32 @!p0 s6, s15;
	s16 =	simm.s32 @!p0 $0x680  }
0xd8: {  	[tilespmem:s16], [sflag:$0x4] =	stream.linear.gather @!p0 [hbm4b:s15+s28], $0x80, $0x38;
	[tilespmem:$0x1EA00] =	vst v63  }
0xd9: {  	s15 =	simm.s32 $0x9  }
0xda: {  	_ =	swait.ge [sflag:s15], $0x80  }
0xdb: {  	[sflag:s15] =	ssyncset.done $0x0  }
0xdc: {  	[sflag:s15] =	ssyncadd.s32 $0xFFFFFF80  }
0xdd: {  	_ =	swait.ge [sflag:s15], $0x80  }
0xde: {  	[sflag:s15] =	ssyncset.done $0x0  }
0xdf: {  	s23 =	simm.s32 $0x6A00;
	s16 =	simm.s32 $0x400;
	[sflag:s15] =	ssyncadd.s32 $0xFFFFFF80  }
0xe0: {  	[tilespmem:s23], [sflag:$0xE] =	stream.indirect.gather [hbm4b:s5+s26], $0x80, s16, s26, $0xb8;
	[tilespmem:$0x1EA00] =	vst v63  }
0xe1: {  	_ =	swait.ge [sflag:s30], $0x2000  }
0xe2: {  	s15 =	sadd.s32 @!p0 $0xFFFFFE00, s8;
	[sflag:s30] =	ssyncset.done $0x0  }
0xe3: {  	s24 =	simm.s32 $0x780;
	s16 =	sand.u32 @!p0 $0xFC00, s15;
	[sflag:s30] =	ssyncadd.s32 $0xFFFFE000  }
0xe4: {  	[spmem:s2] =	stream.indirect.scatter.add.f32 [tilespmem:s4], [sflag:$0x10], $0x80, s24, s26, $0xb8;
	[tilespmem:$0x1EA00] =	vst v63  }
0xe5: {  	s15 =	sand.u32 @!p0 $0x300, s15;
	s16 =	sadd.s32 @!p0 s7, s16;
	s4 =	simm.s32 $0x14  }
0xe6: {  	s15 =	sor.u32 @!p0 s15, s16;
	_ =	swait.ge [sflag:s4], $0x2000  }
0xe7: {  	s15 =	sshrl.u32 @!p0 s15, $0x3;
	[sflag:s4] =	ssyncset.done $0x0  }
0xe8: {  	s16 =	sadd.s32 @!p0 s1, s15;
	s24 =	simm.s32 @!p0 $0x200;
	[sflag:s4] =	ssyncadd.s32 $0xFFFFE000  }
0xe9: {  	[tilespmem:s24], [sflag:$0x5] =	stream.linear.gather @!p0 [hbm4b:s16+s28], $0x80, $0x38;
	[tilespmem:$0x1EA00] =	vst v63  }
0xea: {  	s15 =	sadd.s32 @!p0 s6, s15;
	s16 =	simm.s32 @!p0 $0x700  }
0xeb: {  	[tilespmem:s16], [sflag:$0x5] =	stream.linear.gather @!p0 [hbm4b:s15+s28], $0x80, $0x38;
	[tilespmem:$0x1EA00] =	vst v63  }
0xec: {  	_ =	swait.ge [sflag:s9], $0x80  }
0xed: {  	[sflag:s9] =	ssyncset.done $0x0  }
0xee: {  	[sflag:s9] =	ssyncadd.s32 $0xFFFFFF80  }
0xef: {  	_ =	swait.ge [sflag:s9], $0x80  }
0xf0: {  	[sflag:s9] =	ssyncset.done $0x0  }
0xf1: {  	[sflag:s9] =	ssyncadd.s32 $0xFFFFFF80  }
0xf2: {  	[tilespmem:s14], [sflag:$0xF] =	stream.indirect.gather [hbm4b:s5+s26], $0x80, s12, s26, $0xb8;
	[tilespmem:$0x1EA00] =	vst v63  }
0xf3: {  	_ =	swait.ge [sflag:s17], $0x2000  }
0xf4: {  	[sflag:s17] =	ssyncset.done $0x0  }
0xf5: {  	s24 =	simm.s32 $0x800;
	[sflag:s17] =	ssyncadd.s32 $0xFFFFE000  }
0xf6: {  	[spmem:s2] =	stream.indirect.scatter.add.f32 [tilespmem:s10], [sflag:$0x11], $0x80, s24, s26, $0xb8;
	[tilespmem:$0x1EA00] =	vst v63  }
0xf7: {  	_ =	swait.ge [sflag:s18], $0x2000  }
0xf8: {  	[sflag:s18] =	ssyncset.done $0x0  }
0xf9: {  	s15 =	simm.s32 @p0 $0xD;
	[sflag:s18] =	ssyncadd.s32 $0xFFFFE000  }
0xfa: {  	_ =	swait.ge @p0 [sflag:s15], $0x2000  }
0xfb: {  	s16 =	simm.s32 @p0 $0x880;
	[sflag:s15] =	ssyncset.done @p0 $0x0  }
0xfc: {  	s24 =	simm.s32 @p0 $0x4A00;
	[sflag:s15] =	ssyncadd.s32 @p0 $0xFFFFE000;
	s15 =	simm.s32 @p0 $0x40  }
0xfd: {  	[spmem:s2] =	stream.indirect.scatter.add.f32 @p0 [tilespmem:s24], [sflag:$0x12], $0x80, s16, s15, $0xb8;
	[tilespmem:$0x1EA00] =	vst v63  }
0xfe: {  	s15 =	sadd.s32 @!p0 $0xFFFFFE80, s8  }
0xff: {  	s16 =	sand.u32 @!p0 $0xFC00, s15  }
0x100: {  	s24 =	simm.s32 @p0 $0x11;
	s15 =	sand.u32 @!p0 $0x380, s15;
	s16 =	sadd.s32 @!p0 s7, s16  }
0x101: {  	_ =	swait.ge @p0 [sflag:s24], $0x2000;
	s15 =	sor.u32 @!p0 s15, s16  }
0x102: {  	[sflag:s24] =	ssyncset.done @p0 $0x0;
	s15 =	sshrl.u32 @!p0 s15, $0x3  }
0x103: {  	[sflag:s24] =	ssyncadd.s32 @p0 $0xFFFFE000;
	s24 =	simm.s32 @!p0 $0x280;
	s16 =	sadd.s32 @!p0 s1, s15  }
0x104: {  	[tilespmem:s24], [sflag:$0x6] =	stream.linear.gather @!p0 [hbm4b:s16+s28], $0x80, $0x38;
	[tilespmem:$0x1EA00] =	vst v63  }
0x105: {  	s15 =	sadd.s32 @!p0 s6, s15;
	s16 =	simm.s32 @!p0 $0x780  }
0x106: {  	[tilespmem:s16], [sflag:$0x6] =	stream.linear.gather @!p0 [hbm4b:s15+s28], $0x80, $0x38;
	[tilespmem:$0x1EA00] =	vst v63  }
0x107: {  	s15 =	simm.s32 @!p0 $0x1  }
0x108: {  	_ =	swait.ge @!p0 [sflag:s15], $0x80  }
0x109: {  	[sflag:s15] =	ssyncset.done @!p0 $0x0  }
0x10a: {  	[sflag:s15] =	ssyncadd.s32 @!p0 $0xFFFFFF80  }
0x10b: {  	_ =	swait.ge @!p0 [sflag:s15], $0x80  }
0x10c: {  	[sflag:s15] =	ssyncset.done @!p0 $0x0  }
0x10d: {  	s16 =	simm.s32 @!p0 $0xA00;
	[sflag:s15] =	ssyncadd.s32 @!p0 $0xFFFFFF80;
	s15 =	simm.s32 @!p0 $0x40  }
0x10e: {  	[tilespmem:s16], [sflag:$0xB] =	stream.indirect.gather @!p0 [hbm4b:s5+s15], $0x80, s28, s15, $0xb8;
	[tilespmem:$0x1EA00] =	vst v63  }
0x10f: {  	s16 =	simm.s32 @!p0 $0xD  }
0x110: {  	_ =	swait.ge @!p0 [sflag:s16], $0x2000  }
0x111: {  	s3 =	simm.s32 @!p0 $0x4A00;
	[sflag:s16] =	ssyncset.done @!p0 $0x0  }
0x112: {  	s24 =	sadd.s32 $0xFFFFF700, s8;
	[sflag:s16] =	ssyncadd.s32 @!p0 $0xFFFFE000;
	s16 =	simm.s32 @!p0 $0x880  }
0x113: {  	[spmem:s2] =	stream.indirect.scatter.add.f32 @!p0 [tilespmem:s3], [sflag:$0x12], $0x80, s16, s15, $0xb8;
	[tilespmem:$0x1EA00] =	vst v63  }
0x114: {  	s3 =	sand.u32 @!p0 $0x7C00, s24;
	s24 =	rddreg [dreg:$0x1b]  }
0x115: {  	s16 =	simm.s32 @!p0 $0x11;
	s3 =	sadd.s32 @!p0 s3, s24;
	s24 =	sand.u32 @!p0 $0x300, s31  }
0x116: {  	_ =	swait.ge @!p0 [sflag:s16], $0x2000;
	s3 =	sor.u32 @!p0 s24, s3  }
0x117: {  	[sflag:s16] =	ssyncset.done @!p0 $0x0;
	s3 =	sshrl.u32 @!p0 s3, $0x3  }
0x118: {  	s24 =	simm.s32 @!p0 $0x300;
	[sflag:s16] =	ssyncadd.s32 @!p0 $0xFFFFE000;
	s16 =	sadd.s32 @!p0 s1, s3  }
0x119: {  	[tilespmem:s24], [sflag:$0x7] =	stream.linear.gather @!p0 [hbm4b:s16+s28], $0x80, $0x38;
	[tilespmem:$0x1EA00] =	vst v63  }
0x11a: {  	s3 =	sadd.s32 @!p0 s6, s3;
	s16 =	simm.s32 @!p0 $0x800  }
0x11b: {  	[tilespmem:s16], [sflag:$0x7] =	stream.linear.gather @!p0 [hbm4b:s3+s28], $0x80, $0x38;
	[tilespmem:$0x1EA00] =	vst v63  }
0x11c: {  	s3 =	simm.s32 @!p0 $0x2  }
0x11d: {  	_ =	swait.ge @!p0 [sflag:s3], $0x80  }
0x11e: {  	[sflag:s3] =	ssyncset.done @!p0 $0x0  }
0x11f: {  	[sflag:s3] =	ssyncadd.s32 @!p0 $0xFFFFFF80  }
0x120: {  	_ =	swait.ge @!p0 [sflag:s3], $0x80  }
0x121: {  	[sflag:s3] =	ssyncset.done @!p0 $0x0  }
0x122: {  	[sflag:s3] =	ssyncadd.s32 @!p0 $0xFFFFFF80;
	s3 =	simm.s32 @!p0 $0x2A00  }
0x123: {  	[tilespmem:s3], [sflag:$0xC] =	stream.indirect.gather @!p0 [hbm4b:s5+s15], $0x80, s29, s15, $0xb8;
	[tilespmem:$0x1EA00] =	vst v63  }
0x124: {  	_ =	swait.ge [sflag:s19], $0x2000  }
0x125: {  	[sflag:s19] =	ssyncset.done $0x0  }
.Ltmp2:
0x126: {  	[sflag:s19] =	ssyncadd.s32 $0xFFFFE000;
	(pc) =	sbr.rel @p0 .LBB2_4-.Ltmp2, $4  }
0x127: {  	[spmem:s2] =	stream.indirect.scatter.add.f32 [tilespmem:s23], [sflag:$0x13], $0x80, s21, s26, $0xb8;
	[tilespmem:$0x1EA00] =	vst v63  }
0x128: {  	s13 =	simm.s32 $0x980;
	s11 =	simm.s32 $0xA00;
	_ =	swait.ge [sflag:s20], $0x2000  }
0x129: {  	s30 =	simm.s32 $0x0;
	s4 =	simm.s32 $0x2A00;
	[sflag:s20] =	ssyncset.done $0x0  }
0x12a: {  	s12 =	simm.s32 $0x900;
	s10 =	simm.s32 $0x8A00;
	[sflag:s20] =	ssyncadd.s32 $0xFFFFE000  }
0x12b: {  	s3 =	sadd.s32 $0xFFFFFF80, s8  }
0x12c: {  	s15 =	sand.u32 $0xFC00, s3  }
0x12d: {  	s3 =	sand.u32 $0x380, s3;
	s15 =	sadd.s32 s7, s15  }
0x12e: {  	s3 =	sor.u32 s3, s15  }
0x12f: {  	s3 =	sshrl.u32 s3, $0x3  }
0x130: {  	s4 =	simm.s32 $0x380;
	s29 =	sadd.s32 s1, s3  }
0x131: {  	[tilespmem:s4], [sflag:$0x8] =	stream.linear.gather [hbm4b:s29+s30], $0x80, $0x38;
	[tilespmem:$0x1EA00] =	vst v63  }
0x132: {  	s11 =	simm.s32 $0x880;
	s14 =	simm.s32 $0x3;
	s3 =	sadd.s32 s6, s3  }
0x133: {  	[tilespmem:s11], [sflag:$0x8] =	stream.linear.gather [hbm4b:s3+s30], $0x80, $0x38;
	[tilespmem:$0x1EA00] =	vst v63  }
0x134: {  	_ =	swait.ge [sflag:s14], $0x80  }
0x135: {  	[sflag:s14] =	ssyncset.done $0x0  }
0x136: {  	[sflag:s14] =	ssyncadd.s32 $0xFFFFFF80  }
0x137: {  	_ =	swait.ge [sflag:s14], $0x80  }
0x138: {  	[sflag:s14] =	ssyncset.done $0x0  }
0x139: {  	s15 =	simm.s32 $0x100;
	[sflag:s14] =	ssyncadd.s32 $0xFFFFFF80  }
0x13a: {  	[tilespmem:s25], [sflag:$0xD] =	stream.indirect.gather [hbm4b:s5+s26], $0x80, s15, s26, $0xb8;
	[tilespmem:$0x1EA00] =	vst v63  }
0x13b: {  	_ =	swait.ge [sflag:s0], $0x2000  }
0x13c: {  	s16 =	sand.u32 $0xFC00, s8;
	[sflag:s0] =	ssyncset.done $0x0  }
0x13d: {  	s21 =	sand.u32 $0x300, s8;
	s3 =	sadd.s32 s7, s16;
	[sflag:s0] =	ssyncadd.s32 $0xFFFFE000  }
0x13e: {  	[spmem:s2] =	stream.indirect.scatter.add.f32 [tilespmem:s10], [sflag:$0x14], $0x80, s13, s26, $0xb8;
	[tilespmem:$0x1EA00] =	vst v63  }
0x13f: {  	s3 =	sor.u32 s21, s3;
	_ =	swait.ge [sflag:s22], $0x2000  }
0x140: {  	s3 =	sshrl.u32 s3, $0x3;
	[sflag:s22] =	ssyncset.done $0x0  }
0x141: {  	s28 =	simm.s32 $0x400;
	s24 =	sadd.s32 s1, s3;
	[sflag:s22] =	ssyncadd.s32 $0xFFFFE000  }
0x142: {  	[tilespmem:s28], [sflag:$0x9] =	stream.linear.gather [hbm4b:s24+s30], $0x80, $0x38;
	[tilespmem:$0x1EA00] =	vst v63  }
0x143: {  	s29 =	simm.s32 $0x4;
	s3 =	sadd.s32 s6, s3  }
0x144: {  	[tilespmem:s12], [sflag:$0x9] =	stream.linear.gather [hbm4b:s3+s30], $0x80, $0x38;
	[tilespmem:$0x1EA00] =	vst v63  }
0x145: {  	_ =	swait.ge [sflag:s29], $0x80  }
0x146: {  	[sflag:s29] =	ssyncset.done $0x0  }
0x147: {  	s31 =	sadd.s32 $0x100, s31;
	[sflag:s29] =	ssyncadd.s32 $0xFFFFFF80  }
.Ltmp3:
0x148: {  	s8 =	sadd.s32 $0x500, s8;
	_ =	swait.ge [sflag:s29], $0x80;
	(pc) =	sbr.rel .LBB2_2-.Ltmp3, $4  }
0x149: {  	s11 =	simm.s32 $0x0;
	s21 =	simm.s32 $0x900;
	[sflag:s29] =	ssyncset.done $0x0  }
0x14a: {  	s14 =	simm.s32 $0x8A00;
	s30 =	simm.s32 $0x180;
	[sflag:s29] =	ssyncadd.s32 $0xFFFFFF80  }
0x14b: {  	[tilespmem:s23], [sflag:$0xE] =	stream.indirect.gather [hbm4b:s5+s26], $0x80, s30, s26, $0xb8;
	[tilespmem:$0x1EA00] =	vst v63  }
0x14c: {  	s13 =	simm.s32 $0x980;
	s24 =	simm.s32 $0x4A00;
	s23 =	simm.s32 $0x6A00  }
.LBB2_5:
0x14d: {  	_ =	sfence.sel $0x180000  }
0x14e: {  	[bflag:$0x0] =	sbarrier.arrive $0xFFFF  }
0x14f: {  	_ =	strace $0x9000004D  }
0x150: {  	s0 =	stileid.u32;
	[bflag:$0x2] =	sbarrier.arrive $0xFFFF  }
0x151: {  	p0 =	sne.s32 s0, $0x0;
	s0 =	rddreg [dreg:$0x3]  }
0x152: {  	s0 =	sadd.s32 @!p0 $0x100000, s0  }
0x153: {  	[sflag:s0] =	ssyncadd.tile.s32 @!p0 $0x1;
	_ =	shalt  }
.Lfunc_end2:
_tile_overlayer_lowered:
.L_overlay_start_2:
0x154: {  	(tag) =	ssettag $0x2  }
0x155: {  	s0 =	rddreg [dreg:$0x0];
	s2 =	stileid.u32  }
0x156: {  	s1 =	rddreg [dreg:$0x1];
	p0 =	sne.s32 s2, $0x0  }
0x157: {  	s3 =	rddreg [dreg:$0x2];
	[bflag:$0x3] =	sbarrier.arrive $0xFFFF;
	s2 =	simm.s32 @!p0 $0x1C15  }
0x158: {  	[timem:s3], [sflag:s2] =	dma.local @!p0 [hbm:s0], s1  }
0x159: {  	s0 =	simm.s32 @!p0 $0x15  }
0x15a: {  	_ =	swait.ge @!p0 [sflag:s0], s1  }
0x15b: {  	s1 =	ssub.s32 @!p0 $0x0, s1;
	[sflag:s0] =	ssyncset.done @!p0 $0x0  }
0x15c: {  	[sflag:s0] =	ssyncadd.s32 @!p0 s1  }
0x15d: {  	[bflag:$0x3] =	sbarrier.arrive $0xFFFF  }
0x15e: {  	_ =	shalt  }

// kernel: kernel.19.cloned.1.call-start
scs
__scs_entry_jumppad:
0x0: {  	(pc) =	sbr.rel $0x88, $3  }
0x1: {  	(tag) =	ssettag $0x0;
	lr =	simm.s32 $0x1  }
0x2: {  	[smem:$0x3F99] =	sst lr;
	_ =	strace $0xD0000000  }
0x3: {  	_ = 	snop  }
0x4: {  	_ = 	snop  }
0x5: {  	_ = 	snop  }
0x6: {  	_ = 	snop  }
0x7: {  	_ = 	snop  }
__scs_overlays_trampoline_lowered:
0x8: {  	[smem:$0x3FA8] =	sst s0  }
0x9: {  	[smem:$0x3FA9] =	sst s1  }
0xa: {  	[smem:$0x3FAA] =	sst s2  }
0xb: {  	[smem:$0x3FAB] =	sst s3  }
0xc: {  	[smem:$0x3FAC] =	sst s4  }
0xd: {  	[smem:$0x3FAD] =	sst s5  }
0xe: {  	[smem:$0x3FAE] =	sst s6  }
0xf: {  	[smem:$0x3FAF] =	sst s7  }
0x10: {  	[smem:$0x3FB0] =	sst s8  }
0x11: {  	[smem:$0x3FB1] =	sst s9;
	s0 =	simm.s32 @!p0 $0x0  }
0x12: {  	s1 =	sld [smem:$0x3F97];
	s0 =	simm.s32 @p0 $0x1  }
0x13: {  	[smem:$0x3FB2] =	sst s0;
	s0 =	simm.s32 @!p1 $0x0  }
0x14: {  	s2 =	sld [smem:$0x3F96];
	s0 =	simm.s32 @p1 $0x1  }
0x15: {  	[smem:$0x3FB3] =	sst s0;
	s0 =	simm.s32 @!p2 $0x0  }
0x16: {  	s3 =	sld [smem:$0x3FDB];
	s0 =	simm.s32 @p2 $0x1  }
0x17: {  	s4 =	simm.s32 $0x1BF5;
	[smem:$0x3FB5] =	sst s0  }
0x18: {  	s0 =	sld [smem:$0x3F98];
	_ =	swait.ge [sflag:s4], $0x0  }
0x19: {  	s7 =	sld [smem:$0x3F99]  }
0x1a: {  	s8 =	sadd.s32 $0xFFFFE003, lr  }
0x1b: {  	s9 =	sadd.s32 $0xFFFFFEF7, lr;
	s5 =	simm.s32 $0xFFFFFFFF;
	p2 =	slt.u32 s8, $0xFFFFF086  }
0x1c: {  	p1 =	slt.u32 s9, $0xF7A;
	s5 =	simm.s32 @!p2 $0x0  }
0x1d: {  	s5 =	simm.s32 @p1 $0x1;
	p0 =	seq.s32 s7, s2  }
0x1e: {  	s7 =	smul.u32 @!p0 $0xF7A, s2;
	p2 =	seq.s32 @!p0 s5, $0x0  }
0x1f: {  	s9 =	smul.u32 $0xF7A, s1;
	s8 =	simm.s32 @!p0 $0x1BF5;
	p2 =	por !p2, p0  }
0x20: {  	[sflag:s8] =	ssyncset.s32 @!p0 $0xFFFFF086;
	s6 =	sadd.s32 @!p0 s3, s7;
	s7 =	simm.s32 @!p0 $0x108  }
0x21: {  	s3 =	sadd.s32 s3, s9;
	s6 =	sadd.s32 @!p0 $0x88, s6;
	s7 =	simm.s32 @p2 $0x1082  }
0x22: {  	[simem:s7], [sflag:s8] =	dma.local @!p0 [hbm:s6], $0xF7A  }
0x23: {  	s9 =	sor.u32 $0xD0000000, s2;
	s6 =	simm.s32 $0x108;
	_ =	swait.ge @!p0 [sflag:s8], $0x0  }
0x24: {  	s3 =	sadd.s32 $0x88, s3;
	s6 =	simm.s32 @!p1 $0x1082;
	[sflag:s4] =	ssyncset.s32 $0xFFFFF086  }
0x25: {  	[simem:s6], [sflag:s4] =	dma.local [hbm:s3], $0xF7A  }
0x26: {  	[smem:$0x3F99] =	sst s1;
	(tag) =	ssettag s2;
	_ =	strace s9  }
0x27: {  	s1 =	sld [smem:$0x3FA9]  }
0x28: {  	s2 =	sld [smem:$0x3FAA]  }
0x29: {  	s4 =	sld [smem:$0x3FAC]  }
0x2a: {  	p0 =	seq.s32 s5, $0x0;
	s5 =	sld [smem:$0x3FAD]  }
0x2b: {  	s6 =	sld [smem:$0x3FAE]  }
0x2c: {  	s7 =	sld [smem:$0x3FAF]  }
0x2d: {  	s3 =	simm.s32 $0x108;
	s8 =	sld [smem:$0x3FB0]  }
0x2e: {  	s3 =	simm.s32 @!p0 $0x1082;
	s9 =	sld [smem:$0x3FB1]  }
0x2f: {  	lr =	sadd.s32 s0, s3;
	s0 =	sld [smem:$0x3FA8]  }
0x30: {  	s3 =	sld [smem:$0x3FAB]  }
0x31: {  	[smem:$0x3FB4] =	sst s10  }
0x32: {  	s10 =	sld [smem:$0x3FB2];
	_ =	sdelay $0x3  }
0x33: {  	p0 =	seq.s32 s10, $0x1;
	s10 =	sld [smem:$0x3FB4];
	_ =	sdelay $0x3  }
0x34: {  	[smem:$0x3FB4] =	sst s10  }
0x35: {  	s10 =	sld [smem:$0x3FB3];
	_ =	sdelay $0x3  }
0x36: {  	p1 =	seq.s32 s10, $0x1;
	s10 =	sld [smem:$0x3FB4];
	_ =	sdelay $0x3  }
0x37: {  	[smem:$0x3FB4] =	sst s10  }
0x38: {  	s10 =	sld [smem:$0x3FB5]  }
0x39: {  	_ = 	snop;
	(pc) =	sbr.ind lr, $3  }
0x3a: {  	_ = 	snop  }
0x3b: {  	_ = 	snop  }
0x3c: {  	p2 =	seq.s32 s10, $0x1;
	s10 =	sld [smem:$0x3FB4]  }
0x3d: {  	_ =	shalt  }
0x3e: {  	_ =	shalt  }
0x3f: {  	_ =	shalt  }
0x40: {  	_ =	shalt  }
0x41: {  	_ =	shalt  }
0x42: {  	_ =	shalt  }
0x43: {  	_ =	shalt  }
0x44: {  	_ =	shalt  }
0x45: {  	_ =	shalt  }
0x46: {  	_ =	shalt  }
0x47: {  	_ =	shalt  }
0x48: {  	_ =	shalt  }
0x49: {  	_ =	shalt  }
0x4a: {  	_ =	shalt  }
0x4b: {  	_ =	shalt  }
0x4c: {  	_ =	shalt  }
0x4d: {  	_ =	shalt  }
0x4e: {  	_ =	shalt  }
0x4f: {  	_ =	shalt  }
0x50: {  	_ =	shalt  }
0x51: {  	_ =	shalt  }
0x52: {  	_ =	shalt  }
0x53: {  	_ =	shalt  }
0x54: {  	_ =	shalt  }
0x55: {  	_ =	shalt  }
0x56: {  	_ =	shalt  }
0x57: {  	_ =	shalt  }
0x58: {  	_ =	shalt  }
0x59: {  	_ =	shalt  }
0x5a: {  	_ =	shalt  }
0x5b: {  	_ =	shalt  }
0x5c: {  	_ =	shalt  }
0x5d: {  	_ =	shalt  }
0x5e: {  	_ =	shalt  }
0x5f: {  	_ =	shalt  }
0x60: {  	_ =	shalt  }
0x61: {  	_ =	shalt  }
0x62: {  	_ =	shalt  }
0x63: {  	_ =	shalt  }
0x64: {  	_ =	shalt  }
0x65: {  	_ =	shalt  }
0x66: {  	_ =	shalt  }
0x67: {  	_ =	shalt  }
0x68: {  	_ =	shalt  }
0x69: {  	_ =	shalt  }
0x6a: {  	_ =	shalt  }
0x6b: {  	_ =	shalt  }
0x6c: {  	_ =	shalt  }
0x6d: {  	_ =	shalt  }
0x6e: {  	_ =	shalt  }
0x6f: {  	_ =	shalt  }
0x70: {  	_ =	shalt  }
0x71: {  	_ =	shalt  }
0x72: {  	_ =	shalt  }
0x73: {  	_ =	shalt  }
0x74: {  	_ =	shalt  }
0x75: {  	_ =	shalt  }
0x76: {  	_ =	shalt  }
0x77: {  	_ =	shalt  }
0x78: {  	_ =	shalt  }
0x79: {  	_ =	shalt  }
0x7a: {  	_ =	shalt  }
0x7b: {  	_ =	shalt  }
0x7c: {  	_ =	shalt  }
0x7d: {  	_ =	shalt  }
0x7e: {  	_ =	shalt  }
0x7f: {  	_ =	shalt  }
0x80: {  	_ =	shalt  }
0x81: {  	_ =	shalt  }
0x82: {  	_ =	shalt  }
0x83: {  	_ =	shalt  }
0x84: {  	_ =	shalt  }
0x85: {  	_ =	shalt  }
0x86: {  	_ =	shalt  }
0x87: {  	_ =	shalt  }
.Lfunc_end0:
.L_simem_size_0:
called_computation.3_lowered:
.L_overlay_start_0:
0x88: {  	s2 =	sld [smem:$0x3FD9]  }
0x89: {  	s3 =	sld [smem:$0x3FFE];
	_ =	sdelay $0x1  }
0x8a: {  	s1 =	srdreg.scid  }
0x8b: {  	s0 =	sand.u32 $0x1, s1  }
0x8c: {  	s16 =	sshll.u32 s0, $0xA;
	s2 =	sadd.s32 s3, s2  }
0x8d: {  	s2 =	sadd.s32 s2, s16  }
0x8e: {  	[smem:$0x3FC0] =	sst s2  }
0x8f: {  	_ = 	snop  }
0x90: {  	(tm) =	ssettm $0x1  }
0x91: {  	s17 =	sld [smem:$0x3FFB];
	_ =	sdelay $0x3  }
0x92: {  	_ =	strace s17  }
0x93: {  	s2 =	sld [smem:$0x3FFC];
	_ =	sdelay $0x3  }
0x94: {  	_ =	strace s2  }
0x95: {  	s2 =	sld [smem:$0x3FFD];
	_ =	sdelay $0x3  }
0x96: {  	_ =	strace s2  }
0x97: {  	_ =	strace $0x8FFFFFFF  }
0x98: {  	s18 =	sld [smem:$0x3FDB];
	_ =	sdelay $0x1  }
0x99: {  	s19 =	simm.s32 $_scs_section_size  }
0x9a: {  	s4 =	simm.s32 $_size__tile_overlayer_lowered;
	s5 =	simm.s32 $_tile_overlayer_lowered  }
0x9b: {  	s22 =	simm.s32 $0x1BFF;
	s21 =	sshll.u32 s5, $0x1;
	s2 =	sadd.s32 s19, s18  }
0x9c: {  	s6 =	simm.s32 $0x0;
	s20 =	sshll.u32 s4, $0x1;
	s4 =	sadd.s32 s21, s2  }
0x9d: {  	[timem:s6], [sflag:s22] =	dma.local [hbm:s4], s20  }
0x9e: {  	_ =	swait.ge [sflag:s22], s20  }
0x9f: {  	s3 =	ssub.s32 $0x0, s20;
	[sflag:s22] =	ssyncset.done $0x0  }
0xa0: {  	[sflag:s22] =	ssyncadd.s32 s3;
	_ =	sdelay $0x1  }
0xa1: {  	s23 =	simm.s32 $0x1B8B  }
0xa2: {  	_ =	swait.ge [sflag:s23], $0x1  }
0xa3: {  	[sflag:s23] =	ssyncset.done $0x0  }
0xa4: {  	s25 =	simm.s32 $0x1B8E;
	s24 =	sld [smem:$0x3FFE];
	[sflag:s23] =	ssyncadd.s32 $0xFFFFFFFF  }
0xa5: {  	s26 =	simm.s32 $execute0_lowered;
	[smem:$0x3FD2] =	sst s25  }
0xa6: {  	s4 =	sshll.u32 s26, $0x1;
	_ =	strace $0x8000004F;
	[dreg:$0x1] =	wrdreg $0xFFFFFFFF  }
0xa7: {  	s28 =	simm.s32 $_size_execute0_lowered;
	s2 =	sadd.s32 s2, s4;
	[dreg:$0x0] =	wrdreg $0x0  }
0xa8: {  	s4 =	sshll.u32 s28, $0x1;
	[dreg:$0x2] =	wrdreg s2  }
0xa9: {  	[dreg:$0x3] =	wrdreg s4  }
0xaa: {  	[dreg:$0x4] =	wrdreg $0xC0  }
0xab: {  	_ =	task [dreg:s6], $0x5FFFF  }
0xac: {  	[dreg:$0x1] =	wrdreg $0xFFFFFFFF  }
0xad: {  	[dreg:$0x0] =	wrdreg $0x60  }
0xae: {  	[dreg:$0x2] =	wrdreg s24  }
0xaf: {  	[dreg:$0x3] =	wrdreg $0xAA000  }
0xb0: {  	[dreg:$0x4] =	wrdreg $0x9  }
0xb1: {  	_ =	task.clear_ibuf [dreg:s6], $0x5FFFF;
	_ =	strace $0x9000004F  }
0xb2: {  	s29 =	simm.s32 $0x9;
	_ =	strace $0x80000051  }
0xb3: {  	_ =	swait.ge [sflag:s29], $0x1  }
0xb4: {  	[sflag:s29] =	ssyncadd.s32 $0xFFFFFFFF  }
0xb5: {  	_ =	strace $0x90000051  }
0xb6: {  	_ =	sfence  }
0xb7: {  	s30 =	sld [smem:$0x0];
	_ =	sdelay $0x2  }
0xb8: {  	s31 =	sshll.u32 s1, $0xD;
	s1 =	sshrl.u32 s1, $0x2  }
0xb9: {  	s3 =	sand.u32 $0x4000, s31;
	s1 =	sadd.s32 s1, s30  }
0xba: {  	s0 =	sor.u32 s3, s0;
	s1 =	sshll.u32 s1, $0x11  }
0xbb: {  	s0 =	sor.u32 s1, s0  }
0xbc: {  	s0 =	sadd.s32 $0x8F2B, s0  }
0xbd: {  	[sflag:s0] =	ssyncadd.remote.s32 $0x1  }
0xbe: {  	_ =	sfence.sel $0xFFFF  }
0xbf: {  	[dreg:$0x0] =	wrdreg $0xFFFFFFFF;
	(pc) =	sbr.abs _section_cstart, $3  }
0xc0: {  	[dreg:$0x1] =	wrdreg $0xFFFFFFFF  }
0xc1: {  	_ =	task.clear_ibuf [dreg:s6], $0x2FFFF;
	_ =	strace $0x9FFFFFFF  }
0xc2: {  	(tm) =	ssettm $0x7FFFFFFF  }
0xc3: {  	_ =	shalt  }
tec
execute0_lowered:
.L_overlay_start_1:
0x0: {  	(tag) =	ssettag $0x1  }
0x1: {  	s0 =	rddreg [dreg:$0x0]  }
0x2: {  	s2 =	rddreg [dreg:$0x1];
	s1 =	simm.s32 $0x0;
	s13 =	stileid.u32  }
0x3: {  	s6 =	srdreg.scid;
	s28 =	simm.s32 $0x380;
	s29 =	simm.s32 $0x400  }
0x4: {  	[smem:$0x7FF] =	sst s1;
	s20 =	smul.u32 $0x2800, s13;
	s4 =	sadd.s32 $0x2A00, s0  }
0x5: {  	s5 =	sadd.s32 $0xC6400, s0;
	s7 =	sand.u32 $0x1, s6;
	s6 =	sadd.s32 $0xBC400, s0  }
0x6: {  	s12 =	smul.u32 $0x50000, s13;
	s24 =	sshll.u32 s13, $0x6;
	_ =	strace $0x80000050  }
0x7: {  	s9 =	smul.u32 $0x28000, s7;
	s10 =	sshll.u32 s7, $0x4;
	s11 =	ssub.s32 $0x2, s7  }
0x8: {  	s15 =	sor.u32 $0x1C15, s24;
	s8 =	sadd.s32 s20, s0;
	s21 =	sor.u32 s13, s10  }
0x9: {  	s22 =	sshrl.u32 s11, $0x1;
	s23 =	sshrl.u32 s12, $0x2;
	[dreg:$0x5] =	wrdreg s15  }
0xa: {  	s1 =	sadd.s32 s20, s9;
	s7 =	smul.u32 $0x2800, s21;
	s9 =	sadd.s32 s23, s2  }
0xb: {  	s8 =	sadd.s32 $0x2AA00, s8;
	s0 =	sadd.s32 s1, s0;
	[dreg:$0x3] =	wrdreg s9  }
0xc: {  	[dreg:$0x4] =	wrdreg s8;
	s25 =	sshrl.u32 s7, $0x3;
	s0 =	sadd.s32 $0x52A00, s0  }
0xd: {  	s1 =	ssub.s32 s11, s22;
	s20 =	sadd.s32 s5, s25;
	[dreg:$0x18] =	wrdreg s0  }
0xe: {  	s26 =	sor.u32 $0x10, s25;
	s21 =	sadd.s32 s6, s25;
	[dreg:$0x12] =	wrdreg s20  }
0xf: {  	s9 =	simm.s32 $0xA;
	s30 =	sadd.s32 s5, s26;
	[dreg:$0x13] =	wrdreg s21  }
0x10: {  	s31 =	sor.u32 $0x20, s25;
	s8 =	sadd.s32 s6, s26;
	[dreg:$0x6] =	wrdreg s30  }
0x11: {  	s11 =	sor.u32 $0x30, s25;
	s3 =	sadd.s32 s5, s31;
	[dreg:$0x7] =	wrdreg s8  }
0x12: {  	s13 =	sor.u32 $0x40, s25;
	s12 =	sadd.s32 s5, s11;
	[dreg:$0x8] =	wrdreg s3  }
0x13: {  	s16 =	sor.u32 $0x50, s25;
	s14 =	sadd.s32 s5, s13;
	[dreg:$0xa] =	wrdreg s12  }
0x14: {  	s18 =	sor.u32 $0x60, s25;
	s17 =	sadd.s32 s5, s16;
	[dreg:$0xc] =	wrdreg s14  }
0x15: {  	s22 =	sor.u32 $0x70, s25;
	s19 =	sadd.s32 s5, s18;
	[dreg:$0xe] =	wrdreg s17  }
0x16: {  	s23 =	sor.u32 $0x80, s25;
	s24 =	sadd.s32 s5, s22;
	[dreg:$0x10] =	wrdreg s19  }
0x17: {  	s0 =	simm.s32 $0x0;
	s25 =	sadd.s32 s5, s23;
	[dreg:$0x14] =	wrdreg s24  }
0x18: {  	s26 =	sadd.s32 s6, s23;
	s23 =	simm.s32 $0x6A00;
	[dreg:$0x16] =	wrdreg s25  }
0x19: {  	s20 =	simm.s32 $0x12;
	s8 =	sadd.s32 s6, s31;
	[dreg:$0x17] =	wrdreg s26  }
0x1a: {  	s30 =	smax.u32 s1, $0x1;
	s31 =	sadd.s32 $0x800, s7;
	s26 =	simm.s32 $0x40  }
0x1b: {  	s3 =	simm.s32 $0x2A00;
	s12 =	simm.s32 $0x900;
	[dreg:$0x9] =	wrdreg s8  }
0x1c: {  	s17 =	simm.s32 $0xC;
	s19 =	simm.s32 $0xE;
	[dreg:$0x19] =	wrdreg s30  }
0x1d: {  	s25 =	simm.s32 $0x4A00;
	s8 =	sadd.s32 s6, s11;
	[dreg:$0x1a] =	wrdreg s31  }
.Ltmp0:
0x1e: {  	[dreg:$0xb] =	wrdreg s8;
	s8 =	sadd.s32 s6, s13;
	(pc) =	sbr.rel .LBB2_1-.Ltmp0, $4  }
0x1f: {  	s11 =	simm.s32 $0xA00;
	[dreg:$0xd] =	wrdreg s8;
	s8 =	sadd.s32 s6, s16  }
0x20: {  	s13 =	simm.s32 $0x980;
	[dreg:$0xf] =	wrdreg s8;
	s8 =	sadd.s32 s6, s18  }
0x21: {  	s18 =	simm.s32 $0x10;
	[dreg:$0x11] =	wrdreg s8;
	s8 =	sadd.s32 s6, s22  }
0x22: {  	s22 =	simm.s32 $0x13;
	[dreg:$0x15] =	wrdreg s8;
	s8 =	simm.s32 $0x15  }
.LBB2_4:
0x23: {  	_ =	swait.ge [sflag:s0], $0x2000  }
0x24: {  	[sflag:s0] =	ssyncset.done $0x0  }
0x25: {  	[sflag:s0] =	ssyncadd.s32 $0xFFFFE000  }
0x26: {  	[spmem:s2] =	stream.indirect.scatter.add.f32 [tilespmem:s10], [sflag:$0x14], $0x80, s13, s26, $0xb8;
	[tilespmem:$0x1EA00] =	vst v63  }
0x27: {  	_ =	swait.ge [sflag:s22], $0x2000  }
0x28: {  	[sflag:s22] =	ssyncset.done $0x0  }
0x29: {  	s1 =	simm.s32 $0x14;
	[sflag:s22] =	ssyncadd.s32 $0xFFFFE000  }
0x2a: {  	_ =	swait.ge [sflag:s1], $0x2000  }
0x2b: {  	[sflag:s1] =	ssyncset.done $0x0  }
0x2c: {  	[sflag:s1] =	ssyncadd.s32 $0xFFFFE000  }
0x2d: {  	[bflag:$0x0] =	sbarrier.arrive $0xFFFF  }
0x2e: {  	s15 =	rddreg [dreg:$0x5]  }
0x2f: {  	s23 =	rddreg [dreg:$0x18]  }
0x30: {  	s8 =	simm.s32 $0x15;
	s24 =	rddreg [dreg:$0x1c]  }
0x31: {  	[hbm:s23], [sflag:s15] =	dma.local [spmem:s24], $0x2800  }
0x32: {  	_ =	swait.ge [sflag:s8], $0x2800  }
0x33: {  	s30 =	rddreg [dreg:$0x1b]  }
0x34: {  	s31 =	rddreg [dreg:$0x19];
	s0 =	sadd.s32 $0x1, s30  }
0x35: {  	p0 =	sne.s32 s0, s31  }
.Ltmp1:
0x36: {  	_ = 	snop;
	(pc) =	sbr.rel @!p0 .LBB2_5-.Ltmp1, $3  }
0x37: {  	_ =	sdelay $0x1  }
0x38: {  	s28 =	simm.s32 $0x380;
	s29 =	simm.s32 $0x400;
	[sflag:s8] =	ssyncset.done $0x0  }
0x39: {  	s13 =	simm.s32 $0x980;
	s23 =	simm.s32 $0x6A00;
	[sflag:s8] =	ssyncadd.s32 $0xFFFFD800  }
.LBB2_1:
0x3a: {  	[dreg:$0x1b] =	wrdreg s0  }
0x3b: {  	s1 =	rddreg [dreg:$0x3]  }
0x3c: {  	s30 =	rddreg [dreg:$0x4];
	s24 =	sshrl.u32 s1, $0x3  }
0x3d: {  	[dreg:$0x1c] =	wrdreg s24  }
0x3e: {  	[spmem:s24], [sflag:s15] =	dma.local [hbm:s30], $0x2800  }
0x3f: {  	_ =	swait.ge [sflag:s8], $0x2800  }
0x40: {  	[sflag:s8] =	ssyncset.done $0x0  }
0x41: {  	[sflag:s8] =	ssyncadd.s32 $0xFFFFD800  }
0x42: {  	[bflag:$0x0] =	sbarrier.arrive $0xFFFF  }
0x43: {  	s10 =	simm.s32 $0x0;
	s8 =	rddreg [dreg:$0x12]  }
0x44: {  	[tilespmem:s10], [sflag:$0x1] =	stream.linear.gather [hbm4b:s8+s10], $0x80, $0x38;
	[tilespmem:$0x1EA00] =	vst v63  }
0x45: {  	s15 =	simm.s32 $0x500;
	s14 =	rddreg [dreg:$0x13]  }
0x46: {  	[tilespmem:s15], [sflag:$0x1] =	stream.linear.gather [hbm4b:s14+s10], $0x80, $0x38;
	[tilespmem:$0x1EA00] =	vst v63  }
0x47: {  	s16 =	rddreg [dreg:$0x6];
	s8 =	simm.s32 $0x80  }
0x48: {  	[tilespmem:s8], [sflag:$0x2] =	stream.linear.gather [hbm4b:s16+s10], $0x80, $0x38;
	[tilespmem:$0x1EA00] =	vst v63  }
0x49: {  	s24 =	simm.s32 $0x580;
	s21 =	rddreg [dreg:$0x7]  }
0x4a: {  	[tilespmem:s24], [sflag:$0x2] =	stream.linear.gather [hbm4b:s21+s10], $0x80, $0x38;
	[tilespmem:$0x1EA00] =	vst v63  }
0x4b: {  	s30 =	rddreg [dreg:$0x8];
	s15 =	simm.s32 $0x100  }
0x4c: {  	[tilespmem:s15], [sflag:$0x3] =	stream.linear.gather [hbm4b:s30+s10], $0x80, $0x38;
	[tilespmem:$0x1EA00] =	vst v63  }
0x4d: {  	s0 =	rddreg [dreg:$0x9];
	s16 =	simm.s32 $0x600  }
0x4e: {  	[tilespmem:s16], [sflag:$0x3] =	stream.linear.gather [hbm4b:s0+s10], $0x80, $0x38;
	[tilespmem:$0x1EA00] =	vst v63  }
0x4f: {  	s14 =	rddreg [dreg:$0xa];
	s16 =	simm.s32 $0x180  }
0x50: {  	[tilespmem:s16], [sflag:$0x4] =	stream.linear.gather [hbm4b:s14+s10], $0x80, $0x38;
	[tilespmem:$0x1EA00] =	vst v63  }
0x51: {  	s21 =	rddreg [dreg:$0xb];
	s24 =	simm.s32 $0x680  }
0x52: {  	[tilespmem:s24], [sflag:$0x4] =	stream.linear.gather [hbm4b:s21+s10], $0x80, $0x38;
	[tilespmem:$0x1EA00] =	vst v63  }
0x53: {  	s30 =	rddreg [dreg:$0xc];
	s0 =	simm.s32 $0x200  }
0x54: {  	[tilespmem:s0], [sflag:$0x5] =	stream.linear.gather [hbm4b:s30+s10], $0x80, $0x38;
	[tilespmem:$0x1EA00] =	vst v63  }
0x55: {  	s14 =	rddreg [dreg:$0xd];
	s21 =	simm.s32 $0x700  }
0x56: {  	[tilespmem:s21], [sflag:$0x5] =	stream.linear.gather [hbm4b:s14+s10], $0x80, $0x38;
	[tilespmem:$0x1EA00] =	vst v63  }
0x57: {  	s30 =	rddreg [dreg:$0xe];
	s0 =	simm.s32 $0x280  }
0x58: {  	[tilespmem:s0], [sflag:$0x6] =	stream.linear.gather [hbm4b:s30+s10], $0x80, $0x38;
	[tilespmem:$0x1EA00] =	vst v63  }
0x59: {  	s14 =	rddreg [dreg:$0xf];
	s21 =	simm.s32 $0x780  }
0x5a: {  	[tilespmem:s21], [sflag:$0x6] =	stream.linear.gather [hbm4b:s14+s10], $0x80, $0x38;
	[tilespmem:$0x1EA00] =	vst v63  }
0x5b: {  	s30 =	rddreg [dreg:$0x10];
	s0 =	simm.s32 $0x300  }
0x5c: {  	[tilespmem:s0], [sflag:$0x7] =	stream.linear.gather [hbm4b:s30+s10], $0x80, $0x38;
	[tilespmem:$0x1EA00] =	vst v63  }
0x5d: {  	s14 =	rddreg [dreg:$0x11];
	s21 =	simm.s32 $0x800  }
0x5e: {  	[tilespmem:s21], [sflag:$0x7] =	stream.linear.gather [hbm4b:s14+s10], $0x80, $0x38;
	[tilespmem:$0x1EA00] =	vst v63  }
0x5f: {  	s24 =	rddreg [dreg:$0x14]  }
0x60: {  	[tilespmem:s28], [sflag:$0x8] =	stream.linear.gather [hbm4b:s24+s10], $0x80, $0x38;
	[tilespmem:$0x1EA00] =	vst v63  }
0x61: {  	s30 =	rddreg [dreg:$0x15];
	s0 =	simm.s32 $0x880  }
0x62: {  	[tilespmem:s0], [sflag:$0x8] =	stream.linear.gather [hbm4b:s30+s10], $0x80, $0x38;
	[tilespmem:$0x1EA00] =	vst v63  }
0x63: {  	s14 =	rddreg [dreg:$0x16]  }
0x64: {  	[tilespmem:s29], [sflag:$0x9] =	stream.linear.gather [hbm4b:s14+s10], $0x80, $0x38;
	[tilespmem:$0x1EA00] =	vst v63  }
0x65: {  	s21 =	rddreg [dreg:$0x17];
	s24 =	simm.s32 $0x1  }
0x66: {  	[tilespmem:s12], [sflag:$0x9] =	stream.linear.gather [hbm4b:s21+s10], $0x80, $0x38;
	[tilespmem:$0x1EA00] =	vst v63  }
0x67: {  	_ =	swait.ge [sflag:s24], $0x80  }
0x68: {  	[sflag:s24] =	ssyncset.done $0x0  }
0x69: {  	[sflag:s24] =	ssyncadd.s32 $0xFFFFFF80  }
0x6a: {  	_ =	swait.ge [sflag:s24], $0x80  }
0x6b: {  	[sflag:s24] =	ssyncset.done $0x0  }
0x6c: {  	s28 =	simm.s32 $0x2;
	[sflag:s24] =	ssyncadd.s32 $0xFFFFFF80  }
0x6d: {  	[tilespmem:s11], [sflag:$0xB] =	stream.indirect.gather [hbm4b:s4+s26], $0x80, s10, s26, $0xb8;
	[tilespmem:$0x1EA00] =	vst v63  }
0x6e: {  	_ =	swait.ge [sflag:s28], $0x80  }
0x6f: {  	[sflag:s28] =	ssyncset.done $0x0  }
0x70: {  	[sflag:s28] =	ssyncadd.s32 $0xFFFFFF80  }
0x71: {  	_ =	swait.ge [sflag:s28], $0x80  }
0x72: {  	[sflag:s28] =	ssyncset.done $0x0  }
0x73: {  	s29 =	simm.s32 $0x3;
	[sflag:s28] =	ssyncadd.s32 $0xFFFFFF80  }
0x74: {  	[tilespmem:s3], [sflag:$0xC] =	stream.indirect.gather [hbm4b:s4+s26], $0x80, s8, s26, $0xb8;
	[tilespmem:$0x1EA00] =	vst v63  }
0x75: {  	_ =	swait.ge [sflag:s29], $0x80  }
0x76: {  	[sflag:s29] =	ssyncset.done $0x0  }
0x77: {  	[sflag:s29] =	ssyncadd.s32 $0xFFFFFF80  }
0x78: {  	_ =	swait.ge [sflag:s29], $0x80  }
0x79: {  	[sflag:s29] =	ssyncset.done $0x0  }
0x7a: {  	s30 =	simm.s32 $0x4;
	s24 =	simm.s32 $0x4A00;
	[sflag:s29] =	ssyncadd.s32 $0xFFFFFF80  }
0x7b: {  	[tilespmem:s24], [sflag:$0xD] =	stream.indirect.gather [hbm4b:s4+s26], $0x80, s15, s26, $0xb8;
	[tilespmem:$0x1EA00] =	vst v63  }
0x7c: {  	_ =	swait.ge [sflag:s30], $0x80  }
0x7d: {  	[sflag:s30] =	ssyncset.done $0x0  }
0x7e: {  	[sflag:s30] =	ssyncadd.s32 $0xFFFFFF80  }
0x7f: {  	s31 =	simm.s32 $0x0;
	s0 =	simm.s32 $0xF;
	_ =	swait.ge [sflag:s30], $0x80  }
0x80: {  	s14 =	simm.s32 $0x8A00;
	s21 =	simm.s32 $0x900;
	[sflag:s30] =	ssyncset.done $0x0  }
0x81: {  	s11 =	simm.s32 $0x0;
	s8 =	simm.s32 $0x900;
	[sflag:s30] =	ssyncadd.s32 $0xFFFFFF80  }
0x82: {  	[tilespmem:s23], [sflag:$0xE] =	stream.indirect.gather [hbm4b:s4+s26], $0x80, s16, s26, $0xb8;
	[tilespmem:$0x1EA00] =	vst v63  }
.LBB2_2:
0x83: {  	s30 =	simm.s32 $0xB;
	s1 =	simm.s32 $0x500;
	s3 =	simm.s32 $0xA00  }
0x84: {  	s28 =	sadd.s32 $0xFFFFFB80, s8;
	p0 =	seq.s32 s8, $0x900;
	_ =	swait.ge [sflag:s30], $0x2000  }
0x85: {  	s29 =	sand.u32 $0x7C00, s28;
	s15 =	simm.s32 @!p0 $0x14;
	[sflag:s30] =	ssyncset.done $0x0  }
0x86: {  	s28 =	sand.u32 $0x380, s28;
	s29 =	sadd.s32 s7, s29;
	[sflag:s30] =	ssyncadd.s32 $0xFFFFE000  }
0x87: {  	[spmem:s2] =	stream.indirect.scatter.add.f32 [tilespmem:s3], [sflag:$0x10], $0x80, s1, s26, $0xb8;
	[tilespmem:$0x1EA00] =	vst v63  }
0x88: {  	s28 =	sor.u32 s28, s29;
	_ =	swait.ge @!p0 [sflag:s15], $0x2000  }
0x89: {  	s28 =	sshrl.u32 s28, $0x3;
	[sflag:s15] =	ssyncset.done @!p0 $0x0  }
0x8a: {  	s12 =	simm.s32 $0x480;
	s1 =	sadd.s32 s5, s28;
	[sflag:s15] =	ssyncadd.s32 @!p0 $0xFFFFE000  }
0x8b: {  	[tilespmem:s12], [sflag:$0xA] =	stream.linear.gather [hbm4b:s1+s11], $0x80, $0x38;
	[tilespmem:$0x1EA00] =	vst v63  }
0x8c: {  	s16 =	simm.s32 $0x5;
	s10 =	sadd.s32 s6, s28  }
0x8d: {  	[tilespmem:s13], [sflag:$0xA] =	stream.linear.gather [hbm4b:s10+s11], $0x80, $0x38;
	[tilespmem:$0x1EA00] =	vst v63  }
0x8e: {  	_ =	swait.ge [sflag:s16], $0x80  }
0x8f: {  	[sflag:s16] =	ssyncset.done $0x0  }
0x90: {  	[sflag:s16] =	ssyncadd.s32 $0xFFFFFF80  }
0x91: {  	_ =	swait.ge [sflag:s16], $0x80  }
0x92: {  	[sflag:s16] =	ssyncset.done $0x0  }
0x93: {  	s28 =	simm.s32 $0x200;
	p0 =	seq.s32 s8, $0x2C00;
	[sflag:s16] =	ssyncadd.s32 $0xFFFFFF80  }
0x94: {  	[tilespmem:s14], [sflag:$0xF] =	stream.indirect.gather [hbm4b:s4+s26], $0x80, s28, s26, $0xb8;
	[tilespmem:$0x1EA00] =	vst v63  }
0x95: {  	s29 =	simm.s32 $0x580;
	s15 =	sadd.s32 @!p0 $0xFFFFFC00, s8;
	_ =	swait.ge [sflag:s17], $0x2000  }
0x96: {  	s10 =	simm.s32 $0x2A00;
	s28 =	sand.u32 @!p0 $0x7C00, s15;
	[sflag:s17] =	ssyncset.done $0x0  }
0x97: {  	s15 =	sand.u32 @!p0 $0x300, s15;
	s28 =	sadd.s32 @!p0 s7, s28;
	[sflag:s17] =	ssyncadd.s32 $0xFFFFE000  }
0x98: {  	[spmem:s2] =	stream.indirect.scatter.add.f32 [tilespmem:s10], [sflag:$0x11], $0x80, s29, s26, $0xb8;
	[tilespmem:$0x1EA00] =	vst v63  }
0x99: {  	s15 =	sor.u32 @!p0 s15, s28;
	_ =	swait.ge [sflag:s18], $0x2000  }
0x9a: {  	s15 =	sshrl.u32 @!p0 s15, $0x3;
	[sflag:s18] =	ssyncset.done $0x0  }
0x9b: {  	s28 =	simm.s32 @!p0 $0x0;
	s29 =	sadd.s32 @!p0 s5, s15;
	[sflag:s18] =	ssyncadd.s32 $0xFFFFE000  }
0x9c: {  	[tilespmem:s28], [sflag:$0x1] =	stream.linear.gather @!p0 [hbm4b:s29+s28], $0x80, $0x38;
	[tilespmem:$0x1EA00] =	vst v63  }
0x9d: {  	s11 =	simm.s32 $0x6;
	s15 =	sadd.s32 @!p0 s6, s15;
	s29 =	simm.s32 @!p0 $0x500  }
0x9e: {  	[tilespmem:s29], [sflag:$0x1] =	stream.linear.gather @!p0 [hbm4b:s15+s28], $0x80, $0x38;
	[tilespmem:$0x1EA00] =	vst v63  }
0x9f: {  	_ =	swait.ge [sflag:s11], $0x80  }
0xa0: {  	[sflag:s11] =	ssyncset.done $0x0  }
0xa1: {  	[sflag:s11] =	ssyncadd.s32 $0xFFFFFF80  }
0xa2: {  	_ =	swait.ge [sflag:s11], $0x80  }
0xa3: {  	[sflag:s11] =	ssyncset.done $0x0  }
0xa4: {  	s13 =	simm.s32 $0x280;
	s15 =	simm.s32 $0xD;
	[sflag:s11] =	ssyncadd.s32 $0xFFFFFF80  }
0xa5: {  	[tilespmem:s3], [sflag:$0xB] =	stream.indirect.gather [hbm4b:s4+s26], $0x80, s13, s26, $0xb8;
	[tilespmem:$0x1EA00] =	vst v63  }
0xa6: {  	_ =	swait.ge [sflag:s15], $0x2000  }
0xa7: {  	[sflag:s15] =	ssyncset.done $0x0  }
0xa8: {  	s16 =	simm.s32 $0x600;
	[sflag:s15] =	ssyncadd.s32 $0xFFFFE000;
	s15 =	sadd.s32 @!p0 $0xFFFFFC80, s8  }
0xa9: {  	[spmem:s2] =	stream.indirect.scatter.add.f32 [tilespmem:s24], [sflag:$0x12], $0x80, s16, s26, $0xb8;
	[tilespmem:$0x1EA00] =	vst v63  }
0xaa: {  	s29 =	sand.u32 @!p0 $0x7C00, s15  }
0xab: {  	s15 =	sand.u32 @!p0 $0x380, s15;
	s24 =	simm.s32 $0x11;
	s29 =	sadd.s32 @!p0 s7, s29  }
0xac: {  	_ =	swait.ge [sflag:s24], $0x2000;
	s15 =	sor.u32 @!p0 s15, s29  }
0xad: {  	[sflag:s24] =	ssyncset.done $0x0;
	s15 =	sshrl.u32 @!p0 s15, $0x3  }
0xae: {  	s29 =	simm.s32 @!p0 $0x80;
	[sflag:s24] =	ssyncadd.s32 $0xFFFFE000;
	s16 =	sadd.s32 @!p0 s5, s15  }
0xaf: {  	[tilespmem:s29], [sflag:$0x2] =	stream.linear.gather @!p0 [hbm4b:s16+s28], $0x80, $0x38;
	[tilespmem:$0x1EA00] =	vst v63  }
0xb0: {  	s11 =	simm.s32 $0x7;
	s15 =	sadd.s32 @!p0 s6, s15;
	s16 =	simm.s32 @!p0 $0x580  }
0xb1: {  	[tilespmem:s16], [sflag:$0x2] =	stream.linear.gather @!p0 [hbm4b:s15+s28], $0x80, $0x38;
	[tilespmem:$0x1EA00] =	vst v63  }
0xb2: {  	_ =	swait.ge [sflag:s11], $0x80  }
0xb3: {  	[sflag:s11] =	ssyncset.done $0x0  }
0xb4: {  	[sflag:s11] =	ssyncadd.s32 $0xFFFFFF80  }
0xb5: {  	_ =	swait.ge [sflag:s11], $0x80  }
0xb6: {  	[sflag:s11] =	ssyncset.done $0x0  }
0xb7: {  	s13 =	simm.s32 $0x300;
	[sflag:s11] =	ssyncadd.s32 $0xFFFFFF80  }
0xb8: {  	[tilespmem:s10], [sflag:$0xC] =	stream.indirect.gather [hbm4b:s4+s26], $0x80, s13, s26, $0xb8;
	[tilespmem:$0x1EA00] =	vst v63  }
0xb9: {  	_ =	swait.ge [sflag:s19], $0x2000  }
0xba: {  	[sflag:s19] =	ssyncset.done $0x0  }
0xbb: {  	s15 =	simm.s32 $0x680;
	[sflag:s19] =	ssyncadd.s32 $0xFFFFE000  }
0xbc: {  	[spmem:s2] =	stream.indirect.scatter.add.f32 [tilespmem:s23], [sflag:$0x13], $0x80, s15, s26, $0xb8;
	[tilespmem:$0x1EA00] =	vst v63  }
0xbd: {  	s15 =	sadd.s32 @!p0 $0xFFFFFD00, s8  }
0xbe: {  	s16 =	sand.u32 @!p0 $0x7C00, s15  }
0xbf: {  	s15 =	sand.u32 @!p0 $0x300, s15;
	s16 =	sadd.s32 @!p0 s7, s16  }
0xc0: {  	_ =	swait.ge [sflag:s20], $0x2000;
	s15 =	sor.u32 @!p0 s15, s16  }
0xc1: {  	[sflag:s20] =	ssyncset.done $0x0;
	s15 =	sshrl.u32 @!p0 s15, $0x3  }
0xc2: {  	s24 =	simm.s32 @!p0 $0x100;
	[sflag:s20] =	ssyncadd.s32 $0xFFFFE000;
	s16 =	sadd.s32 @!p0 s5, s15  }
0xc3: {  	[tilespmem:s24], [sflag:$0x3] =	stream.linear.gather @!p0 [hbm4b:s16+s28], $0x80, $0x38;
	[tilespmem:$0x1EA00] =	vst v63  }
0xc4: {  	s15 =	sadd.s32 @!p0 s6, s15;
	s16 =	simm.s32 @!p0 $0x600  }
0xc5: {  	[tilespmem:s16], [sflag:$0x3] =	stream.linear.gather @!p0 [hbm4b:s15+s28], $0x80, $0x38;
	[tilespmem:$0x1EA00] =	vst v63  }
0xc6: {  	s16 =	simm.s32 $0x8  }
0xc7: {  	_ =	swait.ge [sflag:s16], $0x80  }
0xc8: {  	[sflag:s16] =	ssyncset.done $0x0  }
0xc9: {  	[sflag:s16] =	ssyncadd.s32 $0xFFFFFF80  }
0xca: {  	_ =	swait.ge [sflag:s16], $0x80  }
0xcb: {  	[sflag:s16] =	ssyncset.done $0x0  }
0xcc: {  	s24 =	simm.s32 $0x380;
	[sflag:s16] =	ssyncadd.s32 $0xFFFFFF80  }
0xcd: {  	[tilespmem:s25], [sflag:$0xD] =	stream.indirect.gather [hbm4b:s4+s26], $0x80, s24, s26, $0xb8;
	[tilespmem:$0x1EA00] =	vst v63  }
0xce: {  	s15 =	sadd.s32 @!p0 $0xFFFFFD80, s8;
	_ =	swait.ge [sflag:s0], $0x2000  }
0xcf: {  	s11 =	simm.s32 $0x700;
	s16 =	sand.u32 @!p0 $0x7C00, s15;
	[sflag:s0] =	ssyncset.done $0x0  }
0xd0: {  	s15 =	sand.u32 @!p0 $0x380, s15;
	s16 =	sadd.s32 @!p0 s7, s16;
	[sflag:s0] =	ssyncadd.s32 $0xFFFFE000  }
0xd1: {  	[spmem:s2] =	stream.indirect.scatter.add.f32 [tilespmem:s14], [sflag:$0x14], $0x80, s11, s26, $0xb8;
	[tilespmem:$0x1EA00] =	vst v63  }
0xd2: {  	s15 =	sor.u32 @!p0 s15, s16;
	_ =	swait.ge [sflag:s22], $0x2000  }
0xd3: {  	s15 =	sshrl.u32 @!p0 s15, $0x3;
	[sflag:s22] =	ssyncset.done $0x0  }
0xd4: {  	s24 =	simm.s32 @!p0 $0x180;
	s16 =	sadd.s32 @!p0 s5, s15;
	[sflag:s22] =	ssyncadd.s32 $0xFFFFE000  }
0xd5: {  	[tilespmem:s24], [sflag:$0x4] =	stream.linear.gather @!p0 [hbm4b:s16+s28], $0x80, $0x38;
	[tilespmem:$0x1EA00] =	vst v63  }
0xd6: {  	s15 =	sadd.s32 @!p0 s6, s15;
	s16 =	simm.s32 @!p0 $0x680  }
0xd7: {  	[tilespmem:s16], [sflag:$0x4] =	stream.linear.gather @!p0 [hbm4b:s15+s28], $0x80, $0x38;
	[tilespmem:$0x1EA00] =	vst v63  }
0xd8: {  	s15 =	simm.s32 $0x9  }
0xd9: {  	_ =	swait.ge [sflag:s15], $0x80  }
0xda: {  	[sflag:s15] =	ssyncset.done $0x0  }
0xdb: {  	[sflag:s15] =	ssyncadd.s32 $0xFFFFFF80  }
0xdc: {  	_ =	swait.ge [sflag:s15], $0x80  }
0xdd: {  	[sflag:s15] =	ssyncset.done $0x0  }
0xde: {  	s23 =	simm.s32 $0x6A00;
	s16 =	simm.s32 $0x400;
	[sflag:s15] =	ssyncadd.s32 $0xFFFFFF80  }
0xdf: {  	[tilespmem:s23], [sflag:$0xE] =	stream.indirect.gather [hbm4b:s4+s26], $0x80, s16, s26, $0xb8;
	[tilespmem:$0x1EA00] =	vst v63  }
0xe0: {  	_ =	swait.ge [sflag:s30], $0x2000  }
0xe1: {  	s15 =	sadd.s32 @!p0 $0xFFFFFE00, s8;
	[sflag:s30] =	ssyncset.done $0x0  }
0xe2: {  	s24 =	simm.s32 $0x780;
	s16 =	sand.u32 @!p0 $0x7C00, s15;
	[sflag:s30] =	ssyncadd.s32 $0xFFFFE000  }
0xe3: {  	[spmem:s2] =	stream.indirect.scatter.add.f32 [tilespmem:s3], [sflag:$0x10], $0x80, s24, s26, $0xb8;
	[tilespmem:$0x1EA00] =	vst v63  }
0xe4: {  	s15 =	sand.u32 @!p0 $0x300, s15;
	s16 =	sadd.s32 @!p0 s7, s16;
	s3 =	simm.s32 $0x14  }
0xe5: {  	s15 =	sor.u32 @!p0 s15, s16;
	_ =	swait.ge [sflag:s3], $0x2000  }
0xe6: {  	s15 =	sshrl.u32 @!p0 s15, $0x3;
	[sflag:s3] =	ssyncset.done $0x0  }
0xe7: {  	s16 =	sadd.s32 @!p0 s5, s15;
	s24 =	simm.s32 @!p0 $0x200;
	[sflag:s3] =	ssyncadd.s32 $0xFFFFE000  }
0xe8: {  	[tilespmem:s24], [sflag:$0x5] =	stream.linear.gather @!p0 [hbm4b:s16+s28], $0x80, $0x38;
	[tilespmem:$0x1EA00] =	vst v63  }
0xe9: {  	s15 =	sadd.s32 @!p0 s6, s15;
	s16 =	simm.s32 @!p0 $0x700  }
0xea: {  	[tilespmem:s16], [sflag:$0x5] =	stream.linear.gather @!p0 [hbm4b:s15+s28], $0x80, $0x38;
	[tilespmem:$0x1EA00] =	vst v63  }
0xeb: {  	_ =	swait.ge [sflag:s9], $0x80  }
0xec: {  	[sflag:s9] =	ssyncset.done $0x0  }
0xed: {  	[sflag:s9] =	ssyncadd.s32 $0xFFFFFF80  }
0xee: {  	_ =	swait.ge [sflag:s9], $0x80  }
0xef: {  	[sflag:s9] =	ssyncset.done $0x0  }
0xf0: {  	[sflag:s9] =	ssyncadd.s32 $0xFFFFFF80  }
0xf1: {  	[tilespmem:s14], [sflag:$0xF] =	stream.indirect.gather [hbm4b:s4+s26], $0x80, s12, s26, $0xb8;
	[tilespmem:$0x1EA00] =	vst v63  }
0xf2: {  	_ =	swait.ge [sflag:s17], $0x2000  }
0xf3: {  	[sflag:s17] =	ssyncset.done $0x0  }
0xf4: {  	s24 =	simm.s32 $0x800;
	[sflag:s17] =	ssyncadd.s32 $0xFFFFE000  }
0xf5: {  	[spmem:s2] =	stream.indirect.scatter.add.f32 [tilespmem:s10], [sflag:$0x11], $0x80, s24, s26, $0xb8;
	[tilespmem:$0x1EA00] =	vst v63  }
0xf6: {  	_ =	swait.ge [sflag:s18], $0x2000  }
0xf7: {  	[sflag:s18] =	ssyncset.done $0x0  }
0xf8: {  	s15 =	simm.s32 @p0 $0xD;
	[sflag:s18] =	ssyncadd.s32 $0xFFFFE000  }
0xf9: {  	_ =	swait.ge @p0 [sflag:s15], $0x2000  }
0xfa: {  	s16 =	simm.s32 @p0 $0x880;
	[sflag:s15] =	ssyncset.done @p0 $0x0  }
0xfb: {  	s24 =	simm.s32 @p0 $0x4A00;
	[sflag:s15] =	ssyncadd.s32 @p0 $0xFFFFE000;
	s15 =	simm.s32 @p0 $0x40  }
0xfc: {  	[spmem:s2] =	stream.indirect.scatter.add.f32 @p0 [tilespmem:s24], [sflag:$0x12], $0x80, s16, s15, $0xb8;
	[tilespmem:$0x1EA00] =	vst v63  }
0xfd: {  	s15 =	sadd.s32 @!p0 $0xFFFFFE80, s8  }
0xfe: {  	s16 =	sand.u32 @!p0 $0x7C00, s15  }
0xff: {  	s24 =	simm.s32 @p0 $0x11;
	s15 =	sand.u32 @!p0 $0x380, s15;
	s16 =	sadd.s32 @!p0 s7, s16  }
0x100: {  	_ =	swait.ge @p0 [sflag:s24], $0x2000;
	s15 =	sor.u32 @!p0 s15, s16  }
0x101: {  	[sflag:s24] =	ssyncset.done @p0 $0x0;
	s15 =	sshrl.u32 @!p0 s15, $0x3  }
0x102: {  	[sflag:s24] =	ssyncadd.s32 @p0 $0xFFFFE000;
	s24 =	simm.s32 @!p0 $0x280;
	s16 =	sadd.s32 @!p0 s5, s15  }
0x103: {  	[tilespmem:s24], [sflag:$0x6] =	stream.linear.gather @!p0 [hbm4b:s16+s28], $0x80, $0x38;
	[tilespmem:$0x1EA00] =	vst v63  }
0x104: {  	s15 =	sadd.s32 @!p0 s6, s15;
	s16 =	simm.s32 @!p0 $0x780  }
0x105: {  	[tilespmem:s16], [sflag:$0x6] =	stream.linear.gather @!p0 [hbm4b:s15+s28], $0x80, $0x38;
	[tilespmem:$0x1EA00] =	vst v63  }
0x106: {  	s15 =	simm.s32 @!p0 $0x1  }
0x107: {  	_ =	swait.ge @!p0 [sflag:s15], $0x80  }
0x108: {  	[sflag:s15] =	ssyncset.done @!p0 $0x0  }
0x109: {  	[sflag:s15] =	ssyncadd.s32 @!p0 $0xFFFFFF80  }
0x10a: {  	_ =	swait.ge @!p0 [sflag:s15], $0x80  }
0x10b: {  	[sflag:s15] =	ssyncset.done @!p0 $0x0  }
0x10c: {  	s16 =	simm.s32 @!p0 $0xA00;
	[sflag:s15] =	ssyncadd.s32 @!p0 $0xFFFFFF80;
	s15 =	simm.s32 @!p0 $0x40  }
0x10d: {  	[tilespmem:s16], [sflag:$0xB] =	stream.indirect.gather @!p0 [hbm4b:s4+s15], $0x80, s28, s15, $0xb8;
	[tilespmem:$0x1EA00] =	vst v63  }
0x10e: {  	s16 =	simm.s32 @!p0 $0xD  }
0x10f: {  	_ =	swait.ge @!p0 [sflag:s16], $0x2000  }
0x110: {  	s1 =	simm.s32 @!p0 $0x4A00;
	[sflag:s16] =	ssyncset.done @!p0 $0x0  }
0x111: {  	s24 =	sadd.s32 $0xFFFFF700, s8;
	[sflag:s16] =	ssyncadd.s32 @!p0 $0xFFFFE000;
	s16 =	simm.s32 @!p0 $0x880  }
0x112: {  	[spmem:s2] =	stream.indirect.scatter.add.f32 @!p0 [tilespmem:s1], [sflag:$0x12], $0x80, s16, s15, $0xb8;
	[tilespmem:$0x1EA00] =	vst v63  }
0x113: {  	s1 =	sand.u32 @!p0 $0x3C00, s24;
	s24 =	rddreg [dreg:$0x1a]  }
0x114: {  	s16 =	simm.s32 @!p0 $0x11;
	s1 =	sadd.s32 @!p0 s1, s24;
	s24 =	sand.u32 @!p0 $0x300, s31  }
0x115: {  	_ =	swait.ge @!p0 [sflag:s16], $0x2000;
	s1 =	sor.u32 @!p0 s24, s1  }
0x116: {  	[sflag:s16] =	ssyncset.done @!p0 $0x0;
	s1 =	sshrl.u32 @!p0 s1, $0x3  }
0x117: {  	s24 =	simm.s32 @!p0 $0x300;
	[sflag:s16] =	ssyncadd.s32 @!p0 $0xFFFFE000;
	s16 =	sadd.s32 @!p0 s5, s1  }
0x118: {  	[tilespmem:s24], [sflag:$0x7] =	stream.linear.gather @!p0 [hbm4b:s16+s28], $0x80, $0x38;
	[tilespmem:$0x1EA00] =	vst v63  }
0x119: {  	s1 =	sadd.s32 @!p0 s6, s1;
	s16 =	simm.s32 @!p0 $0x800  }
0x11a: {  	[tilespmem:s16], [sflag:$0x7] =	stream.linear.gather @!p0 [hbm4b:s1+s28], $0x80, $0x38;
	[tilespmem:$0x1EA00] =	vst v63  }
0x11b: {  	s1 =	simm.s32 @!p0 $0x2  }
0x11c: {  	_ =	swait.ge @!p0 [sflag:s1], $0x80  }
0x11d: {  	[sflag:s1] =	ssyncset.done @!p0 $0x0  }
0x11e: {  	[sflag:s1] =	ssyncadd.s32 @!p0 $0xFFFFFF80  }
0x11f: {  	_ =	swait.ge @!p0 [sflag:s1], $0x80  }
0x120: {  	[sflag:s1] =	ssyncset.done @!p0 $0x0  }
0x121: {  	[sflag:s1] =	ssyncadd.s32 @!p0 $0xFFFFFF80;
	s1 =	simm.s32 @!p0 $0x2A00  }
0x122: {  	[tilespmem:s1], [sflag:$0xC] =	stream.indirect.gather @!p0 [hbm4b:s4+s15], $0x80, s29, s15, $0xb8;
	[tilespmem:$0x1EA00] =	vst v63  }
0x123: {  	_ =	swait.ge [sflag:s19], $0x2000  }
0x124: {  	[sflag:s19] =	ssyncset.done $0x0  }
.Ltmp2:
0x125: {  	[sflag:s19] =	ssyncadd.s32 $0xFFFFE000;
	(pc) =	sbr.rel @p0 .LBB2_4-.Ltmp2, $4  }
0x126: {  	[spmem:s2] =	stream.indirect.scatter.add.f32 [tilespmem:s23], [sflag:$0x13], $0x80, s21, s26, $0xb8;
	[tilespmem:$0x1EA00] =	vst v63  }
0x127: {  	s13 =	simm.s32 $0x980;
	s11 =	simm.s32 $0xA00;
	_ =	swait.ge [sflag:s20], $0x2000  }
0x128: {  	s30 =	simm.s32 $0x0;
	s3 =	simm.s32 $0x2A00;
	[sflag:s20] =	ssyncset.done $0x0  }
0x129: {  	s12 =	simm.s32 $0x900;
	s10 =	simm.s32 $0x8A00;
	[sflag:s20] =	ssyncadd.s32 $0xFFFFE000  }
0x12a: {  	s1 =	sadd.s32 $0xFFFFFF80, s8  }
0x12b: {  	s15 =	sand.u32 $0x7C00, s1  }
0x12c: {  	s1 =	sand.u32 $0x380, s1;
	s15 =	sadd.s32 s7, s15  }
0x12d: {  	s1 =	sor.u32 s1, s15  }
0x12e: {  	s1 =	sshrl.u32 s1, $0x3  }
0x12f: {  	s3 =	simm.s32 $0x380;
	s29 =	sadd.s32 s5, s1  }
0x130: {  	[tilespmem:s3], [sflag:$0x8] =	stream.linear.gather [hbm4b:s29+s30], $0x80, $0x38;
	[tilespmem:$0x1EA00] =	vst v63  }
0x131: {  	s11 =	simm.s32 $0x880;
	s14 =	simm.s32 $0x3;
	s1 =	sadd.s32 s6, s1  }
0x132: {  	[tilespmem:s11], [sflag:$0x8] =	stream.linear.gather [hbm4b:s1+s30], $0x80, $0x38;
	[tilespmem:$0x1EA00] =	vst v63  }
0x133: {  	_ =	swait.ge [sflag:s14], $0x80  }
0x134: {  	[sflag:s14] =	ssyncset.done $0x0  }
0x135: {  	[sflag:s14] =	ssyncadd.s32 $0xFFFFFF80  }
0x136: {  	_ =	swait.ge [sflag:s14], $0x80  }
0x137: {  	[sflag:s14] =	ssyncset.done $0x0  }
0x138: {  	s15 =	simm.s32 $0x100;
	[sflag:s14] =	ssyncadd.s32 $0xFFFFFF80  }
0x139: {  	[tilespmem:s25], [sflag:$0xD] =	stream.indirect.gather [hbm4b:s4+s26], $0x80, s15, s26, $0xb8;
	[tilespmem:$0x1EA00] =	vst v63  }
0x13a: {  	_ =	swait.ge [sflag:s0], $0x2000  }
0x13b: {  	s16 =	sand.u32 $0x7C00, s8;
	[sflag:s0] =	ssyncset.done $0x0  }
0x13c: {  	s21 =	sand.u32 $0x300, s8;
	s1 =	sadd.s32 s7, s16;
	[sflag:s0] =	ssyncadd.s32 $0xFFFFE000  }
0x13d: {  	[spmem:s2] =	stream.indirect.scatter.add.f32 [tilespmem:s10], [sflag:$0x14], $0x80, s13, s26, $0xb8;
	[tilespmem:$0x1EA00] =	vst v63  }
0x13e: {  	s1 =	sor.u32 s21, s1;
	_ =	swait.ge [sflag:s22], $0x2000  }
0x13f: {  	s1 =	sshrl.u32 s1, $0x3;
	[sflag:s22] =	ssyncset.done $0x0  }
0x140: {  	s28 =	simm.s32 $0x400;
	s24 =	sadd.s32 s5, s1;
	[sflag:s22] =	ssyncadd.s32 $0xFFFFE000  }
0x141: {  	[tilespmem:s28], [sflag:$0x9] =	stream.linear.gather [hbm4b:s24+s30], $0x80, $0x38;
	[tilespmem:$0x1EA00] =	vst v63  }
0x142: {  	s29 =	simm.s32 $0x4;
	s1 =	sadd.s32 s6, s1  }
0x143: {  	[tilespmem:s12], [sflag:$0x9] =	stream.linear.gather [hbm4b:s1+s30], $0x80, $0x38;
	[tilespmem:$0x1EA00] =	vst v63  }
0x144: {  	_ =	swait.ge [sflag:s29], $0x80  }
0x145: {  	[sflag:s29] =	ssyncset.done $0x0  }
0x146: {  	s31 =	sadd.s32 $0x100, s31;
	[sflag:s29] =	ssyncadd.s32 $0xFFFFFF80  }
.Ltmp3:
0x147: {  	s8 =	sadd.s32 $0x500, s8;
	_ =	swait.ge [sflag:s29], $0x80;
	(pc) =	sbr.rel .LBB2_2-.Ltmp3, $4  }
0x148: {  	s11 =	simm.s32 $0x0;
	s21 =	simm.s32 $0x900;
	[sflag:s29] =	ssyncset.done $0x0  }
0x149: {  	s14 =	simm.s32 $0x8A00;
	s30 =	simm.s32 $0x180;
	[sflag:s29] =	ssyncadd.s32 $0xFFFFFF80  }
0x14a: {  	[tilespmem:s23], [sflag:$0xE] =	stream.indirect.gather [hbm4b:s4+s26], $0x80, s30, s26, $0xb8;
	[tilespmem:$0x1EA00] =	vst v63  }
0x14b: {  	s13 =	simm.s32 $0x980;
	s24 =	simm.s32 $0x4A00;
	s23 =	simm.s32 $0x6A00  }
.LBB2_5:
0x14c: {  	_ =	sfence.sel $0x180000  }
0x14d: {  	[bflag:$0x0] =	sbarrier.arrive $0xFFFF  }
0x14e: {  	_ =	strace $0x90000050  }
0x14f: {  	s0 =	stileid.u32;
	[bflag:$0x2] =	sbarrier.arrive $0xFFFF  }
0x150: {  	p0 =	sne.s32 s0, $0x0;
	s0 =	rddreg [dreg:$0x2]  }
0x151: {  	s0 =	sadd.s32 @!p0 $0x100000, s0  }
0x152: {  	[sflag:s0] =	ssyncadd.tile.s32 @!p0 $0x1;
	_ =	shalt  }
.Lfunc_end2:
_tile_overlayer_lowered:
.L_overlay_start_2:
0x153: {  	(tag) =	ssettag $0x2  }
0x154: {  	s0 =	rddreg [dreg:$0x0];
	s2 =	stileid.u32  }
0x155: {  	s1 =	rddreg [dreg:$0x1];
	p0 =	sne.s32 s2, $0x0  }
0x156: {  	s3 =	rddreg [dreg:$0x2];
	[bflag:$0x3] =	sbarrier.arrive $0xFFFF;
	s2 =	simm.s32 @!p0 $0x1C15  }
0x157: {  	[timem:s3], [sflag:s2] =	dma.local @!p0 [hbm:s0], s1  }
0x158: {  	s0 =	simm.s32 @!p0 $0x15  }
0x159: {  	_ =	swait.ge @!p0 [sflag:s0], s1  }
0x15a: {  	s1 =	ssub.s32 @!p0 $0x0, s1;
	[sflag:s0] =	ssyncset.done @!p0 $0x0  }
0x15b: {  	[sflag:s0] =	ssyncadd.s32 @!p0 s1  }
0x15c: {  	[bflag:$0x3] =	sbarrier.arrive $0xFFFF  }
0x15d: {  	_ =	shalt  }

</sc_bundles>
